<compile_context>
chip_gen: v7x
topology: tpu7x:2x2x1
jax: 0.10.2.dev20260603
libtpu: 0.0.44.dev20260713+nightly
codegen_flags: <defaults>
</compile_context>

<pallas_src>
import jax
import jax.numpy as jnp
from jax import lax
from jax.experimental import pallas as pl
from jax.experimental.pallas import tpu as pltpu
from jax.experimental.pallas import tpu_sc as plsc

NUM_EMBEDDINGS = 1000000
EMBEDDING_DIM = 64
BATCH = 16384
HIST = 50

_INFO = plsc.get_sparse_core_info()
NC = _INFO.num_cores
NS = _INFO.num_subcores
NW = NC * NS

B_TOTAL = BATCH * HIST
B_PER_W = B_TOTAL // NW
CHUNK = 128
N_CHUNKS = B_PER_W // CHUNK
NBUF = 4
N_LOOP = N_CHUNKS // NBUF
TB_PER_H = BATCH // CHUNK
JT = EMBEDDING_DIM // 8
TPITCH = CHUNK + 1

assert B_PER_W * NW == B_TOTAL
assert CHUNK * N_CHUNKS == B_PER_W
assert NBUF * N_LOOP == N_CHUNKS


def _body(table_hbm, idx_hbm, out_hbm, idx_v, *bufs):
  rows = bufs[:NBUF]
  tbufs = bufs[NBUF:2 * NBUF]
  gsems = bufs[2 * NBUF:3 * NBUF]
  wsems = bufs[3 * NBUF:]
  wid = lax.axis_index("s") * NC + lax.axis_index("c")
  chunk_base = wid * N_CHUNKS

  pltpu.sync_copy(idx_hbm.at[pl.ds(chunk_base, N_CHUNKS)], idx_v)

  lane = lax.iota(jnp.int32, 16)
  j_blocks = [lane + (16 * i) for i in range(EMBEDDING_DIM // 16)]

  def start_gather(g, b):
    pltpu.async_copy(table_hbm.at[idx_v.at[g]], rows[b], gsems[b])

  def wait_gather(g, b):
    pltpu.make_async_copy(table_hbm.at[idx_v.at[g]], rows[b], gsems[b]).wait()

  def for_each_write(g, b, fn):
    gg = chunk_base + g
    h = gg // TB_PER_H
    tb = gg % TB_PER_H
    for tj in range(JT):
      fn(
          tbufs[b].at[pl.ds(tj * 8, 8), pl.ds(0, CHUNK)],
          out_hbm.at[h, tj, tb],
      )

  def start_write(g, b):
    for_each_write(g, b, lambda src, dst: pltpu.async_copy(src, dst, wsems[b]))

  def wait_write(g, b):
    for_each_write(
        g, b, lambda src, dst: pltpu.make_async_copy(src, dst, wsems[b]).wait()
    )

  def transpose_chunk(b):
    @plsc.parallel_loop(0, CHUNK, unroll=8)
    def _(l):
      l_vec = jnp.broadcast_to(l, (16,)).astype(jnp.int32)
      for i in range(EMBEDDING_DIM // 16):
        v = rows[b][l, pl.ds(16 * i, 16)]
        plsc.store_scatter(tbufs[b], [j_blocks[i], l_vec], v)

  for b in range(NBUF):
    start_gather(b, b)

  @pl.loop(0, N_LOOP)
  def _(t):
    for b in range(NBUF):
      g = t * NBUF + b
      wait_gather(g, b)

      @pl.when(t > 0)
      def _():
        wait_write(g - NBUF, b)

      transpose_chunk(b)

      @pl.when(t < N_LOOP - 1)
      def _():
        start_gather(g + NBUF, b)

      start_write(g, b)

  for b in range(NBUF):
    wait_write(N_CHUNKS - NBUF + b, b)


@jax.jit
def kernel(input_, weight):
  idx = jnp.transpose(input_.astype(jnp.int32)).reshape(NW * N_CHUNKS, CHUNK)

  mesh = plsc.VectorSubcoreMesh(core_axis_name="c", subcore_axis_name="s")
  a4 = pl.kernel(
      _body,
      out_type=jax.ShapeDtypeStruct((HIST, JT, TB_PER_H, 8, CHUNK), jnp.float32),
      mesh=mesh,
      compiler_params=pltpu.CompilerParams(
          use_tc_tiling_on_sc=False, needs_layout_passes=False
      ),
      scratch_types=(
          [pltpu.VMEM((N_CHUNKS, CHUNK), jnp.int32)]
          + [pltpu.VMEM((CHUNK, EMBEDDING_DIM), jnp.float32) for _ in range(NBUF)]
          + [pltpu.VMEM((EMBEDDING_DIM, TPITCH), jnp.float32) for _ in range(NBUF)]
          + [pltpu.SemaphoreType.DMA for _ in range(2 * NBUF)]
      ),
  )(weight, idx)

  return a4.transpose(2, 4, 0, 1, 3).reshape(BATCH, HIST, EMBEDDING_DIM)

# --- scband reference (transcript-rebuilt; emitter-appended) ---
"""Pipeline reference for scband-parallel-embedding-36850819400480 (READ-ONLY COPY).

The authoritative reference and input builder live on the scoring server;
editing this copy changes nothing except your own understanding.
"""

import jax, jax.numpy as jnp
import numpy as np

NUM_EMBEDDINGS = 1000000
EMBEDDING_DIM = 64
BATCH = 16384
HIST = 50

def setup_inputs(seed: int = 0) -> dict:
    key = jax.random.key(seed)
    k_idx, k_w = jax.random.split(key)
    input_ = jax.random.randint(k_idx, (BATCH, HIST), 0, NUM_EMBEDDINGS, dtype=jnp.int64 if jax.config.jax_enable_x64 else jnp.int32)
    # xavier_normal_ init for the (full, world_size=1) embedding table
    std = float(np.sqrt(2.0 / (NUM_EMBEDDINGS + EMBEDDING_DIM)))
    weight = jax.random.normal(k_w, (NUM_EMBEDDINGS, EMBEDDING_DIM), dtype=jnp.float32) * std
    return {"input_": input_, "weight": weight}

def reference(input_, weight):
    # ParallelEmbedding.forward: embedding lookup on the local partition
    # (world_size=1 => partition == full table), then gather across model
    # parallel region (identity for world_size=1).
    output_parallel = jnp.take(weight, input_, axis=0)
    output = output_parallel  # gather_from_model_parallel_region is identity
    return output

if __name__ == "__main__":
    import jax
    _d = setup_inputs()
    print(jax.jit(kernel)(*tuple(_d.values())))

</pallas_src>

<mosaic_0001>
#map = affine_map<(d0, d1) -> (0, 0)>
#map1 = affine_map<(d0, d1) -> (0, 0, 0, 0, 0)>
module attributes {stable_mosaic.version = 14 : i64} {
  func.func @_body(%arg0: i32, %arg1: i32, %arg2: memref<1000000x64xf32, #tpu.memory_space<hbm>>, %arg3: memref<6400x128xi32, #tpu.memory_space<hbm>>, %arg4: memref<50x8x128x8x128xf32, #tpu.memory_space<hbm>>, %arg5: memref<200x128xi32, #tpu.memory_space<vmem>>, %arg6: memref<128x64xf32, #tpu.memory_space<vmem>>, %arg7: memref<128x64xf32, #tpu.memory_space<vmem>>, %arg8: memref<128x64xf32, #tpu.memory_space<vmem>>, %arg9: memref<128x64xf32, #tpu.memory_space<vmem>>, %arg10: memref<64x129xf32, #tpu.memory_space<vmem>>, %arg11: memref<64x129xf32, #tpu.memory_space<vmem>>, %arg12: memref<64x129xf32, #tpu.memory_space<vmem>>, %arg13: memref<64x129xf32, #tpu.memory_space<vmem>>, %arg14: memref<!tpu.dma_semaphore, #tpu.memory_space<semaphore_mem>>, %arg15: memref<!tpu.dma_semaphore, #tpu.memory_space<semaphore_mem>>, %arg16: memref<!tpu.dma_semaphore, #tpu.memory_space<semaphore_mem>>, %arg17: memref<!tpu.dma_semaphore, #tpu.memory_space<semaphore_mem>>, %arg18: memref<!tpu.dma_semaphore, #tpu.memory_space<semaphore_mem>>, %arg19: memref<!tpu.dma_semaphore, #tpu.memory_space<semaphore_mem>>, %arg20: memref<!tpu.dma_semaphore, #tpu.memory_space<semaphore_mem>>, %arg21: memref<!tpu.dma_semaphore, #tpu.memory_space<semaphore_mem>>) attributes {dimension_semantics = [#tpu.dimension_semantics<core_parallel>, #tpu.dimension_semantics<subcore_parallel>], iteration_bounds = array<i64: 2, 16>, scalar_prefetch = 0 : i64, scratch_operands = 17 : i64, tpu.core_type = #tpu.core_type<sc_vector_subcore>, window_params = [{transform_indices = #map}, {transform_indices = #map}, {transform_indices = #map1}]} {
    %mul3A = arith.constant 2 : i32
    %mul3A_0 = arith.muli %arg1, %mul3A : i32
    %add3A = arith.addi %mul3A_0, %arg0 : i32
    %mul3A_1 = arith.constant 200 : i32
    %mul3A_2 = arith.muli %add3A, %mul3A_1 : i32
    "tpu.region"() ({
      %run_scoped3A = tpu.sem_alloc : memref<!tpu.dma_semaphore, #tpu.memory_space<semaphore_mem>>
      %dma_start3A_683 = arith.constant 0 : i32
      %dma_start3A_684 = tpu.memref_slice %arg3[%mul3A_2, %dma_start3A_683] : memref<6400x128xi32, #tpu.memory_space<hbm>> -> memref<200x128xi32, #tpu.memory_space<hbm>>
      %dma_start3A_685 = arith.constant 0 : i32
      %dma_start3A_686 = tpu.memref_slice %arg3[%mul3A_2, %dma_start3A_685] : memref<6400x128xi32, #tpu.memory_space<hbm>> -> memref<200x128xi32, #tpu.memory_space<hbm>>
      tpu.enqueue_dma source(%dma_start3A_686 : memref<200x128xi32, #tpu.memory_space<hbm>>) target(%arg5 : memref<200x128xi32, #tpu.memory_space<vmem>>) target_semaphore(%run_scoped3A : memref<!tpu.dma_semaphore, #tpu.memory_space<semaphore_mem>>)
      %dma_wait3A_687 = arith.constant 0 : i32
      %dma_wait3A_688 = tpu.memref_slice %arg3[%mul3A_2, %dma_wait3A_687] : memref<6400x128xi32, #tpu.memory_space<hbm>> -> memref<200x128xi32, #tpu.memory_space<hbm>>
      %dma_wait3A_689 = arith.constant 0 : i32
      %dma_wait3A_690 = tpu.memref_slice %arg3[%mul3A_2, %dma_wait3A_689] : memref<6400x128xi32, #tpu.memory_space<hbm>> -> memref<200x128xi32, #tpu.memory_space<hbm>>
      tpu.wait_dma2 semaphore(%run_scoped3A : memref<!tpu.dma_semaphore, #tpu.memory_space<semaphore_mem>>) src(%dma_wait3A_690 : memref<200x128xi32, #tpu.memory_space<hbm>>) dst(%arg5 : memref<200x128xi32, #tpu.memory_space<vmem>>)
      tpu.yield
    }) : () -> ()
    %iota3A = tpu.iota {dimensions = array<i32: 0>} : vector<16xi32>
    %add3A_3 = arith.constant 0 : i32
    %add3A_4 = vector.broadcast %add3A_3 : i32 to vector<16xi32>
    %add3A_5 = arith.addi %iota3A, %add3A_4 : vector<16xi32>
    %add3A_6 = arith.constant 16 : i32
    %add3A_7 = vector.broadcast %add3A_6 : i32 to vector<16xi32>
    %add3A_8 = arith.addi %iota3A, %add3A_7 : vector<16xi32>
    %add3A_9 = arith.constant 32 : i32
    %add3A_10 = vector.broadcast %add3A_9 : i32 to vector<16xi32>
    %add3A_11 = arith.addi %iota3A, %add3A_10 : vector<16xi32>
    %add3A_12 = arith.constant 48 : i32
    %add3A_13 = vector.broadcast %add3A_12 : i32 to vector<16xi32>
    %add3A_14 = arith.addi %iota3A, %add3A_13 : vector<16xi32>
    %dma_start3A = arith.constant 0 : i32
    %dma_start3A_15 = arith.constant 0 : i32
    %dma_start3A_16 = tpu.memref_slice %arg5[%dma_start3A, %dma_start3A_15] : memref<200x128xi32, #tpu.memory_space<vmem>> -> memref<1x128xi32, #tpu.memory_space<vmem>>
    %dma_start3A_17 = tpu.memref_squeeze %dma_start3A_16 : memref<1x128xi32, #tpu.memory_space<vmem>> -> memref<128xi32, #tpu.memory_space<vmem>>
    %dma_start3A_18 = arith.constant 0 : i32
    %dma_start3A_19 = arith.constant 0 : i32
    %dma_start3A_20 = tpu.memref_slice %arg2[%dma_start3A_18, %dma_start3A_19] : memref<1000000x64xf32, #tpu.memory_space<hbm>> -> memref<1000000x64xf32, #tpu.memory_space<hbm>>
    tpu.enqueue_indirect_dma source(%dma_start3A_20 : memref<1000000x64xf32, #tpu.memory_space<hbm>>) target(%arg6 : memref<128x64xf32, #tpu.memory_space<vmem>>) offsets(%dma_start3A_17 : memref<128xi32, #tpu.memory_space<vmem>>) semaphore(%arg14 : memref<!tpu.dma_semaphore, #tpu.memory_space<semaphore_mem>>)
    %dma_start3A_21 = arith.constant 1 : i32
    %dma_start3A_22 = arith.constant 0 : i32
    %dma_start3A_23 = tpu.memref_slice %arg5[%dma_start3A_21, %dma_start3A_22] : memref<200x128xi32, #tpu.memory_space<vmem>> -> memref<1x128xi32, #tpu.memory_space<vmem>>
    %dma_start3A_24 = tpu.memref_squeeze %dma_start3A_23 : memref<1x128xi32, #tpu.memory_space<vmem>> -> memref<128xi32, #tpu.memory_space<vmem>>
    %dma_start3A_25 = arith.constant 0 : i32
    %dma_start3A_26 = arith.constant 0 : i32
    %dma_start3A_27 = tpu.memref_slice %arg2[%dma_start3A_25, %dma_start3A_26] : memref<1000000x64xf32, #tpu.memory_space<hbm>> -> memref<1000000x64xf32, #tpu.memory_space<hbm>>
    tpu.enqueue_indirect_dma source(%dma_start3A_27 : memref<1000000x64xf32, #tpu.memory_space<hbm>>) target(%arg7 : memref<128x64xf32, #tpu.memory_space<vmem>>) offsets(%dma_start3A_24 : memref<128xi32, #tpu.memory_space<vmem>>) semaphore(%arg15 : memref<!tpu.dma_semaphore, #tpu.memory_space<semaphore_mem>>)
    %dma_start3A_28 = arith.constant 2 : i32
    %dma_start3A_29 = arith.constant 0 : i32
    %dma_start3A_30 = tpu.memref_slice %arg5[%dma_start3A_28, %dma_start3A_29] : memref<200x128xi32, #tpu.memory_space<vmem>> -> memref<1x128xi32, #tpu.memory_space<vmem>>
    %dma_start3A_31 = tpu.memref_squeeze %dma_start3A_30 : memref<1x128xi32, #tpu.memory_space<vmem>> -> memref<128xi32, #tpu.memory_space<vmem>>
    %dma_start3A_32 = arith.constant 0 : i32
    %dma_start3A_33 = arith.constant 0 : i32
    %dma_start3A_34 = tpu.memref_slice %arg2[%dma_start3A_32, %dma_start3A_33] : memref<1000000x64xf32, #tpu.memory_space<hbm>> -> memref<1000000x64xf32, #tpu.memory_space<hbm>>
    tpu.enqueue_indirect_dma source(%dma_start3A_34 : memref<1000000x64xf32, #tpu.memory_space<hbm>>) target(%arg8 : memref<128x64xf32, #tpu.memory_space<vmem>>) offsets(%dma_start3A_31 : memref<128xi32, #tpu.memory_space<vmem>>) semaphore(%arg16 : memref<!tpu.dma_semaphore, #tpu.memory_space<semaphore_mem>>)
    %dma_start3A_35 = arith.constant 3 : i32
    %dma_start3A_36 = arith.constant 0 : i32
    %dma_start3A_37 = tpu.memref_slice %arg5[%dma_start3A_35, %dma_start3A_36] : memref<200x128xi32, #tpu.memory_space<vmem>> -> memref<1x128xi32, #tpu.memory_space<vmem>>
    %dma_start3A_38 = tpu.memref_squeeze %dma_start3A_37 : memref<1x128xi32, #tpu.memory_space<vmem>> -> memref<128xi32, #tpu.memory_space<vmem>>
    %dma_start3A_39 = arith.constant 0 : i32
    %dma_start3A_40 = arith.constant 0 : i32
    %dma_start3A_41 = tpu.memref_slice %arg2[%dma_start3A_39, %dma_start3A_40] : memref<1000000x64xf32, #tpu.memory_space<hbm>> -> memref<1000000x64xf32, #tpu.memory_space<hbm>>
    tpu.enqueue_indirect_dma source(%dma_start3A_41 : memref<1000000x64xf32, #tpu.memory_space<hbm>>) target(%arg9 : memref<128x64xf32, #tpu.memory_space<vmem>>) offsets(%dma_start3A_38 : memref<128xi32, #tpu.memory_space<vmem>>) semaphore(%arg17 : memref<!tpu.dma_semaphore, #tpu.memory_space<semaphore_mem>>)
    %scan3A = arith.constant 0 : i32
    %scan3A_42 = arith.constant 50 : i32
    %scan3A_43 = arith.addi %scan3A, %scan3A_42 : i32
    %scan3A_44 = arith.constant 1 : i32
    scf.for %scan3A_683 = %scan3A to %scan3A_43 step %scan3A_44  : i32 {
      %mul3A_684 = arith.constant 1 : i32
      %mul3A_685 = arith.muli %scan3A_683, %mul3A_684 : i32
      %add3A_686 = arith.constant 0 : i32
      %add3A_687 = arith.addi %add3A_686, %mul3A_685 : i32
      %mul3A_688 = arith.constant 4 : i32
      %mul3A_689 = arith.muli %add3A_687, %mul3A_688 : i32
      %add3A_690 = arith.constant 0 : i32
      %add3A_691 = arith.addi %mul3A_689, %add3A_690 : i32
      %dma_wait3A_692 = arith.constant 0 : i32
      %dma_wait3A_693 = tpu.memref_slice %arg5[%add3A_691, %dma_wait3A_692] : memref<200x128xi32, #tpu.memory_space<vmem>> -> memref<1x128xi32, #tpu.memory_space<vmem>>
      %dma_wait3A_694 = tpu.memref_squeeze %dma_wait3A_693 : memref<1x128xi32, #tpu.memory_space<vmem>> -> memref<128xi32, #tpu.memory_space<vmem>>
      %dma_wait3A_695 = arith.constant 0 : i32
      %dma_wait3A_696 = arith.constant 0 : i32
      %dma_wait3A_697 = tpu.memref_slice %arg2[%dma_wait3A_695, %dma_wait3A_696] : memref<1000000x64xf32, #tpu.memory_space<hbm>> -> memref<1000000x64xf32, #tpu.memory_space<hbm>>
      tpu.wait_indirect_dma semaphore(%arg14 : memref<!tpu.dma_semaphore, #tpu.memory_space<semaphore_mem>>) src(%dma_wait3A_697 : memref<1000000x64xf32, #tpu.memory_space<hbm>>) dst(%arg6 : memref<128x64xf32, #tpu.memory_space<vmem>>)
      %gt3A = arith.constant 0 : i32
      %gt3A_698 = arith.cmpi sgt, %add3A_687, %gt3A : i32
      %convert_element_type3A = arith.extui %gt3A_698 : i1 to i32
      %cond3A = arith.constant 0 : i32
      %cond3A_699 = arith.cmpi ne, %convert_element_type3A, %cond3A : i32
      scf.if %cond3A_699 {
        %sub3A_1420 = arith.constant 4 : i32
        %sub3A_1421 = arith.subi %add3A_691, %sub3A_1420 : i32
        %add3A_1422 = arith.addi %mul3A_2, %sub3A_1421 : i32
        %jit3A_1423 = arith.constant 128 : i32
        %div3A_1424 = arith.divsi %add3A_1422, %jit3A_1423 : i32
        %sign3A_1425 = arith.constant 0 : i32
        %sign3A_1426 = arith.cmpi sgt, %add3A_1422, %sign3A_1425 : i32
        %sign3A_1427 = arith.extui %sign3A_1426 : i1 to i32
        %sign3A_1428 = arith.constant 0 : i32
        %sign3A_1429 = arith.cmpi slt, %add3A_1422, %sign3A_1428 : i32
        %sign3A_1430 = arith.extui %sign3A_1429 : i1 to i32
        %sign3A_1431 = arith.subi %sign3A_1427, %sign3A_1430 : i32
        %sign3A_1432 = arith.constant 0 : i32
        %sign3A_1433 = arith.cmpi sgt, %jit3A_1423, %sign3A_1432 : i32
        %sign3A_1434 = arith.extui %sign3A_1433 : i1 to i32
        %sign3A_1435 = arith.constant 0 : i32
        %sign3A_1436 = arith.cmpi slt, %jit3A_1423, %sign3A_1435 : i32
        %sign3A_1437 = arith.extui %sign3A_1436 : i1 to i32
        %sign3A_1438 = arith.subi %sign3A_1434, %sign3A_1437 : i32
        %ne3A_1439 = arith.cmpi ne, %sign3A_1431, %sign3A_1438 : i32
        %rem3A_1440 = arith.remsi %add3A_1422, %jit3A_1423 : i32
        %ne3A_1441 = arith.constant 0 : i32
        %ne3A_1442 = arith.cmpi ne, %rem3A_1440, %ne3A_1441 : i32
        %and3A_1443 = arith.andi %ne3A_1439, %ne3A_1442 : i1
        %sub3A_1444 = arith.constant 1 : i32
        %sub3A_1445 = arith.subi %div3A_1424, %sub3A_1444 : i32
        %select_n3A_1446 = arith.select %and3A_1443, %sub3A_1445, %div3A_1424 : i32
        %jit3A_1447 = arith.constant 128 : i32
        %eq3A_1448 = arith.constant 0 : i32
        %eq3A_1449 = arith.cmpi eq, %jit3A_1447, %eq3A_1448 : i32
        %jit3A_1450 = arith.constant 1 : i32
        %select_n3A_1451 = arith.select %eq3A_1449, %jit3A_1450, %jit3A_1447 : i32
        %rem3A_1452 = arith.remsi %add3A_1422, %select_n3A_1451 : i32
        %ne3A_1453 = arith.constant 0 : i32
        %ne3A_1454 = arith.cmpi ne, %rem3A_1452, %ne3A_1453 : i32
        %lt3A_1455 = arith.constant 0 : i32
        %lt3A_1456 = arith.cmpi slt, %rem3A_1452, %lt3A_1455 : i32
        %lt3A_1457 = arith.constant 0 : i32
        %lt3A_1458 = arith.cmpi slt, %select_n3A_1451, %lt3A_1457 : i32
        %ne3A_1459 = arith.xori %lt3A_1456, %lt3A_1458 : i1
        %and3A_1460 = arith.andi %ne3A_1459, %ne3A_1454 : i1
        %add3A_1461 = arith.addi %rem3A_1452, %select_n3A_1451 : i32
        %select_n3A_1462 = arith.select %and3A_1460, %add3A_1461, %rem3A_1452 : i32
        %dma_wait3A_1463 = arith.constant 0 : i32
        %dma_wait3A_1464 = arith.constant 0 : i32
        %dma_wait3A_1465 = arith.constant 0 : i32
        %dma_wait3A_1466 = tpu.memref_slice %arg10[%dma_wait3A_1464, %dma_wait3A_1465] : memref<64x129xf32, #tpu.memory_space<vmem>> -> memref<8x128xf32, #tpu.memory_space<vmem>>
        %dma_wait3A_1467 = arith.constant 0 : i32
        %dma_wait3A_1468 = arith.constant 0 : i32
        %dma_wait3A_1469 = tpu.memref_slice %arg4[%select_n3A_1446, %dma_wait3A_1463, %select_n3A_1462, %dma_wait3A_1467, %dma_wait3A_1468] : memref<50x8x128x8x128xf32, #tpu.memory_space<hbm>> -> memref<1x1x1x8x128xf32, #tpu.memory_space<hbm>>
        %dma_wait3A_1470 = tpu.memref_squeeze %dma_wait3A_1469 : memref<1x1x1x8x128xf32, #tpu.memory_space<hbm>> -> memref<8x128xf32, #tpu.memory_space<hbm>>
        %dma_wait3A_1471 = arith.constant 0 : i32
        %dma_wait3A_1472 = arith.constant 0 : i32
        %dma_wait3A_1473 = tpu.memref_slice %arg4[%select_n3A_1446, %dma_wait3A_1463, %select_n3A_1462, %dma_wait3A_1471, %dma_wait3A_1472] : memref<50x8x128x8x128xf32, #tpu.memory_space<hbm>> -> memref<1x1x1x8x128xf32, #tpu.memory_space<hbm>>
        %dma_wait3A_1474 = tpu.memref_squeeze %dma_wait3A_1473 : memref<1x1x1x8x128xf32, #tpu.memory_space<hbm>> -> memref<8x128xf32, #tpu.memory_space<hbm>>
        %dma_wait3A_1475 = arith.constant 0 : i32
        %dma_wait3A_1476 = arith.constant 0 : i32
        %dma_wait3A_1477 = tpu.memref_slice %arg10[%dma_wait3A_1475, %dma_wait3A_1476] : memref<64x129xf32, #tpu.memory_space<vmem>> -> memref<8x128xf32, #tpu.memory_space<vmem>>
        tpu.wait_dma2 semaphore(%arg18 : memref<!tpu.dma_semaphore, #tpu.memory_space<semaphore_mem>>) src(%dma_wait3A_1477 : memref<8x128xf32, #tpu.memory_space<vmem>>) dst(%dma_wait3A_1474 : memref<8x128xf32, #tpu.memory_space<hbm>>)
        %dma_wait3A_1478 = arith.constant 1 : i32
        %dma_wait3A_1479 = arith.constant 8 : i32
        %dma_wait3A_1480 = arith.constant 0 : i32
        %dma_wait3A_1481 = tpu.memref_slice %arg10[%dma_wait3A_1479, %dma_wait3A_1480] : memref<64x129xf32, #tpu.memory_space<vmem>> -> memref<8x128xf32, #tpu.memory_space<vmem>>
        %dma_wait3A_1482 = arith.constant 0 : i32
        %dma_wait3A_1483 = arith.constant 0 : i32
        %dma_wait3A_1484 = tpu.memref_slice %arg4[%select_n3A_1446, %dma_wait3A_1478, %select_n3A_1462, %dma_wait3A_1482, %dma_wait3A_1483] : memref<50x8x128x8x128xf32, #tpu.memory_space<hbm>> -> memref<1x1x1x8x128xf32, #tpu.memory_space<hbm>>
        %dma_wait3A_1485 = tpu.memref_squeeze %dma_wait3A_1484 : memref<1x1x1x8x128xf32, #tpu.memory_space<hbm>> -> memref<8x128xf32, #tpu.memory_space<hbm>>
        %dma_wait3A_1486 = arith.constant 0 : i32
        %dma_wait3A_1487 = arith.constant 0 : i32
        %dma_wait3A_1488 = tpu.memref_slice %arg4[%select_n3A_1446, %dma_wait3A_1478, %select_n3A_1462, %dma_wait3A_1486, %dma_wait3A_1487] : memref<50x8x128x8x128xf32, #tpu.memory_space<hbm>> -> memref<1x1x1x8x128xf32, #tpu.memory_space<hbm>>
        %dma_wait3A_1489 = tpu.memref_squeeze %dma_wait3A_1488 : memref<1x1x1x8x128xf32, #tpu.memory_space<hbm>> -> memref<8x128xf32, #tpu.memory_space<hbm>>
        %dma_wait3A_1490 = arith.constant 8 : i32
        %dma_wait3A_1491 = arith.constant 0 : i32
        %dma_wait3A_1492 = tpu.memref_slice %arg10[%dma_wait3A_1490, %dma_wait3A_1491] : memref<64x129xf32, #tpu.memory_space<vmem>> -> memref<8x128xf32, #tpu.memory_space<vmem>>
        tpu.wait_dma2 semaphore(%arg18 : memref<!tpu.dma_semaphore, #tpu.memory_space<semaphore_mem>>) src(%dma_wait3A_1492 : memref<8x128xf32, #tpu.memory_space<vmem>>) dst(%dma_wait3A_1489 : memref<8x128xf32, #tpu.memory_space<hbm>>)
        %dma_wait3A_1493 = arith.constant 2 : i32
        %dma_wait3A_1494 = arith.constant 16 : i32
        %dma_wait3A_1495 = arith.constant 0 : i32
        %dma_wait3A_1496 = tpu.memref_slice %arg10[%dma_wait3A_1494, %dma_wait3A_1495] : memref<64x129xf32, #tpu.memory_space<vmem>> -> memref<8x128xf32, #tpu.memory_space<vmem>>
        %dma_wait3A_1497 = arith.constant 0 : i32
        %dma_wait3A_1498 = arith.constant 0 : i32
        %dma_wait3A_1499 = tpu.memref_slice %arg4[%select_n3A_1446, %dma_wait3A_1493, %select_n3A_1462, %dma_wait3A_1497, %dma_wait3A_1498] : memref<50x8x128x8x128xf32, #tpu.memory_space<hbm>> -> memref<1x1x1x8x128xf32, #tpu.memory_space<hbm>>
        %dma_wait3A_1500 = tpu.memref_squeeze %dma_wait3A_1499 : memref<1x1x1x8x128xf32, #tpu.memory_space<hbm>> -> memref<8x128xf32, #tpu.memory_space<hbm>>
        %dma_wait3A_1501 = arith.constant 0 : i32
        %dma_wait3A_1502 = arith.constant 0 : i32
        %dma_wait3A_1503 = tpu.memref_slice %arg4[%select_n3A_1446, %dma_wait3A_1493, %select_n3A_1462, %dma_wait3A_1501, %dma_wait3A_1502] : memref<50x8x128x8x128xf32, #tpu.memory_space<hbm>> -> memref<1x1x1x8x128xf32, #tpu.memory_space<hbm>>
        %dma_wait3A_1504 = tpu.memref_squeeze %dma_wait3A_1503 : memref<1x1x1x8x128xf32, #tpu.memory_space<hbm>> -> memref<8x128xf32, #tpu.memory_space<hbm>>
        %dma_wait3A_1505 = arith.constant 16 : i32
        %dma_wait3A_1506 = arith.constant 0 : i32
        %dma_wait3A_1507 = tpu.memref_slice %arg10[%dma_wait3A_1505, %dma_wait3A_1506] : memref<64x129xf32, #tpu.memory_space<vmem>> -> memref<8x128xf32, #tpu.memory_space<vmem>>
        tpu.wait_dma2 semaphore(%arg18 : memref<!tpu.dma_semaphore, #tpu.memory_space<semaphore_mem>>) src(%dma_wait3A_1507 : memref<8x128xf32, #tpu.memory_space<vmem>>) dst(%dma_wait3A_1504 : memref<8x128xf32, #tpu.memory_space<hbm>>)
        %dma_wait3A_1508 = arith.constant 3 : i32
        %dma_wait3A_1509 = arith.constant 24 : i32
        %dma_wait3A_1510 = arith.constant 0 : i32
        %dma_wait3A_1511 = tpu.memref_slice %arg10[%dma_wait3A_1509, %dma_wait3A_1510] : memref<64x129xf32, #tpu.memory_space<vmem>> -> memref<8x128xf32, #tpu.memory_space<vmem>>
        %dma_wait3A_1512 = arith.constant 0 : i32
        %dma_wait3A_1513 = arith.constant 0 : i32
        %dma_wait3A_1514 = tpu.memref_slice %arg4[%select_n3A_1446, %dma_wait3A_1508, %select_n3A_1462, %dma_wait3A_1512, %dma_wait3A_1513] : memref<50x8x128x8x128xf32, #tpu.memory_space<hbm>> -> memref<1x1x1x8x128xf32, #tpu.memory_space<hbm>>
        %dma_wait3A_1515 = tpu.memref_squeeze %dma_wait3A_1514 : memref<1x1x1x8x128xf32, #tpu.memory_space<hbm>> -> memref<8x128xf32, #tpu.memory_space<hbm>>
        %dma_wait3A_1516 = arith.constant 0 : i32
        %dma_wait3A_1517 = arith.constant 0 : i32
        %dma_wait3A_1518 = tpu.memref_slice %arg4[%select_n3A_1446, %dma_wait3A_1508, %select_n3A_1462, %dma_wait3A_1516, %dma_wait3A_1517] : memref<50x8x128x8x128xf32, #tpu.memory_space<hbm>> -> memref<1x1x1x8x128xf32, #tpu.memory_space<hbm>>
        %dma_wait3A_1519 = tpu.memref_squeeze %dma_wait3A_1518 : memref<1x1x1x8x128xf32, #tpu.memory_space<hbm>> -> memref<8x128xf32, #tpu.memory_space<hbm>>
        %dma_wait3A_1520 = arith.constant 24 : i32
        %dma_wait3A_1521 = arith.constant 0 : i32
        %dma_wait3A_1522 = tpu.memref_slice %arg10[%dma_wait3A_1520, %dma_wait3A_1521] : memref<64x129xf32, #tpu.memory_space<vmem>> -> memref<8x128xf32, #tpu.memory_space<vmem>>
        tpu.wait_dma2 semaphore(%arg18 : memref<!tpu.dma_semaphore, #tpu.memory_space<semaphore_mem>>) src(%dma_wait3A_1522 : memref<8x128xf32, #tpu.memory_space<vmem>>) dst(%dma_wait3A_1519 : memref<8x128xf32, #tpu.memory_space<hbm>>)
        %dma_wait3A_1523 = arith.constant 4 : i32
        %dma_wait3A_1524 = arith.constant 32 : i32
        %dma_wait3A_1525 = arith.constant 0 : i32
        %dma_wait3A_1526 = tpu.memref_slice %arg10[%dma_wait3A_1524, %dma_wait3A_1525] : memref<64x129xf32, #tpu.memory_space<vmem>> -> memref<8x128xf32, #tpu.memory_space<vmem>>
        %dma_wait3A_1527 = arith.constant 0 : i32
        %dma_wait3A_1528 = arith.constant 0 : i32
        %dma_wait3A_1529 = tpu.memref_slice %arg4[%select_n3A_1446, %dma_wait3A_1523, %select_n3A_1462, %dma_wait3A_1527, %dma_wait3A_1528] : memref<50x8x128x8x128xf32, #tpu.memory_space<hbm>> -> memref<1x1x1x8x128xf32, #tpu.memory_space<hbm>>
        %dma_wait3A_1530 = tpu.memref_squeeze %dma_wait3A_1529 : memref<1x1x1x8x128xf32, #tpu.memory_space<hbm>> -> memref<8x128xf32, #tpu.memory_space<hbm>>
        %dma_wait3A_1531 = arith.constant 0 : i32
        %dma_wait3A_1532 = arith.constant 0 : i32
        %dma_wait3A_1533 = tpu.memref_slice %arg4[%select_n3A_1446, %dma_wait3A_1523, %select_n3A_1462, %dma_wait3A_1531, %dma_wait3A_1532] : memref<50x8x128x8x128xf32, #tpu.memory_space<hbm>> -> memref<1x1x1x8x128xf32, #tpu.memory_space<hbm>>
        %dma_wait3A_1534 = tpu.memref_squeeze %dma_wait3A_1533 : memref<1x1x1x8x128xf32, #tpu.memory_space<hbm>> -> memref<8x128xf32, #tpu.memory_space<hbm>>
        %dma_wait3A_1535 = arith.constant 32 : i32
        %dma_wait3A_1536 = arith.constant 0 : i32
        %dma_wait3A_1537 = tpu.memref_slice %arg10[%dma_wait3A_1535, %dma_wait3A_1536] : memref<64x129xf32, #tpu.memory_space<vmem>> -> memref<8x128xf32, #tpu.memory_space<vmem>>
        tpu.wait_dma2 semaphore(%arg18 : memref<!tpu.dma_semaphore, #tpu.memory_space<semaphore_mem>>) src(%dma_wait3A_1537 : memref<8x128xf32, #tpu.memory_space<vmem>>) dst(%dma_wait3A_1534 : memref<8x128xf32, #tpu.memory_space<hbm>>)
        %dma_wait3A_1538 = arith.constant 5 : i32
        %dma_wait3A_1539 = arith.constant 40 : i32
        %dma_wait3A_1540 = arith.constant 0 : i32
        %dma_wait3A_1541 = tpu.memref_slice %arg10[%dma_wait3A_1539, %dma_wait3A_1540] : memref<64x129xf32, #tpu.memory_space<vmem>> -> memref<8x128xf32, #tpu.memory_space<vmem>>
        %dma_wait3A_1542 = arith.constant 0 : i32
        %dma_wait3A_1543 = arith.constant 0 : i32
        %dma_wait3A_1544 = tpu.memref_slice %arg4[%select_n3A_1446, %dma_wait3A_1538, %select_n3A_1462, %dma_wait3A_1542, %dma_wait3A_1543] : memref<50x8x128x8x128xf32, #tpu.memory_space<hbm>> -> memref<1x1x1x8x128xf32, #tpu.memory_space<hbm>>
        %dma_wait3A_1545 = tpu.memref_squeeze %dma_wait3A_1544 : memref<1x1x1x8x128xf32, #tpu.memory_space<hbm>> -> memref<8x128xf32, #tpu.memory_space<hbm>>
        %dma_wait3A_1546 = arith.constant 0 : i32
        %dma_wait3A_1547 = arith.constant 0 : i32
        %dma_wait3A_1548 = tpu.memref_slice %arg4[%select_n3A_1446, %dma_wait3A_1538, %select_n3A_1462, %dma_wait3A_1546, %dma_wait3A_1547] : memref<50x8x128x8x128xf32, #tpu.memory_space<hbm>> -> memref<1x1x1x8x128xf32, #tpu.memory_space<hbm>>
        %dma_wait3A_1549 = tpu.memref_squeeze %dma_wait3A_1548 : memref<1x1x1x8x128xf32, #tpu.memory_space<hbm>> -> memref<8x128xf32, #tpu.memory_space<hbm>>
        %dma_wait3A_1550 = arith.constant 40 : i32
        %dma_wait3A_1551 = arith.constant 0 : i32
        %dma_wait3A_1552 = tpu.memref_slice %arg10[%dma_wait3A_1550, %dma_wait3A_1551] : memref<64x129xf32, #tpu.memory_space<vmem>> -> memref<8x128xf32, #tpu.memory_space<vmem>>
        tpu.wait_dma2 semaphore(%arg18 : memref<!tpu.dma_semaphore, #tpu.memory_space<semaphore_mem>>) src(%dma_wait3A_1552 : memref<8x128xf32, #tpu.memory_space<vmem>>) dst(%dma_wait3A_1549 : memref<8x128xf32, #tpu.memory_space<hbm>>)
        %dma_wait3A_1553 = arith.constant 6 : i32
        %dma_wait3A_1554 = arith.constant 48 : i32
        %dma_wait3A_1555 = arith.constant 0 : i32
        %dma_wait3A_1556 = tpu.memref_slice %arg10[%dma_wait3A_1554, %dma_wait3A_1555] : memref<64x129xf32, #tpu.memory_space<vmem>> -> memref<8x128xf32, #tpu.memory_space<vmem>>
        %dma_wait3A_1557 = arith.constant 0 : i32
        %dma_wait3A_1558 = arith.constant 0 : i32
        %dma_wait3A_1559 = tpu.memref_slice %arg4[%select_n3A_1446, %dma_wait3A_1553, %select_n3A_1462, %dma_wait3A_1557, %dma_wait3A_1558] : memref<50x8x128x8x128xf32, #tpu.memory_space<hbm>> -> memref<1x1x1x8x128xf32, #tpu.memory_space<hbm>>
        %dma_wait3A_1560 = tpu.memref_squeeze %dma_wait3A_1559 : memref<1x1x1x8x128xf32, #tpu.memory_space<hbm>> -> memref<8x128xf32, #tpu.memory_space<hbm>>
        %dma_wait3A_1561 = arith.constant 0 : i32
        %dma_wait3A_1562 = arith.constant 0 : i32
        %dma_wait3A_1563 = tpu.memref_slice %arg4[%select_n3A_1446, %dma_wait3A_1553, %select_n3A_1462, %dma_wait3A_1561, %dma_wait3A_1562] : memref<50x8x128x8x128xf32, #tpu.memory_space<hbm>> -> memref<1x1x1x8x128xf32, #tpu.memory_space<hbm>>
        %dma_wait3A_1564 = tpu.memref_squeeze %dma_wait3A_1563 : memref<1x1x1x8x128xf32, #tpu.memory_space<hbm>> -> memref<8x128xf32, #tpu.memory_space<hbm>>
        %dma_wait3A_1565 = arith.constant 48 : i32
        %dma_wait3A_1566 = arith.constant 0 : i32
        %dma_wait3A_1567 = tpu.memref_slice %arg10[%dma_wait3A_1565, %dma_wait3A_1566] : memref<64x129xf32, #tpu.memory_space<vmem>> -> memref<8x128xf32, #tpu.memory_space<vmem>>
        tpu.wait_dma2 semaphore(%arg18 : memref<!tpu.dma_semaphore, #tpu.memory_space<semaphore_mem>>) src(%dma_wait3A_1567 : memref<8x128xf32, #tpu.memory_space<vmem>>) dst(%dma_wait3A_1564 : memref<8x128xf32, #tpu.memory_space<hbm>>)
        %dma_wait3A_1568 = arith.constant 7 : i32
        %dma_wait3A_1569 = arith.constant 56 : i32
        %dma_wait3A_1570 = arith.constant 0 : i32
        %dma_wait3A_1571 = tpu.memref_slice %arg10[%dma_wait3A_1569, %dma_wait3A_1570] : memref<64x129xf32, #tpu.memory_space<vmem>> -> memref<8x128xf32, #tpu.memory_space<vmem>>
        %dma_wait3A_1572 = arith.constant 0 : i32
        %dma_wait3A_1573 = arith.constant 0 : i32
        %dma_wait3A_1574 = tpu.memref_slice %arg4[%select_n3A_1446, %dma_wait3A_1568, %select_n3A_1462, %dma_wait3A_1572, %dma_wait3A_1573] : memref<50x8x128x8x128xf32, #tpu.memory_space<hbm>> -> memref<1x1x1x8x128xf32, #tpu.memory_space<hbm>>
        %dma_wait3A_1575 = tpu.memref_squeeze %dma_wait3A_1574 : memref<1x1x1x8x128xf32, #tpu.memory_space<hbm>> -> memref<8x128xf32, #tpu.memory_space<hbm>>
        %dma_wait3A_1576 = arith.constant 0 : i32
        %dma_wait3A_1577 = arith.constant 0 : i32
        %dma_wait3A_1578 = tpu.memref_slice %arg4[%select_n3A_1446, %dma_wait3A_1568, %select_n3A_1462, %dma_wait3A_1576, %dma_wait3A_1577] : memref<50x8x128x8x128xf32, #tpu.memory_space<hbm>> -> memref<1x1x1x8x128xf32, #tpu.memory_space<hbm>>
        %dma_wait3A_1579 = tpu.memref_squeeze %dma_wait3A_1578 : memref<1x1x1x8x128xf32, #tpu.memory_space<hbm>> -> memref<8x128xf32, #tpu.memory_space<hbm>>
        %dma_wait3A_1580 = arith.constant 56 : i32
        %dma_wait3A_1581 = arith.constant 0 : i32
        %dma_wait3A_1582 = tpu.memref_slice %arg10[%dma_wait3A_1580, %dma_wait3A_1581] : memref<64x129xf32, #tpu.memory_space<vmem>> -> memref<8x128xf32, #tpu.memory_space<vmem>>
        tpu.wait_dma2 semaphore(%arg18 : memref<!tpu.dma_semaphore, #tpu.memory_space<semaphore_mem>>) src(%dma_wait3A_1582 : memref<8x128xf32, #tpu.memory_space<vmem>>) dst(%dma_wait3A_1579 : memref<8x128xf32, #tpu.memory_space<hbm>>)
      } else {
      }
      %parallel_loop3A = arith.constant 0 : i32
      %parallel_loop3A_700 = arith.constant 128 : i32
      %parallel_loop3A_701 = arith.constant 1 : i32
      scf.for %parallel_loop3A_1420 = %parallel_loop3A to %parallel_loop3A_700 step %parallel_loop3A_701  : i32 {
        %parallel_loop3A_1421 = vector.broadcast %parallel_loop3A_1420 : i32 to vector<16xi32>
        %parallel_loop3A_1422 = arith.index_cast %parallel_loop3A_1420 : i32 to index
        %parallel_loop3A_1423 = arith.constant 0 : index
        %parallel_loop3A_1424 = tpu.vector_load %arg6[%parallel_loop3A_1422, %parallel_loop3A_1423] {strides = array<i32>} : memref<128x64xf32, #tpu.memory_space<vmem>>, vector<16xf32>,
        tpu.vector_store_idx %arg10[%add3A_5, %parallel_loop3A_1421], %parallel_loop3A_1424 : memref<64x129xf32, #tpu.memory_space<vmem>>[vector<16xi32>, vector<16xi32>], vector<16xf32>,
        %parallel_loop3A_1425 = arith.index_cast %parallel_loop3A_1420 : i32 to index
        %parallel_loop3A_1426 = arith.constant 16 : index
        %parallel_loop3A_1427 = tpu.vector_load %arg6[%parallel_loop3A_1425, %parallel_loop3A_1426] {strides = array<i32>} : memref<128x64xf32, #tpu.memory_space<vmem>>, vector<16xf32>,
        tpu.vector_store_idx %arg10[%add3A_8, %parallel_loop3A_1421], %parallel_loop3A_1427 : memref<64x129xf32, #tpu.memory_space<vmem>>[vector<16xi32>, vector<16xi32>], vector<16xf32>,
        %parallel_loop3A_1428 = arith.index_cast %parallel_loop3A_1420 : i32 to index
        %parallel_loop3A_1429 = arith.constant 32 : index
        %parallel_loop3A_1430 = tpu.vector_load %arg6[%parallel_loop3A_1428, %parallel_loop3A_1429] {strides = array<i32>} : memref<128x64xf32, #tpu.memory_space<vmem>>, vector<16xf32>,
        tpu.vector_store_idx %arg10[%add3A_11, %parallel_loop3A_1421], %parallel_loop3A_1430 : memref<64x129xf32, #tpu.memory_space<vmem>>[vector<16xi32>, vector<16xi32>], vector<16xf32>,
        %parallel_loop3A_1431 = arith.index_cast %parallel_loop3A_1420 : i32 to index
        %parallel_loop3A_1432 = arith.constant 48 : index
        %parallel_loop3A_1433 = tpu.vector_load %arg6[%parallel_loop3A_1431, %parallel_loop3A_1432] {strides = array<i32>} : memref<128x64xf32, #tpu.memory_space<vmem>>, vector<16xf32>,
        tpu.vector_store_idx %arg10[%add3A_14, %parallel_loop3A_1421], %parallel_loop3A_1433 : memref<64x129xf32, #tpu.memory_space<vmem>>[vector<16xi32>, vector<16xi32>], vector<16xf32>,
      } {sc.loop_unroll_factor = 8 : i64, sc.parallel_access}
      %lt3A_702 = arith.constant 49 : i32
      %lt3A_703 = arith.cmpi slt, %add3A_687, %lt3A_702 : i32
      %convert_element_type3A_704 = arith.extui %lt3A_703 : i1 to i32
      %cond3A_705 = arith.constant 0 : i32
      %cond3A_706 = arith.cmpi ne, %convert_element_type3A_704, %cond3A_705 : i32
      scf.if %cond3A_706 {
        %add3A_1420 = arith.constant 4 : i32
        %add3A_1421 = arith.addi %add3A_691, %add3A_1420 : i32
        %dma_start3A_1422 = arith.constant 0 : i32
        %dma_start3A_1423 = tpu.memref_slice %arg5[%add3A_1421, %dma_start3A_1422] : memref<200x128xi32, #tpu.memory_space<vmem>> -> memref<1x128xi32, #tpu.memory_space<vmem>>
        %dma_start3A_1424 = tpu.memref_squeeze %dma_start3A_1423 : memref<1x128xi32, #tpu.memory_space<vmem>> -> memref<128xi32, #tpu.memory_space<vmem>>
        %dma_start3A_1425 = arith.constant 0 : i32
        %dma_start3A_1426 = arith.constant 0 : i32
        %dma_start3A_1427 = tpu.memref_slice %arg2[%dma_start3A_1425, %dma_start3A_1426] : memref<1000000x64xf32, #tpu.memory_space<hbm>> -> memref<1000000x64xf32, #tpu.memory_space<hbm>>
        tpu.enqueue_indirect_dma source(%dma_start3A_1427 : memref<1000000x64xf32, #tpu.memory_space<hbm>>) target(%arg6 : memref<128x64xf32, #tpu.memory_space<vmem>>) offsets(%dma_start3A_1424 : memref<128xi32, #tpu.memory_space<vmem>>) semaphore(%arg14 : memref<!tpu.dma_semaphore, #tpu.memory_space<semaphore_mem>>)
      } else {
      }
      %add3A_707 = arith.addi %mul3A_2, %add3A_691 : i32
      %jit3A_708 = arith.constant 128 : i32
      %div3A_709 = arith.divsi %add3A_707, %jit3A_708 : i32
      %sign3A_710 = arith.constant 0 : i32
      %sign3A_711 = arith.cmpi sgt, %add3A_707, %sign3A_710 : i32
      %sign3A_712 = arith.extui %sign3A_711 : i1 to i32
      %sign3A_713 = arith.constant 0 : i32
      %sign3A_714 = arith.cmpi slt, %add3A_707, %sign3A_713 : i32
      %sign3A_715 = arith.extui %sign3A_714 : i1 to i32
      %sign3A_716 = arith.subi %sign3A_712, %sign3A_715 : i32
      %sign3A_717 = arith.constant 0 : i32
      %sign3A_718 = arith.cmpi sgt, %jit3A_708, %sign3A_717 : i32
      %sign3A_719 = arith.extui %sign3A_718 : i1 to i32
      %sign3A_720 = arith.constant 0 : i32
      %sign3A_721 = arith.cmpi slt, %jit3A_708, %sign3A_720 : i32
      %sign3A_722 = arith.extui %sign3A_721 : i1 to i32
      %sign3A_723 = arith.subi %sign3A_719, %sign3A_722 : i32
      %ne3A_724 = arith.cmpi ne, %sign3A_716, %sign3A_723 : i32
      %rem3A_725 = arith.remsi %add3A_707, %jit3A_708 : i32
      %ne3A_726 = arith.constant 0 : i32
      %ne3A_727 = arith.cmpi ne, %rem3A_725, %ne3A_726 : i32
      %and3A_728 = arith.andi %ne3A_724, %ne3A_727 : i1
      %sub3A_729 = arith.constant 1 : i32
      %sub3A_730 = arith.subi %div3A_709, %sub3A_729 : i32
      %select_n3A_731 = arith.select %and3A_728, %sub3A_730, %div3A_709 : i32
      %jit3A_732 = arith.constant 128 : i32
      %eq3A_733 = arith.constant 0 : i32
      %eq3A_734 = arith.cmpi eq, %jit3A_732, %eq3A_733 : i32
      %jit3A_735 = arith.constant 1 : i32
      %select_n3A_736 = arith.select %eq3A_734, %jit3A_735, %jit3A_732 : i32
      %rem3A_737 = arith.remsi %add3A_707, %select_n3A_736 : i32
      %ne3A_738 = arith.constant 0 : i32
      %ne3A_739 = arith.cmpi ne, %rem3A_737, %ne3A_738 : i32
      %lt3A_740 = arith.constant 0 : i32
      %lt3A_741 = arith.cmpi slt, %rem3A_737, %lt3A_740 : i32
      %lt3A_742 = arith.constant 0 : i32
      %lt3A_743 = arith.cmpi slt, %select_n3A_736, %lt3A_742 : i32
      %ne3A_744 = arith.xori %lt3A_741, %lt3A_743 : i1
      %and3A_745 = arith.andi %ne3A_744, %ne3A_739 : i1
      %add3A_746 = arith.addi %rem3A_737, %select_n3A_736 : i32
      %select_n3A_747 = arith.select %and3A_745, %add3A_746, %rem3A_737 : i32
      %dma_start3A_748 = arith.constant 0 : i32
      %dma_start3A_749 = arith.constant 0 : i32
      %dma_start3A_750 = arith.constant 0 : i32
      %dma_start3A_751 = tpu.memref_slice %arg10[%dma_start3A_749, %dma_start3A_750] : memref<64x129xf32, #tpu.memory_space<vmem>> -> memref<8x128xf32, #tpu.memory_space<vmem>>
      %dma_start3A_752 = arith.constant 0 : i32
      %dma_start3A_753 = arith.constant 0 : i32
      %dma_start3A_754 = tpu.memref_slice %arg4[%select_n3A_731, %dma_start3A_748, %select_n3A_747, %dma_start3A_752, %dma_start3A_753] : memref<50x8x128x8x128xf32, #tpu.memory_space<hbm>> -> memref<1x1x1x8x128xf32, #tpu.memory_space<hbm>>
      %dma_start3A_755 = tpu.memref_squeeze %dma_start3A_754 : memref<1x1x1x8x128xf32, #tpu.memory_space<hbm>> -> memref<8x128xf32, #tpu.memory_space<hbm>>
      %dma_start3A_756 = arith.constant 0 : i32
      %dma_start3A_757 = arith.constant 0 : i32
      %dma_start3A_758 = tpu.memref_slice %arg4[%select_n3A_731, %dma_start3A_748, %select_n3A_747, %dma_start3A_756, %dma_start3A_757] : memref<50x8x128x8x128xf32, #tpu.memory_space<hbm>> -> memref<1x1x1x8x128xf32, #tpu.memory_space<hbm>>
      %dma_start3A_759 = tpu.memref_squeeze %dma_start3A_758 : memref<1x1x1x8x128xf32, #tpu.memory_space<hbm>> -> memref<8x128xf32, #tpu.memory_space<hbm>>
      %dma_start3A_760 = arith.constant 0 : i32
      %dma_start3A_761 = arith.constant 0 : i32
      %dma_start3A_762 = tpu.memref_slice %arg10[%dma_start3A_760, %dma_start3A_761] : memref<64x129xf32, #tpu.memory_space<vmem>> -> memref<8x128xf32, #tpu.memory_space<vmem>>
      tpu.enqueue_dma source(%dma_start3A_762 : memref<8x128xf32, #tpu.memory_space<vmem>>) target(%dma_start3A_759 : memref<8x128xf32, #tpu.memory_space<hbm>>) target_semaphore(%arg18 : memref<!tpu.dma_semaphore, #tpu.memory_space<semaphore_mem>>)
      %dma_start3A_763 = arith.constant 1 : i32
      %dma_start3A_764 = arith.constant 8 : i32
      %dma_start3A_765 = arith.constant 0 : i32
      %dma_start3A_766 = tpu.memref_slice %arg10[%dma_start3A_764, %dma_start3A_765] : memref<64x129xf32, #tpu.memory_space<vmem>> -> memref<8x128xf32, #tpu.memory_space<vmem>>
      %dma_start3A_767 = arith.constant 0 : i32
      %dma_start3A_768 = arith.constant 0 : i32
      %dma_start3A_769 = tpu.memref_slice %arg4[%select_n3A_731, %dma_start3A_763, %select_n3A_747, %dma_start3A_767, %dma_start3A_768] : memref<50x8x128x8x128xf32, #tpu.memory_space<hbm>> -> memref<1x1x1x8x128xf32, #tpu.memory_space<hbm>>
      %dma_start3A_770 = tpu.memref_squeeze %dma_start3A_769 : memref<1x1x1x8x128xf32, #tpu.memory_space<hbm>> -> memref<8x128xf32, #tpu.memory_space<hbm>>
      %dma_start3A_771 = arith.constant 0 : i32
      %dma_start3A_772 = arith.constant 0 : i32
      %dma_start3A_773 = tpu.memref_slice %arg4[%select_n3A_731, %dma_start3A_763, %select_n3A_747, %dma_start3A_771, %dma_start3A_772] : memref<50x8x128x8x128xf32, #tpu.memory_space<hbm>> -> memref<1x1x1x8x128xf32, #tpu.memory_space<hbm>>
      %dma_start3A_774 = tpu.memref_squeeze %dma_start3A_773 : memref<1x1x1x8x128xf32, #tpu.memory_space<hbm>> -> memref<8x128xf32, #tpu.memory_space<hbm>>
      %dma_start3A_775 = arith.constant 8 : i32
      %dma_start3A_776 = arith.constant 0 : i32
      %dma_start3A_777 = tpu.memref_slice %arg10[%dma_start3A_775, %dma_start3A_776] : memref<64x129xf32, #tpu.memory_space<vmem>> -> memref<8x128xf32, #tpu.memory_space<vmem>>
      tpu.enqueue_dma source(%dma_start3A_777 : memref<8x128xf32, #tpu.memory_space<vmem>>) target(%dma_start3A_774 : memref<8x128xf32, #tpu.memory_space<hbm>>) target_semaphore(%arg18 : memref<!tpu.dma_semaphore, #tpu.memory_space<semaphore_mem>>)
      %dma_start3A_778 = arith.constant 2 : i32
      %dma_start3A_779 = arith.constant 16 : i32
      %dma_start3A_780 = arith.constant 0 : i32
      %dma_start3A_781 = tpu.memref_slice %arg10[%dma_start3A_779, %dma_start3A_780] : memref<64x129xf32, #tpu.memory_space<vmem>> -> memref<8x128xf32, #tpu.memory_space<vmem>>
      %dma_start3A_782 = arith.constant 0 : i32
      %dma_start3A_783 = arith.constant 0 : i32
      %dma_start3A_784 = tpu.memref_slice %arg4[%select_n3A_731, %dma_start3A_778, %select_n3A_747, %dma_start3A_782, %dma_start3A_783] : memref<50x8x128x8x128xf32, #tpu.memory_space<hbm>> -> memref<1x1x1x8x128xf32, #tpu.memory_space<hbm>>
      %dma_start3A_785 = tpu.memref_squeeze %dma_start3A_784 : memref<1x1x1x8x128xf32, #tpu.memory_space<hbm>> -> memref<8x128xf32, #tpu.memory_space<hbm>>
      %dma_start3A_786 = arith.constant 0 : i32
      %dma_start3A_787 = arith.constant 0 : i32
      %dma_start3A_788 = tpu.memref_slice %arg4[%select_n3A_731, %dma_start3A_778, %select_n3A_747, %dma_start3A_786, %dma_start3A_787] : memref<50x8x128x8x128xf32, #tpu.memory_space<hbm>> -> memref<1x1x1x8x128xf32, #tpu.memory_space<hbm>>
      %dma_start3A_789 = tpu.memref_squeeze %dma_start3A_788 : memref<1x1x1x8x128xf32, #tpu.memory_space<hbm>> -> memref<8x128xf32, #tpu.memory_space<hbm>>
      %dma_start3A_790 = arith.constant 16 : i32
      %dma_start3A_791 = arith.constant 0 : i32
      %dma_start3A_792 = tpu.memref_slice %arg10[%dma_start3A_790, %dma_start3A_791] : memref<64x129xf32, #tpu.memory_space<vmem>> -> memref<8x128xf32, #tpu.memory_space<vmem>>
      tpu.enqueue_dma source(%dma_start3A_792 : memref<8x128xf32, #tpu.memory_space<vmem>>) target(%dma_start3A_789 : memref<8x128xf32, #tpu.memory_space<hbm>>) target_semaphore(%arg18 : memref<!tpu.dma_semaphore, #tpu.memory_space<semaphore_mem>>)
      %dma_start3A_793 = arith.constant 3 : i32
      %dma_start3A_794 = arith.constant 24 : i32
      %dma_start3A_795 = arith.constant 0 : i32
      %dma_start3A_796 = tpu.memref_slice %arg10[%dma_start3A_794, %dma_start3A_795] : memref<64x129xf32, #tpu.memory_space<vmem>> -> memref<8x128xf32, #tpu.memory_space<vmem>>
      %dma_start3A_797 = arith.constant 0 : i32
      %dma_start3A_798 = arith.constant 0 : i32
      %dma_start3A_799 = tpu.memref_slice %arg4[%select_n3A_731, %dma_start3A_793, %select_n3A_747, %dma_start3A_797, %dma_start3A_798] : memref<50x8x128x8x128xf32, #tpu.memory_space<hbm>> -> memref<1x1x1x8x128xf32, #tpu.memory_space<hbm>>
      %dma_start3A_800 = tpu.memref_squeeze %dma_start3A_799 : memref<1x1x1x8x128xf32, #tpu.memory_space<hbm>> -> memref<8x128xf32, #tpu.memory_space<hbm>>
      %dma_start3A_801 = arith.constant 0 : i32
      %dma_start3A_802 = arith.constant 0 : i32
      %dma_start3A_803 = tpu.memref_slice %arg4[%select_n3A_731, %dma_start3A_793, %select_n3A_747, %dma_start3A_801, %dma_start3A_802] : memref<50x8x128x8x128xf32, #tpu.memory_space<hbm>> -> memref<1x1x1x8x128xf32, #tpu.memory_space<hbm>>
      %dma_start3A_804 = tpu.memref_squeeze %dma_start3A_803 : memref<1x1x1x8x128xf32, #tpu.memory_space<hbm>> -> memref<8x128xf32, #tpu.memory_space<hbm>>
      %dma_start3A_805 = arith.constant 24 : i32
      %dma_start3A_806 = arith.constant 0 : i32
      %dma_start3A_807 = tpu.memref_slice %arg10[%dma_start3A_805, %dma_start3A_806] : memref<64x129xf32, #tpu.memory_space<vmem>> -> memref<8x128xf32, #tpu.memory_space<vmem>>
      tpu.enqueue_dma source(%dma_start3A_807 : memref<8x128xf32, #tpu.memory_space<vmem>>) target(%dma_start3A_804 : memref<8x128xf32, #tpu.memory_space<hbm>>) target_semaphore(%arg18 : memref<!tpu.dma_semaphore, #tpu.memory_space<semaphore_mem>>)
      %dma_start3A_808 = arith.constant 4 : i32
      %dma_start3A_809 = arith.constant 32 : i32
      %dma_start3A_810 = arith.constant 0 : i32
      %dma_start3A_811 = tpu.memref_slice %arg10[%dma_start3A_809, %dma_start3A_810] : memref<64x129xf32, #tpu.memory_space<vmem>> -> memref<8x128xf32, #tpu.memory_space<vmem>>
      %dma_start3A_812 = arith.constant 0 : i32
      %dma_start3A_813 = arith.constant 0 : i32
      %dma_start3A_814 = tpu.memref_slice %arg4[%select_n3A_731, %dma_start3A_808, %select_n3A_747, %dma_start3A_812, %dma_start3A_813] : memref<50x8x128x8x128xf32, #tpu.memory_space<hbm>> -> memref<1x1x1x8x128xf32, #tpu.memory_space<hbm>>
      %dma_start3A_815 = tpu.memref_squeeze %dma_start3A_814 : memref<1x1x1x8x128xf32, #tpu.memory_space<hbm>> -> memref<8x128xf32, #tpu.memory_space<hbm>>
      %dma_start3A_816 = arith.constant 0 : i32
      %dma_start3A_817 = arith.constant 0 : i32
      %dma_start3A_818 = tpu.memref_slice %arg4[%select_n3A_731, %dma_start3A_808, %select_n3A_747, %dma_start3A_816, %dma_start3A_817] : memref<50x8x128x8x128xf32, #tpu.memory_space<hbm>> -> memref<1x1x1x8x128xf32, #tpu.memory_space<hbm>>
      %dma_start3A_819 = tpu.memref_squeeze %dma_start3A_818 : memref<1x1x1x8x128xf32, #tpu.memory_space<hbm>> -> memref<8x128xf32, #tpu.memory_space<hbm>>
      %dma_start3A_820 = arith.constant 32 : i32
      %dma_start3A_821 = arith.constant 0 : i32
      %dma_start3A_822 = tpu.memref_slice %arg10[%dma_start3A_820, %dma_start3A_821] : memref<64x129xf32, #tpu.memory_space<vmem>> -> memref<8x128xf32, #tpu.memory_space<vmem>>
      tpu.enqueue_dma source(%dma_start3A_822 : memref<8x128xf32, #tpu.memory_space<vmem>>) target(%dma_start3A_819 : memref<8x128xf32, #tpu.memory_space<hbm>>) target_semaphore(%arg18 : memref<!tpu.dma_semaphore, #tpu.memory_space<semaphore_mem>>)
      %dma_start3A_823 = arith.constant 5 : i32
      %dma_start3A_824 = arith.constant 40 : i32
      %dma_start3A_825 = arith.constant 0 : i32
      %dma_start3A_826 = tpu.memref_slice %arg10[%dma_start3A_824, %dma_start3A_825] : memref<64x129xf32, #tpu.memory_space<vmem>> -> memref<8x128xf32, #tpu.memory_space<vmem>>
      %dma_start3A_827 = arith.constant 0 : i32
      %dma_start3A_828 = arith.constant 0 : i32
      %dma_start3A_829 = tpu.memref_slice %arg4[%select_n3A_731, %dma_start3A_823, %select_n3A_747, %dma_start3A_827, %dma_start3A_828] : memref<50x8x128x8x128xf32, #tpu.memory_space<hbm>> -> memref<1x1x1x8x128xf32, #tpu.memory_space<hbm>>
      %dma_start3A_830 = tpu.memref_squeeze %dma_start3A_829 : memref<1x1x1x8x128xf32, #tpu.memory_space<hbm>> -> memref<8x128xf32, #tpu.memory_space<hbm>>
      %dma_start3A_831 = arith.constant 0 : i32
      %dma_start3A_832 = arith.constant 0 : i32
      %dma_start3A_833 = tpu.memref_slice %arg4[%select_n3A_731, %dma_start3A_823, %select_n3A_747, %dma_start3A_831, %dma_start3A_832] : memref<50x8x128x8x128xf32, #tpu.memory_space<hbm>> -> memref<1x1x1x8x128xf32, #tpu.memory_space<hbm>>
      %dma_start3A_834 = tpu.memref_squeeze %dma_start3A_833 : memref<1x1x1x8x128xf32, #tpu.memory_space<hbm>> -> memref<8x128xf32, #tpu.memory_space<hbm>>
      %dma_start3A_835 = arith.constant 40 : i32
      %dma_start3A_836 = arith.constant 0 : i32
      %dma_start3A_837 = tpu.memref_slice %arg10[%dma_start3A_835, %dma_start3A_836] : memref<64x129xf32, #tpu.memory_space<vmem>> -> memref<8x128xf32, #tpu.memory_space<vmem>>
      tpu.enqueue_dma source(%dma_start3A_837 : memref<8x128xf32, #tpu.memory_space<vmem>>) target(%dma_start3A_834 : memref<8x128xf32, #tpu.memory_space<hbm>>) target_semaphore(%arg18 : memref<!tpu.dma_semaphore, #tpu.memory_space<semaphore_mem>>)
      %dma_start3A_838 = arith.constant 6 : i32
      %dma_start3A_839 = arith.constant 48 : i32
      %dma_start3A_840 = arith.constant 0 : i32
      %dma_start3A_841 = tpu.memref_slice %arg10[%dma_start3A_839, %dma_start3A_840] : memref<64x129xf32, #tpu.memory_space<vmem>> -> memref<8x128xf32, #tpu.memory_space<vmem>>
      %dma_start3A_842 = arith.constant 0 : i32
      %dma_start3A_843 = arith.constant 0 : i32
      %dma_start3A_844 = tpu.memref_slice %arg4[%select_n3A_731, %dma_start3A_838, %select_n3A_747, %dma_start3A_842, %dma_start3A_843] : memref<50x8x128x8x128xf32, #tpu.memory_space<hbm>> -> memref<1x1x1x8x128xf32, #tpu.memory_space<hbm>>
      %dma_start3A_845 = tpu.memref_squeeze %dma_start3A_844 : memref<1x1x1x8x128xf32, #tpu.memory_space<hbm>> -> memref<8x128xf32, #tpu.memory_space<hbm>>
      %dma_start3A_846 = arith.constant 0 : i32
      %dma_start3A_847 = arith.constant 0 : i32
      %dma_start3A_848 = tpu.memref_slice %arg4[%select_n3A_731, %dma_start3A_838, %select_n3A_747, %dma_start3A_846, %dma_start3A_847] : memref<50x8x128x8x128xf32, #tpu.memory_space<hbm>> -> memref<1x1x1x8x128xf32, #tpu.memory_space<hbm>>
      %dma_start3A_849 = tpu.memref_squeeze %dma_start3A_848 : memref<1x1x1x8x128xf32, #tpu.memory_space<hbm>> -> memref<8x128xf32, #tpu.memory_space<hbm>>
      %dma_start3A_850 = arith.constant 48 : i32
      %dma_start3A_851 = arith.constant 0 : i32
      %dma_start3A_852 = tpu.memref_slice %arg10[%dma_start3A_850, %dma_start3A_851] : memref<64x129xf32, #tpu.memory_space<vmem>> -> memref<8x128xf32, #tpu.memory_space<vmem>>
      tpu.enqueue_dma source(%dma_start3A_852 : memref<8x128xf32, #tpu.memory_space<vmem>>) target(%dma_start3A_849 : memref<8x128xf32, #tpu.memory_space<hbm>>) target_semaphore(%arg18 : memref<!tpu.dma_semaphore, #tpu.memory_space<semaphore_mem>>)
      %dma_start3A_853 = arith.constant 7 : i32
      %dma_start3A_854 = arith.constant 56 : i32
      %dma_start3A_855 = arith.constant 0 : i32
      %dma_start3A_856 = tpu.memref_slice %arg10[%dma_start3A_854, %dma_start3A_855] : memref<64x129xf32, #tpu.memory_space<vmem>> -> memref<8x128xf32, #tpu.memory_space<vmem>>
      %dma_start3A_857 = arith.constant 0 : i32
      %dma_start3A_858 = arith.constant 0 : i32
      %dma_start3A_859 = tpu.memref_slice %arg4[%select_n3A_731, %dma_start3A_853, %select_n3A_747, %dma_start3A_857, %dma_start3A_858] : memref<50x8x128x8x128xf32, #tpu.memory_space<hbm>> -> memref<1x1x1x8x128xf32, #tpu.memory_space<hbm>>
      %dma_start3A_860 = tpu.memref_squeeze %dma_start3A_859 : memref<1x1x1x8x128xf32, #tpu.memory_space<hbm>> -> memref<8x128xf32, #tpu.memory_space<hbm>>
      %dma_start3A_861 = arith.constant 0 : i32
      %dma_start3A_862 = arith.constant 0 : i32
      %dma_start3A_863 = tpu.memref_slice %arg4[%select_n3A_731, %dma_start3A_853, %select_n3A_747, %dma_start3A_861, %dma_start3A_862] : memref<50x8x128x8x128xf32, #tpu.memory_space<hbm>> -> memref<1x1x1x8x128xf32, #tpu.memory_space<hbm>>
      %dma_start3A_864 = tpu.memref_squeeze %dma_start3A_863 : memref<1x1x1x8x128xf32, #tpu.memory_space<hbm>> -> memref<8x128xf32, #tpu.memory_space<hbm>>
      %dma_start3A_865 = arith.constant 56 : i32
      %dma_start3A_866 = arith.constant 0 : i32
      %dma_start3A_867 = tpu.memref_slice %arg10[%dma_start3A_865, %dma_start3A_866] : memref<64x129xf32, #tpu.memory_space<vmem>> -> memref<8x128xf32, #tpu.memory_space<vmem>>
      tpu.enqueue_dma source(%dma_start3A_867 : memref<8x128xf32, #tpu.memory_space<vmem>>) target(%dma_start3A_864 : memref<8x128xf32, #tpu.memory_space<hbm>>) target_semaphore(%arg18 : memref<!tpu.dma_semaphore, #tpu.memory_space<semaphore_mem>>)
      %mul3A_868 = arith.constant 4 : i32
      %mul3A_869 = arith.muli %add3A_687, %mul3A_868 : i32
      %add3A_870 = arith.constant 1 : i32
      %add3A_871 = arith.addi %mul3A_869, %add3A_870 : i32
      %dma_wait3A_872 = arith.constant 0 : i32
      %dma_wait3A_873 = tpu.memref_slice %arg5[%add3A_871, %dma_wait3A_872] : memref<200x128xi32, #tpu.memory_space<vmem>> -> memref<1x128xi32, #tpu.memory_space<vmem>>
      %dma_wait3A_874 = tpu.memref_squeeze %dma_wait3A_873 : memref<1x128xi32, #tpu.memory_space<vmem>> -> memref<128xi32, #tpu.memory_space<vmem>>
      %dma_wait3A_875 = arith.constant 0 : i32
      %dma_wait3A_876 = arith.constant 0 : i32
      %dma_wait3A_877 = tpu.memref_slice %arg2[%dma_wait3A_875, %dma_wait3A_876] : memref<1000000x64xf32, #tpu.memory_space<hbm>> -> memref<1000000x64xf32, #tpu.memory_space<hbm>>
      tpu.wait_indirect_dma semaphore(%arg15 : memref<!tpu.dma_semaphore, #tpu.memory_space<semaphore_mem>>) src(%dma_wait3A_877 : memref<1000000x64xf32, #tpu.memory_space<hbm>>) dst(%arg7 : memref<128x64xf32, #tpu.memory_space<vmem>>)
      %gt3A_878 = arith.constant 0 : i32
      %gt3A_879 = arith.cmpi sgt, %add3A_687, %gt3A_878 : i32
      %convert_element_type3A_880 = arith.extui %gt3A_879 : i1 to i32
      %cond3A_881 = arith.constant 0 : i32
      %cond3A_882 = arith.cmpi ne, %convert_element_type3A_880, %cond3A_881 : i32
      scf.if %cond3A_882 {
        %sub3A_1420 = arith.constant 4 : i32
        %sub3A_1421 = arith.subi %add3A_871, %sub3A_1420 : i32
        %add3A_1422 = arith.addi %mul3A_2, %sub3A_1421 : i32
        %jit3A_1423 = arith.constant 128 : i32
        %div3A_1424 = arith.divsi %add3A_1422, %jit3A_1423 : i32
        %sign3A_1425 = arith.constant 0 : i32
        %sign3A_1426 = arith.cmpi sgt, %add3A_1422, %sign3A_1425 : i32
        %sign3A_1427 = arith.extui %sign3A_1426 : i1 to i32
        %sign3A_1428 = arith.constant 0 : i32
        %sign3A_1429 = arith.cmpi slt, %add3A_1422, %sign3A_1428 : i32
        %sign3A_1430 = arith.extui %sign3A_1429 : i1 to i32
        %sign3A_1431 = arith.subi %sign3A_1427, %sign3A_1430 : i32
        %sign3A_1432 = arith.constant 0 : i32
        %sign3A_1433 = arith.cmpi sgt, %jit3A_1423, %sign3A_1432 : i32
        %sign3A_1434 = arith.extui %sign3A_1433 : i1 to i32
        %sign3A_1435 = arith.constant 0 : i32
        %sign3A_1436 = arith.cmpi slt, %jit3A_1423, %sign3A_1435 : i32
        %sign3A_1437 = arith.extui %sign3A_1436 : i1 to i32
        %sign3A_1438 = arith.subi %sign3A_1434, %sign3A_1437 : i32
        %ne3A_1439 = arith.cmpi ne, %sign3A_1431, %sign3A_1438 : i32
        %rem3A_1440 = arith.remsi %add3A_1422, %jit3A_1423 : i32
        %ne3A_1441 = arith.constant 0 : i32
        %ne3A_1442 = arith.cmpi ne, %rem3A_1440, %ne3A_1441 : i32
        %and3A_1443 = arith.andi %ne3A_1439, %ne3A_1442 : i1
        %sub3A_1444 = arith.constant 1 : i32
        %sub3A_1445 = arith.subi %div3A_1424, %sub3A_1444 : i32
        %select_n3A_1446 = arith.select %and3A_1443, %sub3A_1445, %div3A_1424 : i32
        %jit3A_1447 = arith.constant 128 : i32
        %eq3A_1448 = arith.constant 0 : i32
        %eq3A_1449 = arith.cmpi eq, %jit3A_1447, %eq3A_1448 : i32
        %jit3A_1450 = arith.constant 1 : i32
        %select_n3A_1451 = arith.select %eq3A_1449, %jit3A_1450, %jit3A_1447 : i32
        %rem3A_1452 = arith.remsi %add3A_1422, %select_n3A_1451 : i32
        %ne3A_1453 = arith.constant 0 : i32
        %ne3A_1454 = arith.cmpi ne, %rem3A_1452, %ne3A_1453 : i32
        %lt3A_1455 = arith.constant 0 : i32
        %lt3A_1456 = arith.cmpi slt, %rem3A_1452, %lt3A_1455 : i32
        %lt3A_1457 = arith.constant 0 : i32
        %lt3A_1458 = arith.cmpi slt, %select_n3A_1451, %lt3A_1457 : i32
        %ne3A_1459 = arith.xori %lt3A_1456, %lt3A_1458 : i1
        %and3A_1460 = arith.andi %ne3A_1459, %ne3A_1454 : i1
        %add3A_1461 = arith.addi %rem3A_1452, %select_n3A_1451 : i32
        %select_n3A_1462 = arith.select %and3A_1460, %add3A_1461, %rem3A_1452 : i32
        %dma_wait3A_1463 = arith.constant 0 : i32
        %dma_wait3A_1464 = arith.constant 0 : i32
        %dma_wait3A_1465 = arith.constant 0 : i32
        %dma_wait3A_1466 = tpu.memref_slice %arg11[%dma_wait3A_1464, %dma_wait3A_1465] : memref<64x129xf32, #tpu.memory_space<vmem>> -> memref<8x128xf32, #tpu.memory_space<vmem>>
        %dma_wait3A_1467 = arith.constant 0 : i32
        %dma_wait3A_1468 = arith.constant 0 : i32
        %dma_wait3A_1469 = tpu.memref_slice %arg4[%select_n3A_1446, %dma_wait3A_1463, %select_n3A_1462, %dma_wait3A_1467, %dma_wait3A_1468] : memref<50x8x128x8x128xf32, #tpu.memory_space<hbm>> -> memref<1x1x1x8x128xf32, #tpu.memory_space<hbm>>
        %dma_wait3A_1470 = tpu.memref_squeeze %dma_wait3A_1469 : memref<1x1x1x8x128xf32, #tpu.memory_space<hbm>> -> memref<8x128xf32, #tpu.memory_space<hbm>>
        %dma_wait3A_1471 = arith.constant 0 : i32
        %dma_wait3A_1472 = arith.constant 0 : i32
        %dma_wait3A_1473 = tpu.memref_slice %arg4[%select_n3A_1446, %dma_wait3A_1463, %select_n3A_1462, %dma_wait3A_1471, %dma_wait3A_1472] : memref<50x8x128x8x128xf32, #tpu.memory_space<hbm>> -> memref<1x1x1x8x128xf32, #tpu.memory_space<hbm>>
        %dma_wait3A_1474 = tpu.memref_squeeze %dma_wait3A_1473 : memref<1x1x1x8x128xf32, #tpu.memory_space<hbm>> -> memref<8x128xf32, #tpu.memory_space<hbm>>
        %dma_wait3A_1475 = arith.constant 0 : i32
        %dma_wait3A_1476 = arith.constant 0 : i32
        %dma_wait3A_1477 = tpu.memref_slice %arg11[%dma_wait3A_1475, %dma_wait3A_1476] : memref<64x129xf32, #tpu.memory_space<vmem>> -> memref<8x128xf32, #tpu.memory_space<vmem>>
        tpu.wait_dma2 semaphore(%arg19 : memref<!tpu.dma_semaphore, #tpu.memory_space<semaphore_mem>>) src(%dma_wait3A_1477 : memref<8x128xf32, #tpu.memory_space<vmem>>) dst(%dma_wait3A_1474 : memref<8x128xf32, #tpu.memory_space<hbm>>)
        %dma_wait3A_1478 = arith.constant 1 : i32
        %dma_wait3A_1479 = arith.constant 8 : i32
        %dma_wait3A_1480 = arith.constant 0 : i32
        %dma_wait3A_1481 = tpu.memref_slice %arg11[%dma_wait3A_1479, %dma_wait3A_1480] : memref<64x129xf32, #tpu.memory_space<vmem>> -> memref<8x128xf32, #tpu.memory_space<vmem>>
        %dma_wait3A_1482 = arith.constant 0 : i32
        %dma_wait3A_1483 = arith.constant 0 : i32
        %dma_wait3A_1484 = tpu.memref_slice %arg4[%select_n3A_1446, %dma_wait3A_1478, %select_n3A_1462, %dma_wait3A_1482, %dma_wait3A_1483] : memref<50x8x128x8x128xf32, #tpu.memory_space<hbm>> -> memref<1x1x1x8x128xf32, #tpu.memory_space<hbm>>
        %dma_wait3A_1485 = tpu.memref_squeeze %dma_wait3A_1484 : memref<1x1x1x8x128xf32, #tpu.memory_space<hbm>> -> memref<8x128xf32, #tpu.memory_space<hbm>>
        %dma_wait3A_1486 = arith.constant 0 : i32
        %dma_wait3A_1487 = arith.constant 0 : i32
        %dma_wait3A_1488 = tpu.memref_slice %arg4[%select_n3A_1446, %dma_wait3A_1478, %select_n3A_1462, %dma_wait3A_1486, %dma_wait3A_1487] : memref<50x8x128x8x128xf32, #tpu.memory_space<hbm>> -> memref<1x1x1x8x128xf32, #tpu.memory_space<hbm>>
        %dma_wait3A_1489 = tpu.memref_squeeze %dma_wait3A_1488 : memref<1x1x1x8x128xf32, #tpu.memory_space<hbm>> -> memref<8x128xf32, #tpu.memory_space<hbm>>
        %dma_wait3A_1490 = arith.constant 8 : i32
        %dma_wait3A_1491 = arith.constant 0 : i32
        %dma_wait3A_1492 = tpu.memref_slice %arg11[%dma_wait3A_1490, %dma_wait3A_1491] : memref<64x129xf32, #tpu.memory_space<vmem>> -> memref<8x128xf32, #tpu.memory_space<vmem>>
        tpu.wait_dma2 semaphore(%arg19 : memref<!tpu.dma_semaphore, #tpu.memory_space<semaphore_mem>>) src(%dma_wait3A_1492 : memref<8x128xf32, #tpu.memory_space<vmem>>) dst(%dma_wait3A_1489 : memref<8x128xf32, #tpu.memory_space<hbm>>)
        %dma_wait3A_1493 = arith.constant 2 : i32
        %dma_wait3A_1494 = arith.constant 16 : i32
        %dma_wait3A_1495 = arith.constant 0 : i32
        %dma_wait3A_1496 = tpu.memref_slice %arg11[%dma_wait3A_1494, %dma_wait3A_1495] : memref<64x129xf32, #tpu.memory_space<vmem>> -> memref<8x128xf32, #tpu.memory_space<vmem>>
        %dma_wait3A_1497 = arith.constant 0 : i32
        %dma_wait3A_1498 = arith.constant 0 : i32
        %dma_wait3A_1499 = tpu.memref_slice %arg4[%select_n3A_1446, %dma_wait3A_1493, %select_n3A_1462, %dma_wait3A_1497, %dma_wait3A_1498] : memref<50x8x128x8x128xf32, #tpu.memory_space<hbm>> -> memref<1x1x1x8x128xf32, #tpu.memory_space<hbm>>
        %dma_wait3A_1500 = tpu.memref_squeeze %dma_wait3A_1499 : memref<1x1x1x8x128xf32, #tpu.memory_space<hbm>> -> memref<8x128xf32, #tpu.memory_space<hbm>>
        %dma_wait3A_1501 = arith.constant 0 : i32
        %dma_wait3A_1502 = arith.constant 0 : i32
        %dma_wait3A_1503 = tpu.memref_slice %arg4[%select_n3A_1446, %dma_wait3A_1493, %select_n3A_1462, %dma_wait3A_1501, %dma_wait3A_1502] : memref<50x8x128x8x128xf32, #tpu.memory_space<hbm>> -> memref<1x1x1x8x128xf32, #tpu.memory_space<hbm>>
        %dma_wait3A_1504 = tpu.memref_squeeze %dma_wait3A_1503 : memref<1x1x1x8x128xf32, #tpu.memory_space<hbm>> -> memref<8x128xf32, #tpu.memory_space<hbm>>
        %dma_wait3A_1505 = arith.constant 16 : i32
        %dma_wait3A_1506 = arith.constant 0 : i32
        %dma_wait3A_1507 = tpu.memref_slice %arg11[%dma_wait3A_1505, %dma_wait3A_1506] : memref<64x129xf32, #tpu.memory_space<vmem>> -> memref<8x128xf32, #tpu.memory_space<vmem>>
        tpu.wait_dma2 semaphore(%arg19 : memref<!tpu.dma_semaphore, #tpu.memory_space<semaphore_mem>>) src(%dma_wait3A_1507 : memref<8x128xf32, #tpu.memory_space<vmem>>) dst(%dma_wait3A_1504 : memref<8x128xf32, #tpu.memory_space<hbm>>)
        %dma_wait3A_1508 = arith.constant 3 : i32
        %dma_wait3A_1509 = arith.constant 24 : i32
        %dma_wait3A_1510 = arith.constant 0 : i32
        %dma_wait3A_1511 = tpu.memref_slice %arg11[%dma_wait3A_1509, %dma_wait3A_1510] : memref<64x129xf32, #tpu.memory_space<vmem>> -> memref<8x128xf32, #tpu.memory_space<vmem>>
        %dma_wait3A_1512 = arith.constant 0 : i32
        %dma_wait3A_1513 = arith.constant 0 : i32
        %dma_wait3A_1514 = tpu.memref_slice %arg4[%select_n3A_1446, %dma_wait3A_1508, %select_n3A_1462, %dma_wait3A_1512, %dma_wait3A_1513] : memref<50x8x128x8x128xf32, #tpu.memory_space<hbm>> -> memref<1x1x1x8x128xf32, #tpu.memory_space<hbm>>
        %dma_wait3A_1515 = tpu.memref_squeeze %dma_wait3A_1514 : memref<1x1x1x8x128xf32, #tpu.memory_space<hbm>> -> memref<8x128xf32, #tpu.memory_space<hbm>>
        %dma_wait3A_1516 = arith.constant 0 : i32
        %dma_wait3A_1517 = arith.constant 0 : i32
        %dma_wait3A_1518 = tpu.memref_slice %arg4[%select_n3A_1446, %dma_wait3A_1508, %select_n3A_1462, %dma_wait3A_1516, %dma_wait3A_1517] : memref<50x8x128x8x128xf32, #tpu.memory_space<hbm>> -> memref<1x1x1x8x128xf32, #tpu.memory_space<hbm>>
        %dma_wait3A_1519 = tpu.memref_squeeze %dma_wait3A_1518 : memref<1x1x1x8x128xf32, #tpu.memory_space<hbm>> -> memref<8x128xf32, #tpu.memory_space<hbm>>
        %dma_wait3A_1520 = arith.constant 24 : i32
        %dma_wait3A_1521 = arith.constant 0 : i32
        %dma_wait3A_1522 = tpu.memref_slice %arg11[%dma_wait3A_1520, %dma_wait3A_1521] : memref<64x129xf32, #tpu.memory_space<vmem>> -> memref<8x128xf32, #tpu.memory_space<vmem>>
        tpu.wait_dma2 semaphore(%arg19 : memref<!tpu.dma_semaphore, #tpu.memory_space<semaphore_mem>>) src(%dma_wait3A_1522 : memref<8x128xf32, #tpu.memory_space<vmem>>) dst(%dma_wait3A_1519 : memref<8x128xf32, #tpu.memory_space<hbm>>)
        %dma_wait3A_1523 = arith.constant 4 : i32
        %dma_wait3A_1524 = arith.constant 32 : i32
        %dma_wait3A_1525 = arith.constant 0 : i32
        %dma_wait3A_1526 = tpu.memref_slice %arg11[%dma_wait3A_1524, %dma_wait3A_1525] : memref<64x129xf32, #tpu.memory_space<vmem>> -> memref<8x128xf32, #tpu.memory_space<vmem>>
        %dma_wait3A_1527 = arith.constant 0 : i32
        %dma_wait3A_1528 = arith.constant 0 : i32
        %dma_wait3A_1529 = tpu.memref_slice %arg4[%select_n3A_1446, %dma_wait3A_1523, %select_n3A_1462, %dma_wait3A_1527, %dma_wait3A_1528] : memref<50x8x128x8x128xf32, #tpu.memory_space<hbm>> -> memref<1x1x1x8x128xf32, #tpu.memory_space<hbm>>
        %dma_wait3A_1530 = tpu.memref_squeeze %dma_wait3A_1529 : memref<1x1x1x8x128xf32, #tpu.memory_space<hbm>> -> memref<8x128xf32, #tpu.memory_space<hbm>>
        %dma_wait3A_1531 = arith.constant 0 : i32
        %dma_wait3A_1532 = arith.constant 0 : i32
        %dma_wait3A_1533 = tpu.memref_slice %arg4[%select_n3A_1446, %dma_wait3A_1523, %select_n3A_1462, %dma_wait3A_1531, %dma_wait3A_1532] : memref<50x8x128x8x128xf32, #tpu.memory_space<hbm>> -> memref<1x1x1x8x128xf32, #tpu.memory_space<hbm>>
        %dma_wait3A_1534 = tpu.memref_squeeze %dma_wait3A_1533 : memref<1x1x1x8x128xf32, #tpu.memory_space<hbm>> -> memref<8x128xf32, #tpu.memory_space<hbm>>
        %dma_wait3A_1535 = arith.constant 32 : i32
        %dma_wait3A_1536 = arith.constant 0 : i32
        %dma_wait3A_1537 = tpu.memref_slice %arg11[%dma_wait3A_1535, %dma_wait3A_1536] : memref<64x129xf32, #tpu.memory_space<vmem>> -> memref<8x128xf32, #tpu.memory_space<vmem>>
        tpu.wait_dma2 semaphore(%arg19 : memref<!tpu.dma_semaphore, #tpu.memory_space<semaphore_mem>>) src(%dma_wait3A_1537 : memref<8x128xf32, #tpu.memory_space<vmem>>) dst(%dma_wait3A_1534 : memref<8x128xf32, #tpu.memory_space<hbm>>)
        %dma_wait3A_1538 = arith.constant 5 : i32
        %dma_wait3A_1539 = arith.constant 40 : i32
        %dma_wait3A_1540 = arith.constant 0 : i32
        %dma_wait3A_1541 = tpu.memref_slice %arg11[%dma_wait3A_1539, %dma_wait3A_1540] : memref<64x129xf32, #tpu.memory_space<vmem>> -> memref<8x128xf32, #tpu.memory_space<vmem>>
        %dma_wait3A_1542 = arith.constant 0 : i32
        %dma_wait3A_1543 = arith.constant 0 : i32
        %dma_wait3A_1544 = tpu.memref_slice %arg4[%select_n3A_1446, %dma_wait3A_1538, %select_n3A_1462, %dma_wait3A_1542, %dma_wait3A_1543] : memref<50x8x128x8x128xf32, #tpu.memory_space<hbm>> -> memref<1x1x1x8x128xf32, #tpu.memory_space<hbm>>
        %dma_wait3A_1545 = tpu.memref_squeeze %dma_wait3A_1544 : memref<1x1x1x8x128xf32, #tpu.memory_space<hbm>> -> memref<8x128xf32, #tpu.memory_space<hbm>>
        %dma_wait3A_1546 = arith.constant 0 : i32
        %dma_wait3A_1547 = arith.constant 0 : i32
        %dma_wait3A_1548 = tpu.memref_slice %arg4[%select_n3A_1446, %dma_wait3A_1538, %select_n3A_1462, %dma_wait3A_1546, %dma_wait3A_1547] : memref<50x8x128x8x128xf32, #tpu.memory_space<hbm>> -> memref<1x1x1x8x128xf32, #tpu.memory_space<hbm>>
        %dma_wait3A_1549 = tpu.memref_squeeze %dma_wait3A_1548 : memref<1x1x1x8x128xf32, #tpu.memory_space<hbm>> -> memref<8x128xf32, #tpu.memory_space<hbm>>
        %dma_wait3A_1550 = arith.constant 40 : i32
        %dma_wait3A_1551 = arith.constant 0 : i32
        %dma_wait3A_1552 = tpu.memref_slice %arg11[%dma_wait3A_1550, %dma_wait3A_1551] : memref<64x129xf32, #tpu.memory_space<vmem>> -> memref<8x128xf32, #tpu.memory_space<vmem>>
        tpu.wait_dma2 semaphore(%arg19 : memref<!tpu.dma_semaphore, #tpu.memory_space<semaphore_mem>>) src(%dma_wait3A_1552 : memref<8x128xf32, #tpu.memory_space<vmem>>) dst(%dma_wait3A_1549 : memref<8x128xf32, #tpu.memory_space<hbm>>)
        %dma_wait3A_1553 = arith.constant 6 : i32
        %dma_wait3A_1554 = arith.constant 48 : i32
        %dma_wait3A_1555 = arith.constant 0 : i32
        %dma_wait3A_1556 = tpu.memref_slice %arg11[%dma_wait3A_1554, %dma_wait3A_1555] : memref<64x129xf32, #tpu.memory_space<vmem>> -> memref<8x128xf32, #tpu.memory_space<vmem>>
        %dma_wait3A_1557 = arith.constant 0 : i32
        %dma_wait3A_1558 = arith.constant 0 : i32
        %dma_wait3A_1559 = tpu.memref_slice %arg4[%select_n3A_1446, %dma_wait3A_1553, %select_n3A_1462, %dma_wait3A_1557, %dma_wait3A_1558] : memref<50x8x128x8x128xf32, #tpu.memory_space<hbm>> -> memref<1x1x1x8x128xf32, #tpu.memory_space<hbm>>
        %dma_wait3A_1560 = tpu.memref_squeeze %dma_wait3A_1559 : memref<1x1x1x8x128xf32, #tpu.memory_space<hbm>> -> memref<8x128xf32, #tpu.memory_space<hbm>>
        %dma_wait3A_1561 = arith.constant 0 : i32
        %dma_wait3A_1562 = arith.constant 0 : i32
        %dma_wait3A_1563 = tpu.memref_slice %arg4[%select_n3A_1446, %dma_wait3A_1553, %select_n3A_1462, %dma_wait3A_1561, %dma_wait3A_1562] : memref<50x8x128x8x128xf32, #tpu.memory_space<hbm>> -> memref<1x1x1x8x128xf32, #tpu.memory_space<hbm>>
        %dma_wait3A_1564 = tpu.memref_squeeze %dma_wait3A_1563 : memref<1x1x1x8x128xf32, #tpu.memory_space<hbm>> -> memref<8x128xf32, #tpu.memory_space<hbm>>
        %dma_wait3A_1565 = arith.constant 48 : i32
        %dma_wait3A_1566 = arith.constant 0 : i32
        %dma_wait3A_1567 = tpu.memref_slice %arg11[%dma_wait3A_1565, %dma_wait3A_1566] : memref<64x129xf32, #tpu.memory_space<vmem>> -> memref<8x128xf32, #tpu.memory_space<vmem>>
        tpu.wait_dma2 semaphore(%arg19 : memref<!tpu.dma_semaphore, #tpu.memory_space<semaphore_mem>>) src(%dma_wait3A_1567 : memref<8x128xf32, #tpu.memory_space<vmem>>) dst(%dma_wait3A_1564 : memref<8x128xf32, #tpu.memory_space<hbm>>)
        %dma_wait3A_1568 = arith.constant 7 : i32
        %dma_wait3A_1569 = arith.constant 56 : i32
        %dma_wait3A_1570 = arith.constant 0 : i32
        %dma_wait3A_1571 = tpu.memref_slice %arg11[%dma_wait3A_1569, %dma_wait3A_1570] : memref<64x129xf32, #tpu.memory_space<vmem>> -> memref<8x128xf32, #tpu.memory_space<vmem>>
        %dma_wait3A_1572 = arith.constant 0 : i32
        %dma_wait3A_1573 = arith.constant 0 : i32
        %dma_wait3A_1574 = tpu.memref_slice %arg4[%select_n3A_1446, %dma_wait3A_1568, %select_n3A_1462, %dma_wait3A_1572, %dma_wait3A_1573] : memref<50x8x128x8x128xf32, #tpu.memory_space<hbm>> -> memref<1x1x1x8x128xf32, #tpu.memory_space<hbm>>
        %dma_wait3A_1575 = tpu.memref_squeeze %dma_wait3A_1574 : memref<1x1x1x8x128xf32, #tpu.memory_space<hbm>> -> memref<8x128xf32, #tpu.memory_space<hbm>>
        %dma_wait3A_1576 = arith.constant 0 : i32
        %dma_wait3A_1577 = arith.constant 0 : i32
        %dma_wait3A_1578 = tpu.memref_slice %arg4[%select_n3A_1446, %dma_wait3A_1568, %select_n3A_1462, %dma_wait3A_1576, %dma_wait3A_1577] : memref<50x8x128x8x128xf32, #tpu.memory_space<hbm>> -> memref<1x1x1x8x128xf32, #tpu.memory_space<hbm>>
        %dma_wait3A_1579 = tpu.memref_squeeze %dma_wait3A_1578 : memref<1x1x1x8x128xf32, #tpu.memory_space<hbm>> -> memref<8x128xf32, #tpu.memory_space<hbm>>
        %dma_wait3A_1580 = arith.constant 56 : i32
        %dma_wait3A_1581 = arith.constant 0 : i32
        %dma_wait3A_1582 = tpu.memref_slice %arg11[%dma_wait3A_1580, %dma_wait3A_1581] : memref<64x129xf32, #tpu.memory_space<vmem>> -> memref<8x128xf32, #tpu.memory_space<vmem>>
        tpu.wait_dma2 semaphore(%arg19 : memref<!tpu.dma_semaphore, #tpu.memory_space<semaphore_mem>>) src(%dma_wait3A_1582 : memref<8x128xf32, #tpu.memory_space<vmem>>) dst(%dma_wait3A_1579 : memref<8x128xf32, #tpu.memory_space<hbm>>)
      } else {
      }
      %parallel_loop3A_883 = arith.constant 0 : i32
      %parallel_loop3A_884 = arith.constant 128 : i32
      %parallel_loop3A_885 = arith.constant 1 : i32
      scf.for %parallel_loop3A_1420 = %parallel_loop3A_883 to %parallel_loop3A_884 step %parallel_loop3A_885  : i32 {
        %parallel_loop3A_1421 = vector.broadcast %parallel_loop3A_1420 : i32 to vector<16xi32>
        %parallel_loop3A_1422 = arith.index_cast %parallel_loop3A_1420 : i32 to index
        %parallel_loop3A_1423 = arith.constant 0 : index
        %parallel_loop3A_1424 = tpu.vector_load %arg7[%parallel_loop3A_1422, %parallel_loop3A_1423] {strides = array<i32>} : memref<128x64xf32, #tpu.memory_space<vmem>>, vector<16xf32>,
        tpu.vector_store_idx %arg11[%add3A_5, %parallel_loop3A_1421], %parallel_loop3A_1424 : memref<64x129xf32, #tpu.memory_space<vmem>>[vector<16xi32>, vector<16xi32>], vector<16xf32>,
        %parallel_loop3A_1425 = arith.index_cast %parallel_loop3A_1420 : i32 to index
        %parallel_loop3A_1426 = arith.constant 16 : index
        %parallel_loop3A_1427 = tpu.vector_load %arg7[%parallel_loop3A_1425, %parallel_loop3A_1426] {strides = array<i32>} : memref<128x64xf32, #tpu.memory_space<vmem>>, vector<16xf32>,
        tpu.vector_store_idx %arg11[%add3A_8, %parallel_loop3A_1421], %parallel_loop3A_1427 : memref<64x129xf32, #tpu.memory_space<vmem>>[vector<16xi32>, vector<16xi32>], vector<16xf32>,
        %parallel_loop3A_1428 = arith.index_cast %parallel_loop3A_1420 : i32 to index
        %parallel_loop3A_1429 = arith.constant 32 : index
        %parallel_loop3A_1430 = tpu.vector_load %arg7[%parallel_loop3A_1428, %parallel_loop3A_1429] {strides = array<i32>} : memref<128x64xf32, #tpu.memory_space<vmem>>, vector<16xf32>,
        tpu.vector_store_idx %arg11[%add3A_11, %parallel_loop3A_1421], %parallel_loop3A_1430 : memref<64x129xf32, #tpu.memory_space<vmem>>[vector<16xi32>, vector<16xi32>], vector<16xf32>,
        %parallel_loop3A_1431 = arith.index_cast %parallel_loop3A_1420 : i32 to index
        %parallel_loop3A_1432 = arith.constant 48 : index
        %parallel_loop3A_1433 = tpu.vector_load %arg7[%parallel_loop3A_1431, %parallel_loop3A_1432] {strides = array<i32>} : memref<128x64xf32, #tpu.memory_space<vmem>>, vector<16xf32>,
        tpu.vector_store_idx %arg11[%add3A_14, %parallel_loop3A_1421], %parallel_loop3A_1433 : memref<64x129xf32, #tpu.memory_space<vmem>>[vector<16xi32>, vector<16xi32>], vector<16xf32>,
      } {sc.loop_unroll_factor = 8 : i64, sc.parallel_access}
      %lt3A_886 = arith.constant 49 : i32
      %lt3A_887 = arith.cmpi slt, %add3A_687, %lt3A_886 : i32
      %convert_element_type3A_888 = arith.extui %lt3A_887 : i1 to i32
      %cond3A_889 = arith.constant 0 : i32
      %cond3A_890 = arith.cmpi ne, %convert_element_type3A_888, %cond3A_889 : i32
      scf.if %cond3A_890 {
        %add3A_1420 = arith.constant 4 : i32
        %add3A_1421 = arith.addi %add3A_871, %add3A_1420 : i32
        %dma_start3A_1422 = arith.constant 0 : i32
        %dma_start3A_1423 = tpu.memref_slice %arg5[%add3A_1421, %dma_start3A_1422] : memref<200x128xi32, #tpu.memory_space<vmem>> -> memref<1x128xi32, #tpu.memory_space<vmem>>
        %dma_start3A_1424 = tpu.memref_squeeze %dma_start3A_1423 : memref<1x128xi32, #tpu.memory_space<vmem>> -> memref<128xi32, #tpu.memory_space<vmem>>
        %dma_start3A_1425 = arith.constant 0 : i32
        %dma_start3A_1426 = arith.constant 0 : i32
        %dma_start3A_1427 = tpu.memref_slice %arg2[%dma_start3A_1425, %dma_start3A_1426] : memref<1000000x64xf32, #tpu.memory_space<hbm>> -> memref<1000000x64xf32, #tpu.memory_space<hbm>>
        tpu.enqueue_indirect_dma source(%dma_start3A_1427 : memref<1000000x64xf32, #tpu.memory_space<hbm>>) target(%arg7 : memref<128x64xf32, #tpu.memory_space<vmem>>) offsets(%dma_start3A_1424 : memref<128xi32, #tpu.memory_space<vmem>>) semaphore(%arg15 : memref<!tpu.dma_semaphore, #tpu.memory_space<semaphore_mem>>)
      } else {
      }
      %add3A_891 = arith.addi %mul3A_2, %add3A_871 : i32
      %jit3A_892 = arith.constant 128 : i32
      %div3A_893 = arith.divsi %add3A_891, %jit3A_892 : i32
      %sign3A_894 = arith.constant 0 : i32
      %sign3A_895 = arith.cmpi sgt, %add3A_891, %sign3A_894 : i32
      %sign3A_896 = arith.extui %sign3A_895 : i1 to i32
      %sign3A_897 = arith.constant 0 : i32
      %sign3A_898 = arith.cmpi slt, %add3A_891, %sign3A_897 : i32
      %sign3A_899 = arith.extui %sign3A_898 : i1 to i32
      %sign3A_900 = arith.subi %sign3A_896, %sign3A_899 : i32
      %sign3A_901 = arith.constant 0 : i32
      %sign3A_902 = arith.cmpi sgt, %jit3A_892, %sign3A_901 : i32
      %sign3A_903 = arith.extui %sign3A_902 : i1 to i32
      %sign3A_904 = arith.constant 0 : i32
      %sign3A_905 = arith.cmpi slt, %jit3A_892, %sign3A_904 : i32
      %sign3A_906 = arith.extui %sign3A_905 : i1 to i32
      %sign3A_907 = arith.subi %sign3A_903, %sign3A_906 : i32
      %ne3A_908 = arith.cmpi ne, %sign3A_900, %sign3A_907 : i32
      %rem3A_909 = arith.remsi %add3A_891, %jit3A_892 : i32
      %ne3A_910 = arith.constant 0 : i32
      %ne3A_911 = arith.cmpi ne, %rem3A_909, %ne3A_910 : i32
      %and3A_912 = arith.andi %ne3A_908, %ne3A_911 : i1
      %sub3A_913 = arith.constant 1 : i32
      %sub3A_914 = arith.subi %div3A_893, %sub3A_913 : i32
      %select_n3A_915 = arith.select %and3A_912, %sub3A_914, %div3A_893 : i32
      %jit3A_916 = arith.constant 128 : i32
      %eq3A_917 = arith.constant 0 : i32
      %eq3A_918 = arith.cmpi eq, %jit3A_916, %eq3A_917 : i32
      %jit3A_919 = arith.constant 1 : i32
      %select_n3A_920 = arith.select %eq3A_918, %jit3A_919, %jit3A_916 : i32
      %rem3A_921 = arith.remsi %add3A_891, %select_n3A_920 : i32
      %ne3A_922 = arith.constant 0 : i32
      %ne3A_923 = arith.cmpi ne, %rem3A_921, %ne3A_922 : i32
      %lt3A_924 = arith.constant 0 : i32
      %lt3A_925 = arith.cmpi slt, %rem3A_921, %lt3A_924 : i32
      %lt3A_926 = arith.constant 0 : i32
      %lt3A_927 = arith.cmpi slt, %select_n3A_920, %lt3A_926 : i32
      %ne3A_928 = arith.xori %lt3A_925, %lt3A_927 : i1
      %and3A_929 = arith.andi %ne3A_928, %ne3A_923 : i1
      %add3A_930 = arith.addi %rem3A_921, %select_n3A_920 : i32
      %select_n3A_931 = arith.select %and3A_929, %add3A_930, %rem3A_921 : i32
      %dma_start3A_932 = arith.constant 0 : i32
      %dma_start3A_933 = arith.constant 0 : i32
      %dma_start3A_934 = arith.constant 0 : i32
      %dma_start3A_935 = tpu.memref_slice %arg11[%dma_start3A_933, %dma_start3A_934] : memref<64x129xf32, #tpu.memory_space<vmem>> -> memref<8x128xf32, #tpu.memory_space<vmem>>
      %dma_start3A_936 = arith.constant 0 : i32
      %dma_start3A_937 = arith.constant 0 : i32
      %dma_start3A_938 = tpu.memref_slice %arg4[%select_n3A_915, %dma_start3A_932, %select_n3A_931, %dma_start3A_936, %dma_start3A_937] : memref<50x8x128x8x128xf32, #tpu.memory_space<hbm>> -> memref<1x1x1x8x128xf32, #tpu.memory_space<hbm>>
      %dma_start3A_939 = tpu.memref_squeeze %dma_start3A_938 : memref<1x1x1x8x128xf32, #tpu.memory_space<hbm>> -> memref<8x128xf32, #tpu.memory_space<hbm>>
      %dma_start3A_940 = arith.constant 0 : i32
      %dma_start3A_941 = arith.constant 0 : i32
      %dma_start3A_942 = tpu.memref_slice %arg4[%select_n3A_915, %dma_start3A_932, %select_n3A_931, %dma_start3A_940, %dma_start3A_941] : memref<50x8x128x8x128xf32, #tpu.memory_space<hbm>> -> memref<1x1x1x8x128xf32, #tpu.memory_space<hbm>>
      %dma_start3A_943 = tpu.memref_squeeze %dma_start3A_942 : memref<1x1x1x8x128xf32, #tpu.memory_space<hbm>> -> memref<8x128xf32, #tpu.memory_space<hbm>>
      %dma_start3A_944 = arith.constant 0 : i32
      %dma_start3A_945 = arith.constant 0 : i32
      %dma_start3A_946 = tpu.memref_slice %arg11[%dma_start3A_944, %dma_start3A_945] : memref<64x129xf32, #tpu.memory_space<vmem>> -> memref<8x128xf32, #tpu.memory_space<vmem>>
      tpu.enqueue_dma source(%dma_start3A_946 : memref<8x128xf32, #tpu.memory_space<vmem>>) target(%dma_start3A_943 : memref<8x128xf32, #tpu.memory_space<hbm>>) target_semaphore(%arg19 : memref<!tpu.dma_semaphore, #tpu.memory_space<semaphore_mem>>)
      %dma_start3A_947 = arith.constant 1 : i32
      %dma_start3A_948 = arith.constant 8 : i32
      %dma_start3A_949 = arith.constant 0 : i32
      %dma_start3A_950 = tpu.memref_slice %arg11[%dma_start3A_948, %dma_start3A_949] : memref<64x129xf32, #tpu.memory_space<vmem>> -> memref<8x128xf32, #tpu.memory_space<vmem>>
      %dma_start3A_951 = arith.constant 0 : i32
      %dma_start3A_952 = arith.constant 0 : i32
      %dma_start3A_953 = tpu.memref_slice %arg4[%select_n3A_915, %dma_start3A_947, %select_n3A_931, %dma_start3A_951, %dma_start3A_952] : memref<50x8x128x8x128xf32, #tpu.memory_space<hbm>> -> memref<1x1x1x8x128xf32, #tpu.memory_space<hbm>>
      %dma_start3A_954 = tpu.memref_squeeze %dma_start3A_953 : memref<1x1x1x8x128xf32, #tpu.memory_space<hbm>> -> memref<8x128xf32, #tpu.memory_space<hbm>>
      %dma_start3A_955 = arith.constant 0 : i32
      %dma_start3A_956 = arith.constant 0 : i32
      %dma_start3A_957 = tpu.memref_slice %arg4[%select_n3A_915, %dma_start3A_947, %select_n3A_931, %dma_start3A_955, %dma_start3A_956] : memref<50x8x128x8x128xf32, #tpu.memory_space<hbm>> -> memref<1x1x1x8x128xf32, #tpu.memory_space<hbm>>
      %dma_start3A_958 = tpu.memref_squeeze %dma_start3A_957 : memref<1x1x1x8x128xf32, #tpu.memory_space<hbm>> -> memref<8x128xf32, #tpu.memory_space<hbm>>
      %dma_start3A_959 = arith.constant 8 : i32
      %dma_start3A_960 = arith.constant 0 : i32
      %dma_start3A_961 = tpu.memref_slice %arg11[%dma_start3A_959, %dma_start3A_960] : memref<64x129xf32, #tpu.memory_space<vmem>> -> memref<8x128xf32, #tpu.memory_space<vmem>>
      tpu.enqueue_dma source(%dma_start3A_961 : memref<8x128xf32, #tpu.memory_space<vmem>>) target(%dma_start3A_958 : memref<8x128xf32, #tpu.memory_space<hbm>>) target_semaphore(%arg19 : memref<!tpu.dma_semaphore, #tpu.memory_space<semaphore_mem>>)
      %dma_start3A_962 = arith.constant 2 : i32
      %dma_start3A_963 = arith.constant 16 : i32
      %dma_start3A_964 = arith.constant 0 : i32
      %dma_start3A_965 = tpu.memref_slice %arg11[%dma_start3A_963, %dma_start3A_964] : memref<64x129xf32, #tpu.memory_space<vmem>> -> memref<8x128xf32, #tpu.memory_space<vmem>>
      %dma_start3A_966 = arith.constant 0 : i32
      %dma_start3A_967 = arith.constant 0 : i32
      %dma_start3A_968 = tpu.memref_slice %arg4[%select_n3A_915, %dma_start3A_962, %select_n3A_931, %dma_start3A_966, %dma_start3A_967] : memref<50x8x128x8x128xf32, #tpu.memory_space<hbm>> -> memref<1x1x1x8x128xf32, #tpu.memory_space<hbm>>
      %dma_start3A_969 = tpu.memref_squeeze %dma_start3A_968 : memref<1x1x1x8x128xf32, #tpu.memory_space<hbm>> -> memref<8x128xf32, #tpu.memory_space<hbm>>
      %dma_start3A_970 = arith.constant 0 : i32
      %dma_start3A_971 = arith.constant 0 : i32
      %dma_start3A_972 = tpu.memref_slice %arg4[%select_n3A_915, %dma_start3A_962, %select_n3A_931, %dma_start3A_970, %dma_start3A_971] : memref<50x8x128x8x128xf32, #tpu.memory_space<hbm>> -> memref<1x1x1x8x128xf32, #tpu.memory_space<hbm>>
      %dma_start3A_973 = tpu.memref_squeeze %dma_start3A_972 : memref<1x1x1x8x128xf32, #tpu.memory_space<hbm>> -> memref<8x128xf32, #tpu.memory_space<hbm>>
      %dma_start3A_974 = arith.constant 16 : i32
      %dma_start3A_975 = arith.constant 0 : i32
      %dma_start3A_976 = tpu.memref_slice %arg11[%dma_start3A_974, %dma_start3A_975] : memref<64x129xf32, #tpu.memory_space<vmem>> -> memref<8x128xf32, #tpu.memory_space<vmem>>
      tpu.enqueue_dma source(%dma_start3A_976 : memref<8x128xf32, #tpu.memory_space<vmem>>) target(%dma_start3A_973 : memref<8x128xf32, #tpu.memory_space<hbm>>) target_semaphore(%arg19 : memref<!tpu.dma_semaphore, #tpu.memory_space<semaphore_mem>>)
      %dma_start3A_977 = arith.constant 3 : i32
      %dma_start3A_978 = arith.constant 24 : i32
      %dma_start3A_979 = arith.constant 0 : i32
      %dma_start3A_980 = tpu.memref_slice %arg11[%dma_start3A_978, %dma_start3A_979] : memref<64x129xf32, #tpu.memory_space<vmem>> -> memref<8x128xf32, #tpu.memory_space<vmem>>
      %dma_start3A_981 = arith.constant 0 : i32
      %dma_start3A_982 = arith.constant 0 : i32
      %dma_start3A_983 = tpu.memref_slice %arg4[%select_n3A_915, %dma_start3A_977, %select_n3A_931, %dma_start3A_981, %dma_start3A_982] : memref<50x8x128x8x128xf32, #tpu.memory_space<hbm>> -> memref<1x1x1x8x128xf32, #tpu.memory_space<hbm>>
      %dma_start3A_984 = tpu.memref_squeeze %dma_start3A_983 : memref<1x1x1x8x128xf32, #tpu.memory_space<hbm>> -> memref<8x128xf32, #tpu.memory_space<hbm>>
      %dma_start3A_985 = arith.constant 0 : i32
      %dma_start3A_986 = arith.constant 0 : i32
      %dma_start3A_987 = tpu.memref_slice %arg4[%select_n3A_915, %dma_start3A_977, %select_n3A_931, %dma_start3A_985, %dma_start3A_986] : memref<50x8x128x8x128xf32, #tpu.memory_space<hbm>> -> memref<1x1x1x8x128xf32, #tpu.memory_space<hbm>>
      %dma_start3A_988 = tpu.memref_squeeze %dma_start3A_987 : memref<1x1x1x8x128xf32, #tpu.memory_space<hbm>> -> memref<8x128xf32, #tpu.memory_space<hbm>>
      %dma_start3A_989 = arith.constant 24 : i32
      %dma_start3A_990 = arith.constant 0 : i32
      %dma_start3A_991 = tpu.memref_slice %arg11[%dma_start3A_989, %dma_start3A_990] : memref<64x129xf32, #tpu.memory_space<vmem>> -> memref<8x128xf32, #tpu.memory_space<vmem>>
      tpu.enqueue_dma source(%dma_start3A_991 : memref<8x128xf32, #tpu.memory_space<vmem>>) target(%dma_start3A_988 : memref<8x128xf32, #tpu.memory_space<hbm>>) target_semaphore(%arg19 : memref<!tpu.dma_semaphore, #tpu.memory_space<semaphore_mem>>)
      %dma_start3A_992 = arith.constant 4 : i32
      %dma_start3A_993 = arith.constant 32 : i32
      %dma_start3A_994 = arith.constant 0 : i32
      %dma_start3A_995 = tpu.memref_slice %arg11[%dma_start3A_993, %dma_start3A_994] : memref<64x129xf32, #tpu.memory_space<vmem>> -> memref<8x128xf32, #tpu.memory_space<vmem>>
      %dma_start3A_996 = arith.constant 0 : i32
      %dma_start3A_997 = arith.constant 0 : i32
      %dma_start3A_998 = tpu.memref_slice %arg4[%select_n3A_915, %dma_start3A_992, %select_n3A_931, %dma_start3A_996, %dma_start3A_997] : memref<50x8x128x8x128xf32, #tpu.memory_space<hbm>> -> memref<1x1x1x8x128xf32, #tpu.memory_space<hbm>>
      %dma_start3A_999 = tpu.memref_squeeze %dma_start3A_998 : memref<1x1x1x8x128xf32, #tpu.memory_space<hbm>> -> memref<8x128xf32, #tpu.memory_space<hbm>>
      %dma_start3A_1000 = arith.constant 0 : i32
      %dma_start3A_1001 = arith.constant 0 : i32
      %dma_start3A_1002 = tpu.memref_slice %arg4[%select_n3A_915, %dma_start3A_992, %select_n3A_931, %dma_start3A_1000, %dma_start3A_1001] : memref<50x8x128x8x128xf32, #tpu.memory_space<hbm>> -> memref<1x1x1x8x128xf32, #tpu.memory_space<hbm>>
      %dma_start3A_1003 = tpu.memref_squeeze %dma_start3A_1002 : memref<1x1x1x8x128xf32, #tpu.memory_space<hbm>> -> memref<8x128xf32, #tpu.memory_space<hbm>>
      %dma_start3A_1004 = arith.constant 32 : i32
      %dma_start3A_1005 = arith.constant 0 : i32
      %dma_start3A_1006 = tpu.memref_slice %arg11[%dma_start3A_1004, %dma_start3A_1005] : memref<64x129xf32, #tpu.memory_space<vmem>> -> memref<8x128xf32, #tpu.memory_space<vmem>>
      tpu.enqueue_dma source(%dma_start3A_1006 : memref<8x128xf32, #tpu.memory_space<vmem>>) target(%dma_start3A_1003 : memref<8x128xf32, #tpu.memory_space<hbm>>) target_semaphore(%arg19 : memref<!tpu.dma_semaphore, #tpu.memory_space<semaphore_mem>>)
      %dma_start3A_1007 = arith.constant 5 : i32
      %dma_start3A_1008 = arith.constant 40 : i32
      %dma_start3A_1009 = arith.constant 0 : i32
      %dma_start3A_1010 = tpu.memref_slice %arg11[%dma_start3A_1008, %dma_start3A_1009] : memref<64x129xf32, #tpu.memory_space<vmem>> -> memref<8x128xf32, #tpu.memory_space<vmem>>
      %dma_start3A_1011 = arith.constant 0 : i32
      %dma_start3A_1012 = arith.constant 0 : i32
      %dma_start3A_1013 = tpu.memref_slice %arg4[%select_n3A_915, %dma_start3A_1007, %select_n3A_931, %dma_start3A_1011, %dma_start3A_1012] : memref<50x8x128x8x128xf32, #tpu.memory_space<hbm>> -> memref<1x1x1x8x128xf32, #tpu.memory_space<hbm>>
      %dma_start3A_1014 = tpu.memref_squeeze %dma_start3A_1013 : memref<1x1x1x8x128xf32, #tpu.memory_space<hbm>> -> memref<8x128xf32, #tpu.memory_space<hbm>>
      %dma_start3A_1015 = arith.constant 0 : i32
      %dma_start3A_1016 = arith.constant 0 : i32
      %dma_start3A_1017 = tpu.memref_slice %arg4[%select_n3A_915, %dma_start3A_1007, %select_n3A_931, %dma_start3A_1015, %dma_start3A_1016] : memref<50x8x128x8x128xf32, #tpu.memory_space<hbm>> -> memref<1x1x1x8x128xf32, #tpu.memory_space<hbm>>
      %dma_start3A_1018 = tpu.memref_squeeze %dma_start3A_1017 : memref<1x1x1x8x128xf32, #tpu.memory_space<hbm>> -> memref<8x128xf32, #tpu.memory_space<hbm>>
      %dma_start3A_1019 = arith.constant 40 : i32
      %dma_start3A_1020 = arith.constant 0 : i32
      %dma_start3A_1021 = tpu.memref_slice %arg11[%dma_start3A_1019, %dma_start3A_1020] : memref<64x129xf32, #tpu.memory_space<vmem>> -> memref<8x128xf32, #tpu.memory_space<vmem>>
      tpu.enqueue_dma source(%dma_start3A_1021 : memref<8x128xf32, #tpu.memory_space<vmem>>) target(%dma_start3A_1018 : memref<8x128xf32, #tpu.memory_space<hbm>>) target_semaphore(%arg19 : memref<!tpu.dma_semaphore, #tpu.memory_space<semaphore_mem>>)
      %dma_start3A_1022 = arith.constant 6 : i32
      %dma_start3A_1023 = arith.constant 48 : i32
      %dma_start3A_1024 = arith.constant 0 : i32
      %dma_start3A_1025 = tpu.memref_slice %arg11[%dma_start3A_1023, %dma_start3A_1024] : memref<64x129xf32, #tpu.memory_space<vmem>> -> memref<8x128xf32, #tpu.memory_space<vmem>>
      %dma_start3A_1026 = arith.constant 0 : i32
      %dma_start3A_1027 = arith.constant 0 : i32
      %dma_start3A_1028 = tpu.memref_slice %arg4[%select_n3A_915, %dma_start3A_1022, %select_n3A_931, %dma_start3A_1026, %dma_start3A_1027] : memref<50x8x128x8x128xf32, #tpu.memory_space<hbm>> -> memref<1x1x1x8x128xf32, #tpu.memory_space<hbm>>
      %dma_start3A_1029 = tpu.memref_squeeze %dma_start3A_1028 : memref<1x1x1x8x128xf32, #tpu.memory_space<hbm>> -> memref<8x128xf32, #tpu.memory_space<hbm>>
      %dma_start3A_1030 = arith.constant 0 : i32
      %dma_start3A_1031 = arith.constant 0 : i32
      %dma_start3A_1032 = tpu.memref_slice %arg4[%select_n3A_915, %dma_start3A_1022, %select_n3A_931, %dma_start3A_1030, %dma_start3A_1031] : memref<50x8x128x8x128xf32, #tpu.memory_space<hbm>> -> memref<1x1x1x8x128xf32, #tpu.memory_space<hbm>>
      %dma_start3A_1033 = tpu.memref_squeeze %dma_start3A_1032 : memref<1x1x1x8x128xf32, #tpu.memory_space<hbm>> -> memref<8x128xf32, #tpu.memory_space<hbm>>
      %dma_start3A_1034 = arith.constant 48 : i32
      %dma_start3A_1035 = arith.constant 0 : i32
      %dma_start3A_1036 = tpu.memref_slice %arg11[%dma_start3A_1034, %dma_start3A_1035] : memref<64x129xf32, #tpu.memory_space<vmem>> -> memref<8x128xf32, #tpu.memory_space<vmem>>
      tpu.enqueue_dma source(%dma_start3A_1036 : memref<8x128xf32, #tpu.memory_space<vmem>>) target(%dma_start3A_1033 : memref<8x128xf32, #tpu.memory_space<hbm>>) target_semaphore(%arg19 : memref<!tpu.dma_semaphore, #tpu.memory_space<semaphore_mem>>)
      %dma_start3A_1037 = arith.constant 7 : i32
      %dma_start3A_1038 = arith.constant 56 : i32
      %dma_start3A_1039 = arith.constant 0 : i32
      %dma_start3A_1040 = tpu.memref_slice %arg11[%dma_start3A_1038, %dma_start3A_1039] : memref<64x129xf32, #tpu.memory_space<vmem>> -> memref<8x128xf32, #tpu.memory_space<vmem>>
      %dma_start3A_1041 = arith.constant 0 : i32
      %dma_start3A_1042 = arith.constant 0 : i32
      %dma_start3A_1043 = tpu.memref_slice %arg4[%select_n3A_915, %dma_start3A_1037, %select_n3A_931, %dma_start3A_1041, %dma_start3A_1042] : memref<50x8x128x8x128xf32, #tpu.memory_space<hbm>> -> memref<1x1x1x8x128xf32, #tpu.memory_space<hbm>>
      %dma_start3A_1044 = tpu.memref_squeeze %dma_start3A_1043 : memref<1x1x1x8x128xf32, #tpu.memory_space<hbm>> -> memref<8x128xf32, #tpu.memory_space<hbm>>
      %dma_start3A_1045 = arith.constant 0 : i32
      %dma_start3A_1046 = arith.constant 0 : i32
      %dma_start3A_1047 = tpu.memref_slice %arg4[%select_n3A_915, %dma_start3A_1037, %select_n3A_931, %dma_start3A_1045, %dma_start3A_1046] : memref<50x8x128x8x128xf32, #tpu.memory_space<hbm>> -> memref<1x1x1x8x128xf32, #tpu.memory_space<hbm>>
      %dma_start3A_1048 = tpu.memref_squeeze %dma_start3A_1047 : memref<1x1x1x8x128xf32, #tpu.memory_space<hbm>> -> memref<8x128xf32, #tpu.memory_space<hbm>>
      %dma_start3A_1049 = arith.constant 56 : i32
      %dma_start3A_1050 = arith.constant 0 : i32
      %dma_start3A_1051 = tpu.memref_slice %arg11[%dma_start3A_1049, %dma_start3A_1050] : memref<64x129xf32, #tpu.memory_space<vmem>> -> memref<8x128xf32, #tpu.memory_space<vmem>>
      tpu.enqueue_dma source(%dma_start3A_1051 : memref<8x128xf32, #tpu.memory_space<vmem>>) target(%dma_start3A_1048 : memref<8x128xf32, #tpu.memory_space<hbm>>) target_semaphore(%arg19 : memref<!tpu.dma_semaphore, #tpu.memory_space<semaphore_mem>>)
      %mul3A_1052 = arith.constant 4 : i32
      %mul3A_1053 = arith.muli %add3A_687, %mul3A_1052 : i32
      %add3A_1054 = arith.constant 2 : i32
      %add3A_1055 = arith.addi %mul3A_1053, %add3A_1054 : i32
      %dma_wait3A_1056 = arith.constant 0 : i32
      %dma_wait3A_1057 = tpu.memref_slice %arg5[%add3A_1055, %dma_wait3A_1056] : memref<200x128xi32, #tpu.memory_space<vmem>> -> memref<1x128xi32, #tpu.memory_space<vmem>>
      %dma_wait3A_1058 = tpu.memref_squeeze %dma_wait3A_1057 : memref<1x128xi32, #tpu.memory_space<vmem>> -> memref<128xi32, #tpu.memory_space<vmem>>
      %dma_wait3A_1059 = arith.constant 0 : i32
      %dma_wait3A_1060 = arith.constant 0 : i32
      %dma_wait3A_1061 = tpu.memref_slice %arg2[%dma_wait3A_1059, %dma_wait3A_1060] : memref<1000000x64xf32, #tpu.memory_space<hbm>> -> memref<1000000x64xf32, #tpu.memory_space<hbm>>
      tpu.wait_indirect_dma semaphore(%arg16 : memref<!tpu.dma_semaphore, #tpu.memory_space<semaphore_mem>>) src(%dma_wait3A_1061 : memref<1000000x64xf32, #tpu.memory_space<hbm>>) dst(%arg8 : memref<128x64xf32, #tpu.memory_space<vmem>>)
      %gt3A_1062 = arith.constant 0 : i32
      %gt3A_1063 = arith.cmpi sgt, %add3A_687, %gt3A_1062 : i32
      %convert_element_type3A_1064 = arith.extui %gt3A_1063 : i1 to i32
      %cond3A_1065 = arith.constant 0 : i32
      %cond3A_1066 = arith.cmpi ne, %convert_element_type3A_1064, %cond3A_1065 : i32
      scf.if %cond3A_1066 {
        %sub3A_1420 = arith.constant 4 : i32
        %sub3A_1421 = arith.subi %add3A_1055, %sub3A_1420 : i32
        %add3A_1422 = arith.addi %mul3A_2, %sub3A_1421 : i32
        %jit3A_1423 = arith.constant 128 : i32
        %div3A_1424 = arith.divsi %add3A_1422, %jit3A_1423 : i32
        %sign3A_1425 = arith.constant 0 : i32
        %sign3A_1426 = arith.cmpi sgt, %add3A_1422, %sign3A_1425 : i32
        %sign3A_1427 = arith.extui %sign3A_1426 : i1 to i32
        %sign3A_1428 = arith.constant 0 : i32
        %sign3A_1429 = arith.cmpi slt, %add3A_1422, %sign3A_1428 : i32
        %sign3A_1430 = arith.extui %sign3A_1429 : i1 to i32
        %sign3A_1431 = arith.subi %sign3A_1427, %sign3A_1430 : i32
        %sign3A_1432 = arith.constant 0 : i32
        %sign3A_1433 = arith.cmpi sgt, %jit3A_1423, %sign3A_1432 : i32
        %sign3A_1434 = arith.extui %sign3A_1433 : i1 to i32
        %sign3A_1435 = arith.constant 0 : i32
        %sign3A_1436 = arith.cmpi slt, %jit3A_1423, %sign3A_1435 : i32
        %sign3A_1437 = arith.extui %sign3A_1436 : i1 to i32
        %sign3A_1438 = arith.subi %sign3A_1434, %sign3A_1437 : i32
        %ne3A_1439 = arith.cmpi ne, %sign3A_1431, %sign3A_1438 : i32
        %rem3A_1440 = arith.remsi %add3A_1422, %jit3A_1423 : i32
        %ne3A_1441 = arith.constant 0 : i32
        %ne3A_1442 = arith.cmpi ne, %rem3A_1440, %ne3A_1441 : i32
        %and3A_1443 = arith.andi %ne3A_1439, %ne3A_1442 : i1
        %sub3A_1444 = arith.constant 1 : i32
        %sub3A_1445 = arith.subi %div3A_1424, %sub3A_1444 : i32
        %select_n3A_1446 = arith.select %and3A_1443, %sub3A_1445, %div3A_1424 : i32
        %jit3A_1447 = arith.constant 128 : i32
        %eq3A_1448 = arith.constant 0 : i32
        %eq3A_1449 = arith.cmpi eq, %jit3A_1447, %eq3A_1448 : i32
        %jit3A_1450 = arith.constant 1 : i32
        %select_n3A_1451 = arith.select %eq3A_1449, %jit3A_1450, %jit3A_1447 : i32
        %rem3A_1452 = arith.remsi %add3A_1422, %select_n3A_1451 : i32
        %ne3A_1453 = arith.constant 0 : i32
        %ne3A_1454 = arith.cmpi ne, %rem3A_1452, %ne3A_1453 : i32
        %lt3A_1455 = arith.constant 0 : i32
        %lt3A_1456 = arith.cmpi slt, %rem3A_1452, %lt3A_1455 : i32
        %lt3A_1457 = arith.constant 0 : i32
        %lt3A_1458 = arith.cmpi slt, %select_n3A_1451, %lt3A_1457 : i32
        %ne3A_1459 = arith.xori %lt3A_1456, %lt3A_1458 : i1
        %and3A_1460 = arith.andi %ne3A_1459, %ne3A_1454 : i1
        %add3A_1461 = arith.addi %rem3A_1452, %select_n3A_1451 : i32
        %select_n3A_1462 = arith.select %and3A_1460, %add3A_1461, %rem3A_1452 : i32
        %dma_wait3A_1463 = arith.constant 0 : i32
        %dma_wait3A_1464 = arith.constant 0 : i32
        %dma_wait3A_1465 = arith.constant 0 : i32
        %dma_wait3A_1466 = tpu.memref_slice %arg12[%dma_wait3A_1464, %dma_wait3A_1465] : memref<64x129xf32, #tpu.memory_space<vmem>> -> memref<8x128xf32, #tpu.memory_space<vmem>>
        %dma_wait3A_1467 = arith.constant 0 : i32
        %dma_wait3A_1468 = arith.constant 0 : i32
        %dma_wait3A_1469 = tpu.memref_slice %arg4[%select_n3A_1446, %dma_wait3A_1463, %select_n3A_1462, %dma_wait3A_1467, %dma_wait3A_1468] : memref<50x8x128x8x128xf32, #tpu.memory_space<hbm>> -> memref<1x1x1x8x128xf32, #tpu.memory_space<hbm>>
        %dma_wait3A_1470 = tpu.memref_squeeze %dma_wait3A_1469 : memref<1x1x1x8x128xf32, #tpu.memory_space<hbm>> -> memref<8x128xf32, #tpu.memory_space<hbm>>
        %dma_wait3A_1471 = arith.constant 0 : i32
        %dma_wait3A_1472 = arith.constant 0 : i32
        %dma_wait3A_1473 = tpu.memref_slice %arg4[%select_n3A_1446, %dma_wait3A_1463, %select_n3A_1462, %dma_wait3A_1471, %dma_wait3A_1472] : memref<50x8x128x8x128xf32, #tpu.memory_space<hbm>> -> memref<1x1x1x8x128xf32, #tpu.memory_space<hbm>>
        %dma_wait3A_1474 = tpu.memref_squeeze %dma_wait3A_1473 : memref<1x1x1x8x128xf32, #tpu.memory_space<hbm>> -> memref<8x128xf32, #tpu.memory_space<hbm>>
        %dma_wait3A_1475 = arith.constant 0 : i32
        %dma_wait3A_1476 = arith.constant 0 : i32
        %dma_wait3A_1477 = tpu.memref_slice %arg12[%dma_wait3A_1475, %dma_wait3A_1476] : memref<64x129xf32, #tpu.memory_space<vmem>> -> memref<8x128xf32, #tpu.memory_space<vmem>>
        tpu.wait_dma2 semaphore(%arg20 : memref<!tpu.dma_semaphore, #tpu.memory_space<semaphore_mem>>) src(%dma_wait3A_1477 : memref<8x128xf32, #tpu.memory_space<vmem>>) dst(%dma_wait3A_1474 : memref<8x128xf32, #tpu.memory_space<hbm>>)
        %dma_wait3A_1478 = arith.constant 1 : i32
        %dma_wait3A_1479 = arith.constant 8 : i32
        %dma_wait3A_1480 = arith.constant 0 : i32
        %dma_wait3A_1481 = tpu.memref_slice %arg12[%dma_wait3A_1479, %dma_wait3A_1480] : memref<64x129xf32, #tpu.memory_space<vmem>> -> memref<8x128xf32, #tpu.memory_space<vmem>>
        %dma_wait3A_1482 = arith.constant 0 : i32
        %dma_wait3A_1483 = arith.constant 0 : i32
        %dma_wait3A_1484 = tpu.memref_slice %arg4[%select_n3A_1446, %dma_wait3A_1478, %select_n3A_1462, %dma_wait3A_1482, %dma_wait3A_1483] : memref<50x8x128x8x128xf32, #tpu.memory_space<hbm>> -> memref<1x1x1x8x128xf32, #tpu.memory_space<hbm>>
        %dma_wait3A_1485 = tpu.memref_squeeze %dma_wait3A_1484 : memref<1x1x1x8x128xf32, #tpu.memory_space<hbm>> -> memref<8x128xf32, #tpu.memory_space<hbm>>
        %dma_wait3A_1486 = arith.constant 0 : i32
        %dma_wait3A_1487 = arith.constant 0 : i32
        %dma_wait3A_1488 = tpu.memref_slice %arg4[%select_n3A_1446, %dma_wait3A_1478, %select_n3A_1462, %dma_wait3A_1486, %dma_wait3A_1487] : memref<50x8x128x8x128xf32, #tpu.memory_space<hbm>> -> memref<1x1x1x8x128xf32, #tpu.memory_space<hbm>>
        %dma_wait3A_1489 = tpu.memref_squeeze %dma_wait3A_1488 : memref<1x1x1x8x128xf32, #tpu.memory_space<hbm>> -> memref<8x128xf32, #tpu.memory_space<hbm>>
        %dma_wait3A_1490 = arith.constant 8 : i32
        %dma_wait3A_1491 = arith.constant 0 : i32
        %dma_wait3A_1492 = tpu.memref_slice %arg12[%dma_wait3A_1490, %dma_wait3A_1491] : memref<64x129xf32, #tpu.memory_space<vmem>> -> memref<8x128xf32, #tpu.memory_space<vmem>>
        tpu.wait_dma2 semaphore(%arg20 : memref<!tpu.dma_semaphore, #tpu.memory_space<semaphore_mem>>) src(%dma_wait3A_1492 : memref<8x128xf32, #tpu.memory_space<vmem>>) dst(%dma_wait3A_1489 : memref<8x128xf32, #tpu.memory_space<hbm>>)
        %dma_wait3A_1493 = arith.constant 2 : i32
        %dma_wait3A_1494 = arith.constant 16 : i32
        %dma_wait3A_1495 = arith.constant 0 : i32
        %dma_wait3A_1496 = tpu.memref_slice %arg12[%dma_wait3A_1494, %dma_wait3A_1495] : memref<64x129xf32, #tpu.memory_space<vmem>> -> memref<8x128xf32, #tpu.memory_space<vmem>>
        %dma_wait3A_1497 = arith.constant 0 : i32
        %dma_wait3A_1498 = arith.constant 0 : i32
        %dma_wait3A_1499 = tpu.memref_slice %arg4[%select_n3A_1446, %dma_wait3A_1493, %select_n3A_1462, %dma_wait3A_1497, %dma_wait3A_1498] : memref<50x8x128x8x128xf32, #tpu.memory_space<hbm>> -> memref<1x1x1x8x128xf32, #tpu.memory_space<hbm>>
        %dma_wait3A_1500 = tpu.memref_squeeze %dma_wait3A_1499 : memref<1x1x1x8x128xf32, #tpu.memory_space<hbm>> -> memref<8x128xf32, #tpu.memory_space<hbm>>
        %dma_wait3A_1501 = arith.constant 0 : i32
        %dma_wait3A_1502 = arith.constant 0 : i32
        %dma_wait3A_1503 = tpu.memref_slice %arg4[%select_n3A_1446, %dma_wait3A_1493, %select_n3A_1462, %dma_wait3A_1501, %dma_wait3A_1502] : memref<50x8x128x8x128xf32, #tpu.memory_space<hbm>> -> memref<1x1x1x8x128xf32, #tpu.memory_space<hbm>>
        %dma_wait3A_1504 = tpu.memref_squeeze %dma_wait3A_1503 : memref<1x1x1x8x128xf32, #tpu.memory_space<hbm>> -> memref<8x128xf32, #tpu.memory_space<hbm>>
        %dma_wait3A_1505 = arith.constant 16 : i32
        %dma_wait3A_1506 = arith.constant 0 : i32
        %dma_wait3A_1507 = tpu.memref_slice %arg12[%dma_wait3A_1505, %dma_wait3A_1506] : memref<64x129xf32, #tpu.memory_space<vmem>> -> memref<8x128xf32, #tpu.memory_space<vmem>>
        tpu.wait_dma2 semaphore(%arg20 : memref<!tpu.dma_semaphore, #tpu.memory_space<semaphore_mem>>) src(%dma_wait3A_1507 : memref<8x128xf32, #tpu.memory_space<vmem>>) dst(%dma_wait3A_1504 : memref<8x128xf32, #tpu.memory_space<hbm>>)
        %dma_wait3A_1508 = arith.constant 3 : i32
        %dma_wait3A_1509 = arith.constant 24 : i32
        %dma_wait3A_1510 = arith.constant 0 : i32
        %dma_wait3A_1511 = tpu.memref_slice %arg12[%dma_wait3A_1509, %dma_wait3A_1510] : memref<64x129xf32, #tpu.memory_space<vmem>> -> memref<8x128xf32, #tpu.memory_space<vmem>>
        %dma_wait3A_1512 = arith.constant 0 : i32
        %dma_wait3A_1513 = arith.constant 0 : i32
        %dma_wait3A_1514 = tpu.memref_slice %arg4[%select_n3A_1446, %dma_wait3A_1508, %select_n3A_1462, %dma_wait3A_1512, %dma_wait3A_1513] : memref<50x8x128x8x128xf32, #tpu.memory_space<hbm>> -> memref<1x1x1x8x128xf32, #tpu.memory_space<hbm>>
        %dma_wait3A_1515 = tpu.memref_squeeze %dma_wait3A_1514 : memref<1x1x1x8x128xf32, #tpu.memory_space<hbm>> -> memref<8x128xf32, #tpu.memory_space<hbm>>
        %dma_wait3A_1516 = arith.constant 0 : i32
        %dma_wait3A_1517 = arith.constant 0 : i32
        %dma_wait3A_1518 = tpu.memref_slice %arg4[%select_n3A_1446, %dma_wait3A_1508, %select_n3A_1462, %dma_wait3A_1516, %dma_wait3A_1517] : memref<50x8x128x8x128xf32, #tpu.memory_space<hbm>> -> memref<1x1x1x8x128xf32, #tpu.memory_space<hbm>>
        %dma_wait3A_1519 = tpu.memref_squeeze %dma_wait3A_1518 : memref<1x1x1x8x128xf32, #tpu.memory_space<hbm>> -> memref<8x128xf32, #tpu.memory_space<hbm>>
        %dma_wait3A_1520 = arith.constant 24 : i32
        %dma_wait3A_1521 = arith.constant 0 : i32
        %dma_wait3A_1522 = tpu.memref_slice %arg12[%dma_wait3A_1520, %dma_wait3A_1521] : memref<64x129xf32, #tpu.memory_space<vmem>> -> memref<8x128xf32, #tpu.memory_space<vmem>>
        tpu.wait_dma2 semaphore(%arg20 : memref<!tpu.dma_semaphore, #tpu.memory_space<semaphore_mem>>) src(%dma_wait3A_1522 : memref<8x128xf32, #tpu.memory_space<vmem>>) dst(%dma_wait3A_1519 : memref<8x128xf32, #tpu.memory_space<hbm>>)
        %dma_wait3A_1523 = arith.constant 4 : i32
        %dma_wait3A_1524 = arith.constant 32 : i32
        %dma_wait3A_1525 = arith.constant 0 : i32
        %dma_wait3A_1526 = tpu.memref_slice %arg12[%dma_wait3A_1524, %dma_wait3A_1525] : memref<64x129xf32, #tpu.memory_space<vmem>> -> memref<8x128xf32, #tpu.memory_space<vmem>>
        %dma_wait3A_1527 = arith.constant 0 : i32
        %dma_wait3A_1528 = arith.constant 0 : i32
        %dma_wait3A_1529 = tpu.memref_slice %arg4[%select_n3A_1446, %dma_wait3A_1523, %select_n3A_1462, %dma_wait3A_1527, %dma_wait3A_1528] : memref<50x8x128x8x128xf32, #tpu.memory_space<hbm>> -> memref<1x1x1x8x128xf32, #tpu.memory_space<hbm>>
        %dma_wait3A_1530 = tpu.memref_squeeze %dma_wait3A_1529 : memref<1x1x1x8x128xf32, #tpu.memory_space<hbm>> -> memref<8x128xf32, #tpu.memory_space<hbm>>
        %dma_wait3A_1531 = arith.constant 0 : i32
        %dma_wait3A_1532 = arith.constant 0 : i32
        %dma_wait3A_1533 = tpu.memref_slice %arg4[%select_n3A_1446, %dma_wait3A_1523, %select_n3A_1462, %dma_wait3A_1531, %dma_wait3A_1532] : memref<50x8x128x8x128xf32, #tpu.memory_space<hbm>> -> memref<1x1x1x8x128xf32, #tpu.memory_space<hbm>>
        %dma_wait3A_1534 = tpu.memref_squeeze %dma_wait3A_1533 : memref<1x1x1x8x128xf32, #tpu.memory_space<hbm>> -> memref<8x128xf32, #tpu.memory_space<hbm>>
        %dma_wait3A_1535 = arith.constant 32 : i32
        %dma_wait3A_1536 = arith.constant 0 : i32
        %dma_wait3A_1537 = tpu.memref_slice %arg12[%dma_wait3A_1535, %dma_wait3A_1536] : memref<64x129xf32, #tpu.memory_space<vmem>> -> memref<8x128xf32, #tpu.memory_space<vmem>>
        tpu.wait_dma2 semaphore(%arg20 : memref<!tpu.dma_semaphore, #tpu.memory_space<semaphore_mem>>) src(%dma_wait3A_1537 : memref<8x128xf32, #tpu.memory_space<vmem>>) dst(%dma_wait3A_1534 : memref<8x128xf32, #tpu.memory_space<hbm>>)
        %dma_wait3A_1538 = arith.constant 5 : i32
        %dma_wait3A_1539 = arith.constant 40 : i32
        %dma_wait3A_1540 = arith.constant 0 : i32
        %dma_wait3A_1541 = tpu.memref_slice %arg12[%dma_wait3A_1539, %dma_wait3A_1540] : memref<64x129xf32, #tpu.memory_space<vmem>> -> memref<8x128xf32, #tpu.memory_space<vmem>>
        %dma_wait3A_1542 = arith.constant 0 : i32
        %dma_wait3A_1543 = arith.constant 0 : i32
        %dma_wait3A_1544 = tpu.memref_slice %arg4[%select_n3A_1446, %dma_wait3A_1538, %select_n3A_1462, %dma_wait3A_1542, %dma_wait3A_1543] : memref<50x8x128x8x128xf32, #tpu.memory_space<hbm>> -> memref<1x1x1x8x128xf32, #tpu.memory_space<hbm>>
        %dma_wait3A_1545 = tpu.memref_squeeze %dma_wait3A_1544 : memref<1x1x1x8x128xf32, #tpu.memory_space<hbm>> -> memref<8x128xf32, #tpu.memory_space<hbm>>
        %dma_wait3A_1546 = arith.constant 0 : i32
        %dma_wait3A_1547 = arith.constant 0 : i32
        %dma_wait3A_1548 = tpu.memref_slice %arg4[%select_n3A_1446, %dma_wait3A_1538, %select_n3A_1462, %dma_wait3A_1546, %dma_wait3A_1547] : memref<50x8x128x8x128xf32, #tpu.memory_space<hbm>> -> memref<1x1x1x8x128xf32, #tpu.memory_space<hbm>>
        %dma_wait3A_1549 = tpu.memref_squeeze %dma_wait3A_1548 : memref<1x1x1x8x128xf32, #tpu.memory_space<hbm>> -> memref<8x128xf32, #tpu.memory_space<hbm>>
        %dma_wait3A_1550 = arith.constant 40 : i32
        %dma_wait3A_1551 = arith.constant 0 : i32
        %dma_wait3A_1552 = tpu.memref_slice %arg12[%dma_wait3A_1550, %dma_wait3A_1551] : memref<64x129xf32, #tpu.memory_space<vmem>> -> memref<8x128xf32, #tpu.memory_space<vmem>>
        tpu.wait_dma2 semaphore(%arg20 : memref<!tpu.dma_semaphore, #tpu.memory_space<semaphore_mem>>) src(%dma_wait3A_1552 : memref<8x128xf32, #tpu.memory_space<vmem>>) dst(%dma_wait3A_1549 : memref<8x128xf32, #tpu.memory_space<hbm>>)
        %dma_wait3A_1553 = arith.constant 6 : i32
        %dma_wait3A_1554 = arith.constant 48 : i32
        %dma_wait3A_1555 = arith.constant 0 : i32
        %dma_wait3A_1556 = tpu.memref_slice %arg12[%dma_wait3A_1554, %dma_wait3A_1555] : memref<64x129xf32, #tpu.memory_space<vmem>> -> memref<8x128xf32, #tpu.memory_space<vmem>>
        %dma_wait3A_1557 = arith.constant 0 : i32
        %dma_wait3A_1558 = arith.constant 0 : i32
        %dma_wait3A_1559 = tpu.memref_slice %arg4[%select_n3A_1446, %dma_wait3A_1553, %select_n3A_1462, %dma_wait3A_1557, %dma_wait3A_1558] : memref<50x8x128x8x128xf32, #tpu.memory_space<hbm>> -> memref<1x1x1x8x128xf32, #tpu.memory_space<hbm>>
        %dma_wait3A_1560 = tpu.memref_squeeze %dma_wait3A_1559 : memref<1x1x1x8x128xf32, #tpu.memory_space<hbm>> -> memref<8x128xf32, #tpu.memory_space<hbm>>
        %dma_wait3A_1561 = arith.constant 0 : i32
        %dma_wait3A_1562 = arith.constant 0 : i32
        %dma_wait3A_1563 = tpu.memref_slice %arg4[%select_n3A_1446, %dma_wait3A_1553, %select_n3A_1462, %dma_wait3A_1561, %dma_wait3A_1562] : memref<50x8x128x8x128xf32, #tpu.memory_space<hbm>> -> memref<1x1x1x8x128xf32, #tpu.memory_space<hbm>>
        %dma_wait3A_1564 = tpu.memref_squeeze %dma_wait3A_1563 : memref<1x1x1x8x128xf32, #tpu.memory_space<hbm>> -> memref<8x128xf32, #tpu.memory_space<hbm>>
        %dma_wait3A_1565 = arith.constant 48 : i32
        %dma_wait3A_1566 = arith.constant 0 : i32
        %dma_wait3A_1567 = tpu.memref_slice %arg12[%dma_wait3A_1565, %dma_wait3A_1566] : memref<64x129xf32, #tpu.memory_space<vmem>> -> memref<8x128xf32, #tpu.memory_space<vmem>>
        tpu.wait_dma2 semaphore(%arg20 : memref<!tpu.dma_semaphore, #tpu.memory_space<semaphore_mem>>) src(%dma_wait3A_1567 : memref<8x128xf32, #tpu.memory_space<vmem>>) dst(%dma_wait3A_1564 : memref<8x128xf32, #tpu.memory_space<hbm>>)
        %dma_wait3A_1568 = arith.constant 7 : i32
        %dma_wait3A_1569 = arith.constant 56 : i32
        %dma_wait3A_1570 = arith.constant 0 : i32
        %dma_wait3A_1571 = tpu.memref_slice %arg12[%dma_wait3A_1569, %dma_wait3A_1570] : memref<64x129xf32, #tpu.memory_space<vmem>> -> memref<8x128xf32, #tpu.memory_space<vmem>>
        %dma_wait3A_1572 = arith.constant 0 : i32
        %dma_wait3A_1573 = arith.constant 0 : i32
        %dma_wait3A_1574 = tpu.memref_slice %arg4[%select_n3A_1446, %dma_wait3A_1568, %select_n3A_1462, %dma_wait3A_1572, %dma_wait3A_1573] : memref<50x8x128x8x128xf32, #tpu.memory_space<hbm>> -> memref<1x1x1x8x128xf32, #tpu.memory_space<hbm>>
        %dma_wait3A_1575 = tpu.memref_squeeze %dma_wait3A_1574 : memref<1x1x1x8x128xf32, #tpu.memory_space<hbm>> -> memref<8x128xf32, #tpu.memory_space<hbm>>
        %dma_wait3A_1576 = arith.constant 0 : i32
        %dma_wait3A_1577 = arith.constant 0 : i32
        %dma_wait3A_1578 = tpu.memref_slice %arg4[%select_n3A_1446, %dma_wait3A_1568, %select_n3A_1462, %dma_wait3A_1576, %dma_wait3A_1577] : memref<50x8x128x8x128xf32, #tpu.memory_space<hbm>> -> memref<1x1x1x8x128xf32, #tpu.memory_space<hbm>>
        %dma_wait3A_1579 = tpu.memref_squeeze %dma_wait3A_1578 : memref<1x1x1x8x128xf32, #tpu.memory_space<hbm>> -> memref<8x128xf32, #tpu.memory_space<hbm>>
        %dma_wait3A_1580 = arith.constant 56 : i32
        %dma_wait3A_1581 = arith.constant 0 : i32
        %dma_wait3A_1582 = tpu.memref_slice %arg12[%dma_wait3A_1580, %dma_wait3A_1581] : memref<64x129xf32, #tpu.memory_space<vmem>> -> memref<8x128xf32, #tpu.memory_space<vmem>>
        tpu.wait_dma2 semaphore(%arg20 : memref<!tpu.dma_semaphore, #tpu.memory_space<semaphore_mem>>) src(%dma_wait3A_1582 : memref<8x128xf32, #tpu.memory_space<vmem>>) dst(%dma_wait3A_1579 : memref<8x128xf32, #tpu.memory_space<hbm>>)
      } else {
      }
      %parallel_loop3A_1067 = arith.constant 0 : i32
      %parallel_loop3A_1068 = arith.constant 128 : i32
      %parallel_loop3A_1069 = arith.constant 1 : i32
      scf.for %parallel_loop3A_1420 = %parallel_loop3A_1067 to %parallel_loop3A_1068 step %parallel_loop3A_1069  : i32 {
        %parallel_loop3A_1421 = vector.broadcast %parallel_loop3A_1420 : i32 to vector<16xi32>
        %parallel_loop3A_1422 = arith.index_cast %parallel_loop3A_1420 : i32 to index
        %parallel_loop3A_1423 = arith.constant 0 : index
        %parallel_loop3A_1424 = tpu.vector_load %arg8[%parallel_loop3A_1422, %parallel_loop3A_1423] {strides = array<i32>} : memref<128x64xf32, #tpu.memory_space<vmem>>, vector<16xf32>,
        tpu.vector_store_idx %arg12[%add3A_5, %parallel_loop3A_1421], %parallel_loop3A_1424 : memref<64x129xf32, #tpu.memory_space<vmem>>[vector<16xi32>, vector<16xi32>], vector<16xf32>,
        %parallel_loop3A_1425 = arith.index_cast %parallel_loop3A_1420 : i32 to index
        %parallel_loop3A_1426 = arith.constant 16 : index
        %parallel_loop3A_1427 = tpu.vector_load %arg8[%parallel_loop3A_1425, %parallel_loop3A_1426] {strides = array<i32>} : memref<128x64xf32, #tpu.memory_space<vmem>>, vector<16xf32>,
        tpu.vector_store_idx %arg12[%add3A_8, %parallel_loop3A_1421], %parallel_loop3A_1427 : memref<64x129xf32, #tpu.memory_space<vmem>>[vector<16xi32>, vector<16xi32>], vector<16xf32>,
        %parallel_loop3A_1428 = arith.index_cast %parallel_loop3A_1420 : i32 to index
        %parallel_loop3A_1429 = arith.constant 32 : index
        %parallel_loop3A_1430 = tpu.vector_load %arg8[%parallel_loop3A_1428, %parallel_loop3A_1429] {strides = array<i32>} : memref<128x64xf32, #tpu.memory_space<vmem>>, vector<16xf32>,
        tpu.vector_store_idx %arg12[%add3A_11, %parallel_loop3A_1421], %parallel_loop3A_1430 : memref<64x129xf32, #tpu.memory_space<vmem>>[vector<16xi32>, vector<16xi32>], vector<16xf32>,
        %parallel_loop3A_1431 = arith.index_cast %parallel_loop3A_1420 : i32 to index
        %parallel_loop3A_1432 = arith.constant 48 : index
        %parallel_loop3A_1433 = tpu.vector_load %arg8[%parallel_loop3A_1431, %parallel_loop3A_1432] {strides = array<i32>} : memref<128x64xf32, #tpu.memory_space<vmem>>, vector<16xf32>,
        tpu.vector_store_idx %arg12[%add3A_14, %parallel_loop3A_1421], %parallel_loop3A_1433 : memref<64x129xf32, #tpu.memory_space<vmem>>[vector<16xi32>, vector<16xi32>], vector<16xf32>,
      } {sc.loop_unroll_factor = 8 : i64, sc.parallel_access}
      %lt3A_1070 = arith.constant 49 : i32
      %lt3A_1071 = arith.cmpi slt, %add3A_687, %lt3A_1070 : i32
      %convert_element_type3A_1072 = arith.extui %lt3A_1071 : i1 to i32
      %cond3A_1073 = arith.constant 0 : i32
      %cond3A_1074 = arith.cmpi ne, %convert_element_type3A_1072, %cond3A_1073 : i32
      scf.if %cond3A_1074 {
        %add3A_1420 = arith.constant 4 : i32
        %add3A_1421 = arith.addi %add3A_1055, %add3A_1420 : i32
        %dma_start3A_1422 = arith.constant 0 : i32
        %dma_start3A_1423 = tpu.memref_slice %arg5[%add3A_1421, %dma_start3A_1422] : memref<200x128xi32, #tpu.memory_space<vmem>> -> memref<1x128xi32, #tpu.memory_space<vmem>>
        %dma_start3A_1424 = tpu.memref_squeeze %dma_start3A_1423 : memref<1x128xi32, #tpu.memory_space<vmem>> -> memref<128xi32, #tpu.memory_space<vmem>>
        %dma_start3A_1425 = arith.constant 0 : i32
        %dma_start3A_1426 = arith.constant 0 : i32
        %dma_start3A_1427 = tpu.memref_slice %arg2[%dma_start3A_1425, %dma_start3A_1426] : memref<1000000x64xf32, #tpu.memory_space<hbm>> -> memref<1000000x64xf32, #tpu.memory_space<hbm>>
        tpu.enqueue_indirect_dma source(%dma_start3A_1427 : memref<1000000x64xf32, #tpu.memory_space<hbm>>) target(%arg8 : memref<128x64xf32, #tpu.memory_space<vmem>>) offsets(%dma_start3A_1424 : memref<128xi32, #tpu.memory_space<vmem>>) semaphore(%arg16 : memref<!tpu.dma_semaphore, #tpu.memory_space<semaphore_mem>>)
      } else {
      }
      %add3A_1075 = arith.addi %mul3A_2, %add3A_1055 : i32
      %jit3A_1076 = arith.constant 128 : i32
      %div3A_1077 = arith.divsi %add3A_1075, %jit3A_1076 : i32
      %sign3A_1078 = arith.constant 0 : i32
      %sign3A_1079 = arith.cmpi sgt, %add3A_1075, %sign3A_1078 : i32
      %sign3A_1080 = arith.extui %sign3A_1079 : i1 to i32
      %sign3A_1081 = arith.constant 0 : i32
      %sign3A_1082 = arith.cmpi slt, %add3A_1075, %sign3A_1081 : i32
      %sign3A_1083 = arith.extui %sign3A_1082 : i1 to i32
      %sign3A_1084 = arith.subi %sign3A_1080, %sign3A_1083 : i32
      %sign3A_1085 = arith.constant 0 : i32
      %sign3A_1086 = arith.cmpi sgt, %jit3A_1076, %sign3A_1085 : i32
      %sign3A_1087 = arith.extui %sign3A_1086 : i1 to i32
      %sign3A_1088 = arith.constant 0 : i32
      %sign3A_1089 = arith.cmpi slt, %jit3A_1076, %sign3A_1088 : i32
      %sign3A_1090 = arith.extui %sign3A_1089 : i1 to i32
      %sign3A_1091 = arith.subi %sign3A_1087, %sign3A_1090 : i32
      %ne3A_1092 = arith.cmpi ne, %sign3A_1084, %sign3A_1091 : i32
      %rem3A_1093 = arith.remsi %add3A_1075, %jit3A_1076 : i32
      %ne3A_1094 = arith.constant 0 : i32
      %ne3A_1095 = arith.cmpi ne, %rem3A_1093, %ne3A_1094 : i32
      %and3A_1096 = arith.andi %ne3A_1092, %ne3A_1095 : i1
      %sub3A_1097 = arith.constant 1 : i32
      %sub3A_1098 = arith.subi %div3A_1077, %sub3A_1097 : i32
      %select_n3A_1099 = arith.select %and3A_1096, %sub3A_1098, %div3A_1077 : i32
      %jit3A_1100 = arith.constant 128 : i32
      %eq3A_1101 = arith.constant 0 : i32
      %eq3A_1102 = arith.cmpi eq, %jit3A_1100, %eq3A_1101 : i32
      %jit3A_1103 = arith.constant 1 : i32
      %select_n3A_1104 = arith.select %eq3A_1102, %jit3A_1103, %jit3A_1100 : i32
      %rem3A_1105 = arith.remsi %add3A_1075, %select_n3A_1104 : i32
      %ne3A_1106 = arith.constant 0 : i32
      %ne3A_1107 = arith.cmpi ne, %rem3A_1105, %ne3A_1106 : i32
      %lt3A_1108 = arith.constant 0 : i32
      %lt3A_1109 = arith.cmpi slt, %rem3A_1105, %lt3A_1108 : i32
      %lt3A_1110 = arith.constant 0 : i32
      %lt3A_1111 = arith.cmpi slt, %select_n3A_1104, %lt3A_1110 : i32
      %ne3A_1112 = arith.xori %lt3A_1109, %lt3A_1111 : i1
      %and3A_1113 = arith.andi %ne3A_1112, %ne3A_1107 : i1
      %add3A_1114 = arith.addi %rem3A_1105, %select_n3A_1104 : i32
      %select_n3A_1115 = arith.select %and3A_1113, %add3A_1114, %rem3A_1105 : i32
      %dma_start3A_1116 = arith.constant 0 : i32
      %dma_start3A_1117 = arith.constant 0 : i32
      %dma_start3A_1118 = arith.constant 0 : i32
      %dma_start3A_1119 = tpu.memref_slice %arg12[%dma_start3A_1117, %dma_start3A_1118] : memref<64x129xf32, #tpu.memory_space<vmem>> -> memref<8x128xf32, #tpu.memory_space<vmem>>
      %dma_start3A_1120 = arith.constant 0 : i32
      %dma_start3A_1121 = arith.constant 0 : i32
      %dma_start3A_1122 = tpu.memref_slice %arg4[%select_n3A_1099, %dma_start3A_1116, %select_n3A_1115, %dma_start3A_1120, %dma_start3A_1121] : memref<50x8x128x8x128xf32, #tpu.memory_space<hbm>> -> memref<1x1x1x8x128xf32, #tpu.memory_space<hbm>>
      %dma_start3A_1123 = tpu.memref_squeeze %dma_start3A_1122 : memref<1x1x1x8x128xf32, #tpu.memory_space<hbm>> -> memref<8x128xf32, #tpu.memory_space<hbm>>
      %dma_start3A_1124 = arith.constant 0 : i32
      %dma_start3A_1125 = arith.constant 0 : i32
      %dma_start3A_1126 = tpu.memref_slice %arg4[%select_n3A_1099, %dma_start3A_1116, %select_n3A_1115, %dma_start3A_1124, %dma_start3A_1125] : memref<50x8x128x8x128xf32, #tpu.memory_space<hbm>> -> memref<1x1x1x8x128xf32, #tpu.memory_space<hbm>>
      %dma_start3A_1127 = tpu.memref_squeeze %dma_start3A_1126 : memref<1x1x1x8x128xf32, #tpu.memory_space<hbm>> -> memref<8x128xf32, #tpu.memory_space<hbm>>
      %dma_start3A_1128 = arith.constant 0 : i32
      %dma_start3A_1129 = arith.constant 0 : i32
      %dma_start3A_1130 = tpu.memref_slice %arg12[%dma_start3A_1128, %dma_start3A_1129] : memref<64x129xf32, #tpu.memory_space<vmem>> -> memref<8x128xf32, #tpu.memory_space<vmem>>
      tpu.enqueue_dma source(%dma_start3A_1130 : memref<8x128xf32, #tpu.memory_space<vmem>>) target(%dma_start3A_1127 : memref<8x128xf32, #tpu.memory_space<hbm>>) target_semaphore(%arg20 : memref<!tpu.dma_semaphore, #tpu.memory_space<semaphore_mem>>)
      %dma_start3A_1131 = arith.constant 1 : i32
      %dma_start3A_1132 = arith.constant 8 : i32
      %dma_start3A_1133 = arith.constant 0 : i32
      %dma_start3A_1134 = tpu.memref_slice %arg12[%dma_start3A_1132, %dma_start3A_1133] : memref<64x129xf32, #tpu.memory_space<vmem>> -> memref<8x128xf32, #tpu.memory_space<vmem>>
      %dma_start3A_1135 = arith.constant 0 : i32
      %dma_start3A_1136 = arith.constant 0 : i32
      %dma_start3A_1137 = tpu.memref_slice %arg4[%select_n3A_1099, %dma_start3A_1131, %select_n3A_1115, %dma_start3A_1135, %dma_start3A_1136] : memref<50x8x128x8x128xf32, #tpu.memory_space<hbm>> -> memref<1x1x1x8x128xf32, #tpu.memory_space<hbm>>
      %dma_start3A_1138 = tpu.memref_squeeze %dma_start3A_1137 : memref<1x1x1x8x128xf32, #tpu.memory_space<hbm>> -> memref<8x128xf32, #tpu.memory_space<hbm>>
      %dma_start3A_1139 = arith.constant 0 : i32
      %dma_start3A_1140 = arith.constant 0 : i32
      %dma_start3A_1141 = tpu.memref_slice %arg4[%select_n3A_1099, %dma_start3A_1131, %select_n3A_1115, %dma_start3A_1139, %dma_start3A_1140] : memref<50x8x128x8x128xf32, #tpu.memory_space<hbm>> -> memref<1x1x1x8x128xf32, #tpu.memory_space<hbm>>
      %dma_start3A_1142 = tpu.memref_squeeze %dma_start3A_1141 : memref<1x1x1x8x128xf32, #tpu.memory_space<hbm>> -> memref<8x128xf32, #tpu.memory_space<hbm>>
      %dma_start3A_1143 = arith.constant 8 : i32
      %dma_start3A_1144 = arith.constant 0 : i32
      %dma_start3A_1145 = tpu.memref_slice %arg12[%dma_start3A_1143, %dma_start3A_1144] : memref<64x129xf32, #tpu.memory_space<vmem>> -> memref<8x128xf32, #tpu.memory_space<vmem>>
      tpu.enqueue_dma source(%dma_start3A_1145 : memref<8x128xf32, #tpu.memory_space<vmem>>) target(%dma_start3A_1142 : memref<8x128xf32, #tpu.memory_space<hbm>>) target_semaphore(%arg20 : memref<!tpu.dma_semaphore, #tpu.memory_space<semaphore_mem>>)
      %dma_start3A_1146 = arith.constant 2 : i32
      %dma_start3A_1147 = arith.constant 16 : i32
      %dma_start3A_1148 = arith.constant 0 : i32
      %dma_start3A_1149 = tpu.memref_slice %arg12[%dma_start3A_1147, %dma_start3A_1148] : memref<64x129xf32, #tpu.memory_space<vmem>> -> memref<8x128xf32, #tpu.memory_space<vmem>>
      %dma_start3A_1150 = arith.constant 0 : i32
      %dma_start3A_1151 = arith.constant 0 : i32
      %dma_start3A_1152 = tpu.memref_slice %arg4[%select_n3A_1099, %dma_start3A_1146, %select_n3A_1115, %dma_start3A_1150, %dma_start3A_1151] : memref<50x8x128x8x128xf32, #tpu.memory_space<hbm>> -> memref<1x1x1x8x128xf32, #tpu.memory_space<hbm>>
      %dma_start3A_1153 = tpu.memref_squeeze %dma_start3A_1152 : memref<1x1x1x8x128xf32, #tpu.memory_space<hbm>> -> memref<8x128xf32, #tpu.memory_space<hbm>>
      %dma_start3A_1154 = arith.constant 0 : i32
      %dma_start3A_1155 = arith.constant 0 : i32
      %dma_start3A_1156 = tpu.memref_slice %arg4[%select_n3A_1099, %dma_start3A_1146, %select_n3A_1115, %dma_start3A_1154, %dma_start3A_1155] : memref<50x8x128x8x128xf32, #tpu.memory_space<hbm>> -> memref<1x1x1x8x128xf32, #tpu.memory_space<hbm>>
      %dma_start3A_1157 = tpu.memref_squeeze %dma_start3A_1156 : memref<1x1x1x8x128xf32, #tpu.memory_space<hbm>> -> memref<8x128xf32, #tpu.memory_space<hbm>>
      %dma_start3A_1158 = arith.constant 16 : i32
      %dma_start3A_1159 = arith.constant 0 : i32
      %dma_start3A_1160 = tpu.memref_slice %arg12[%dma_start3A_1158, %dma_start3A_1159] : memref<64x129xf32, #tpu.memory_space<vmem>> -> memref<8x128xf32, #tpu.memory_space<vmem>>
      tpu.enqueue_dma source(%dma_start3A_1160 : memref<8x128xf32, #tpu.memory_space<vmem>>) target(%dma_start3A_1157 : memref<8x128xf32, #tpu.memory_space<hbm>>) target_semaphore(%arg20 : memref<!tpu.dma_semaphore, #tpu.memory_space<semaphore_mem>>)
      %dma_start3A_1161 = arith.constant 3 : i32
      %dma_start3A_1162 = arith.constant 24 : i32
      %dma_start3A_1163 = arith.constant 0 : i32
      %dma_start3A_1164 = tpu.memref_slice %arg12[%dma_start3A_1162, %dma_start3A_1163] : memref<64x129xf32, #tpu.memory_space<vmem>> -> memref<8x128xf32, #tpu.memory_space<vmem>>
      %dma_start3A_1165 = arith.constant 0 : i32
      %dma_start3A_1166 = arith.constant 0 : i32
      %dma_start3A_1167 = tpu.memref_slice %arg4[%select_n3A_1099, %dma_start3A_1161, %select_n3A_1115, %dma_start3A_1165, %dma_start3A_1166] : memref<50x8x128x8x128xf32, #tpu.memory_space<hbm>> -> memref<1x1x1x8x128xf32, #tpu.memory_space<hbm>>
      %dma_start3A_1168 = tpu.memref_squeeze %dma_start3A_1167 : memref<1x1x1x8x128xf32, #tpu.memory_space<hbm>> -> memref<8x128xf32, #tpu.memory_space<hbm>>
      %dma_start3A_1169 = arith.constant 0 : i32
      %dma_start3A_1170 = arith.constant 0 : i32
      %dma_start3A_1171 = tpu.memref_slice %arg4[%select_n3A_1099, %dma_start3A_1161, %select_n3A_1115, %dma_start3A_1169, %dma_start3A_1170] : memref<50x8x128x8x128xf32, #tpu.memory_space<hbm>> -> memref<1x1x1x8x128xf32, #tpu.memory_space<hbm>>
      %dma_start3A_1172 = tpu.memref_squeeze %dma_start3A_1171 : memref<1x1x1x8x128xf32, #tpu.memory_space<hbm>> -> memref<8x128xf32, #tpu.memory_space<hbm>>
      %dma_start3A_1173 = arith.constant 24 : i32
      %dma_start3A_1174 = arith.constant 0 : i32
      %dma_start3A_1175 = tpu.memref_slice %arg12[%dma_start3A_1173, %dma_start3A_1174] : memref<64x129xf32, #tpu.memory_space<vmem>> -> memref<8x128xf32, #tpu.memory_space<vmem>>
      tpu.enqueue_dma source(%dma_start3A_1175 : memref<8x128xf32, #tpu.memory_space<vmem>>) target(%dma_start3A_1172 : memref<8x128xf32, #tpu.memory_space<hbm>>) target_semaphore(%arg20 : memref<!tpu.dma_semaphore, #tpu.memory_space<semaphore_mem>>)
      %dma_start3A_1176 = arith.constant 4 : i32
      %dma_start3A_1177 = arith.constant 32 : i32
      %dma_start3A_1178 = arith.constant 0 : i32
      %dma_start3A_1179 = tpu.memref_slice %arg12[%dma_start3A_1177, %dma_start3A_1178] : memref<64x129xf32, #tpu.memory_space<vmem>> -> memref<8x128xf32, #tpu.memory_space<vmem>>
      %dma_start3A_1180 = arith.constant 0 : i32
      %dma_start3A_1181 = arith.constant 0 : i32
      %dma_start3A_1182 = tpu.memref_slice %arg4[%select_n3A_1099, %dma_start3A_1176, %select_n3A_1115, %dma_start3A_1180, %dma_start3A_1181] : memref<50x8x128x8x128xf32, #tpu.memory_space<hbm>> -> memref<1x1x1x8x128xf32, #tpu.memory_space<hbm>>
      %dma_start3A_1183 = tpu.memref_squeeze %dma_start3A_1182 : memref<1x1x1x8x128xf32, #tpu.memory_space<hbm>> -> memref<8x128xf32, #tpu.memory_space<hbm>>
      %dma_start3A_1184 = arith.constant 0 : i32
      %dma_start3A_1185 = arith.constant 0 : i32
      %dma_start3A_1186 = tpu.memref_slice %arg4[%select_n3A_1099, %dma_start3A_1176, %select_n3A_1115, %dma_start3A_1184, %dma_start3A_1185] : memref<50x8x128x8x128xf32, #tpu.memory_space<hbm>> -> memref<1x1x1x8x128xf32, #tpu.memory_space<hbm>>
      %dma_start3A_1187 = tpu.memref_squeeze %dma_start3A_1186 : memref<1x1x1x8x128xf32, #tpu.memory_space<hbm>> -> memref<8x128xf32, #tpu.memory_space<hbm>>
      %dma_start3A_1188 = arith.constant 32 : i32
      %dma_start3A_1189 = arith.constant 0 : i32
      %dma_start3A_1190 = tpu.memref_slice %arg12[%dma_start3A_1188, %dma_start3A_1189] : memref<64x129xf32, #tpu.memory_space<vmem>> -> memref<8x128xf32, #tpu.memory_space<vmem>>
      tpu.enqueue_dma source(%dma_start3A_1190 : memref<8x128xf32, #tpu.memory_space<vmem>>) target(%dma_start3A_1187 : memref<8x128xf32, #tpu.memory_space<hbm>>) target_semaphore(%arg20 : memref<!tpu.dma_semaphore, #tpu.memory_space<semaphore_mem>>)
      %dma_start3A_1191 = arith.constant 5 : i32
      %dma_start3A_1192 = arith.constant 40 : i32
      %dma_start3A_1193 = arith.constant 0 : i32
      %dma_start3A_1194 = tpu.memref_slice %arg12[%dma_start3A_1192, %dma_start3A_1193] : memref<64x129xf32, #tpu.memory_space<vmem>> -> memref<8x128xf32, #tpu.memory_space<vmem>>
      %dma_start3A_1195 = arith.constant 0 : i32
      %dma_start3A_1196 = arith.constant 0 : i32
      %dma_start3A_1197 = tpu.memref_slice %arg4[%select_n3A_1099, %dma_start3A_1191, %select_n3A_1115, %dma_start3A_1195, %dma_start3A_1196] : memref<50x8x128x8x128xf32, #tpu.memory_space<hbm>> -> memref<1x1x1x8x128xf32, #tpu.memory_space<hbm>>
      %dma_start3A_1198 = tpu.memref_squeeze %dma_start3A_1197 : memref<1x1x1x8x128xf32, #tpu.memory_space<hbm>> -> memref<8x128xf32, #tpu.memory_space<hbm>>
      %dma_start3A_1199 = arith.constant 0 : i32
      %dma_start3A_1200 = arith.constant 0 : i32
      %dma_start3A_1201 = tpu.memref_slice %arg4[%select_n3A_1099, %dma_start3A_1191, %select_n3A_1115, %dma_start3A_1199, %dma_start3A_1200] : memref<50x8x128x8x128xf32, #tpu.memory_space<hbm>> -> memref<1x1x1x8x128xf32, #tpu.memory_space<hbm>>
      %dma_start3A_1202 = tpu.memref_squeeze %dma_start3A_1201 : memref<1x1x1x8x128xf32, #tpu.memory_space<hbm>> -> memref<8x128xf32, #tpu.memory_space<hbm>>
      %dma_start3A_1203 = arith.constant 40 : i32
      %dma_start3A_1204 = arith.constant 0 : i32
      %dma_start3A_1205 = tpu.memref_slice %arg12[%dma_start3A_1203, %dma_start3A_1204] : memref<64x129xf32, #tpu.memory_space<vmem>> -> memref<8x128xf32, #tpu.memory_space<vmem>>
      tpu.enqueue_dma source(%dma_start3A_1205 : memref<8x128xf32, #tpu.memory_space<vmem>>) target(%dma_start3A_1202 : memref<8x128xf32, #tpu.memory_space<hbm>>) target_semaphore(%arg20 : memref<!tpu.dma_semaphore, #tpu.memory_space<semaphore_mem>>)
      %dma_start3A_1206 = arith.constant 6 : i32
      %dma_start3A_1207 = arith.constant 48 : i32
      %dma_start3A_1208 = arith.constant 0 : i32
      %dma_start3A_1209 = tpu.memref_slice %arg12[%dma_start3A_1207, %dma_start3A_1208] : memref<64x129xf32, #tpu.memory_space<vmem>> -> memref<8x128xf32, #tpu.memory_space<vmem>>
      %dma_start3A_1210 = arith.constant 0 : i32
      %dma_start3A_1211 = arith.constant 0 : i32
      %dma_start3A_1212 = tpu.memref_slice %arg4[%select_n3A_1099, %dma_start3A_1206, %select_n3A_1115, %dma_start3A_1210, %dma_start3A_1211] : memref<50x8x128x8x128xf32, #tpu.memory_space<hbm>> -> memref<1x1x1x8x128xf32, #tpu.memory_space<hbm>>
      %dma_start3A_1213 = tpu.memref_squeeze %dma_start3A_1212 : memref<1x1x1x8x128xf32, #tpu.memory_space<hbm>> -> memref<8x128xf32, #tpu.memory_space<hbm>>
      %dma_start3A_1214 = arith.constant 0 : i32
      %dma_start3A_1215 = arith.constant 0 : i32
      %dma_start3A_1216 = tpu.memref_slice %arg4[%select_n3A_1099, %dma_start3A_1206, %select_n3A_1115, %dma_start3A_1214, %dma_start3A_1215] : memref<50x8x128x8x128xf32, #tpu.memory_space<hbm>> -> memref<1x1x1x8x128xf32, #tpu.memory_space<hbm>>
      %dma_start3A_1217 = tpu.memref_squeeze %dma_start3A_1216 : memref<1x1x1x8x128xf32, #tpu.memory_space<hbm>> -> memref<8x128xf32, #tpu.memory_space<hbm>>
      %dma_start3A_1218 = arith.constant 48 : i32
      %dma_start3A_1219 = arith.constant 0 : i32
      %dma_start3A_1220 = tpu.memref_slice %arg12[%dma_start3A_1218, %dma_start3A_1219] : memref<64x129xf32, #tpu.memory_space<vmem>> -> memref<8x128xf32, #tpu.memory_space<vmem>>
      tpu.enqueue_dma source(%dma_start3A_1220 : memref<8x128xf32, #tpu.memory_space<vmem>>) target(%dma_start3A_1217 : memref<8x128xf32, #tpu.memory_space<hbm>>) target_semaphore(%arg20 : memref<!tpu.dma_semaphore, #tpu.memory_space<semaphore_mem>>)
      %dma_start3A_1221 = arith.constant 7 : i32
      %dma_start3A_1222 = arith.constant 56 : i32
      %dma_start3A_1223 = arith.constant 0 : i32
      %dma_start3A_1224 = tpu.memref_slice %arg12[%dma_start3A_1222, %dma_start3A_1223] : memref<64x129xf32, #tpu.memory_space<vmem>> -> memref<8x128xf32, #tpu.memory_space<vmem>>
      %dma_start3A_1225 = arith.constant 0 : i32
      %dma_start3A_1226 = arith.constant 0 : i32
      %dma_start3A_1227 = tpu.memref_slice %arg4[%select_n3A_1099, %dma_start3A_1221, %select_n3A_1115, %dma_start3A_1225, %dma_start3A_1226] : memref<50x8x128x8x128xf32, #tpu.memory_space<hbm>> -> memref<1x1x1x8x128xf32, #tpu.memory_space<hbm>>
      %dma_start3A_1228 = tpu.memref_squeeze %dma_start3A_1227 : memref<1x1x1x8x128xf32, #tpu.memory_space<hbm>> -> memref<8x128xf32, #tpu.memory_space<hbm>>
      %dma_start3A_1229 = arith.constant 0 : i32
      %dma_start3A_1230 = arith.constant 0 : i32
      %dma_start3A_1231 = tpu.memref_slice %arg4[%select_n3A_1099, %dma_start3A_1221, %select_n3A_1115, %dma_start3A_1229, %dma_start3A_1230] : memref<50x8x128x8x128xf32, #tpu.memory_space<hbm>> -> memref<1x1x1x8x128xf32, #tpu.memory_space<hbm>>
      %dma_start3A_1232 = tpu.memref_squeeze %dma_start3A_1231 : memref<1x1x1x8x128xf32, #tpu.memory_space<hbm>> -> memref<8x128xf32, #tpu.memory_space<hbm>>
      %dma_start3A_1233 = arith.constant 56 : i32
      %dma_start3A_1234 = arith.constant 0 : i32
      %dma_start3A_1235 = tpu.memref_slice %arg12[%dma_start3A_1233, %dma_start3A_1234] : memref<64x129xf32, #tpu.memory_space<vmem>> -> memref<8x128xf32, #tpu.memory_space<vmem>>
      tpu.enqueue_dma source(%dma_start3A_1235 : memref<8x128xf32, #tpu.memory_space<vmem>>) target(%dma_start3A_1232 : memref<8x128xf32, #tpu.memory_space<hbm>>) target_semaphore(%arg20 : memref<!tpu.dma_semaphore, #tpu.memory_space<semaphore_mem>>)
      %mul3A_1236 = arith.constant 4 : i32
      %mul3A_1237 = arith.muli %add3A_687, %mul3A_1236 : i32
      %add3A_1238 = arith.constant 3 : i32
      %add3A_1239 = arith.addi %mul3A_1237, %add3A_1238 : i32
      %dma_wait3A_1240 = arith.constant 0 : i32
      %dma_wait3A_1241 = tpu.memref_slice %arg5[%add3A_1239, %dma_wait3A_1240] : memref<200x128xi32, #tpu.memory_space<vmem>> -> memref<1x128xi32, #tpu.memory_space<vmem>>
      %dma_wait3A_1242 = tpu.memref_squeeze %dma_wait3A_1241 : memref<1x128xi32, #tpu.memory_space<vmem>> -> memref<128xi32, #tpu.memory_space<vmem>>
      %dma_wait3A_1243 = arith.constant 0 : i32
      %dma_wait3A_1244 = arith.constant 0 : i32
      %dma_wait3A_1245 = tpu.memref_slice %arg2[%dma_wait3A_1243, %dma_wait3A_1244] : memref<1000000x64xf32, #tpu.memory_space<hbm>> -> memref<1000000x64xf32, #tpu.memory_space<hbm>>
      tpu.wait_indirect_dma semaphore(%arg17 : memref<!tpu.dma_semaphore, #tpu.memory_space<semaphore_mem>>) src(%dma_wait3A_1245 : memref<1000000x64xf32, #tpu.memory_space<hbm>>) dst(%arg9 : memref<128x64xf32, #tpu.memory_space<vmem>>)
      %gt3A_1246 = arith.constant 0 : i32
      %gt3A_1247 = arith.cmpi sgt, %add3A_687, %gt3A_1246 : i32
      %convert_element_type3A_1248 = arith.extui %gt3A_1247 : i1 to i32
      %cond3A_1249 = arith.constant 0 : i32
      %cond3A_1250 = arith.cmpi ne, %convert_element_type3A_1248, %cond3A_1249 : i32
      scf.if %cond3A_1250 {
        %sub3A_1420 = arith.constant 4 : i32
        %sub3A_1421 = arith.subi %add3A_1239, %sub3A_1420 : i32
        %add3A_1422 = arith.addi %mul3A_2, %sub3A_1421 : i32
        %jit3A_1423 = arith.constant 128 : i32
        %div3A_1424 = arith.divsi %add3A_1422, %jit3A_1423 : i32
        %sign3A_1425 = arith.constant 0 : i32
        %sign3A_1426 = arith.cmpi sgt, %add3A_1422, %sign3A_1425 : i32
        %sign3A_1427 = arith.extui %sign3A_1426 : i1 to i32
        %sign3A_1428 = arith.constant 0 : i32
        %sign3A_1429 = arith.cmpi slt, %add3A_1422, %sign3A_1428 : i32
        %sign3A_1430 = arith.extui %sign3A_1429 : i1 to i32
        %sign3A_1431 = arith.subi %sign3A_1427, %sign3A_1430 : i32
        %sign3A_1432 = arith.constant 0 : i32
        %sign3A_1433 = arith.cmpi sgt, %jit3A_1423, %sign3A_1432 : i32
        %sign3A_1434 = arith.extui %sign3A_1433 : i1 to i32
        %sign3A_1435 = arith.constant 0 : i32
        %sign3A_1436 = arith.cmpi slt, %jit3A_1423, %sign3A_1435 : i32
        %sign3A_1437 = arith.extui %sign3A_1436 : i1 to i32
        %sign3A_1438 = arith.subi %sign3A_1434, %sign3A_1437 : i32
        %ne3A_1439 = arith.cmpi ne, %sign3A_1431, %sign3A_1438 : i32
        %rem3A_1440 = arith.remsi %add3A_1422, %jit3A_1423 : i32
        %ne3A_1441 = arith.constant 0 : i32
        %ne3A_1442 = arith.cmpi ne, %rem3A_1440, %ne3A_1441 : i32
        %and3A_1443 = arith.andi %ne3A_1439, %ne3A_1442 : i1
        %sub3A_1444 = arith.constant 1 : i32
        %sub3A_1445 = arith.subi %div3A_1424, %sub3A_1444 : i32
        %select_n3A_1446 = arith.select %and3A_1443, %sub3A_1445, %div3A_1424 : i32
        %jit3A_1447 = arith.constant 128 : i32
        %eq3A_1448 = arith.constant 0 : i32
        %eq3A_1449 = arith.cmpi eq, %jit3A_1447, %eq3A_1448 : i32
        %jit3A_1450 = arith.constant 1 : i32
        %select_n3A_1451 = arith.select %eq3A_1449, %jit3A_1450, %jit3A_1447 : i32
        %rem3A_1452 = arith.remsi %add3A_1422, %select_n3A_1451 : i32
        %ne3A_1453 = arith.constant 0 : i32
        %ne3A_1454 = arith.cmpi ne, %rem3A_1452, %ne3A_1453 : i32
        %lt3A_1455 = arith.constant 0 : i32
        %lt3A_1456 = arith.cmpi slt, %rem3A_1452, %lt3A_1455 : i32
        %lt3A_1457 = arith.constant 0 : i32
        %lt3A_1458 = arith.cmpi slt, %select_n3A_1451, %lt3A_1457 : i32
        %ne3A_1459 = arith.xori %lt3A_1456, %lt3A_1458 : i1
        %and3A_1460 = arith.andi %ne3A_1459, %ne3A_1454 : i1
        %add3A_1461 = arith.addi %rem3A_1452, %select_n3A_1451 : i32
        %select_n3A_1462 = arith.select %and3A_1460, %add3A_1461, %rem3A_1452 : i32
        %dma_wait3A_1463 = arith.constant 0 : i32
        %dma_wait3A_1464 = arith.constant 0 : i32
        %dma_wait3A_1465 = arith.constant 0 : i32
        %dma_wait3A_1466 = tpu.memref_slice %arg13[%dma_wait3A_1464, %dma_wait3A_1465] : memref<64x129xf32, #tpu.memory_space<vmem>> -> memref<8x128xf32, #tpu.memory_space<vmem>>
        %dma_wait3A_1467 = arith.constant 0 : i32
        %dma_wait3A_1468 = arith.constant 0 : i32
        %dma_wait3A_1469 = tpu.memref_slice %arg4[%select_n3A_1446, %dma_wait3A_1463, %select_n3A_1462, %dma_wait3A_1467, %dma_wait3A_1468] : memref<50x8x128x8x128xf32, #tpu.memory_space<hbm>> -> memref<1x1x1x8x128xf32, #tpu.memory_space<hbm>>
        %dma_wait3A_1470 = tpu.memref_squeeze %dma_wait3A_1469 : memref<1x1x1x8x128xf32, #tpu.memory_space<hbm>> -> memref<8x128xf32, #tpu.memory_space<hbm>>
        %dma_wait3A_1471 = arith.constant 0 : i32
        %dma_wait3A_1472 = arith.constant 0 : i32
        %dma_wait3A_1473 = tpu.memref_slice %arg4[%select_n3A_1446, %dma_wait3A_1463, %select_n3A_1462, %dma_wait3A_1471, %dma_wait3A_1472] : memref<50x8x128x8x128xf32, #tpu.memory_space<hbm>> -> memref<1x1x1x8x128xf32, #tpu.memory_space<hbm>>
        %dma_wait3A_1474 = tpu.memref_squeeze %dma_wait3A_1473 : memref<1x1x1x8x128xf32, #tpu.memory_space<hbm>> -> memref<8x128xf32, #tpu.memory_space<hbm>>
        %dma_wait3A_1475 = arith.constant 0 : i32
        %dma_wait3A_1476 = arith.constant 0 : i32
        %dma_wait3A_1477 = tpu.memref_slice %arg13[%dma_wait3A_1475, %dma_wait3A_1476] : memref<64x129xf32, #tpu.memory_space<vmem>> -> memref<8x128xf32, #tpu.memory_space<vmem>>
        tpu.wait_dma2 semaphore(%arg21 : memref<!tpu.dma_semaphore, #tpu.memory_space<semaphore_mem>>) src(%dma_wait3A_1477 : memref<8x128xf32, #tpu.memory_space<vmem>>) dst(%dma_wait3A_1474 : memref<8x128xf32, #tpu.memory_space<hbm>>)
        %dma_wait3A_1478 = arith.constant 1 : i32
        %dma_wait3A_1479 = arith.constant 8 : i32
        %dma_wait3A_1480 = arith.constant 0 : i32
        %dma_wait3A_1481 = tpu.memref_slice %arg13[%dma_wait3A_1479, %dma_wait3A_1480] : memref<64x129xf32, #tpu.memory_space<vmem>> -> memref<8x128xf32, #tpu.memory_space<vmem>>
        %dma_wait3A_1482 = arith.constant 0 : i32
        %dma_wait3A_1483 = arith.constant 0 : i32
        %dma_wait3A_1484 = tpu.memref_slice %arg4[%select_n3A_1446, %dma_wait3A_1478, %select_n3A_1462, %dma_wait3A_1482, %dma_wait3A_1483] : memref<50x8x128x8x128xf32, #tpu.memory_space<hbm>> -> memref<1x1x1x8x128xf32, #tpu.memory_space<hbm>>
        %dma_wait3A_1485 = tpu.memref_squeeze %dma_wait3A_1484 : memref<1x1x1x8x128xf32, #tpu.memory_space<hbm>> -> memref<8x128xf32, #tpu.memory_space<hbm>>
        %dma_wait3A_1486 = arith.constant 0 : i32
        %dma_wait3A_1487 = arith.constant 0 : i32
        %dma_wait3A_1488 = tpu.memref_slice %arg4[%select_n3A_1446, %dma_wait3A_1478, %select_n3A_1462, %dma_wait3A_1486, %dma_wait3A_1487] : memref<50x8x128x8x128xf32, #tpu.memory_space<hbm>> -> memref<1x1x1x8x128xf32, #tpu.memory_space<hbm>>
        %dma_wait3A_1489 = tpu.memref_squeeze %dma_wait3A_1488 : memref<1x1x1x8x128xf32, #tpu.memory_space<hbm>> -> memref<8x128xf32, #tpu.memory_space<hbm>>
        %dma_wait3A_1490 = arith.constant 8 : i32
        %dma_wait3A_1491 = arith.constant 0 : i32
        %dma_wait3A_1492 = tpu.memref_slice %arg13[%dma_wait3A_1490, %dma_wait3A_1491] : memref<64x129xf32, #tpu.memory_space<vmem>> -> memref<8x128xf32, #tpu.memory_space<vmem>>
        tpu.wait_dma2 semaphore(%arg21 : memref<!tpu.dma_semaphore, #tpu.memory_space<semaphore_mem>>) src(%dma_wait3A_1492 : memref<8x128xf32, #tpu.memory_space<vmem>>) dst(%dma_wait3A_1489 : memref<8x128xf32, #tpu.memory_space<hbm>>)
        %dma_wait3A_1493 = arith.constant 2 : i32
        %dma_wait3A_1494 = arith.constant 16 : i32
        %dma_wait3A_1495 = arith.constant 0 : i32
        %dma_wait3A_1496 = tpu.memref_slice %arg13[%dma_wait3A_1494, %dma_wait3A_1495] : memref<64x129xf32, #tpu.memory_space<vmem>> -> memref<8x128xf32, #tpu.memory_space<vmem>>
        %dma_wait3A_1497 = arith.constant 0 : i32
        %dma_wait3A_1498 = arith.constant 0 : i32
        %dma_wait3A_1499 = tpu.memref_slice %arg4[%select_n3A_1446, %dma_wait3A_1493, %select_n3A_1462, %dma_wait3A_1497, %dma_wait3A_1498] : memref<50x8x128x8x128xf32, #tpu.memory_space<hbm>> -> memref<1x1x1x8x128xf32, #tpu.memory_space<hbm>>
        %dma_wait3A_1500 = tpu.memref_squeeze %dma_wait3A_1499 : memref<1x1x1x8x128xf32, #tpu.memory_space<hbm>> -> memref<8x128xf32, #tpu.memory_space<hbm>>
        %dma_wait3A_1501 = arith.constant 0 : i32
        %dma_wait3A_1502 = arith.constant 0 : i32
        %dma_wait3A_1503 = tpu.memref_slice %arg4[%select_n3A_1446, %dma_wait3A_1493, %select_n3A_1462, %dma_wait3A_1501, %dma_wait3A_1502] : memref<50x8x128x8x128xf32, #tpu.memory_space<hbm>> -> memref<1x1x1x8x128xf32, #tpu.memory_space<hbm>>
        %dma_wait3A_1504 = tpu.memref_squeeze %dma_wait3A_1503 : memref<1x1x1x8x128xf32, #tpu.memory_space<hbm>> -> memref<8x128xf32, #tpu.memory_space<hbm>>
        %dma_wait3A_1505 = arith.constant 16 : i32
        %dma_wait3A_1506 = arith.constant 0 : i32
        %dma_wait3A_1507 = tpu.memref_slice %arg13[%dma_wait3A_1505, %dma_wait3A_1506] : memref<64x129xf32, #tpu.memory_space<vmem>> -> memref<8x128xf32, #tpu.memory_space<vmem>>
        tpu.wait_dma2 semaphore(%arg21 : memref<!tpu.dma_semaphore, #tpu.memory_space<semaphore_mem>>) src(%dma_wait3A_1507 : memref<8x128xf32, #tpu.memory_space<vmem>>) dst(%dma_wait3A_1504 : memref<8x128xf32, #tpu.memory_space<hbm>>)
        %dma_wait3A_1508 = arith.constant 3 : i32
        %dma_wait3A_1509 = arith.constant 24 : i32
        %dma_wait3A_1510 = arith.constant 0 : i32
        %dma_wait3A_1511 = tpu.memref_slice %arg13[%dma_wait3A_1509, %dma_wait3A_1510] : memref<64x129xf32, #tpu.memory_space<vmem>> -> memref<8x128xf32, #tpu.memory_space<vmem>>
        %dma_wait3A_1512 = arith.constant 0 : i32
        %dma_wait3A_1513 = arith.constant 0 : i32
        %dma_wait3A_1514 = tpu.memref_slice %arg4[%select_n3A_1446, %dma_wait3A_1508, %select_n3A_1462, %dma_wait3A_1512, %dma_wait3A_1513] : memref<50x8x128x8x128xf32, #tpu.memory_space<hbm>> -> memref<1x1x1x8x128xf32, #tpu.memory_space<hbm>>
        %dma_wait3A_1515 = tpu.memref_squeeze %dma_wait3A_1514 : memref<1x1x1x8x128xf32, #tpu.memory_space<hbm>> -> memref<8x128xf32, #tpu.memory_space<hbm>>
        %dma_wait3A_1516 = arith.constant 0 : i32
        %dma_wait3A_1517 = arith.constant 0 : i32
        %dma_wait3A_1518 = tpu.memref_slice %arg4[%select_n3A_1446, %dma_wait3A_1508, %select_n3A_1462, %dma_wait3A_1516, %dma_wait3A_1517] : memref<50x8x128x8x128xf32, #tpu.memory_space<hbm>> -> memref<1x1x1x8x128xf32, #tpu.memory_space<hbm>>
        %dma_wait3A_1519 = tpu.memref_squeeze %dma_wait3A_1518 : memref<1x1x1x8x128xf32, #tpu.memory_space<hbm>> -> memref<8x128xf32, #tpu.memory_space<hbm>>
        %dma_wait3A_1520 = arith.constant 24 : i32
        %dma_wait3A_1521 = arith.constant 0 : i32
        %dma_wait3A_1522 = tpu.memref_slice %arg13[%dma_wait3A_1520, %dma_wait3A_1521] : memref<64x129xf32, #tpu.memory_space<vmem>> -> memref<8x128xf32, #tpu.memory_space<vmem>>
        tpu.wait_dma2 semaphore(%arg21 : memref<!tpu.dma_semaphore, #tpu.memory_space<semaphore_mem>>) src(%dma_wait3A_1522 : memref<8x128xf32, #tpu.memory_space<vmem>>) dst(%dma_wait3A_1519 : memref<8x128xf32, #tpu.memory_space<hbm>>)
        %dma_wait3A_1523 = arith.constant 4 : i32
        %dma_wait3A_1524 = arith.constant 32 : i32
        %dma_wait3A_1525 = arith.constant 0 : i32
        %dma_wait3A_1526 = tpu.memref_slice %arg13[%dma_wait3A_1524, %dma_wait3A_1525] : memref<64x129xf32, #tpu.memory_space<vmem>> -> memref<8x128xf32, #tpu.memory_space<vmem>>
        %dma_wait3A_1527 = arith.constant 0 : i32
        %dma_wait3A_1528 = arith.constant 0 : i32
        %dma_wait3A_1529 = tpu.memref_slice %arg4[%select_n3A_1446, %dma_wait3A_1523, %select_n3A_1462, %dma_wait3A_1527, %dma_wait3A_1528] : memref<50x8x128x8x128xf32, #tpu.memory_space<hbm>> -> memref<1x1x1x8x128xf32, #tpu.memory_space<hbm>>
        %dma_wait3A_1530 = tpu.memref_squeeze %dma_wait3A_1529 : memref<1x1x1x8x128xf32, #tpu.memory_space<hbm>> -> memref<8x128xf32, #tpu.memory_space<hbm>>
        %dma_wait3A_1531 = arith.constant 0 : i32
        %dma_wait3A_1532 = arith.constant 0 : i32
        %dma_wait3A_1533 = tpu.memref_slice %arg4[%select_n3A_1446, %dma_wait3A_1523, %select_n3A_1462, %dma_wait3A_1531, %dma_wait3A_1532] : memref<50x8x128x8x128xf32, #tpu.memory_space<hbm>> -> memref<1x1x1x8x128xf32, #tpu.memory_space<hbm>>
        %dma_wait3A_1534 = tpu.memref_squeeze %dma_wait3A_1533 : memref<1x1x1x8x128xf32, #tpu.memory_space<hbm>> -> memref<8x128xf32, #tpu.memory_space<hbm>>
        %dma_wait3A_1535 = arith.constant 32 : i32
        %dma_wait3A_1536 = arith.constant 0 : i32
        %dma_wait3A_1537 = tpu.memref_slice %arg13[%dma_wait3A_1535, %dma_wait3A_1536] : memref<64x129xf32, #tpu.memory_space<vmem>> -> memref<8x128xf32, #tpu.memory_space<vmem>>
        tpu.wait_dma2 semaphore(%arg21 : memref<!tpu.dma_semaphore, #tpu.memory_space<semaphore_mem>>) src(%dma_wait3A_1537 : memref<8x128xf32, #tpu.memory_space<vmem>>) dst(%dma_wait3A_1534 : memref<8x128xf32, #tpu.memory_space<hbm>>)
        %dma_wait3A_1538 = arith.constant 5 : i32
        %dma_wait3A_1539 = arith.constant 40 : i32
        %dma_wait3A_1540 = arith.constant 0 : i32
        %dma_wait3A_1541 = tpu.memref_slice %arg13[%dma_wait3A_1539, %dma_wait3A_1540] : memref<64x129xf32, #tpu.memory_space<vmem>> -> memref<8x128xf32, #tpu.memory_space<vmem>>
        %dma_wait3A_1542 = arith.constant 0 : i32
        %dma_wait3A_1543 = arith.constant 0 : i32
        %dma_wait3A_1544 = tpu.memref_slice %arg4[%select_n3A_1446, %dma_wait3A_1538, %select_n3A_1462, %dma_wait3A_1542, %dma_wait3A_1543] : memref<50x8x128x8x128xf32, #tpu.memory_space<hbm>> -> memref<1x1x1x8x128xf32, #tpu.memory_space<hbm>>
        %dma_wait3A_1545 = tpu.memref_squeeze %dma_wait3A_1544 : memref<1x1x1x8x128xf32, #tpu.memory_space<hbm>> -> memref<8x128xf32, #tpu.memory_space<hbm>>
        %dma_wait3A_1546 = arith.constant 0 : i32
        %dma_wait3A_1547 = arith.constant 0 : i32
        %dma_wait3A_1548 = tpu.memref_slice %arg4[%select_n3A_1446, %dma_wait3A_1538, %select_n3A_1462, %dma_wait3A_1546, %dma_wait3A_1547] : memref<50x8x128x8x128xf32, #tpu.memory_space<hbm>> -> memref<1x1x1x8x128xf32, #tpu.memory_space<hbm>>
        %dma_wait3A_1549 = tpu.memref_squeeze %dma_wait3A_1548 : memref<1x1x1x8x128xf32, #tpu.memory_space<hbm>> -> memref<8x128xf32, #tpu.memory_space<hbm>>
        %dma_wait3A_1550 = arith.constant 40 : i32
        %dma_wait3A_1551 = arith.constant 0 : i32
        %dma_wait3A_1552 = tpu.memref_slice %arg13[%dma_wait3A_1550, %dma_wait3A_1551] : memref<64x129xf32, #tpu.memory_space<vmem>> -> memref<8x128xf32, #tpu.memory_space<vmem>>
        tpu.wait_dma2 semaphore(%arg21 : memref<!tpu.dma_semaphore, #tpu.memory_space<semaphore_mem>>) src(%dma_wait3A_1552 : memref<8x128xf32, #tpu.memory_space<vmem>>) dst(%dma_wait3A_1549 : memref<8x128xf32, #tpu.memory_space<hbm>>)
        %dma_wait3A_1553 = arith.constant 6 : i32
        %dma_wait3A_1554 = arith.constant 48 : i32
        %dma_wait3A_1555 = arith.constant 0 : i32
        %dma_wait3A_1556 = tpu.memref_slice %arg13[%dma_wait3A_1554, %dma_wait3A_1555] : memref<64x129xf32, #tpu.memory_space<vmem>> -> memref<8x128xf32, #tpu.memory_space<vmem>>
        %dma_wait3A_1557 = arith.constant 0 : i32
        %dma_wait3A_1558 = arith.constant 0 : i32
        %dma_wait3A_1559 = tpu.memref_slice %arg4[%select_n3A_1446, %dma_wait3A_1553, %select_n3A_1462, %dma_wait3A_1557, %dma_wait3A_1558] : memref<50x8x128x8x128xf32, #tpu.memory_space<hbm>> -> memref<1x1x1x8x128xf32, #tpu.memory_space<hbm>>
        %dma_wait3A_1560 = tpu.memref_squeeze %dma_wait3A_1559 : memref<1x1x1x8x128xf32, #tpu.memory_space<hbm>> -> memref<8x128xf32, #tpu.memory_space<hbm>>
        %dma_wait3A_1561 = arith.constant 0 : i32
        %dma_wait3A_1562 = arith.constant 0 : i32
        %dma_wait3A_1563 = tpu.memref_slice %arg4[%select_n3A_1446, %dma_wait3A_1553, %select_n3A_1462, %dma_wait3A_1561, %dma_wait3A_1562] : memref<50x8x128x8x128xf32, #tpu.memory_space<hbm>> -> memref<1x1x1x8x128xf32, #tpu.memory_space<hbm>>
        %dma_wait3A_1564 = tpu.memref_squeeze %dma_wait3A_1563 : memref<1x1x1x8x128xf32, #tpu.memory_space<hbm>> -> memref<8x128xf32, #tpu.memory_space<hbm>>
        %dma_wait3A_1565 = arith.constant 48 : i32
        %dma_wait3A_1566 = arith.constant 0 : i32
        %dma_wait3A_1567 = tpu.memref_slice %arg13[%dma_wait3A_1565, %dma_wait3A_1566] : memref<64x129xf32, #tpu.memory_space<vmem>> -> memref<8x128xf32, #tpu.memory_space<vmem>>
        tpu.wait_dma2 semaphore(%arg21 : memref<!tpu.dma_semaphore, #tpu.memory_space<semaphore_mem>>) src(%dma_wait3A_1567 : memref<8x128xf32, #tpu.memory_space<vmem>>) dst(%dma_wait3A_1564 : memref<8x128xf32, #tpu.memory_space<hbm>>)
        %dma_wait3A_1568 = arith.constant 7 : i32
        %dma_wait3A_1569 = arith.constant 56 : i32
        %dma_wait3A_1570 = arith.constant 0 : i32
        %dma_wait3A_1571 = tpu.memref_slice %arg13[%dma_wait3A_1569, %dma_wait3A_1570] : memref<64x129xf32, #tpu.memory_space<vmem>> -> memref<8x128xf32, #tpu.memory_space<vmem>>
        %dma_wait3A_1572 = arith.constant 0 : i32
        %dma_wait3A_1573 = arith.constant 0 : i32
        %dma_wait3A_1574 = tpu.memref_slice %arg4[%select_n3A_1446, %dma_wait3A_1568, %select_n3A_1462, %dma_wait3A_1572, %dma_wait3A_1573] : memref<50x8x128x8x128xf32, #tpu.memory_space<hbm>> -> memref<1x1x1x8x128xf32, #tpu.memory_space<hbm>>
        %dma_wait3A_1575 = tpu.memref_squeeze %dma_wait3A_1574 : memref<1x1x1x8x128xf32, #tpu.memory_space<hbm>> -> memref<8x128xf32, #tpu.memory_space<hbm>>
        %dma_wait3A_1576 = arith.constant 0 : i32
        %dma_wait3A_1577 = arith.constant 0 : i32
        %dma_wait3A_1578 = tpu.memref_slice %arg4[%select_n3A_1446, %dma_wait3A_1568, %select_n3A_1462, %dma_wait3A_1576, %dma_wait3A_1577] : memref<50x8x128x8x128xf32, #tpu.memory_space<hbm>> -> memref<1x1x1x8x128xf32, #tpu.memory_space<hbm>>
        %dma_wait3A_1579 = tpu.memref_squeeze %dma_wait3A_1578 : memref<1x1x1x8x128xf32, #tpu.memory_space<hbm>> -> memref<8x128xf32, #tpu.memory_space<hbm>>
        %dma_wait3A_1580 = arith.constant 56 : i32
        %dma_wait3A_1581 = arith.constant 0 : i32
        %dma_wait3A_1582 = tpu.memref_slice %arg13[%dma_wait3A_1580, %dma_wait3A_1581] : memref<64x129xf32, #tpu.memory_space<vmem>> -> memref<8x128xf32, #tpu.memory_space<vmem>>
        tpu.wait_dma2 semaphore(%arg21 : memref<!tpu.dma_semaphore, #tpu.memory_space<semaphore_mem>>) src(%dma_wait3A_1582 : memref<8x128xf32, #tpu.memory_space<vmem>>) dst(%dma_wait3A_1579 : memref<8x128xf32, #tpu.memory_space<hbm>>)
      } else {
      }
      %parallel_loop3A_1251 = arith.constant 0 : i32
      %parallel_loop3A_1252 = arith.constant 128 : i32
      %parallel_loop3A_1253 = arith.constant 1 : i32
      scf.for %parallel_loop3A_1420 = %parallel_loop3A_1251 to %parallel_loop3A_1252 step %parallel_loop3A_1253  : i32 {
        %parallel_loop3A_1421 = vector.broadcast %parallel_loop3A_1420 : i32 to vector<16xi32>
        %parallel_loop3A_1422 = arith.index_cast %parallel_loop3A_1420 : i32 to index
        %parallel_loop3A_1423 = arith.constant 0 : index
        %parallel_loop3A_1424 = tpu.vector_load %arg9[%parallel_loop3A_1422, %parallel_loop3A_1423] {strides = array<i32>} : memref<128x64xf32, #tpu.memory_space<vmem>>, vector<16xf32>,
        tpu.vector_store_idx %arg13[%add3A_5, %parallel_loop3A_1421], %parallel_loop3A_1424 : memref<64x129xf32, #tpu.memory_space<vmem>>[vector<16xi32>, vector<16xi32>], vector<16xf32>,
        %parallel_loop3A_1425 = arith.index_cast %parallel_loop3A_1420 : i32 to index
        %parallel_loop3A_1426 = arith.constant 16 : index
        %parallel_loop3A_1427 = tpu.vector_load %arg9[%parallel_loop3A_1425, %parallel_loop3A_1426] {strides = array<i32>} : memref<128x64xf32, #tpu.memory_space<vmem>>, vector<16xf32>,
        tpu.vector_store_idx %arg13[%add3A_8, %parallel_loop3A_1421], %parallel_loop3A_1427 : memref<64x129xf32, #tpu.memory_space<vmem>>[vector<16xi32>, vector<16xi32>], vector<16xf32>,
        %parallel_loop3A_1428 = arith.index_cast %parallel_loop3A_1420 : i32 to index
        %parallel_loop3A_1429 = arith.constant 32 : index
        %parallel_loop3A_1430 = tpu.vector_load %arg9[%parallel_loop3A_1428, %parallel_loop3A_1429] {strides = array<i32>} : memref<128x64xf32, #tpu.memory_space<vmem>>, vector<16xf32>,
        tpu.vector_store_idx %arg13[%add3A_11, %parallel_loop3A_1421], %parallel_loop3A_1430 : memref<64x129xf32, #tpu.memory_space<vmem>>[vector<16xi32>, vector<16xi32>], vector<16xf32>,
        %parallel_loop3A_1431 = arith.index_cast %parallel_loop3A_1420 : i32 to index
        %parallel_loop3A_1432 = arith.constant 48 : index
        %parallel_loop3A_1433 = tpu.vector_load %arg9[%parallel_loop3A_1431, %parallel_loop3A_1432] {strides = array<i32>} : memref<128x64xf32, #tpu.memory_space<vmem>>, vector<16xf32>,
        tpu.vector_store_idx %arg13[%add3A_14, %parallel_loop3A_1421], %parallel_loop3A_1433 : memref<64x129xf32, #tpu.memory_space<vmem>>[vector<16xi32>, vector<16xi32>], vector<16xf32>,
      } {sc.loop_unroll_factor = 8 : i64, sc.parallel_access}
      %lt3A_1254 = arith.constant 49 : i32
      %lt3A_1255 = arith.cmpi slt, %add3A_687, %lt3A_1254 : i32
      %convert_element_type3A_1256 = arith.extui %lt3A_1255 : i1 to i32
      %cond3A_1257 = arith.constant 0 : i32
      %cond3A_1258 = arith.cmpi ne, %convert_element_type3A_1256, %cond3A_1257 : i32
      scf.if %cond3A_1258 {
        %add3A_1420 = arith.constant 4 : i32
        %add3A_1421 = arith.addi %add3A_1239, %add3A_1420 : i32
        %dma_start3A_1422 = arith.constant 0 : i32
        %dma_start3A_1423 = tpu.memref_slice %arg5[%add3A_1421, %dma_start3A_1422] : memref<200x128xi32, #tpu.memory_space<vmem>> -> memref<1x128xi32, #tpu.memory_space<vmem>>
        %dma_start3A_1424 = tpu.memref_squeeze %dma_start3A_1423 : memref<1x128xi32, #tpu.memory_space<vmem>> -> memref<128xi32, #tpu.memory_space<vmem>>
        %dma_start3A_1425 = arith.constant 0 : i32
        %dma_start3A_1426 = arith.constant 0 : i32
        %dma_start3A_1427 = tpu.memref_slice %arg2[%dma_start3A_1425, %dma_start3A_1426] : memref<1000000x64xf32, #tpu.memory_space<hbm>> -> memref<1000000x64xf32, #tpu.memory_space<hbm>>
        tpu.enqueue_indirect_dma source(%dma_start3A_1427 : memref<1000000x64xf32, #tpu.memory_space<hbm>>) target(%arg9 : memref<128x64xf32, #tpu.memory_space<vmem>>) offsets(%dma_start3A_1424 : memref<128xi32, #tpu.memory_space<vmem>>) semaphore(%arg17 : memref<!tpu.dma_semaphore, #tpu.memory_space<semaphore_mem>>)
      } else {
      }
      %add3A_1259 = arith.addi %mul3A_2, %add3A_1239 : i32
      %jit3A_1260 = arith.constant 128 : i32
      %div3A_1261 = arith.divsi %add3A_1259, %jit3A_1260 : i32
      %sign3A_1262 = arith.constant 0 : i32
      %sign3A_1263 = arith.cmpi sgt, %add3A_1259, %sign3A_1262 : i32
      %sign3A_1264 = arith.extui %sign3A_1263 : i1 to i32
      %sign3A_1265 = arith.constant 0 : i32
      %sign3A_1266 = arith.cmpi slt, %add3A_1259, %sign3A_1265 : i32
      %sign3A_1267 = arith.extui %sign3A_1266 : i1 to i32
      %sign3A_1268 = arith.subi %sign3A_1264, %sign3A_1267 : i32
      %sign3A_1269 = arith.constant 0 : i32
      %sign3A_1270 = arith.cmpi sgt, %jit3A_1260, %sign3A_1269 : i32
      %sign3A_1271 = arith.extui %sign3A_1270 : i1 to i32
      %sign3A_1272 = arith.constant 0 : i32
      %sign3A_1273 = arith.cmpi slt, %jit3A_1260, %sign3A_1272 : i32
      %sign3A_1274 = arith.extui %sign3A_1273 : i1 to i32
      %sign3A_1275 = arith.subi %sign3A_1271, %sign3A_1274 : i32
      %ne3A_1276 = arith.cmpi ne, %sign3A_1268, %sign3A_1275 : i32
      %rem3A_1277 = arith.remsi %add3A_1259, %jit3A_1260 : i32
      %ne3A_1278 = arith.constant 0 : i32
      %ne3A_1279 = arith.cmpi ne, %rem3A_1277, %ne3A_1278 : i32
      %and3A_1280 = arith.andi %ne3A_1276, %ne3A_1279 : i1
      %sub3A_1281 = arith.constant 1 : i32
      %sub3A_1282 = arith.subi %div3A_1261, %sub3A_1281 : i32
      %select_n3A_1283 = arith.select %and3A_1280, %sub3A_1282, %div3A_1261 : i32
      %jit3A_1284 = arith.constant 128 : i32
      %eq3A_1285 = arith.constant 0 : i32
      %eq3A_1286 = arith.cmpi eq, %jit3A_1284, %eq3A_1285 : i32
      %jit3A_1287 = arith.constant 1 : i32
      %select_n3A_1288 = arith.select %eq3A_1286, %jit3A_1287, %jit3A_1284 : i32
      %rem3A_1289 = arith.remsi %add3A_1259, %select_n3A_1288 : i32
      %ne3A_1290 = arith.constant 0 : i32
      %ne3A_1291 = arith.cmpi ne, %rem3A_1289, %ne3A_1290 : i32
      %lt3A_1292 = arith.constant 0 : i32
      %lt3A_1293 = arith.cmpi slt, %rem3A_1289, %lt3A_1292 : i32
      %lt3A_1294 = arith.constant 0 : i32
      %lt3A_1295 = arith.cmpi slt, %select_n3A_1288, %lt3A_1294 : i32
      %ne3A_1296 = arith.xori %lt3A_1293, %lt3A_1295 : i1
      %and3A_1297 = arith.andi %ne3A_1296, %ne3A_1291 : i1
      %add3A_1298 = arith.addi %rem3A_1289, %select_n3A_1288 : i32
      %select_n3A_1299 = arith.select %and3A_1297, %add3A_1298, %rem3A_1289 : i32
      %dma_start3A_1300 = arith.constant 0 : i32
      %dma_start3A_1301 = arith.constant 0 : i32
      %dma_start3A_1302 = arith.constant 0 : i32
      %dma_start3A_1303 = tpu.memref_slice %arg13[%dma_start3A_1301, %dma_start3A_1302] : memref<64x129xf32, #tpu.memory_space<vmem>> -> memref<8x128xf32, #tpu.memory_space<vmem>>
      %dma_start3A_1304 = arith.constant 0 : i32
      %dma_start3A_1305 = arith.constant 0 : i32
      %dma_start3A_1306 = tpu.memref_slice %arg4[%select_n3A_1283, %dma_start3A_1300, %select_n3A_1299, %dma_start3A_1304, %dma_start3A_1305] : memref<50x8x128x8x128xf32, #tpu.memory_space<hbm>> -> memref<1x1x1x8x128xf32, #tpu.memory_space<hbm>>
      %dma_start3A_1307 = tpu.memref_squeeze %dma_start3A_1306 : memref<1x1x1x8x128xf32, #tpu.memory_space<hbm>> -> memref<8x128xf32, #tpu.memory_space<hbm>>
      %dma_start3A_1308 = arith.constant 0 : i32
      %dma_start3A_1309 = arith.constant 0 : i32
      %dma_start3A_1310 = tpu.memref_slice %arg4[%select_n3A_1283, %dma_start3A_1300, %select_n3A_1299, %dma_start3A_1308, %dma_start3A_1309] : memref<50x8x128x8x128xf32, #tpu.memory_space<hbm>> -> memref<1x1x1x8x128xf32, #tpu.memory_space<hbm>>
      %dma_start3A_1311 = tpu.memref_squeeze %dma_start3A_1310 : memref<1x1x1x8x128xf32, #tpu.memory_space<hbm>> -> memref<8x128xf32, #tpu.memory_space<hbm>>
      %dma_start3A_1312 = arith.constant 0 : i32
      %dma_start3A_1313 = arith.constant 0 : i32
      %dma_start3A_1314 = tpu.memref_slice %arg13[%dma_start3A_1312, %dma_start3A_1313] : memref<64x129xf32, #tpu.memory_space<vmem>> -> memref<8x128xf32, #tpu.memory_space<vmem>>
      tpu.enqueue_dma source(%dma_start3A_1314 : memref<8x128xf32, #tpu.memory_space<vmem>>) target(%dma_start3A_1311 : memref<8x128xf32, #tpu.memory_space<hbm>>) target_semaphore(%arg21 : memref<!tpu.dma_semaphore, #tpu.memory_space<semaphore_mem>>)
      %dma_start3A_1315 = arith.constant 1 : i32
      %dma_start3A_1316 = arith.constant 8 : i32
      %dma_start3A_1317 = arith.constant 0 : i32
      %dma_start3A_1318 = tpu.memref_slice %arg13[%dma_start3A_1316, %dma_start3A_1317] : memref<64x129xf32, #tpu.memory_space<vmem>> -> memref<8x128xf32, #tpu.memory_space<vmem>>
      %dma_start3A_1319 = arith.constant 0 : i32
      %dma_start3A_1320 = arith.constant 0 : i32
      %dma_start3A_1321 = tpu.memref_slice %arg4[%select_n3A_1283, %dma_start3A_1315, %select_n3A_1299, %dma_start3A_1319, %dma_start3A_1320] : memref<50x8x128x8x128xf32, #tpu.memory_space<hbm>> -> memref<1x1x1x8x128xf32, #tpu.memory_space<hbm>>
      %dma_start3A_1322 = tpu.memref_squeeze %dma_start3A_1321 : memref<1x1x1x8x128xf32, #tpu.memory_space<hbm>> -> memref<8x128xf32, #tpu.memory_space<hbm>>
      %dma_start3A_1323 = arith.constant 0 : i32
      %dma_start3A_1324 = arith.constant 0 : i32
      %dma_start3A_1325 = tpu.memref_slice %arg4[%select_n3A_1283, %dma_start3A_1315, %select_n3A_1299, %dma_start3A_1323, %dma_start3A_1324] : memref<50x8x128x8x128xf32, #tpu.memory_space<hbm>> -> memref<1x1x1x8x128xf32, #tpu.memory_space<hbm>>
      %dma_start3A_1326 = tpu.memref_squeeze %dma_start3A_1325 : memref<1x1x1x8x128xf32, #tpu.memory_space<hbm>> -> memref<8x128xf32, #tpu.memory_space<hbm>>
      %dma_start3A_1327 = arith.constant 8 : i32
      %dma_start3A_1328 = arith.constant 0 : i32
      %dma_start3A_1329 = tpu.memref_slice %arg13[%dma_start3A_1327, %dma_start3A_1328] : memref<64x129xf32, #tpu.memory_space<vmem>> -> memref<8x128xf32, #tpu.memory_space<vmem>>
      tpu.enqueue_dma source(%dma_start3A_1329 : memref<8x128xf32, #tpu.memory_space<vmem>>) target(%dma_start3A_1326 : memref<8x128xf32, #tpu.memory_space<hbm>>) target_semaphore(%arg21 : memref<!tpu.dma_semaphore, #tpu.memory_space<semaphore_mem>>)
      %dma_start3A_1330 = arith.constant 2 : i32
      %dma_start3A_1331 = arith.constant 16 : i32
      %dma_start3A_1332 = arith.constant 0 : i32
      %dma_start3A_1333 = tpu.memref_slice %arg13[%dma_start3A_1331, %dma_start3A_1332] : memref<64x129xf32, #tpu.memory_space<vmem>> -> memref<8x128xf32, #tpu.memory_space<vmem>>
      %dma_start3A_1334 = arith.constant 0 : i32
      %dma_start3A_1335 = arith.constant 0 : i32
      %dma_start3A_1336 = tpu.memref_slice %arg4[%select_n3A_1283, %dma_start3A_1330, %select_n3A_1299, %dma_start3A_1334, %dma_start3A_1335] : memref<50x8x128x8x128xf32, #tpu.memory_space<hbm>> -> memref<1x1x1x8x128xf32, #tpu.memory_space<hbm>>
      %dma_start3A_1337 = tpu.memref_squeeze %dma_start3A_1336 : memref<1x1x1x8x128xf32, #tpu.memory_space<hbm>> -> memref<8x128xf32, #tpu.memory_space<hbm>>
      %dma_start3A_1338 = arith.constant 0 : i32
      %dma_start3A_1339 = arith.constant 0 : i32
      %dma_start3A_1340 = tpu.memref_slice %arg4[%select_n3A_1283, %dma_start3A_1330, %select_n3A_1299, %dma_start3A_1338, %dma_start3A_1339] : memref<50x8x128x8x128xf32, #tpu.memory_space<hbm>> -> memref<1x1x1x8x128xf32, #tpu.memory_space<hbm>>
      %dma_start3A_1341 = tpu.memref_squeeze %dma_start3A_1340 : memref<1x1x1x8x128xf32, #tpu.memory_space<hbm>> -> memref<8x128xf32, #tpu.memory_space<hbm>>
      %dma_start3A_1342 = arith.constant 16 : i32
      %dma_start3A_1343 = arith.constant 0 : i32
      %dma_start3A_1344 = tpu.memref_slice %arg13[%dma_start3A_1342, %dma_start3A_1343] : memref<64x129xf32, #tpu.memory_space<vmem>> -> memref<8x128xf32, #tpu.memory_space<vmem>>
      tpu.enqueue_dma source(%dma_start3A_1344 : memref<8x128xf32, #tpu.memory_space<vmem>>) target(%dma_start3A_1341 : memref<8x128xf32, #tpu.memory_space<hbm>>) target_semaphore(%arg21 : memref<!tpu.dma_semaphore, #tpu.memory_space<semaphore_mem>>)
      %dma_start3A_1345 = arith.constant 3 : i32
      %dma_start3A_1346 = arith.constant 24 : i32
      %dma_start3A_1347 = arith.constant 0 : i32
      %dma_start3A_1348 = tpu.memref_slice %arg13[%dma_start3A_1346, %dma_start3A_1347] : memref<64x129xf32, #tpu.memory_space<vmem>> -> memref<8x128xf32, #tpu.memory_space<vmem>>
      %dma_start3A_1349 = arith.constant 0 : i32
      %dma_start3A_1350 = arith.constant 0 : i32
      %dma_start3A_1351 = tpu.memref_slice %arg4[%select_n3A_1283, %dma_start3A_1345, %select_n3A_1299, %dma_start3A_1349, %dma_start3A_1350] : memref<50x8x128x8x128xf32, #tpu.memory_space<hbm>> -> memref<1x1x1x8x128xf32, #tpu.memory_space<hbm>>
      %dma_start3A_1352 = tpu.memref_squeeze %dma_start3A_1351 : memref<1x1x1x8x128xf32, #tpu.memory_space<hbm>> -> memref<8x128xf32, #tpu.memory_space<hbm>>
      %dma_start3A_1353 = arith.constant 0 : i32
      %dma_start3A_1354 = arith.constant 0 : i32
      %dma_start3A_1355 = tpu.memref_slice %arg4[%select_n3A_1283, %dma_start3A_1345, %select_n3A_1299, %dma_start3A_1353, %dma_start3A_1354] : memref<50x8x128x8x128xf32, #tpu.memory_space<hbm>> -> memref<1x1x1x8x128xf32, #tpu.memory_space<hbm>>
      %dma_start3A_1356 = tpu.memref_squeeze %dma_start3A_1355 : memref<1x1x1x8x128xf32, #tpu.memory_space<hbm>> -> memref<8x128xf32, #tpu.memory_space<hbm>>
      %dma_start3A_1357 = arith.constant 24 : i32
      %dma_start3A_1358 = arith.constant 0 : i32
      %dma_start3A_1359 = tpu.memref_slice %arg13[%dma_start3A_1357, %dma_start3A_1358] : memref<64x129xf32, #tpu.memory_space<vmem>> -> memref<8x128xf32, #tpu.memory_space<vmem>>
      tpu.enqueue_dma source(%dma_start3A_1359 : memref<8x128xf32, #tpu.memory_space<vmem>>) target(%dma_start3A_1356 : memref<8x128xf32, #tpu.memory_space<hbm>>) target_semaphore(%arg21 : memref<!tpu.dma_semaphore, #tpu.memory_space<semaphore_mem>>)
      %dma_start3A_1360 = arith.constant 4 : i32
      %dma_start3A_1361 = arith.constant 32 : i32
      %dma_start3A_1362 = arith.constant 0 : i32
      %dma_start3A_1363 = tpu.memref_slice %arg13[%dma_start3A_1361, %dma_start3A_1362] : memref<64x129xf32, #tpu.memory_space<vmem>> -> memref<8x128xf32, #tpu.memory_space<vmem>>
      %dma_start3A_1364 = arith.constant 0 : i32
      %dma_start3A_1365 = arith.constant 0 : i32
      %dma_start3A_1366 = tpu.memref_slice %arg4[%select_n3A_1283, %dma_start3A_1360, %select_n3A_1299, %dma_start3A_1364, %dma_start3A_1365] : memref<50x8x128x8x128xf32, #tpu.memory_space<hbm>> -> memref<1x1x1x8x128xf32, #tpu.memory_space<hbm>>
      %dma_start3A_1367 = tpu.memref_squeeze %dma_start3A_1366 : memref<1x1x1x8x128xf32, #tpu.memory_space<hbm>> -> memref<8x128xf32, #tpu.memory_space<hbm>>
      %dma_start3A_1368 = arith.constant 0 : i32
      %dma_start3A_1369 = arith.constant 0 : i32
      %dma_start3A_1370 = tpu.memref_slice %arg4[%select_n3A_1283, %dma_start3A_1360, %select_n3A_1299, %dma_start3A_1368, %dma_start3A_1369] : memref<50x8x128x8x128xf32, #tpu.memory_space<hbm>> -> memref<1x1x1x8x128xf32, #tpu.memory_space<hbm>>
      %dma_start3A_1371 = tpu.memref_squeeze %dma_start3A_1370 : memref<1x1x1x8x128xf32, #tpu.memory_space<hbm>> -> memref<8x128xf32, #tpu.memory_space<hbm>>
      %dma_start3A_1372 = arith.constant 32 : i32
      %dma_start3A_1373 = arith.constant 0 : i32
      %dma_start3A_1374 = tpu.memref_slice %arg13[%dma_start3A_1372, %dma_start3A_1373] : memref<64x129xf32, #tpu.memory_space<vmem>> -> memref<8x128xf32, #tpu.memory_space<vmem>>
      tpu.enqueue_dma source(%dma_start3A_1374 : memref<8x128xf32, #tpu.memory_space<vmem>>) target(%dma_start3A_1371 : memref<8x128xf32, #tpu.memory_space<hbm>>) target_semaphore(%arg21 : memref<!tpu.dma_semaphore, #tpu.memory_space<semaphore_mem>>)
      %dma_start3A_1375 = arith.constant 5 : i32
      %dma_start3A_1376 = arith.constant 40 : i32
      %dma_start3A_1377 = arith.constant 0 : i32
      %dma_start3A_1378 = tpu.memref_slice %arg13[%dma_start3A_1376, %dma_start3A_1377] : memref<64x129xf32, #tpu.memory_space<vmem>> -> memref<8x128xf32, #tpu.memory_space<vmem>>
      %dma_start3A_1379 = arith.constant 0 : i32
      %dma_start3A_1380 = arith.constant 0 : i32
      %dma_start3A_1381 = tpu.memref_slice %arg4[%select_n3A_1283, %dma_start3A_1375, %select_n3A_1299, %dma_start3A_1379, %dma_start3A_1380] : memref<50x8x128x8x128xf32, #tpu.memory_space<hbm>> -> memref<1x1x1x8x128xf32, #tpu.memory_space<hbm>>
      %dma_start3A_1382 = tpu.memref_squeeze %dma_start3A_1381 : memref<1x1x1x8x128xf32, #tpu.memory_space<hbm>> -> memref<8x128xf32, #tpu.memory_space<hbm>>
      %dma_start3A_1383 = arith.constant 0 : i32
      %dma_start3A_1384 = arith.constant 0 : i32
      %dma_start3A_1385 = tpu.memref_slice %arg4[%select_n3A_1283, %dma_start3A_1375, %select_n3A_1299, %dma_start3A_1383, %dma_start3A_1384] : memref<50x8x128x8x128xf32, #tpu.memory_space<hbm>> -> memref<1x1x1x8x128xf32, #tpu.memory_space<hbm>>
      %dma_start3A_1386 = tpu.memref_squeeze %dma_start3A_1385 : memref<1x1x1x8x128xf32, #tpu.memory_space<hbm>> -> memref<8x128xf32, #tpu.memory_space<hbm>>
      %dma_start3A_1387 = arith.constant 40 : i32
      %dma_start3A_1388 = arith.constant 0 : i32
      %dma_start3A_1389 = tpu.memref_slice %arg13[%dma_start3A_1387, %dma_start3A_1388] : memref<64x129xf32, #tpu.memory_space<vmem>> -> memref<8x128xf32, #tpu.memory_space<vmem>>
      tpu.enqueue_dma source(%dma_start3A_1389 : memref<8x128xf32, #tpu.memory_space<vmem>>) target(%dma_start3A_1386 : memref<8x128xf32, #tpu.memory_space<hbm>>) target_semaphore(%arg21 : memref<!tpu.dma_semaphore, #tpu.memory_space<semaphore_mem>>)
      %dma_start3A_1390 = arith.constant 6 : i32
      %dma_start3A_1391 = arith.constant 48 : i32
      %dma_start3A_1392 = arith.constant 0 : i32
      %dma_start3A_1393 = tpu.memref_slice %arg13[%dma_start3A_1391, %dma_start3A_1392] : memref<64x129xf32, #tpu.memory_space<vmem>> -> memref<8x128xf32, #tpu.memory_space<vmem>>
      %dma_start3A_1394 = arith.constant 0 : i32
      %dma_start3A_1395 = arith.constant 0 : i32
      %dma_start3A_1396 = tpu.memref_slice %arg4[%select_n3A_1283, %dma_start3A_1390, %select_n3A_1299, %dma_start3A_1394, %dma_start3A_1395] : memref<50x8x128x8x128xf32, #tpu.memory_space<hbm>> -> memref<1x1x1x8x128xf32, #tpu.memory_space<hbm>>
      %dma_start3A_1397 = tpu.memref_squeeze %dma_start3A_1396 : memref<1x1x1x8x128xf32, #tpu.memory_space<hbm>> -> memref<8x128xf32, #tpu.memory_space<hbm>>
      %dma_start3A_1398 = arith.constant 0 : i32
      %dma_start3A_1399 = arith.constant 0 : i32
      %dma_start3A_1400 = tpu.memref_slice %arg4[%select_n3A_1283, %dma_start3A_1390, %select_n3A_1299, %dma_start3A_1398, %dma_start3A_1399] : memref<50x8x128x8x128xf32, #tpu.memory_space<hbm>> -> memref<1x1x1x8x128xf32, #tpu.memory_space<hbm>>
      %dma_start3A_1401 = tpu.memref_squeeze %dma_start3A_1400 : memref<1x1x1x8x128xf32, #tpu.memory_space<hbm>> -> memref<8x128xf32, #tpu.memory_space<hbm>>
      %dma_start3A_1402 = arith.constant 48 : i32
      %dma_start3A_1403 = arith.constant 0 : i32
      %dma_start3A_1404 = tpu.memref_slice %arg13[%dma_start3A_1402, %dma_start3A_1403] : memref<64x129xf32, #tpu.memory_space<vmem>> -> memref<8x128xf32, #tpu.memory_space<vmem>>
      tpu.enqueue_dma source(%dma_start3A_1404 : memref<8x128xf32, #tpu.memory_space<vmem>>) target(%dma_start3A_1401 : memref<8x128xf32, #tpu.memory_space<hbm>>) target_semaphore(%arg21 : memref<!tpu.dma_semaphore, #tpu.memory_space<semaphore_mem>>)
      %dma_start3A_1405 = arith.constant 7 : i32
      %dma_start3A_1406 = arith.constant 56 : i32
      %dma_start3A_1407 = arith.constant 0 : i32
      %dma_start3A_1408 = tpu.memref_slice %arg13[%dma_start3A_1406, %dma_start3A_1407] : memref<64x129xf32, #tpu.memory_space<vmem>> -> memref<8x128xf32, #tpu.memory_space<vmem>>
      %dma_start3A_1409 = arith.constant 0 : i32
      %dma_start3A_1410 = arith.constant 0 : i32
      %dma_start3A_1411 = tpu.memref_slice %arg4[%select_n3A_1283, %dma_start3A_1405, %select_n3A_1299, %dma_start3A_1409, %dma_start3A_1410] : memref<50x8x128x8x128xf32, #tpu.memory_space<hbm>> -> memref<1x1x1x8x128xf32, #tpu.memory_space<hbm>>
      %dma_start3A_1412 = tpu.memref_squeeze %dma_start3A_1411 : memref<1x1x1x8x128xf32, #tpu.memory_space<hbm>> -> memref<8x128xf32, #tpu.memory_space<hbm>>
      %dma_start3A_1413 = arith.constant 0 : i32
      %dma_start3A_1414 = arith.constant 0 : i32
      %dma_start3A_1415 = tpu.memref_slice %arg4[%select_n3A_1283, %dma_start3A_1405, %select_n3A_1299, %dma_start3A_1413, %dma_start3A_1414] : memref<50x8x128x8x128xf32, #tpu.memory_space<hbm>> -> memref<1x1x1x8x128xf32, #tpu.memory_space<hbm>>
      %dma_start3A_1416 = tpu.memref_squeeze %dma_start3A_1415 : memref<1x1x1x8x128xf32, #tpu.memory_space<hbm>> -> memref<8x128xf32, #tpu.memory_space<hbm>>
      %dma_start3A_1417 = arith.constant 56 : i32
      %dma_start3A_1418 = arith.constant 0 : i32
      %dma_start3A_1419 = tpu.memref_slice %arg13[%dma_start3A_1417, %dma_start3A_1418] : memref<64x129xf32, #tpu.memory_space<vmem>> -> memref<8x128xf32, #tpu.memory_space<vmem>>
      tpu.enqueue_dma source(%dma_start3A_1419 : memref<8x128xf32, #tpu.memory_space<vmem>>) target(%dma_start3A_1416 : memref<8x128xf32, #tpu.memory_space<hbm>>) target_semaphore(%arg21 : memref<!tpu.dma_semaphore, #tpu.memory_space<semaphore_mem>>)
    }
    %scan3A_45 = arith.constant 50 : i32
    %add3A_46 = arith.constant 196 : i32
    %add3A_47 = arith.addi %mul3A_2, %add3A_46 : i32
    %jit3A = arith.constant 128 : i32
    %div3A = arith.divsi %add3A_47, %jit3A : i32
    %sign3A = arith.constant 0 : i32
    %sign3A_48 = arith.cmpi sgt, %add3A_47, %sign3A : i32
    %sign3A_49 = arith.extui %sign3A_48 : i1 to i32
    %sign3A_50 = arith.constant 0 : i32
    %sign3A_51 = arith.cmpi slt, %add3A_47, %sign3A_50 : i32
    %sign3A_52 = arith.extui %sign3A_51 : i1 to i32
    %sign3A_53 = arith.subi %sign3A_49, %sign3A_52 : i32
    %sign3A_54 = arith.constant 0 : i32
    %sign3A_55 = arith.cmpi sgt, %jit3A, %sign3A_54 : i32
    %sign3A_56 = arith.extui %sign3A_55 : i1 to i32
    %sign3A_57 = arith.constant 0 : i32
    %sign3A_58 = arith.cmpi slt, %jit3A, %sign3A_57 : i32
    %sign3A_59 = arith.extui %sign3A_58 : i1 to i32
    %sign3A_60 = arith.subi %sign3A_56, %sign3A_59 : i32
    %ne3A = arith.cmpi ne, %sign3A_53, %sign3A_60 : i32
    %rem3A = arith.remsi %add3A_47, %jit3A : i32
    %ne3A_61 = arith.constant 0 : i32
    %ne3A_62 = arith.cmpi ne, %rem3A, %ne3A_61 : i32
    %and3A = arith.andi %ne3A, %ne3A_62 : i1
    %sub3A = arith.constant 1 : i32
    %sub3A_63 = arith.subi %div3A, %sub3A : i32
    %select_n3A = arith.select %and3A, %sub3A_63, %div3A : i32
    %jit3A_64 = arith.constant 128 : i32
    %eq3A = arith.constant 0 : i32
    %eq3A_65 = arith.cmpi eq, %jit3A_64, %eq3A : i32
    %jit3A_66 = arith.constant 1 : i32
    %select_n3A_67 = arith.select %eq3A_65, %jit3A_66, %jit3A_64 : i32
    %rem3A_68 = arith.remsi %add3A_47, %select_n3A_67 : i32
    %ne3A_69 = arith.constant 0 : i32
    %ne3A_70 = arith.cmpi ne, %rem3A_68, %ne3A_69 : i32
    %lt3A = arith.constant 0 : i32
    %lt3A_71 = arith.cmpi slt, %rem3A_68, %lt3A : i32
    %lt3A_72 = arith.constant 0 : i32
    %lt3A_73 = arith.cmpi slt, %select_n3A_67, %lt3A_72 : i32
    %ne3A_74 = arith.xori %lt3A_71, %lt3A_73 : i1
    %and3A_75 = arith.andi %ne3A_74, %ne3A_70 : i1
    %add3A_76 = arith.addi %rem3A_68, %select_n3A_67 : i32
    %select_n3A_77 = arith.select %and3A_75, %add3A_76, %rem3A_68 : i32
    %dma_wait3A = arith.constant 0 : i32
    %dma_wait3A_78 = arith.constant 0 : i32
    %dma_wait3A_79 = arith.constant 0 : i32
    %dma_wait3A_80 = tpu.memref_slice %arg10[%dma_wait3A_78, %dma_wait3A_79] : memref<64x129xf32, #tpu.memory_space<vmem>> -> memref<8x128xf32, #tpu.memory_space<vmem>>
    %dma_wait3A_81 = arith.constant 0 : i32
    %dma_wait3A_82 = arith.constant 0 : i32
    %dma_wait3A_83 = tpu.memref_slice %arg4[%select_n3A, %dma_wait3A, %select_n3A_77, %dma_wait3A_81, %dma_wait3A_82] : memref<50x8x128x8x128xf32, #tpu.memory_space<hbm>> -> memref<1x1x1x8x128xf32, #tpu.memory_space<hbm>>
    %dma_wait3A_84 = tpu.memref_squeeze %dma_wait3A_83 : memref<1x1x1x8x128xf32, #tpu.memory_space<hbm>> -> memref<8x128xf32, #tpu.memory_space<hbm>>
    %dma_wait3A_85 = arith.constant 0 : i32
    %dma_wait3A_86 = arith.constant 0 : i32
    %dma_wait3A_87 = tpu.memref_slice %arg4[%select_n3A, %dma_wait3A, %select_n3A_77, %dma_wait3A_85, %dma_wait3A_86] : memref<50x8x128x8x128xf32, #tpu.memory_space<hbm>> -> memref<1x1x1x8x128xf32, #tpu.memory_space<hbm>>
    %dma_wait3A_88 = tpu.memref_squeeze %dma_wait3A_87 : memref<1x1x1x8x128xf32, #tpu.memory_space<hbm>> -> memref<8x128xf32, #tpu.memory_space<hbm>>
    %dma_wait3A_89 = arith.constant 0 : i32
    %dma_wait3A_90 = arith.constant 0 : i32
    %dma_wait3A_91 = tpu.memref_slice %arg10[%dma_wait3A_89, %dma_wait3A_90] : memref<64x129xf32, #tpu.memory_space<vmem>> -> memref<8x128xf32, #tpu.memory_space<vmem>>
    tpu.wait_dma2 semaphore(%arg18 : memref<!tpu.dma_semaphore, #tpu.memory_space<semaphore_mem>>) src(%dma_wait3A_91 : memref<8x128xf32, #tpu.memory_space<vmem>>) dst(%dma_wait3A_88 : memref<8x128xf32, #tpu.memory_space<hbm>>)
    %dma_wait3A_92 = arith.constant 1 : i32
    %dma_wait3A_93 = arith.constant 8 : i32
    %dma_wait3A_94 = arith.constant 0 : i32
    %dma_wait3A_95 = tpu.memref_slice %arg10[%dma_wait3A_93, %dma_wait3A_94] : memref<64x129xf32, #tpu.memory_space<vmem>> -> memref<8x128xf32, #tpu.memory_space<vmem>>
    %dma_wait3A_96 = arith.constant 0 : i32
    %dma_wait3A_97 = arith.constant 0 : i32
    %dma_wait3A_98 = tpu.memref_slice %arg4[%select_n3A, %dma_wait3A_92, %select_n3A_77, %dma_wait3A_96, %dma_wait3A_97] : memref<50x8x128x8x128xf32, #tpu.memory_space<hbm>> -> memref<1x1x1x8x128xf32, #tpu.memory_space<hbm>>
    %dma_wait3A_99 = tpu.memref_squeeze %dma_wait3A_98 : memref<1x1x1x8x128xf32, #tpu.memory_space<hbm>> -> memref<8x128xf32, #tpu.memory_space<hbm>>
    %dma_wait3A_100 = arith.constant 0 : i32
    %dma_wait3A_101 = arith.constant 0 : i32
    %dma_wait3A_102 = tpu.memref_slice %arg4[%select_n3A, %dma_wait3A_92, %select_n3A_77, %dma_wait3A_100, %dma_wait3A_101] : memref<50x8x128x8x128xf32, #tpu.memory_space<hbm>> -> memref<1x1x1x8x128xf32, #tpu.memory_space<hbm>>
    %dma_wait3A_103 = tpu.memref_squeeze %dma_wait3A_102 : memref<1x1x1x8x128xf32, #tpu.memory_space<hbm>> -> memref<8x128xf32, #tpu.memory_space<hbm>>
    %dma_wait3A_104 = arith.constant 8 : i32
    %dma_wait3A_105 = arith.constant 0 : i32
    %dma_wait3A_106 = tpu.memref_slice %arg10[%dma_wait3A_104, %dma_wait3A_105] : memref<64x129xf32, #tpu.memory_space<vmem>> -> memref<8x128xf32, #tpu.memory_space<vmem>>
    tpu.wait_dma2 semaphore(%arg18 : memref<!tpu.dma_semaphore, #tpu.memory_space<semaphore_mem>>) src(%dma_wait3A_106 : memref<8x128xf32, #tpu.memory_space<vmem>>) dst(%dma_wait3A_103 : memref<8x128xf32, #tpu.memory_space<hbm>>)
    %dma_wait3A_107 = arith.constant 2 : i32
    %dma_wait3A_108 = arith.constant 16 : i32
    %dma_wait3A_109 = arith.constant 0 : i32
    %dma_wait3A_110 = tpu.memref_slice %arg10[%dma_wait3A_108, %dma_wait3A_109] : memref<64x129xf32, #tpu.memory_space<vmem>> -> memref<8x128xf32, #tpu.memory_space<vmem>>
    %dma_wait3A_111 = arith.constant 0 : i32
    %dma_wait3A_112 = arith.constant 0 : i32
    %dma_wait3A_113 = tpu.memref_slice %arg4[%select_n3A, %dma_wait3A_107, %select_n3A_77, %dma_wait3A_111, %dma_wait3A_112] : memref<50x8x128x8x128xf32, #tpu.memory_space<hbm>> -> memref<1x1x1x8x128xf32, #tpu.memory_space<hbm>>
    %dma_wait3A_114 = tpu.memref_squeeze %dma_wait3A_113 : memref<1x1x1x8x128xf32, #tpu.memory_space<hbm>> -> memref<8x128xf32, #tpu.memory_space<hbm>>
    %dma_wait3A_115 = arith.constant 0 : i32
    %dma_wait3A_116 = arith.constant 0 : i32
    %dma_wait3A_117 = tpu.memref_slice %arg4[%select_n3A, %dma_wait3A_107, %select_n3A_77, %dma_wait3A_115, %dma_wait3A_116] : memref<50x8x128x8x128xf32, #tpu.memory_space<hbm>> -> memref<1x1x1x8x128xf32, #tpu.memory_space<hbm>>
    %dma_wait3A_118 = tpu.memref_squeeze %dma_wait3A_117 : memref<1x1x1x8x128xf32, #tpu.memory_space<hbm>> -> memref<8x128xf32, #tpu.memory_space<hbm>>
    %dma_wait3A_119 = arith.constant 16 : i32
    %dma_wait3A_120 = arith.constant 0 : i32
    %dma_wait3A_121 = tpu.memref_slice %arg10[%dma_wait3A_119, %dma_wait3A_120] : memref<64x129xf32, #tpu.memory_space<vmem>> -> memref<8x128xf32, #tpu.memory_space<vmem>>
    tpu.wait_dma2 semaphore(%arg18 : memref<!tpu.dma_semaphore, #tpu.memory_space<semaphore_mem>>) src(%dma_wait3A_121 : memref<8x128xf32, #tpu.memory_space<vmem>>) dst(%dma_wait3A_118 : memref<8x128xf32, #tpu.memory_space<hbm>>)
    %dma_wait3A_122 = arith.constant 3 : i32
    %dma_wait3A_123 = arith.constant 24 : i32
    %dma_wait3A_124 = arith.constant 0 : i32
    %dma_wait3A_125 = tpu.memref_slice %arg10[%dma_wait3A_123, %dma_wait3A_124] : memref<64x129xf32, #tpu.memory_space<vmem>> -> memref<8x128xf32, #tpu.memory_space<vmem>>
    %dma_wait3A_126 = arith.constant 0 : i32
    %dma_wait3A_127 = arith.constant 0 : i32
    %dma_wait3A_128 = tpu.memref_slice %arg4[%select_n3A, %dma_wait3A_122, %select_n3A_77, %dma_wait3A_126, %dma_wait3A_127] : memref<50x8x128x8x128xf32, #tpu.memory_space<hbm>> -> memref<1x1x1x8x128xf32, #tpu.memory_space<hbm>>
    %dma_wait3A_129 = tpu.memref_squeeze %dma_wait3A_128 : memref<1x1x1x8x128xf32, #tpu.memory_space<hbm>> -> memref<8x128xf32, #tpu.memory_space<hbm>>
    %dma_wait3A_130 = arith.constant 0 : i32
    %dma_wait3A_131 = arith.constant 0 : i32
    %dma_wait3A_132 = tpu.memref_slice %arg4[%select_n3A, %dma_wait3A_122, %select_n3A_77, %dma_wait3A_130, %dma_wait3A_131] : memref<50x8x128x8x128xf32, #tpu.memory_space<hbm>> -> memref<1x1x1x8x128xf32, #tpu.memory_space<hbm>>
    %dma_wait3A_133 = tpu.memref_squeeze %dma_wait3A_132 : memref<1x1x1x8x128xf32, #tpu.memory_space<hbm>> -> memref<8x128xf32, #tpu.memory_space<hbm>>
    %dma_wait3A_134 = arith.constant 24 : i32
    %dma_wait3A_135 = arith.constant 0 : i32
    %dma_wait3A_136 = tpu.memref_slice %arg10[%dma_wait3A_134, %dma_wait3A_135] : memref<64x129xf32, #tpu.memory_space<vmem>> -> memref<8x128xf32, #tpu.memory_space<vmem>>
    tpu.wait_dma2 semaphore(%arg18 : memref<!tpu.dma_semaphore, #tpu.memory_space<semaphore_mem>>) src(%dma_wait3A_136 : memref<8x128xf32, #tpu.memory_space<vmem>>) dst(%dma_wait3A_133 : memref<8x128xf32, #tpu.memory_space<hbm>>)
    %dma_wait3A_137 = arith.constant 4 : i32
    %dma_wait3A_138 = arith.constant 32 : i32
    %dma_wait3A_139 = arith.constant 0 : i32
    %dma_wait3A_140 = tpu.memref_slice %arg10[%dma_wait3A_138, %dma_wait3A_139] : memref<64x129xf32, #tpu.memory_space<vmem>> -> memref<8x128xf32, #tpu.memory_space<vmem>>
    %dma_wait3A_141 = arith.constant 0 : i32
    %dma_wait3A_142 = arith.constant 0 : i32
    %dma_wait3A_143 = tpu.memref_slice %arg4[%select_n3A, %dma_wait3A_137, %select_n3A_77, %dma_wait3A_141, %dma_wait3A_142] : memref<50x8x128x8x128xf32, #tpu.memory_space<hbm>> -> memref<1x1x1x8x128xf32, #tpu.memory_space<hbm>>
    %dma_wait3A_144 = tpu.memref_squeeze %dma_wait3A_143 : memref<1x1x1x8x128xf32, #tpu.memory_space<hbm>> -> memref<8x128xf32, #tpu.memory_space<hbm>>
    %dma_wait3A_145 = arith.constant 0 : i32
    %dma_wait3A_146 = arith.constant 0 : i32
    %dma_wait3A_147 = tpu.memref_slice %arg4[%select_n3A, %dma_wait3A_137, %select_n3A_77, %dma_wait3A_145, %dma_wait3A_146] : memref<50x8x128x8x128xf32, #tpu.memory_space<hbm>> -> memref<1x1x1x8x128xf32, #tpu.memory_space<hbm>>
    %dma_wait3A_148 = tpu.memref_squeeze %dma_wait3A_147 : memref<1x1x1x8x128xf32, #tpu.memory_space<hbm>> -> memref<8x128xf32, #tpu.memory_space<hbm>>
    %dma_wait3A_149 = arith.constant 32 : i32
    %dma_wait3A_150 = arith.constant 0 : i32
    %dma_wait3A_151 = tpu.memref_slice %arg10[%dma_wait3A_149, %dma_wait3A_150] : memref<64x129xf32, #tpu.memory_space<vmem>> -> memref<8x128xf32, #tpu.memory_space<vmem>>
    tpu.wait_dma2 semaphore(%arg18 : memref<!tpu.dma_semaphore, #tpu.memory_space<semaphore_mem>>) src(%dma_wait3A_151 : memref<8x128xf32, #tpu.memory_space<vmem>>) dst(%dma_wait3A_148 : memref<8x128xf32, #tpu.memory_space<hbm>>)
    %dma_wait3A_152 = arith.constant 5 : i32
    %dma_wait3A_153 = arith.constant 40 : i32
    %dma_wait3A_154 = arith.constant 0 : i32
    %dma_wait3A_155 = tpu.memref_slice %arg10[%dma_wait3A_153, %dma_wait3A_154] : memref<64x129xf32, #tpu.memory_space<vmem>> -> memref<8x128xf32, #tpu.memory_space<vmem>>
    %dma_wait3A_156 = arith.constant 0 : i32
    %dma_wait3A_157 = arith.constant 0 : i32
    %dma_wait3A_158 = tpu.memref_slice %arg4[%select_n3A, %dma_wait3A_152, %select_n3A_77, %dma_wait3A_156, %dma_wait3A_157] : memref<50x8x128x8x128xf32, #tpu.memory_space<hbm>> -> memref<1x1x1x8x128xf32, #tpu.memory_space<hbm>>
    %dma_wait3A_159 = tpu.memref_squeeze %dma_wait3A_158 : memref<1x1x1x8x128xf32, #tpu.memory_space<hbm>> -> memref<8x128xf32, #tpu.memory_space<hbm>>
    %dma_wait3A_160 = arith.constant 0 : i32
    %dma_wait3A_161 = arith.constant 0 : i32
    %dma_wait3A_162 = tpu.memref_slice %arg4[%select_n3A, %dma_wait3A_152, %select_n3A_77, %dma_wait3A_160, %dma_wait3A_161] : memref<50x8x128x8x128xf32, #tpu.memory_space<hbm>> -> memref<1x1x1x8x128xf32, #tpu.memory_space<hbm>>
    %dma_wait3A_163 = tpu.memref_squeeze %dma_wait3A_162 : memref<1x1x1x8x128xf32, #tpu.memory_space<hbm>> -> memref<8x128xf32, #tpu.memory_space<hbm>>
    %dma_wait3A_164 = arith.constant 40 : i32
    %dma_wait3A_165 = arith.constant 0 : i32
    %dma_wait3A_166 = tpu.memref_slice %arg10[%dma_wait3A_164, %dma_wait3A_165] : memref<64x129xf32, #tpu.memory_space<vmem>> -> memref<8x128xf32, #tpu.memory_space<vmem>>
    tpu.wait_dma2 semaphore(%arg18 : memref<!tpu.dma_semaphore, #tpu.memory_space<semaphore_mem>>) src(%dma_wait3A_166 : memref<8x128xf32, #tpu.memory_space<vmem>>) dst(%dma_wait3A_163 : memref<8x128xf32, #tpu.memory_space<hbm>>)
    %dma_wait3A_167 = arith.constant 6 : i32
    %dma_wait3A_168 = arith.constant 48 : i32
    %dma_wait3A_169 = arith.constant 0 : i32
    %dma_wait3A_170 = tpu.memref_slice %arg10[%dma_wait3A_168, %dma_wait3A_169] : memref<64x129xf32, #tpu.memory_space<vmem>> -> memref<8x128xf32, #tpu.memory_space<vmem>>
    %dma_wait3A_171 = arith.constant 0 : i32
    %dma_wait3A_172 = arith.constant 0 : i32
    %dma_wait3A_173 = tpu.memref_slice %arg4[%select_n3A, %dma_wait3A_167, %select_n3A_77, %dma_wait3A_171, %dma_wait3A_172] : memref<50x8x128x8x128xf32, #tpu.memory_space<hbm>> -> memref<1x1x1x8x128xf32, #tpu.memory_space<hbm>>
    %dma_wait3A_174 = tpu.memref_squeeze %dma_wait3A_173 : memref<1x1x1x8x128xf32, #tpu.memory_space<hbm>> -> memref<8x128xf32, #tpu.memory_space<hbm>>
    %dma_wait3A_175 = arith.constant 0 : i32
    %dma_wait3A_176 = arith.constant 0 : i32
    %dma_wait3A_177 = tpu.memref_slice %arg4[%select_n3A, %dma_wait3A_167, %select_n3A_77, %dma_wait3A_175, %dma_wait3A_176] : memref<50x8x128x8x128xf32, #tpu.memory_space<hbm>> -> memref<1x1x1x8x128xf32, #tpu.memory_space<hbm>>
    %dma_wait3A_178 = tpu.memref_squeeze %dma_wait3A_177 : memref<1x1x1x8x128xf32, #tpu.memory_space<hbm>> -> memref<8x128xf32, #tpu.memory_space<hbm>>
    %dma_wait3A_179 = arith.constant 48 : i32
    %dma_wait3A_180 = arith.constant 0 : i32
    %dma_wait3A_181 = tpu.memref_slice %arg10[%dma_wait3A_179, %dma_wait3A_180] : memref<64x129xf32, #tpu.memory_space<vmem>> -> memref<8x128xf32, #tpu.memory_space<vmem>>
    tpu.wait_dma2 semaphore(%arg18 : memref<!tpu.dma_semaphore, #tpu.memory_space<semaphore_mem>>) src(%dma_wait3A_181 : memref<8x128xf32, #tpu.memory_space<vmem>>) dst(%dma_wait3A_178 : memref<8x128xf32, #tpu.memory_space<hbm>>)
    %dma_wait3A_182 = arith.constant 7 : i32
    %dma_wait3A_183 = arith.constant 56 : i32
    %dma_wait3A_184 = arith.constant 0 : i32
    %dma_wait3A_185 = tpu.memref_slice %arg10[%dma_wait3A_183, %dma_wait3A_184] : memref<64x129xf32, #tpu.memory_space<vmem>> -> memref<8x128xf32, #tpu.memory_space<vmem>>
    %dma_wait3A_186 = arith.constant 0 : i32
    %dma_wait3A_187 = arith.constant 0 : i32
    %dma_wait3A_188 = tpu.memref_slice %arg4[%select_n3A, %dma_wait3A_182, %select_n3A_77, %dma_wait3A_186, %dma_wait3A_187] : memref<50x8x128x8x128xf32, #tpu.memory_space<hbm>> -> memref<1x1x1x8x128xf32, #tpu.memory_space<hbm>>
    %dma_wait3A_189 = tpu.memref_squeeze %dma_wait3A_188 : memref<1x1x1x8x128xf32, #tpu.memory_space<hbm>> -> memref<8x128xf32, #tpu.memory_space<hbm>>
    %dma_wait3A_190 = arith.constant 0 : i32
    %dma_wait3A_191 = arith.constant 0 : i32
    %dma_wait3A_192 = tpu.memref_slice %arg4[%select_n3A, %dma_wait3A_182, %select_n3A_77, %dma_wait3A_190, %dma_wait3A_191] : memref<50x8x128x8x128xf32, #tpu.memory_space<hbm>> -> memref<1x1x1x8x128xf32, #tpu.memory_space<hbm>>
    %dma_wait3A_193 = tpu.memref_squeeze %dma_wait3A_192 : memref<1x1x1x8x128xf32, #tpu.memory_space<hbm>> -> memref<8x128xf32, #tpu.memory_space<hbm>>
    %dma_wait3A_194 = arith.constant 56 : i32
    %dma_wait3A_195 = arith.constant 0 : i32
    %dma_wait3A_196 = tpu.memref_slice %arg10[%dma_wait3A_194, %dma_wait3A_195] : memref<64x129xf32, #tpu.memory_space<vmem>> -> memref<8x128xf32, #tpu.memory_space<vmem>>
    tpu.wait_dma2 semaphore(%arg18 : memref<!tpu.dma_semaphore, #tpu.memory_space<semaphore_mem>>) src(%dma_wait3A_196 : memref<8x128xf32, #tpu.memory_space<vmem>>) dst(%dma_wait3A_193 : memref<8x128xf32, #tpu.memory_space<hbm>>)
    %add3A_197 = arith.constant 197 : i32
    %add3A_198 = arith.addi %mul3A_2, %add3A_197 : i32
    %jit3A_199 = arith.constant 128 : i32
    %div3A_200 = arith.divsi %add3A_198, %jit3A_199 : i32
    %sign3A_201 = arith.constant 0 : i32
    %sign3A_202 = arith.cmpi sgt, %add3A_198, %sign3A_201 : i32
    %sign3A_203 = arith.extui %sign3A_202 : i1 to i32
    %sign3A_204 = arith.constant 0 : i32
    %sign3A_205 = arith.cmpi slt, %add3A_198, %sign3A_204 : i32
    %sign3A_206 = arith.extui %sign3A_205 : i1 to i32
    %sign3A_207 = arith.subi %sign3A_203, %sign3A_206 : i32
    %sign3A_208 = arith.constant 0 : i32
    %sign3A_209 = arith.cmpi sgt, %jit3A_199, %sign3A_208 : i32
    %sign3A_210 = arith.extui %sign3A_209 : i1 to i32
    %sign3A_211 = arith.constant 0 : i32
    %sign3A_212 = arith.cmpi slt, %jit3A_199, %sign3A_211 : i32
    %sign3A_213 = arith.extui %sign3A_212 : i1 to i32
    %sign3A_214 = arith.subi %sign3A_210, %sign3A_213 : i32
    %ne3A_215 = arith.cmpi ne, %sign3A_207, %sign3A_214 : i32
    %rem3A_216 = arith.remsi %add3A_198, %jit3A_199 : i32
    %ne3A_217 = arith.constant 0 : i32
    %ne3A_218 = arith.cmpi ne, %rem3A_216, %ne3A_217 : i32
    %and3A_219 = arith.andi %ne3A_215, %ne3A_218 : i1
    %sub3A_220 = arith.constant 1 : i32
    %sub3A_221 = arith.subi %div3A_200, %sub3A_220 : i32
    %select_n3A_222 = arith.select %and3A_219, %sub3A_221, %div3A_200 : i32
    %jit3A_223 = arith.constant 128 : i32
    %eq3A_224 = arith.constant 0 : i32
    %eq3A_225 = arith.cmpi eq, %jit3A_223, %eq3A_224 : i32
    %jit3A_226 = arith.constant 1 : i32
    %select_n3A_227 = arith.select %eq3A_225, %jit3A_226, %jit3A_223 : i32
    %rem3A_228 = arith.remsi %add3A_198, %select_n3A_227 : i32
    %ne3A_229 = arith.constant 0 : i32
    %ne3A_230 = arith.cmpi ne, %rem3A_228, %ne3A_229 : i32
    %lt3A_231 = arith.constant 0 : i32
    %lt3A_232 = arith.cmpi slt, %rem3A_228, %lt3A_231 : i32
    %lt3A_233 = arith.constant 0 : i32
    %lt3A_234 = arith.cmpi slt, %select_n3A_227, %lt3A_233 : i32
    %ne3A_235 = arith.xori %lt3A_232, %lt3A_234 : i1
    %and3A_236 = arith.andi %ne3A_235, %ne3A_230 : i1
    %add3A_237 = arith.addi %rem3A_228, %select_n3A_227 : i32
    %select_n3A_238 = arith.select %and3A_236, %add3A_237, %rem3A_228 : i32
    %dma_wait3A_239 = arith.constant 0 : i32
    %dma_wait3A_240 = arith.constant 0 : i32
    %dma_wait3A_241 = arith.constant 0 : i32
    %dma_wait3A_242 = tpu.memref_slice %arg11[%dma_wait3A_240, %dma_wait3A_241] : memref<64x129xf32, #tpu.memory_space<vmem>> -> memref<8x128xf32, #tpu.memory_space<vmem>>
    %dma_wait3A_243 = arith.constant 0 : i32
    %dma_wait3A_244 = arith.constant 0 : i32
    %dma_wait3A_245 = tpu.memref_slice %arg4[%select_n3A_222, %dma_wait3A_239, %select_n3A_238, %dma_wait3A_243, %dma_wait3A_244] : memref<50x8x128x8x128xf32, #tpu.memory_space<hbm>> -> memref<1x1x1x8x128xf32, #tpu.memory_space<hbm>>
    %dma_wait3A_246 = tpu.memref_squeeze %dma_wait3A_245 : memref<1x1x1x8x128xf32, #tpu.memory_space<hbm>> -> memref<8x128xf32, #tpu.memory_space<hbm>>
    %dma_wait3A_247 = arith.constant 0 : i32
    %dma_wait3A_248 = arith.constant 0 : i32
    %dma_wait3A_249 = tpu.memref_slice %arg4[%select_n3A_222, %dma_wait3A_239, %select_n3A_238, %dma_wait3A_247, %dma_wait3A_248] : memref<50x8x128x8x128xf32, #tpu.memory_space<hbm>> -> memref<1x1x1x8x128xf32, #tpu.memory_space<hbm>>
    %dma_wait3A_250 = tpu.memref_squeeze %dma_wait3A_249 : memref<1x1x1x8x128xf32, #tpu.memory_space<hbm>> -> memref<8x128xf32, #tpu.memory_space<hbm>>
    %dma_wait3A_251 = arith.constant 0 : i32
    %dma_wait3A_252 = arith.constant 0 : i32
    %dma_wait3A_253 = tpu.memref_slice %arg11[%dma_wait3A_251, %dma_wait3A_252] : memref<64x129xf32, #tpu.memory_space<vmem>> -> memref<8x128xf32, #tpu.memory_space<vmem>>
    tpu.wait_dma2 semaphore(%arg19 : memref<!tpu.dma_semaphore, #tpu.memory_space<semaphore_mem>>) src(%dma_wait3A_253 : memref<8x128xf32, #tpu.memory_space<vmem>>) dst(%dma_wait3A_250 : memref<8x128xf32, #tpu.memory_space<hbm>>)
    %dma_wait3A_254 = arith.constant 1 : i32
    %dma_wait3A_255 = arith.constant 8 : i32
    %dma_wait3A_256 = arith.constant 0 : i32
    %dma_wait3A_257 = tpu.memref_slice %arg11[%dma_wait3A_255, %dma_wait3A_256] : memref<64x129xf32, #tpu.memory_space<vmem>> -> memref<8x128xf32, #tpu.memory_space<vmem>>
    %dma_wait3A_258 = arith.constant 0 : i32
    %dma_wait3A_259 = arith.constant 0 : i32
    %dma_wait3A_260 = tpu.memref_slice %arg4[%select_n3A_222, %dma_wait3A_254, %select_n3A_238, %dma_wait3A_258, %dma_wait3A_259] : memref<50x8x128x8x128xf32, #tpu.memory_space<hbm>> -> memref<1x1x1x8x128xf32, #tpu.memory_space<hbm>>
    %dma_wait3A_261 = tpu.memref_squeeze %dma_wait3A_260 : memref<1x1x1x8x128xf32, #tpu.memory_space<hbm>> -> memref<8x128xf32, #tpu.memory_space<hbm>>
    %dma_wait3A_262 = arith.constant 0 : i32
    %dma_wait3A_263 = arith.constant 0 : i32
    %dma_wait3A_264 = tpu.memref_slice %arg4[%select_n3A_222, %dma_wait3A_254, %select_n3A_238, %dma_wait3A_262, %dma_wait3A_263] : memref<50x8x128x8x128xf32, #tpu.memory_space<hbm>> -> memref<1x1x1x8x128xf32, #tpu.memory_space<hbm>>
    %dma_wait3A_265 = tpu.memref_squeeze %dma_wait3A_264 : memref<1x1x1x8x128xf32, #tpu.memory_space<hbm>> -> memref<8x128xf32, #tpu.memory_space<hbm>>
    %dma_wait3A_266 = arith.constant 8 : i32
    %dma_wait3A_267 = arith.constant 0 : i32
    %dma_wait3A_268 = tpu.memref_slice %arg11[%dma_wait3A_266, %dma_wait3A_267] : memref<64x129xf32, #tpu.memory_space<vmem>> -> memref<8x128xf32, #tpu.memory_space<vmem>>
    tpu.wait_dma2 semaphore(%arg19 : memref<!tpu.dma_semaphore, #tpu.memory_space<semaphore_mem>>) src(%dma_wait3A_268 : memref<8x128xf32, #tpu.memory_space<vmem>>) dst(%dma_wait3A_265 : memref<8x128xf32, #tpu.memory_space<hbm>>)
    %dma_wait3A_269 = arith.constant 2 : i32
    %dma_wait3A_270 = arith.constant 16 : i32
    %dma_wait3A_271 = arith.constant 0 : i32
    %dma_wait3A_272 = tpu.memref_slice %arg11[%dma_wait3A_270, %dma_wait3A_271] : memref<64x129xf32, #tpu.memory_space<vmem>> -> memref<8x128xf32, #tpu.memory_space<vmem>>
    %dma_wait3A_273 = arith.constant 0 : i32
    %dma_wait3A_274 = arith.constant 0 : i32
    %dma_wait3A_275 = tpu.memref_slice %arg4[%select_n3A_222, %dma_wait3A_269, %select_n3A_238, %dma_wait3A_273, %dma_wait3A_274] : memref<50x8x128x8x128xf32, #tpu.memory_space<hbm>> -> memref<1x1x1x8x128xf32, #tpu.memory_space<hbm>>
    %dma_wait3A_276 = tpu.memref_squeeze %dma_wait3A_275 : memref<1x1x1x8x128xf32, #tpu.memory_space<hbm>> -> memref<8x128xf32, #tpu.memory_space<hbm>>
    %dma_wait3A_277 = arith.constant 0 : i32
    %dma_wait3A_278 = arith.constant 0 : i32
    %dma_wait3A_279 = tpu.memref_slice %arg4[%select_n3A_222, %dma_wait3A_269, %select_n3A_238, %dma_wait3A_277, %dma_wait3A_278] : memref<50x8x128x8x128xf32, #tpu.memory_space<hbm>> -> memref<1x1x1x8x128xf32, #tpu.memory_space<hbm>>
    %dma_wait3A_280 = tpu.memref_squeeze %dma_wait3A_279 : memref<1x1x1x8x128xf32, #tpu.memory_space<hbm>> -> memref<8x128xf32, #tpu.memory_space<hbm>>
    %dma_wait3A_281 = arith.constant 16 : i32
    %dma_wait3A_282 = arith.constant 0 : i32
    %dma_wait3A_283 = tpu.memref_slice %arg11[%dma_wait3A_281, %dma_wait3A_282] : memref<64x129xf32, #tpu.memory_space<vmem>> -> memref<8x128xf32, #tpu.memory_space<vmem>>
    tpu.wait_dma2 semaphore(%arg19 : memref<!tpu.dma_semaphore, #tpu.memory_space<semaphore_mem>>) src(%dma_wait3A_283 : memref<8x128xf32, #tpu.memory_space<vmem>>) dst(%dma_wait3A_280 : memref<8x128xf32, #tpu.memory_space<hbm>>)
    %dma_wait3A_284 = arith.constant 3 : i32
    %dma_wait3A_285 = arith.constant 24 : i32
    %dma_wait3A_286 = arith.constant 0 : i32
    %dma_wait3A_287 = tpu.memref_slice %arg11[%dma_wait3A_285, %dma_wait3A_286] : memref<64x129xf32, #tpu.memory_space<vmem>> -> memref<8x128xf32, #tpu.memory_space<vmem>>
    %dma_wait3A_288 = arith.constant 0 : i32
    %dma_wait3A_289 = arith.constant 0 : i32
    %dma_wait3A_290 = tpu.memref_slice %arg4[%select_n3A_222, %dma_wait3A_284, %select_n3A_238, %dma_wait3A_288, %dma_wait3A_289] : memref<50x8x128x8x128xf32, #tpu.memory_space<hbm>> -> memref<1x1x1x8x128xf32, #tpu.memory_space<hbm>>
    %dma_wait3A_291 = tpu.memref_squeeze %dma_wait3A_290 : memref<1x1x1x8x128xf32, #tpu.memory_space<hbm>> -> memref<8x128xf32, #tpu.memory_space<hbm>>
    %dma_wait3A_292 = arith.constant 0 : i32
    %dma_wait3A_293 = arith.constant 0 : i32
    %dma_wait3A_294 = tpu.memref_slice %arg4[%select_n3A_222, %dma_wait3A_284, %select_n3A_238, %dma_wait3A_292, %dma_wait3A_293] : memref<50x8x128x8x128xf32, #tpu.memory_space<hbm>> -> memref<1x1x1x8x128xf32, #tpu.memory_space<hbm>>
    %dma_wait3A_295 = tpu.memref_squeeze %dma_wait3A_294 : memref<1x1x1x8x128xf32, #tpu.memory_space<hbm>> -> memref<8x128xf32, #tpu.memory_space<hbm>>
    %dma_wait3A_296 = arith.constant 24 : i32
    %dma_wait3A_297 = arith.constant 0 : i32
    %dma_wait3A_298 = tpu.memref_slice %arg11[%dma_wait3A_296, %dma_wait3A_297] : memref<64x129xf32, #tpu.memory_space<vmem>> -> memref<8x128xf32, #tpu.memory_space<vmem>>
    tpu.wait_dma2 semaphore(%arg19 : memref<!tpu.dma_semaphore, #tpu.memory_space<semaphore_mem>>) src(%dma_wait3A_298 : memref<8x128xf32, #tpu.memory_space<vmem>>) dst(%dma_wait3A_295 : memref<8x128xf32, #tpu.memory_space<hbm>>)
    %dma_wait3A_299 = arith.constant 4 : i32
    %dma_wait3A_300 = arith.constant 32 : i32
    %dma_wait3A_301 = arith.constant 0 : i32
    %dma_wait3A_302 = tpu.memref_slice %arg11[%dma_wait3A_300, %dma_wait3A_301] : memref<64x129xf32, #tpu.memory_space<vmem>> -> memref<8x128xf32, #tpu.memory_space<vmem>>
    %dma_wait3A_303 = arith.constant 0 : i32
    %dma_wait3A_304 = arith.constant 0 : i32
    %dma_wait3A_305 = tpu.memref_slice %arg4[%select_n3A_222, %dma_wait3A_299, %select_n3A_238, %dma_wait3A_303, %dma_wait3A_304] : memref<50x8x128x8x128xf32, #tpu.memory_space<hbm>> -> memref<1x1x1x8x128xf32, #tpu.memory_space<hbm>>
    %dma_wait3A_306 = tpu.memref_squeeze %dma_wait3A_305 : memref<1x1x1x8x128xf32, #tpu.memory_space<hbm>> -> memref<8x128xf32, #tpu.memory_space<hbm>>
    %dma_wait3A_307 = arith.constant 0 : i32
    %dma_wait3A_308 = arith.constant 0 : i32
    %dma_wait3A_309 = tpu.memref_slice %arg4[%select_n3A_222, %dma_wait3A_299, %select_n3A_238, %dma_wait3A_307, %dma_wait3A_308] : memref<50x8x128x8x128xf32, #tpu.memory_space<hbm>> -> memref<1x1x1x8x128xf32, #tpu.memory_space<hbm>>
    %dma_wait3A_310 = tpu.memref_squeeze %dma_wait3A_309 : memref<1x1x1x8x128xf32, #tpu.memory_space<hbm>> -> memref<8x128xf32, #tpu.memory_space<hbm>>
    %dma_wait3A_311 = arith.constant 32 : i32
    %dma_wait3A_312 = arith.constant 0 : i32
    %dma_wait3A_313 = tpu.memref_slice %arg11[%dma_wait3A_311, %dma_wait3A_312] : memref<64x129xf32, #tpu.memory_space<vmem>> -> memref<8x128xf32, #tpu.memory_space<vmem>>
    tpu.wait_dma2 semaphore(%arg19 : memref<!tpu.dma_semaphore, #tpu.memory_space<semaphore_mem>>) src(%dma_wait3A_313 : memref<8x128xf32, #tpu.memory_space<vmem>>) dst(%dma_wait3A_310 : memref<8x128xf32, #tpu.memory_space<hbm>>)
    %dma_wait3A_314 = arith.constant 5 : i32
    %dma_wait3A_315 = arith.constant 40 : i32
    %dma_wait3A_316 = arith.constant 0 : i32
    %dma_wait3A_317 = tpu.memref_slice %arg11[%dma_wait3A_315, %dma_wait3A_316] : memref<64x129xf32, #tpu.memory_space<vmem>> -> memref<8x128xf32, #tpu.memory_space<vmem>>
    %dma_wait3A_318 = arith.constant 0 : i32
    %dma_wait3A_319 = arith.constant 0 : i32
    %dma_wait3A_320 = tpu.memref_slice %arg4[%select_n3A_222, %dma_wait3A_314, %select_n3A_238, %dma_wait3A_318, %dma_wait3A_319] : memref<50x8x128x8x128xf32, #tpu.memory_space<hbm>> -> memref<1x1x1x8x128xf32, #tpu.memory_space<hbm>>
    %dma_wait3A_321 = tpu.memref_squeeze %dma_wait3A_320 : memref<1x1x1x8x128xf32, #tpu.memory_space<hbm>> -> memref<8x128xf32, #tpu.memory_space<hbm>>
    %dma_wait3A_322 = arith.constant 0 : i32
    %dma_wait3A_323 = arith.constant 0 : i32
    %dma_wait3A_324 = tpu.memref_slice %arg4[%select_n3A_222, %dma_wait3A_314, %select_n3A_238, %dma_wait3A_322, %dma_wait3A_323] : memref<50x8x128x8x128xf32, #tpu.memory_space<hbm>> -> memref<1x1x1x8x128xf32, #tpu.memory_space<hbm>>
    %dma_wait3A_325 = tpu.memref_squeeze %dma_wait3A_324 : memref<1x1x1x8x128xf32, #tpu.memory_space<hbm>> -> memref<8x128xf32, #tpu.memory_space<hbm>>
    %dma_wait3A_326 = arith.constant 40 : i32
    %dma_wait3A_327 = arith.constant 0 : i32
    %dma_wait3A_328 = tpu.memref_slice %arg11[%dma_wait3A_326, %dma_wait3A_327] : memref<64x129xf32, #tpu.memory_space<vmem>> -> memref<8x128xf32, #tpu.memory_space<vmem>>
    tpu.wait_dma2 semaphore(%arg19 : memref<!tpu.dma_semaphore, #tpu.memory_space<semaphore_mem>>) src(%dma_wait3A_328 : memref<8x128xf32, #tpu.memory_space<vmem>>) dst(%dma_wait3A_325 : memref<8x128xf32, #tpu.memory_space<hbm>>)
    %dma_wait3A_329 = arith.constant 6 : i32
    %dma_wait3A_330 = arith.constant 48 : i32
    %dma_wait3A_331 = arith.constant 0 : i32
    %dma_wait3A_332 = tpu.memref_slice %arg11[%dma_wait3A_330, %dma_wait3A_331] : memref<64x129xf32, #tpu.memory_space<vmem>> -> memref<8x128xf32, #tpu.memory_space<vmem>>
    %dma_wait3A_333 = arith.constant 0 : i32
    %dma_wait3A_334 = arith.constant 0 : i32
    %dma_wait3A_335 = tpu.memref_slice %arg4[%select_n3A_222, %dma_wait3A_329, %select_n3A_238, %dma_wait3A_333, %dma_wait3A_334] : memref<50x8x128x8x128xf32, #tpu.memory_space<hbm>> -> memref<1x1x1x8x128xf32, #tpu.memory_space<hbm>>
    %dma_wait3A_336 = tpu.memref_squeeze %dma_wait3A_335 : memref<1x1x1x8x128xf32, #tpu.memory_space<hbm>> -> memref<8x128xf32, #tpu.memory_space<hbm>>
    %dma_wait3A_337 = arith.constant 0 : i32
    %dma_wait3A_338 = arith.constant 0 : i32
    %dma_wait3A_339 = tpu.memref_slice %arg4[%select_n3A_222, %dma_wait3A_329, %select_n3A_238, %dma_wait3A_337, %dma_wait3A_338] : memref<50x8x128x8x128xf32, #tpu.memory_space<hbm>> -> memref<1x1x1x8x128xf32, #tpu.memory_space<hbm>>
    %dma_wait3A_340 = tpu.memref_squeeze %dma_wait3A_339 : memref<1x1x1x8x128xf32, #tpu.memory_space<hbm>> -> memref<8x128xf32, #tpu.memory_space<hbm>>
    %dma_wait3A_341 = arith.constant 48 : i32
    %dma_wait3A_342 = arith.constant 0 : i32
    %dma_wait3A_343 = tpu.memref_slice %arg11[%dma_wait3A_341, %dma_wait3A_342] : memref<64x129xf32, #tpu.memory_space<vmem>> -> memref<8x128xf32, #tpu.memory_space<vmem>>
    tpu.wait_dma2 semaphore(%arg19 : memref<!tpu.dma_semaphore, #tpu.memory_space<semaphore_mem>>) src(%dma_wait3A_343 : memref<8x128xf32, #tpu.memory_space<vmem>>) dst(%dma_wait3A_340 : memref<8x128xf32, #tpu.memory_space<hbm>>)
    %dma_wait3A_344 = arith.constant 7 : i32
    %dma_wait3A_345 = arith.constant 56 : i32
    %dma_wait3A_346 = arith.constant 0 : i32
    %dma_wait3A_347 = tpu.memref_slice %arg11[%dma_wait3A_345, %dma_wait3A_346] : memref<64x129xf32, #tpu.memory_space<vmem>> -> memref<8x128xf32, #tpu.memory_space<vmem>>
    %dma_wait3A_348 = arith.constant 0 : i32
    %dma_wait3A_349 = arith.constant 0 : i32
    %dma_wait3A_350 = tpu.memref_slice %arg4[%select_n3A_222, %dma_wait3A_344, %select_n3A_238, %dma_wait3A_348, %dma_wait3A_349] : memref<50x8x128x8x128xf32, #tpu.memory_space<hbm>> -> memref<1x1x1x8x128xf32, #tpu.memory_space<hbm>>
    %dma_wait3A_351 = tpu.memref_squeeze %dma_wait3A_350 : memref<1x1x1x8x128xf32, #tpu.memory_space<hbm>> -> memref<8x128xf32, #tpu.memory_space<hbm>>
    %dma_wait3A_352 = arith.constant 0 : i32
    %dma_wait3A_353 = arith.constant 0 : i32
    %dma_wait3A_354 = tpu.memref_slice %arg4[%select_n3A_222, %dma_wait3A_344, %select_n3A_238, %dma_wait3A_352, %dma_wait3A_353] : memref<50x8x128x8x128xf32, #tpu.memory_space<hbm>> -> memref<1x1x1x8x128xf32, #tpu.memory_space<hbm>>
    %dma_wait3A_355 = tpu.memref_squeeze %dma_wait3A_354 : memref<1x1x1x8x128xf32, #tpu.memory_space<hbm>> -> memref<8x128xf32, #tpu.memory_space<hbm>>
    %dma_wait3A_356 = arith.constant 56 : i32
    %dma_wait3A_357 = arith.constant 0 : i32
    %dma_wait3A_358 = tpu.memref_slice %arg11[%dma_wait3A_356, %dma_wait3A_357] : memref<64x129xf32, #tpu.memory_space<vmem>> -> memref<8x128xf32, #tpu.memory_space<vmem>>
    tpu.wait_dma2 semaphore(%arg19 : memref<!tpu.dma_semaphore, #tpu.memory_space<semaphore_mem>>) src(%dma_wait3A_358 : memref<8x128xf32, #tpu.memory_space<vmem>>) dst(%dma_wait3A_355 : memref<8x128xf32, #tpu.memory_space<hbm>>)
    %add3A_359 = arith.constant 198 : i32
    %add3A_360 = arith.addi %mul3A_2, %add3A_359 : i32
    %jit3A_361 = arith.constant 128 : i32
    %div3A_362 = arith.divsi %add3A_360, %jit3A_361 : i32
    %sign3A_363 = arith.constant 0 : i32
    %sign3A_364 = arith.cmpi sgt, %add3A_360, %sign3A_363 : i32
    %sign3A_365 = arith.extui %sign3A_364 : i1 to i32
    %sign3A_366 = arith.constant 0 : i32
    %sign3A_367 = arith.cmpi slt, %add3A_360, %sign3A_366 : i32
    %sign3A_368 = arith.extui %sign3A_367 : i1 to i32
    %sign3A_369 = arith.subi %sign3A_365, %sign3A_368 : i32
    %sign3A_370 = arith.constant 0 : i32
    %sign3A_371 = arith.cmpi sgt, %jit3A_361, %sign3A_370 : i32
    %sign3A_372 = arith.extui %sign3A_371 : i1 to i32
    %sign3A_373 = arith.constant 0 : i32
    %sign3A_374 = arith.cmpi slt, %jit3A_361, %sign3A_373 : i32
    %sign3A_375 = arith.extui %sign3A_374 : i1 to i32
    %sign3A_376 = arith.subi %sign3A_372, %sign3A_375 : i32
    %ne3A_377 = arith.cmpi ne, %sign3A_369, %sign3A_376 : i32
    %rem3A_378 = arith.remsi %add3A_360, %jit3A_361 : i32
    %ne3A_379 = arith.constant 0 : i32
    %ne3A_380 = arith.cmpi ne, %rem3A_378, %ne3A_379 : i32
    %and3A_381 = arith.andi %ne3A_377, %ne3A_380 : i1
    %sub3A_382 = arith.constant 1 : i32
    %sub3A_383 = arith.subi %div3A_362, %sub3A_382 : i32
    %select_n3A_384 = arith.select %and3A_381, %sub3A_383, %div3A_362 : i32
    %jit3A_385 = arith.constant 128 : i32
    %eq3A_386 = arith.constant 0 : i32
    %eq3A_387 = arith.cmpi eq, %jit3A_385, %eq3A_386 : i32
    %jit3A_388 = arith.constant 1 : i32
    %select_n3A_389 = arith.select %eq3A_387, %jit3A_388, %jit3A_385 : i32
    %rem3A_390 = arith.remsi %add3A_360, %select_n3A_389 : i32
    %ne3A_391 = arith.constant 0 : i32
    %ne3A_392 = arith.cmpi ne, %rem3A_390, %ne3A_391 : i32
    %lt3A_393 = arith.constant 0 : i32
    %lt3A_394 = arith.cmpi slt, %rem3A_390, %lt3A_393 : i32
    %lt3A_395 = arith.constant 0 : i32
    %lt3A_396 = arith.cmpi slt, %select_n3A_389, %lt3A_395 : i32
    %ne3A_397 = arith.xori %lt3A_394, %lt3A_396 : i1
    %and3A_398 = arith.andi %ne3A_397, %ne3A_392 : i1
    %add3A_399 = arith.addi %rem3A_390, %select_n3A_389 : i32
    %select_n3A_400 = arith.select %and3A_398, %add3A_399, %rem3A_390 : i32
    %dma_wait3A_401 = arith.constant 0 : i32
    %dma_wait3A_402 = arith.constant 0 : i32
    %dma_wait3A_403 = arith.constant 0 : i32
    %dma_wait3A_404 = tpu.memref_slice %arg12[%dma_wait3A_402, %dma_wait3A_403] : memref<64x129xf32, #tpu.memory_space<vmem>> -> memref<8x128xf32, #tpu.memory_space<vmem>>
    %dma_wait3A_405 = arith.constant 0 : i32
    %dma_wait3A_406 = arith.constant 0 : i32
    %dma_wait3A_407 = tpu.memref_slice %arg4[%select_n3A_384, %dma_wait3A_401, %select_n3A_400, %dma_wait3A_405, %dma_wait3A_406] : memref<50x8x128x8x128xf32, #tpu.memory_space<hbm>> -> memref<1x1x1x8x128xf32, #tpu.memory_space<hbm>>
    %dma_wait3A_408 = tpu.memref_squeeze %dma_wait3A_407 : memref<1x1x1x8x128xf32, #tpu.memory_space<hbm>> -> memref<8x128xf32, #tpu.memory_space<hbm>>
    %dma_wait3A_409 = arith.constant 0 : i32
    %dma_wait3A_410 = arith.constant 0 : i32
    %dma_wait3A_411 = tpu.memref_slice %arg4[%select_n3A_384, %dma_wait3A_401, %select_n3A_400, %dma_wait3A_409, %dma_wait3A_410] : memref<50x8x128x8x128xf32, #tpu.memory_space<hbm>> -> memref<1x1x1x8x128xf32, #tpu.memory_space<hbm>>
    %dma_wait3A_412 = tpu.memref_squeeze %dma_wait3A_411 : memref<1x1x1x8x128xf32, #tpu.memory_space<hbm>> -> memref<8x128xf32, #tpu.memory_space<hbm>>
    %dma_wait3A_413 = arith.constant 0 : i32
    %dma_wait3A_414 = arith.constant 0 : i32
    %dma_wait3A_415 = tpu.memref_slice %arg12[%dma_wait3A_413, %dma_wait3A_414] : memref<64x129xf32, #tpu.memory_space<vmem>> -> memref<8x128xf32, #tpu.memory_space<vmem>>
    tpu.wait_dma2 semaphore(%arg20 : memref<!tpu.dma_semaphore, #tpu.memory_space<semaphore_mem>>) src(%dma_wait3A_415 : memref<8x128xf32, #tpu.memory_space<vmem>>) dst(%dma_wait3A_412 : memref<8x128xf32, #tpu.memory_space<hbm>>)
    %dma_wait3A_416 = arith.constant 1 : i32
    %dma_wait3A_417 = arith.constant 8 : i32
    %dma_wait3A_418 = arith.constant 0 : i32
    %dma_wait3A_419 = tpu.memref_slice %arg12[%dma_wait3A_417, %dma_wait3A_418] : memref<64x129xf32, #tpu.memory_space<vmem>> -> memref<8x128xf32, #tpu.memory_space<vmem>>
    %dma_wait3A_420 = arith.constant 0 : i32
    %dma_wait3A_421 = arith.constant 0 : i32
    %dma_wait3A_422 = tpu.memref_slice %arg4[%select_n3A_384, %dma_wait3A_416, %select_n3A_400, %dma_wait3A_420, %dma_wait3A_421] : memref<50x8x128x8x128xf32, #tpu.memory_space<hbm>> -> memref<1x1x1x8x128xf32, #tpu.memory_space<hbm>>
    %dma_wait3A_423 = tpu.memref_squeeze %dma_wait3A_422 : memref<1x1x1x8x128xf32, #tpu.memory_space<hbm>> -> memref<8x128xf32, #tpu.memory_space<hbm>>
    %dma_wait3A_424 = arith.constant 0 : i32
    %dma_wait3A_425 = arith.constant 0 : i32
    %dma_wait3A_426 = tpu.memref_slice %arg4[%select_n3A_384, %dma_wait3A_416, %select_n3A_400, %dma_wait3A_424, %dma_wait3A_425] : memref<50x8x128x8x128xf32, #tpu.memory_space<hbm>> -> memref<1x1x1x8x128xf32, #tpu.memory_space<hbm>>
    %dma_wait3A_427 = tpu.memref_squeeze %dma_wait3A_426 : memref<1x1x1x8x128xf32, #tpu.memory_space<hbm>> -> memref<8x128xf32, #tpu.memory_space<hbm>>
    %dma_wait3A_428 = arith.constant 8 : i32
    %dma_wait3A_429 = arith.constant 0 : i32
    %dma_wait3A_430 = tpu.memref_slice %arg12[%dma_wait3A_428, %dma_wait3A_429] : memref<64x129xf32, #tpu.memory_space<vmem>> -> memref<8x128xf32, #tpu.memory_space<vmem>>
    tpu.wait_dma2 semaphore(%arg20 : memref<!tpu.dma_semaphore, #tpu.memory_space<semaphore_mem>>) src(%dma_wait3A_430 : memref<8x128xf32, #tpu.memory_space<vmem>>) dst(%dma_wait3A_427 : memref<8x128xf32, #tpu.memory_space<hbm>>)
    %dma_wait3A_431 = arith.constant 2 : i32
    %dma_wait3A_432 = arith.constant 16 : i32
    %dma_wait3A_433 = arith.constant 0 : i32
    %dma_wait3A_434 = tpu.memref_slice %arg12[%dma_wait3A_432, %dma_wait3A_433] : memref<64x129xf32, #tpu.memory_space<vmem>> -> memref<8x128xf32, #tpu.memory_space<vmem>>
    %dma_wait3A_435 = arith.constant 0 : i32
    %dma_wait3A_436 = arith.constant 0 : i32
    %dma_wait3A_437 = tpu.memref_slice %arg4[%select_n3A_384, %dma_wait3A_431, %select_n3A_400, %dma_wait3A_435, %dma_wait3A_436] : memref<50x8x128x8x128xf32, #tpu.memory_space<hbm>> -> memref<1x1x1x8x128xf32, #tpu.memory_space<hbm>>
    %dma_wait3A_438 = tpu.memref_squeeze %dma_wait3A_437 : memref<1x1x1x8x128xf32, #tpu.memory_space<hbm>> -> memref<8x128xf32, #tpu.memory_space<hbm>>
    %dma_wait3A_439 = arith.constant 0 : i32
    %dma_wait3A_440 = arith.constant 0 : i32
    %dma_wait3A_441 = tpu.memref_slice %arg4[%select_n3A_384, %dma_wait3A_431, %select_n3A_400, %dma_wait3A_439, %dma_wait3A_440] : memref<50x8x128x8x128xf32, #tpu.memory_space<hbm>> -> memref<1x1x1x8x128xf32, #tpu.memory_space<hbm>>
    %dma_wait3A_442 = tpu.memref_squeeze %dma_wait3A_441 : memref<1x1x1x8x128xf32, #tpu.memory_space<hbm>> -> memref<8x128xf32, #tpu.memory_space<hbm>>
    %dma_wait3A_443 = arith.constant 16 : i32
    %dma_wait3A_444 = arith.constant 0 : i32
    %dma_wait3A_445 = tpu.memref_slice %arg12[%dma_wait3A_443, %dma_wait3A_444] : memref<64x129xf32, #tpu.memory_space<vmem>> -> memref<8x128xf32, #tpu.memory_space<vmem>>
    tpu.wait_dma2 semaphore(%arg20 : memref<!tpu.dma_semaphore, #tpu.memory_space<semaphore_mem>>) src(%dma_wait3A_445 : memref<8x128xf32, #tpu.memory_space<vmem>>) dst(%dma_wait3A_442 : memref<8x128xf32, #tpu.memory_space<hbm>>)
    %dma_wait3A_446 = arith.constant 3 : i32
    %dma_wait3A_447 = arith.constant 24 : i32
    %dma_wait3A_448 = arith.constant 0 : i32
    %dma_wait3A_449 = tpu.memref_slice %arg12[%dma_wait3A_447, %dma_wait3A_448] : memref<64x129xf32, #tpu.memory_space<vmem>> -> memref<8x128xf32, #tpu.memory_space<vmem>>
    %dma_wait3A_450 = arith.constant 0 : i32
    %dma_wait3A_451 = arith.constant 0 : i32
    %dma_wait3A_452 = tpu.memref_slice %arg4[%select_n3A_384, %dma_wait3A_446, %select_n3A_400, %dma_wait3A_450, %dma_wait3A_451] : memref<50x8x128x8x128xf32, #tpu.memory_space<hbm>> -> memref<1x1x1x8x128xf32, #tpu.memory_space<hbm>>
    %dma_wait3A_453 = tpu.memref_squeeze %dma_wait3A_452 : memref<1x1x1x8x128xf32, #tpu.memory_space<hbm>> -> memref<8x128xf32, #tpu.memory_space<hbm>>
    %dma_wait3A_454 = arith.constant 0 : i32
    %dma_wait3A_455 = arith.constant 0 : i32
    %dma_wait3A_456 = tpu.memref_slice %arg4[%select_n3A_384, %dma_wait3A_446, %select_n3A_400, %dma_wait3A_454, %dma_wait3A_455] : memref<50x8x128x8x128xf32, #tpu.memory_space<hbm>> -> memref<1x1x1x8x128xf32, #tpu.memory_space<hbm>>
    %dma_wait3A_457 = tpu.memref_squeeze %dma_wait3A_456 : memref<1x1x1x8x128xf32, #tpu.memory_space<hbm>> -> memref<8x128xf32, #tpu.memory_space<hbm>>
    %dma_wait3A_458 = arith.constant 24 : i32
    %dma_wait3A_459 = arith.constant 0 : i32
    %dma_wait3A_460 = tpu.memref_slice %arg12[%dma_wait3A_458, %dma_wait3A_459] : memref<64x129xf32, #tpu.memory_space<vmem>> -> memref<8x128xf32, #tpu.memory_space<vmem>>
    tpu.wait_dma2 semaphore(%arg20 : memref<!tpu.dma_semaphore, #tpu.memory_space<semaphore_mem>>) src(%dma_wait3A_460 : memref<8x128xf32, #tpu.memory_space<vmem>>) dst(%dma_wait3A_457 : memref<8x128xf32, #tpu.memory_space<hbm>>)
    %dma_wait3A_461 = arith.constant 4 : i32
    %dma_wait3A_462 = arith.constant 32 : i32
    %dma_wait3A_463 = arith.constant 0 : i32
    %dma_wait3A_464 = tpu.memref_slice %arg12[%dma_wait3A_462, %dma_wait3A_463] : memref<64x129xf32, #tpu.memory_space<vmem>> -> memref<8x128xf32, #tpu.memory_space<vmem>>
    %dma_wait3A_465 = arith.constant 0 : i32
    %dma_wait3A_466 = arith.constant 0 : i32
    %dma_wait3A_467 = tpu.memref_slice %arg4[%select_n3A_384, %dma_wait3A_461, %select_n3A_400, %dma_wait3A_465, %dma_wait3A_466] : memref<50x8x128x8x128xf32, #tpu.memory_space<hbm>> -> memref<1x1x1x8x128xf32, #tpu.memory_space<hbm>>
    %dma_wait3A_468 = tpu.memref_squeeze %dma_wait3A_467 : memref<1x1x1x8x128xf32, #tpu.memory_space<hbm>> -> memref<8x128xf32, #tpu.memory_space<hbm>>
    %dma_wait3A_469 = arith.constant 0 : i32
    %dma_wait3A_470 = arith.constant 0 : i32
    %dma_wait3A_471 = tpu.memref_slice %arg4[%select_n3A_384, %dma_wait3A_461, %select_n3A_400, %dma_wait3A_469, %dma_wait3A_470] : memref<50x8x128x8x128xf32, #tpu.memory_space<hbm>> -> memref<1x1x1x8x128xf32, #tpu.memory_space<hbm>>
    %dma_wait3A_472 = tpu.memref_squeeze %dma_wait3A_471 : memref<1x1x1x8x128xf32, #tpu.memory_space<hbm>> -> memref<8x128xf32, #tpu.memory_space<hbm>>
    %dma_wait3A_473 = arith.constant 32 : i32
    %dma_wait3A_474 = arith.constant 0 : i32
    %dma_wait3A_475 = tpu.memref_slice %arg12[%dma_wait3A_473, %dma_wait3A_474] : memref<64x129xf32, #tpu.memory_space<vmem>> -> memref<8x128xf32, #tpu.memory_space<vmem>>
    tpu.wait_dma2 semaphore(%arg20 : memref<!tpu.dma_semaphore, #tpu.memory_space<semaphore_mem>>) src(%dma_wait3A_475 : memref<8x128xf32, #tpu.memory_space<vmem>>) dst(%dma_wait3A_472 : memref<8x128xf32, #tpu.memory_space<hbm>>)
    %dma_wait3A_476 = arith.constant 5 : i32
    %dma_wait3A_477 = arith.constant 40 : i32
    %dma_wait3A_478 = arith.constant 0 : i32
    %dma_wait3A_479 = tpu.memref_slice %arg12[%dma_wait3A_477, %dma_wait3A_478] : memref<64x129xf32, #tpu.memory_space<vmem>> -> memref<8x128xf32, #tpu.memory_space<vmem>>
    %dma_wait3A_480 = arith.constant 0 : i32
    %dma_wait3A_481 = arith.constant 0 : i32
    %dma_wait3A_482 = tpu.memref_slice %arg4[%select_n3A_384, %dma_wait3A_476, %select_n3A_400, %dma_wait3A_480, %dma_wait3A_481] : memref<50x8x128x8x128xf32, #tpu.memory_space<hbm>> -> memref<1x1x1x8x128xf32, #tpu.memory_space<hbm>>
    %dma_wait3A_483 = tpu.memref_squeeze %dma_wait3A_482 : memref<1x1x1x8x128xf32, #tpu.memory_space<hbm>> -> memref<8x128xf32, #tpu.memory_space<hbm>>
    %dma_wait3A_484 = arith.constant 0 : i32
    %dma_wait3A_485 = arith.constant 0 : i32
    %dma_wait3A_486 = tpu.memref_slice %arg4[%select_n3A_384, %dma_wait3A_476, %select_n3A_400, %dma_wait3A_484, %dma_wait3A_485] : memref<50x8x128x8x128xf32, #tpu.memory_space<hbm>> -> memref<1x1x1x8x128xf32, #tpu.memory_space<hbm>>
    %dma_wait3A_487 = tpu.memref_squeeze %dma_wait3A_486 : memref<1x1x1x8x128xf32, #tpu.memory_space<hbm>> -> memref<8x128xf32, #tpu.memory_space<hbm>>
    %dma_wait3A_488 = arith.constant 40 : i32
    %dma_wait3A_489 = arith.constant 0 : i32
    %dma_wait3A_490 = tpu.memref_slice %arg12[%dma_wait3A_488, %dma_wait3A_489] : memref<64x129xf32, #tpu.memory_space<vmem>> -> memref<8x128xf32, #tpu.memory_space<vmem>>
    tpu.wait_dma2 semaphore(%arg20 : memref<!tpu.dma_semaphore, #tpu.memory_space<semaphore_mem>>) src(%dma_wait3A_490 : memref<8x128xf32, #tpu.memory_space<vmem>>) dst(%dma_wait3A_487 : memref<8x128xf32, #tpu.memory_space<hbm>>)
    %dma_wait3A_491 = arith.constant 6 : i32
    %dma_wait3A_492 = arith.constant 48 : i32
    %dma_wait3A_493 = arith.constant 0 : i32
    %dma_wait3A_494 = tpu.memref_slice %arg12[%dma_wait3A_492, %dma_wait3A_493] : memref<64x129xf32, #tpu.memory_space<vmem>> -> memref<8x128xf32, #tpu.memory_space<vmem>>
    %dma_wait3A_495 = arith.constant 0 : i32
    %dma_wait3A_496 = arith.constant 0 : i32
    %dma_wait3A_497 = tpu.memref_slice %arg4[%select_n3A_384, %dma_wait3A_491, %select_n3A_400, %dma_wait3A_495, %dma_wait3A_496] : memref<50x8x128x8x128xf32, #tpu.memory_space<hbm>> -> memref<1x1x1x8x128xf32, #tpu.memory_space<hbm>>
    %dma_wait3A_498 = tpu.memref_squeeze %dma_wait3A_497 : memref<1x1x1x8x128xf32, #tpu.memory_space<hbm>> -> memref<8x128xf32, #tpu.memory_space<hbm>>
    %dma_wait3A_499 = arith.constant 0 : i32
    %dma_wait3A_500 = arith.constant 0 : i32
    %dma_wait3A_501 = tpu.memref_slice %arg4[%select_n3A_384, %dma_wait3A_491, %select_n3A_400, %dma_wait3A_499, %dma_wait3A_500] : memref<50x8x128x8x128xf32, #tpu.memory_space<hbm>> -> memref<1x1x1x8x128xf32, #tpu.memory_space<hbm>>
    %dma_wait3A_502 = tpu.memref_squeeze %dma_wait3A_501 : memref<1x1x1x8x128xf32, #tpu.memory_space<hbm>> -> memref<8x128xf32, #tpu.memory_space<hbm>>
    %dma_wait3A_503 = arith.constant 48 : i32
    %dma_wait3A_504 = arith.constant 0 : i32
    %dma_wait3A_505 = tpu.memref_slice %arg12[%dma_wait3A_503, %dma_wait3A_504] : memref<64x129xf32, #tpu.memory_space<vmem>> -> memref<8x128xf32, #tpu.memory_space<vmem>>
    tpu.wait_dma2 semaphore(%arg20 : memref<!tpu.dma_semaphore, #tpu.memory_space<semaphore_mem>>) src(%dma_wait3A_505 : memref<8x128xf32, #tpu.memory_space<vmem>>) dst(%dma_wait3A_502 : memref<8x128xf32, #tpu.memory_space<hbm>>)
    %dma_wait3A_506 = arith.constant 7 : i32
    %dma_wait3A_507 = arith.constant 56 : i32
    %dma_wait3A_508 = arith.constant 0 : i32
    %dma_wait3A_509 = tpu.memref_slice %arg12[%dma_wait3A_507, %dma_wait3A_508] : memref<64x129xf32, #tpu.memory_space<vmem>> -> memref<8x128xf32, #tpu.memory_space<vmem>>
    %dma_wait3A_510 = arith.constant 0 : i32
    %dma_wait3A_511 = arith.constant 0 : i32
    %dma_wait3A_512 = tpu.memref_slice %arg4[%select_n3A_384, %dma_wait3A_506, %select_n3A_400, %dma_wait3A_510, %dma_wait3A_511] : memref<50x8x128x8x128xf32, #tpu.memory_space<hbm>> -> memref<1x1x1x8x128xf32, #tpu.memory_space<hbm>>
    %dma_wait3A_513 = tpu.memref_squeeze %dma_wait3A_512 : memref<1x1x1x8x128xf32, #tpu.memory_space<hbm>> -> memref<8x128xf32, #tpu.memory_space<hbm>>
    %dma_wait3A_514 = arith.constant 0 : i32
    %dma_wait3A_515 = arith.constant 0 : i32
    %dma_wait3A_516 = tpu.memref_slice %arg4[%select_n3A_384, %dma_wait3A_506, %select_n3A_400, %dma_wait3A_514, %dma_wait3A_515] : memref<50x8x128x8x128xf32, #tpu.memory_space<hbm>> -> memref<1x1x1x8x128xf32, #tpu.memory_space<hbm>>
    %dma_wait3A_517 = tpu.memref_squeeze %dma_wait3A_516 : memref<1x1x1x8x128xf32, #tpu.memory_space<hbm>> -> memref<8x128xf32, #tpu.memory_space<hbm>>
    %dma_wait3A_518 = arith.constant 56 : i32
    %dma_wait3A_519 = arith.constant 0 : i32
    %dma_wait3A_520 = tpu.memref_slice %arg12[%dma_wait3A_518, %dma_wait3A_519] : memref<64x129xf32, #tpu.memory_space<vmem>> -> memref<8x128xf32, #tpu.memory_space<vmem>>
    tpu.wait_dma2 semaphore(%arg20 : memref<!tpu.dma_semaphore, #tpu.memory_space<semaphore_mem>>) src(%dma_wait3A_520 : memref<8x128xf32, #tpu.memory_space<vmem>>) dst(%dma_wait3A_517 : memref<8x128xf32, #tpu.memory_space<hbm>>)
    %add3A_521 = arith.constant 199 : i32
    %add3A_522 = arith.addi %mul3A_2, %add3A_521 : i32
    %jit3A_523 = arith.constant 128 : i32
    %div3A_524 = arith.divsi %add3A_522, %jit3A_523 : i32
    %sign3A_525 = arith.constant 0 : i32
    %sign3A_526 = arith.cmpi sgt, %add3A_522, %sign3A_525 : i32
    %sign3A_527 = arith.extui %sign3A_526 : i1 to i32
    %sign3A_528 = arith.constant 0 : i32
    %sign3A_529 = arith.cmpi slt, %add3A_522, %sign3A_528 : i32
    %sign3A_530 = arith.extui %sign3A_529 : i1 to i32
    %sign3A_531 = arith.subi %sign3A_527, %sign3A_530 : i32
    %sign3A_532 = arith.constant 0 : i32
    %sign3A_533 = arith.cmpi sgt, %jit3A_523, %sign3A_532 : i32
    %sign3A_534 = arith.extui %sign3A_533 : i1 to i32
    %sign3A_535 = arith.constant 0 : i32
    %sign3A_536 = arith.cmpi slt, %jit3A_523, %sign3A_535 : i32
    %sign3A_537 = arith.extui %sign3A_536 : i1 to i32
    %sign3A_538 = arith.subi %sign3A_534, %sign3A_537 : i32
    %ne3A_539 = arith.cmpi ne, %sign3A_531, %sign3A_538 : i32
    %rem3A_540 = arith.remsi %add3A_522, %jit3A_523 : i32
    %ne3A_541 = arith.constant 0 : i32
    %ne3A_542 = arith.cmpi ne, %rem3A_540, %ne3A_541 : i32
    %and3A_543 = arith.andi %ne3A_539, %ne3A_542 : i1
    %sub3A_544 = arith.constant 1 : i32
    %sub3A_545 = arith.subi %div3A_524, %sub3A_544 : i32
    %select_n3A_546 = arith.select %and3A_543, %sub3A_545, %div3A_524 : i32
    %jit3A_547 = arith.constant 128 : i32
    %eq3A_548 = arith.constant 0 : i32
    %eq3A_549 = arith.cmpi eq, %jit3A_547, %eq3A_548 : i32
    %jit3A_550 = arith.constant 1 : i32
    %select_n3A_551 = arith.select %eq3A_549, %jit3A_550, %jit3A_547 : i32
    %rem3A_552 = arith.remsi %add3A_522, %select_n3A_551 : i32
    %ne3A_553 = arith.constant 0 : i32
    %ne3A_554 = arith.cmpi ne, %rem3A_552, %ne3A_553 : i32
    %lt3A_555 = arith.constant 0 : i32
    %lt3A_556 = arith.cmpi slt, %rem3A_552, %lt3A_555 : i32
    %lt3A_557 = arith.constant 0 : i32
    %lt3A_558 = arith.cmpi slt, %select_n3A_551, %lt3A_557 : i32
    %ne3A_559 = arith.xori %lt3A_556, %lt3A_558 : i1
    %and3A_560 = arith.andi %ne3A_559, %ne3A_554 : i1
    %add3A_561 = arith.addi %rem3A_552, %select_n3A_551 : i32
    %select_n3A_562 = arith.select %and3A_560, %add3A_561, %rem3A_552 : i32
    %dma_wait3A_563 = arith.constant 0 : i32
    %dma_wait3A_564 = arith.constant 0 : i32
    %dma_wait3A_565 = arith.constant 0 : i32
    %dma_wait3A_566 = tpu.memref_slice %arg13[%dma_wait3A_564, %dma_wait3A_565] : memref<64x129xf32, #tpu.memory_space<vmem>> -> memref<8x128xf32, #tpu.memory_space<vmem>>
    %dma_wait3A_567 = arith.constant 0 : i32
    %dma_wait3A_568 = arith.constant 0 : i32
    %dma_wait3A_569 = tpu.memref_slice %arg4[%select_n3A_546, %dma_wait3A_563, %select_n3A_562, %dma_wait3A_567, %dma_wait3A_568] : memref<50x8x128x8x128xf32, #tpu.memory_space<hbm>> -> memref<1x1x1x8x128xf32, #tpu.memory_space<hbm>>
    %dma_wait3A_570 = tpu.memref_squeeze %dma_wait3A_569 : memref<1x1x1x8x128xf32, #tpu.memory_space<hbm>> -> memref<8x128xf32, #tpu.memory_space<hbm>>
    %dma_wait3A_571 = arith.constant 0 : i32
    %dma_wait3A_572 = arith.constant 0 : i32
    %dma_wait3A_573 = tpu.memref_slice %arg4[%select_n3A_546, %dma_wait3A_563, %select_n3A_562, %dma_wait3A_571, %dma_wait3A_572] : memref<50x8x128x8x128xf32, #tpu.memory_space<hbm>> -> memref<1x1x1x8x128xf32, #tpu.memory_space<hbm>>
    %dma_wait3A_574 = tpu.memref_squeeze %dma_wait3A_573 : memref<1x1x1x8x128xf32, #tpu.memory_space<hbm>> -> memref<8x128xf32, #tpu.memory_space<hbm>>
    %dma_wait3A_575 = arith.constant 0 : i32
    %dma_wait3A_576 = arith.constant 0 : i32
    %dma_wait3A_577 = tpu.memref_slice %arg13[%dma_wait3A_575, %dma_wait3A_576] : memref<64x129xf32, #tpu.memory_space<vmem>> -> memref<8x128xf32, #tpu.memory_space<vmem>>
    tpu.wait_dma2 semaphore(%arg21 : memref<!tpu.dma_semaphore, #tpu.memory_space<semaphore_mem>>) src(%dma_wait3A_577 : memref<8x128xf32, #tpu.memory_space<vmem>>) dst(%dma_wait3A_574 : memref<8x128xf32, #tpu.memory_space<hbm>>)
    %dma_wait3A_578 = arith.constant 1 : i32
    %dma_wait3A_579 = arith.constant 8 : i32
    %dma_wait3A_580 = arith.constant 0 : i32
    %dma_wait3A_581 = tpu.memref_slice %arg13[%dma_wait3A_579, %dma_wait3A_580] : memref<64x129xf32, #tpu.memory_space<vmem>> -> memref<8x128xf32, #tpu.memory_space<vmem>>
    %dma_wait3A_582 = arith.constant 0 : i32
    %dma_wait3A_583 = arith.constant 0 : i32
    %dma_wait3A_584 = tpu.memref_slice %arg4[%select_n3A_546, %dma_wait3A_578, %select_n3A_562, %dma_wait3A_582, %dma_wait3A_583] : memref<50x8x128x8x128xf32, #tpu.memory_space<hbm>> -> memref<1x1x1x8x128xf32, #tpu.memory_space<hbm>>
    %dma_wait3A_585 = tpu.memref_squeeze %dma_wait3A_584 : memref<1x1x1x8x128xf32, #tpu.memory_space<hbm>> -> memref<8x128xf32, #tpu.memory_space<hbm>>
    %dma_wait3A_586 = arith.constant 0 : i32
    %dma_wait3A_587 = arith.constant 0 : i32
    %dma_wait3A_588 = tpu.memref_slice %arg4[%select_n3A_546, %dma_wait3A_578, %select_n3A_562, %dma_wait3A_586, %dma_wait3A_587] : memref<50x8x128x8x128xf32, #tpu.memory_space<hbm>> -> memref<1x1x1x8x128xf32, #tpu.memory_space<hbm>>
    %dma_wait3A_589 = tpu.memref_squeeze %dma_wait3A_588 : memref<1x1x1x8x128xf32, #tpu.memory_space<hbm>> -> memref<8x128xf32, #tpu.memory_space<hbm>>
    %dma_wait3A_590 = arith.constant 8 : i32
    %dma_wait3A_591 = arith.constant 0 : i32
    %dma_wait3A_592 = tpu.memref_slice %arg13[%dma_wait3A_590, %dma_wait3A_591] : memref<64x129xf32, #tpu.memory_space<vmem>> -> memref<8x128xf32, #tpu.memory_space<vmem>>
    tpu.wait_dma2 semaphore(%arg21 : memref<!tpu.dma_semaphore, #tpu.memory_space<semaphore_mem>>) src(%dma_wait3A_592 : memref<8x128xf32, #tpu.memory_space<vmem>>) dst(%dma_wait3A_589 : memref<8x128xf32, #tpu.memory_space<hbm>>)
    %dma_wait3A_593 = arith.constant 2 : i32
    %dma_wait3A_594 = arith.constant 16 : i32
    %dma_wait3A_595 = arith.constant 0 : i32
    %dma_wait3A_596 = tpu.memref_slice %arg13[%dma_wait3A_594, %dma_wait3A_595] : memref<64x129xf32, #tpu.memory_space<vmem>> -> memref<8x128xf32, #tpu.memory_space<vmem>>
    %dma_wait3A_597 = arith.constant 0 : i32
    %dma_wait3A_598 = arith.constant 0 : i32
    %dma_wait3A_599 = tpu.memref_slice %arg4[%select_n3A_546, %dma_wait3A_593, %select_n3A_562, %dma_wait3A_597, %dma_wait3A_598] : memref<50x8x128x8x128xf32, #tpu.memory_space<hbm>> -> memref<1x1x1x8x128xf32, #tpu.memory_space<hbm>>
    %dma_wait3A_600 = tpu.memref_squeeze %dma_wait3A_599 : memref<1x1x1x8x128xf32, #tpu.memory_space<hbm>> -> memref<8x128xf32, #tpu.memory_space<hbm>>
    %dma_wait3A_601 = arith.constant 0 : i32
    %dma_wait3A_602 = arith.constant 0 : i32
    %dma_wait3A_603 = tpu.memref_slice %arg4[%select_n3A_546, %dma_wait3A_593, %select_n3A_562, %dma_wait3A_601, %dma_wait3A_602] : memref<50x8x128x8x128xf32, #tpu.memory_space<hbm>> -> memref<1x1x1x8x128xf32, #tpu.memory_space<hbm>>
    %dma_wait3A_604 = tpu.memref_squeeze %dma_wait3A_603 : memref<1x1x1x8x128xf32, #tpu.memory_space<hbm>> -> memref<8x128xf32, #tpu.memory_space<hbm>>
    %dma_wait3A_605 = arith.constant 16 : i32
    %dma_wait3A_606 = arith.constant 0 : i32
    %dma_wait3A_607 = tpu.memref_slice %arg13[%dma_wait3A_605, %dma_wait3A_606] : memref<64x129xf32, #tpu.memory_space<vmem>> -> memref<8x128xf32, #tpu.memory_space<vmem>>
    tpu.wait_dma2 semaphore(%arg21 : memref<!tpu.dma_semaphore, #tpu.memory_space<semaphore_mem>>) src(%dma_wait3A_607 : memref<8x128xf32, #tpu.memory_space<vmem>>) dst(%dma_wait3A_604 : memref<8x128xf32, #tpu.memory_space<hbm>>)
    %dma_wait3A_608 = arith.constant 3 : i32
    %dma_wait3A_609 = arith.constant 24 : i32
    %dma_wait3A_610 = arith.constant 0 : i32
    %dma_wait3A_611 = tpu.memref_slice %arg13[%dma_wait3A_609, %dma_wait3A_610] : memref<64x129xf32, #tpu.memory_space<vmem>> -> memref<8x128xf32, #tpu.memory_space<vmem>>
    %dma_wait3A_612 = arith.constant 0 : i32
    %dma_wait3A_613 = arith.constant 0 : i32
    %dma_wait3A_614 = tpu.memref_slice %arg4[%select_n3A_546, %dma_wait3A_608, %select_n3A_562, %dma_wait3A_612, %dma_wait3A_613] : memref<50x8x128x8x128xf32, #tpu.memory_space<hbm>> -> memref<1x1x1x8x128xf32, #tpu.memory_space<hbm>>
    %dma_wait3A_615 = tpu.memref_squeeze %dma_wait3A_614 : memref<1x1x1x8x128xf32, #tpu.memory_space<hbm>> -> memref<8x128xf32, #tpu.memory_space<hbm>>
    %dma_wait3A_616 = arith.constant 0 : i32
    %dma_wait3A_617 = arith.constant 0 : i32
    %dma_wait3A_618 = tpu.memref_slice %arg4[%select_n3A_546, %dma_wait3A_608, %select_n3A_562, %dma_wait3A_616, %dma_wait3A_617] : memref<50x8x128x8x128xf32, #tpu.memory_space<hbm>> -> memref<1x1x1x8x128xf32, #tpu.memory_space<hbm>>
    %dma_wait3A_619 = tpu.memref_squeeze %dma_wait3A_618 : memref<1x1x1x8x128xf32, #tpu.memory_space<hbm>> -> memref<8x128xf32, #tpu.memory_space<hbm>>
    %dma_wait3A_620 = arith.constant 24 : i32
    %dma_wait3A_621 = arith.constant 0 : i32
    %dma_wait3A_622 = tpu.memref_slice %arg13[%dma_wait3A_620, %dma_wait3A_621] : memref<64x129xf32, #tpu.memory_space<vmem>> -> memref<8x128xf32, #tpu.memory_space<vmem>>
    tpu.wait_dma2 semaphore(%arg21 : memref<!tpu.dma_semaphore, #tpu.memory_space<semaphore_mem>>) src(%dma_wait3A_622 : memref<8x128xf32, #tpu.memory_space<vmem>>) dst(%dma_wait3A_619 : memref<8x128xf32, #tpu.memory_space<hbm>>)
    %dma_wait3A_623 = arith.constant 4 : i32
    %dma_wait3A_624 = arith.constant 32 : i32
    %dma_wait3A_625 = arith.constant 0 : i32
    %dma_wait3A_626 = tpu.memref_slice %arg13[%dma_wait3A_624, %dma_wait3A_625] : memref<64x129xf32, #tpu.memory_space<vmem>> -> memref<8x128xf32, #tpu.memory_space<vmem>>
    %dma_wait3A_627 = arith.constant 0 : i32
    %dma_wait3A_628 = arith.constant 0 : i32
    %dma_wait3A_629 = tpu.memref_slice %arg4[%select_n3A_546, %dma_wait3A_623, %select_n3A_562, %dma_wait3A_627, %dma_wait3A_628] : memref<50x8x128x8x128xf32, #tpu.memory_space<hbm>> -> memref<1x1x1x8x128xf32, #tpu.memory_space<hbm>>
    %dma_wait3A_630 = tpu.memref_squeeze %dma_wait3A_629 : memref<1x1x1x8x128xf32, #tpu.memory_space<hbm>> -> memref<8x128xf32, #tpu.memory_space<hbm>>
    %dma_wait3A_631 = arith.constant 0 : i32
    %dma_wait3A_632 = arith.constant 0 : i32
    %dma_wait3A_633 = tpu.memref_slice %arg4[%select_n3A_546, %dma_wait3A_623, %select_n3A_562, %dma_wait3A_631, %dma_wait3A_632] : memref<50x8x128x8x128xf32, #tpu.memory_space<hbm>> -> memref<1x1x1x8x128xf32, #tpu.memory_space<hbm>>
    %dma_wait3A_634 = tpu.memref_squeeze %dma_wait3A_633 : memref<1x1x1x8x128xf32, #tpu.memory_space<hbm>> -> memref<8x128xf32, #tpu.memory_space<hbm>>
    %dma_wait3A_635 = arith.constant 32 : i32
    %dma_wait3A_636 = arith.constant 0 : i32
    %dma_wait3A_637 = tpu.memref_slice %arg13[%dma_wait3A_635, %dma_wait3A_636] : memref<64x129xf32, #tpu.memory_space<vmem>> -> memref<8x128xf32, #tpu.memory_space<vmem>>
    tpu.wait_dma2 semaphore(%arg21 : memref<!tpu.dma_semaphore, #tpu.memory_space<semaphore_mem>>) src(%dma_wait3A_637 : memref<8x128xf32, #tpu.memory_space<vmem>>) dst(%dma_wait3A_634 : memref<8x128xf32, #tpu.memory_space<hbm>>)
    %dma_wait3A_638 = arith.constant 5 : i32
    %dma_wait3A_639 = arith.constant 40 : i32
    %dma_wait3A_640 = arith.constant 0 : i32
    %dma_wait3A_641 = tpu.memref_slice %arg13[%dma_wait3A_639, %dma_wait3A_640] : memref<64x129xf32, #tpu.memory_space<vmem>> -> memref<8x128xf32, #tpu.memory_space<vmem>>
    %dma_wait3A_642 = arith.constant 0 : i32
    %dma_wait3A_643 = arith.constant 0 : i32
    %dma_wait3A_644 = tpu.memref_slice %arg4[%select_n3A_546, %dma_wait3A_638, %select_n3A_562, %dma_wait3A_642, %dma_wait3A_643] : memref<50x8x128x8x128xf32, #tpu.memory_space<hbm>> -> memref<1x1x1x8x128xf32, #tpu.memory_space<hbm>>
    %dma_wait3A_645 = tpu.memref_squeeze %dma_wait3A_644 : memref<1x1x1x8x128xf32, #tpu.memory_space<hbm>> -> memref<8x128xf32, #tpu.memory_space<hbm>>
    %dma_wait3A_646 = arith.constant 0 : i32
    %dma_wait3A_647 = arith.constant 0 : i32
    %dma_wait3A_648 = tpu.memref_slice %arg4[%select_n3A_546, %dma_wait3A_638, %select_n3A_562, %dma_wait3A_646, %dma_wait3A_647] : memref<50x8x128x8x128xf32, #tpu.memory_space<hbm>> -> memref<1x1x1x8x128xf32, #tpu.memory_space<hbm>>
    %dma_wait3A_649 = tpu.memref_squeeze %dma_wait3A_648 : memref<1x1x1x8x128xf32, #tpu.memory_space<hbm>> -> memref<8x128xf32, #tpu.memory_space<hbm>>
    %dma_wait3A_650 = arith.constant 40 : i32
    %dma_wait3A_651 = arith.constant 0 : i32
    %dma_wait3A_652 = tpu.memref_slice %arg13[%dma_wait3A_650, %dma_wait3A_651] : memref<64x129xf32, #tpu.memory_space<vmem>> -> memref<8x128xf32, #tpu.memory_space<vmem>>
    tpu.wait_dma2 semaphore(%arg21 : memref<!tpu.dma_semaphore, #tpu.memory_space<semaphore_mem>>) src(%dma_wait3A_652 : memref<8x128xf32, #tpu.memory_space<vmem>>) dst(%dma_wait3A_649 : memref<8x128xf32, #tpu.memory_space<hbm>>)
    %dma_wait3A_653 = arith.constant 6 : i32
    %dma_wait3A_654 = arith.constant 48 : i32
    %dma_wait3A_655 = arith.constant 0 : i32
    %dma_wait3A_656 = tpu.memref_slice %arg13[%dma_wait3A_654, %dma_wait3A_655] : memref<64x129xf32, #tpu.memory_space<vmem>> -> memref<8x128xf32, #tpu.memory_space<vmem>>
    %dma_wait3A_657 = arith.constant 0 : i32
    %dma_wait3A_658 = arith.constant 0 : i32
    %dma_wait3A_659 = tpu.memref_slice %arg4[%select_n3A_546, %dma_wait3A_653, %select_n3A_562, %dma_wait3A_657, %dma_wait3A_658] : memref<50x8x128x8x128xf32, #tpu.memory_space<hbm>> -> memref<1x1x1x8x128xf32, #tpu.memory_space<hbm>>
    %dma_wait3A_660 = tpu.memref_squeeze %dma_wait3A_659 : memref<1x1x1x8x128xf32, #tpu.memory_space<hbm>> -> memref<8x128xf32, #tpu.memory_space<hbm>>
    %dma_wait3A_661 = arith.constant 0 : i32
    %dma_wait3A_662 = arith.constant 0 : i32
    %dma_wait3A_663 = tpu.memref_slice %arg4[%select_n3A_546, %dma_wait3A_653, %select_n3A_562, %dma_wait3A_661, %dma_wait3A_662] : memref<50x8x128x8x128xf32, #tpu.memory_space<hbm>> -> memref<1x1x1x8x128xf32, #tpu.memory_space<hbm>>
    %dma_wait3A_664 = tpu.memref_squeeze %dma_wait3A_663 : memref<1x1x1x8x128xf32, #tpu.memory_space<hbm>> -> memref<8x128xf32, #tpu.memory_space<hbm>>
    %dma_wait3A_665 = arith.constant 48 : i32
    %dma_wait3A_666 = arith.constant 0 : i32
    %dma_wait3A_667 = tpu.memref_slice %arg13[%dma_wait3A_665, %dma_wait3A_666] : memref<64x129xf32, #tpu.memory_space<vmem>> -> memref<8x128xf32, #tpu.memory_space<vmem>>
    tpu.wait_dma2 semaphore(%arg21 : memref<!tpu.dma_semaphore, #tpu.memory_space<semaphore_mem>>) src(%dma_wait3A_667 : memref<8x128xf32, #tpu.memory_space<vmem>>) dst(%dma_wait3A_664 : memref<8x128xf32, #tpu.memory_space<hbm>>)
    %dma_wait3A_668 = arith.constant 7 : i32
    %dma_wait3A_669 = arith.constant 56 : i32
    %dma_wait3A_670 = arith.constant 0 : i32
    %dma_wait3A_671 = tpu.memref_slice %arg13[%dma_wait3A_669, %dma_wait3A_670] : memref<64x129xf32, #tpu.memory_space<vmem>> -> memref<8x128xf32, #tpu.memory_space<vmem>>
    %dma_wait3A_672 = arith.constant 0 : i32
    %dma_wait3A_673 = arith.constant 0 : i32
    %dma_wait3A_674 = tpu.memref_slice %arg4[%select_n3A_546, %dma_wait3A_668, %select_n3A_562, %dma_wait3A_672, %dma_wait3A_673] : memref<50x8x128x8x128xf32, #tpu.memory_space<hbm>> -> memref<1x1x1x8x128xf32, #tpu.memory_space<hbm>>
    %dma_wait3A_675 = tpu.memref_squeeze %dma_wait3A_674 : memref<1x1x1x8x128xf32, #tpu.memory_space<hbm>> -> memref<8x128xf32, #tpu.memory_space<hbm>>
    %dma_wait3A_676 = arith.constant 0 : i32
    %dma_wait3A_677 = arith.constant 0 : i32
    %dma_wait3A_678 = tpu.memref_slice %arg4[%select_n3A_546, %dma_wait3A_668, %select_n3A_562, %dma_wait3A_676, %dma_wait3A_677] : memref<50x8x128x8x128xf32, #tpu.memory_space<hbm>> -> memref<1x1x1x8x128xf32, #tpu.memory_space<hbm>>
    %dma_wait3A_679 = tpu.memref_squeeze %dma_wait3A_678 : memref<1x1x1x8x128xf32, #tpu.memory_space<hbm>> -> memref<8x128xf32, #tpu.memory_space<hbm>>
    %dma_wait3A_680 = arith.constant 56 : i32
    %dma_wait3A_681 = arith.constant 0 : i32
    %dma_wait3A_682 = tpu.memref_slice %arg13[%dma_wait3A_680, %dma_wait3A_681] : memref<64x129xf32, #tpu.memory_space<vmem>> -> memref<8x128xf32, #tpu.memory_space<vmem>>
    tpu.wait_dma2 semaphore(%arg21 : memref<!tpu.dma_semaphore, #tpu.memory_space<semaphore_mem>>) src(%dma_wait3A_682 : memref<8x128xf32, #tpu.memory_space<vmem>>) dst(%dma_wait3A_679 : memref<8x128xf32, #tpu.memory_space<hbm>>)
    return
  }
}

</mosaic_0001>

<sc_bundles>
// kernel: kernel.3.cloned.1.call-start
scs
__scs_entry_jumppad:
0x0: {  	(pc) =	sbr.rel $0x88, $3  }
0x1: {  	(tag) =	ssettag $0x0;
	lr =	simm.s32 $0x1  }
0x2: {  	[smem:$0x3F9F] =	sst lr;
	_ =	strace $0xD0000000  }
0x3: {  	_ = 	snop  }
0x4: {  	_ = 	snop  }
0x5: {  	_ = 	snop  }
0x6: {  	_ = 	snop  }
0x7: {  	_ = 	snop  }
__scs_overlays_trampoline_lowered:
0x8: {  	[smem:$0x3FAE] =	sst s0  }
0x9: {  	[smem:$0x3FAF] =	sst s1  }
0xa: {  	[smem:$0x3FB0] =	sst s2  }
0xb: {  	[smem:$0x3FB1] =	sst s3  }
0xc: {  	[smem:$0x3FB2] =	sst s4  }
0xd: {  	[smem:$0x3FB3] =	sst s5  }
0xe: {  	[smem:$0x3FB4] =	sst s6  }
0xf: {  	[smem:$0x3FB5] =	sst s7  }
0x10: {  	[smem:$0x3FB6] =	sst s8  }
0x11: {  	[smem:$0x3FB7] =	sst s9;
	s0 =	simm.s32 @!p0 $0x0  }
0x12: {  	s1 =	sld [smem:$0x3F9D];
	s0 =	simm.s32 @p0 $0x1  }
0x13: {  	[smem:$0x3FB8] =	sst s0;
	s0 =	simm.s32 @!p1 $0x0  }
0x14: {  	s2 =	sld [smem:$0x3F9C];
	s0 =	simm.s32 @p1 $0x1  }
0x15: {  	[smem:$0x3FB9] =	sst s0;
	s0 =	simm.s32 @!p2 $0x0  }
0x16: {  	s3 =	sld [smem:$0x3FDB];
	s0 =	simm.s32 @p2 $0x1  }
0x17: {  	s4 =	simm.s32 $0x1BF5;
	[smem:$0x3FBB] =	sst s0  }
0x18: {  	s0 =	sld [smem:$0x3F9E];
	_ =	swait.ge [sflag:s4], $0x0  }
0x19: {  	s7 =	sld [smem:$0x3F9F]  }
0x1a: {  	s8 =	sadd.s32 $0xFFFFE003, lr  }
0x1b: {  	s9 =	sadd.s32 $0xFFFFFEF7, lr;
	s5 =	simm.s32 $0xFFFFFFFF;
	p2 =	slt.u32 s8, $0xFFFFF086  }
0x1c: {  	p1 =	slt.u32 s9, $0xF7A;
	s5 =	simm.s32 @!p2 $0x0  }
0x1d: {  	s5 =	simm.s32 @p1 $0x1;
	p0 =	seq.s32 s7, s2  }
0x1e: {  	s7 =	smul.u32 @!p0 $0xF7A, s2;
	p2 =	seq.s32 @!p0 s5, $0x0  }
0x1f: {  	s9 =	smul.u32 $0xF7A, s1;
	s8 =	simm.s32 @!p0 $0x1BF5;
	p2 =	por !p2, p0  }
0x20: {  	[sflag:s8] =	ssyncset.s32 @!p0 $0xFFFFF086;
	s6 =	sadd.s32 @!p0 s3, s7;
	s7 =	simm.s32 @!p0 $0x108  }
0x21: {  	s3 =	sadd.s32 s3, s9;
	s6 =	sadd.s32 @!p0 $0x88, s6;
	s7 =	simm.s32 @p2 $0x1082  }
0x22: {  	[simem:s7], [sflag:s8] =	dma.local @!p0 [hbm:s6], $0xF7A  }
0x23: {  	s9 =	sor.u32 $0xD0000000, s2;
	s6 =	simm.s32 $0x108;
	_ =	swait.ge @!p0 [sflag:s8], $0x0  }
0x24: {  	s3 =	sadd.s32 $0x88, s3;
	s6 =	simm.s32 @!p1 $0x1082;
	[sflag:s4] =	ssyncset.s32 $0xFFFFF086  }
0x25: {  	[simem:s6], [sflag:s4] =	dma.local [hbm:s3], $0xF7A  }
0x26: {  	[smem:$0x3F9F] =	sst s1;
	(tag) =	ssettag s2;
	_ =	strace s9  }
0x27: {  	s1 =	sld [smem:$0x3FAF]  }
0x28: {  	s2 =	sld [smem:$0x3FB0]  }
0x29: {  	s4 =	sld [smem:$0x3FB2]  }
0x2a: {  	p0 =	seq.s32 s5, $0x0;
	s5 =	sld [smem:$0x3FB3]  }
0x2b: {  	s6 =	sld [smem:$0x3FB4]  }
0x2c: {  	s7 =	sld [smem:$0x3FB5]  }
0x2d: {  	s3 =	simm.s32 $0x108;
	s8 =	sld [smem:$0x3FB6]  }
0x2e: {  	s3 =	simm.s32 @!p0 $0x1082;
	s9 =	sld [smem:$0x3FB7]  }
0x2f: {  	lr =	sadd.s32 s0, s3;
	s0 =	sld [smem:$0x3FAE]  }
0x30: {  	s3 =	sld [smem:$0x3FB1]  }
0x31: {  	[smem:$0x3FBA] =	sst s10  }
0x32: {  	s10 =	sld [smem:$0x3FB8];
	_ =	sdelay $0x3  }
0x33: {  	p0 =	seq.s32 s10, $0x1;
	s10 =	sld [smem:$0x3FBA];
	_ =	sdelay $0x3  }
0x34: {  	[smem:$0x3FBA] =	sst s10  }
0x35: {  	s10 =	sld [smem:$0x3FB9];
	_ =	sdelay $0x3  }
0x36: {  	p1 =	seq.s32 s10, $0x1;
	s10 =	sld [smem:$0x3FBA];
	_ =	sdelay $0x3  }
0x37: {  	[smem:$0x3FBA] =	sst s10  }
0x38: {  	s10 =	sld [smem:$0x3FBB]  }
0x39: {  	_ = 	snop;
	(pc) =	sbr.ind lr, $3  }
0x3a: {  	_ = 	snop  }
0x3b: {  	_ = 	snop  }
0x3c: {  	p2 =	seq.s32 s10, $0x1;
	s10 =	sld [smem:$0x3FBA]  }
0x3d: {  	_ =	shalt  }
0x3e: {  	_ =	shalt  }
0x3f: {  	_ =	shalt  }
0x40: {  	_ =	shalt  }
0x41: {  	_ =	shalt  }
0x42: {  	_ =	shalt  }
0x43: {  	_ =	shalt  }
0x44: {  	_ =	shalt  }
0x45: {  	_ =	shalt  }
0x46: {  	_ =	shalt  }
0x47: {  	_ =	shalt  }
0x48: {  	_ =	shalt  }
0x49: {  	_ =	shalt  }
0x4a: {  	_ =	shalt  }
0x4b: {  	_ =	shalt  }
0x4c: {  	_ =	shalt  }
0x4d: {  	_ =	shalt  }
0x4e: {  	_ =	shalt  }
0x4f: {  	_ =	shalt  }
0x50: {  	_ =	shalt  }
0x51: {  	_ =	shalt  }
0x52: {  	_ =	shalt  }
0x53: {  	_ =	shalt  }
0x54: {  	_ =	shalt  }
0x55: {  	_ =	shalt  }
0x56: {  	_ =	shalt  }
0x57: {  	_ =	shalt  }
0x58: {  	_ =	shalt  }
0x59: {  	_ =	shalt  }
0x5a: {  	_ =	shalt  }
0x5b: {  	_ =	shalt  }
0x5c: {  	_ =	shalt  }
0x5d: {  	_ =	shalt  }
0x5e: {  	_ =	shalt  }
0x5f: {  	_ =	shalt  }
0x60: {  	_ =	shalt  }
0x61: {  	_ =	shalt  }
0x62: {  	_ =	shalt  }
0x63: {  	_ =	shalt  }
0x64: {  	_ =	shalt  }
0x65: {  	_ =	shalt  }
0x66: {  	_ =	shalt  }
0x67: {  	_ =	shalt  }
0x68: {  	_ =	shalt  }
0x69: {  	_ =	shalt  }
0x6a: {  	_ =	shalt  }
0x6b: {  	_ =	shalt  }
0x6c: {  	_ =	shalt  }
0x6d: {  	_ =	shalt  }
0x6e: {  	_ =	shalt  }
0x6f: {  	_ =	shalt  }
0x70: {  	_ =	shalt  }
0x71: {  	_ =	shalt  }
0x72: {  	_ =	shalt  }
0x73: {  	_ =	shalt  }
0x74: {  	_ =	shalt  }
0x75: {  	_ =	shalt  }
0x76: {  	_ =	shalt  }
0x77: {  	_ =	shalt  }
0x78: {  	_ =	shalt  }
0x79: {  	_ =	shalt  }
0x7a: {  	_ =	shalt  }
0x7b: {  	_ =	shalt  }
0x7c: {  	_ =	shalt  }
0x7d: {  	_ =	shalt  }
0x7e: {  	_ =	shalt  }
0x7f: {  	_ =	shalt  }
0x80: {  	_ =	shalt  }
0x81: {  	_ =	shalt  }
0x82: {  	_ =	shalt  }
0x83: {  	_ =	shalt  }
0x84: {  	_ =	shalt  }
0x85: {  	_ =	shalt  }
0x86: {  	_ =	shalt  }
0x87: {  	_ =	shalt  }
.Lfunc_end0:
.L_simem_size_0:
called_computation_lowered:
.L_overlay_start_0:
0x88: {  	s2 =	sld [smem:$0x3FD9]  }
0x89: {  	s3 =	sld [smem:$0x3FFE];
	_ =	sdelay $0x1  }
0x8a: {  	s1 =	srdreg.scid  }
0x8b: {  	s0 =	sand.u32 $0x1, s1  }
0x8c: {  	s17 =	sshll.u32 s0, $0xA;
	s2 =	sadd.s32 s3, s2  }
0x8d: {  	s2 =	sadd.s32 s2, s17  }
0x8e: {  	[smem:$0x3FC6] =	sst s2  }
0x8f: {  	_ = 	snop  }
0x90: {  	s2 =	sld [smem:$0x3FD0];
	(tm) =	ssettm $0x1  }
0x91: {  	s18 =	sld [smem:$0x3FFB];
	_ =	sdelay $0x3  }
0x92: {  	_ =	strace s18  }
0x93: {  	s3 =	sld [smem:$0x3FFC];
	_ =	sdelay $0x3  }
0x94: {  	_ =	strace s3  }
0x95: {  	s3 =	sld [smem:$0x3FFD];
	_ =	sdelay $0x3  }
0x96: {  	_ =	strace s3  }
0x97: {  	_ =	strace $0x8FFFFFFF  }
0x98: {  	s19 =	sld [smem:$0x3FDB];
	_ =	sdelay $0x1  }
0x99: {  	s4 =	simm.s32 $_scs_section_size  }
0x9a: {  	s5 =	simm.s32 $_size__tile_overlayer_lowered;
	s6 =	simm.s32 $_tile_overlayer_lowered  }
0x9b: {  	s22 =	simm.s32 $0x1BFF;
	s21 =	sshll.u32 s6, $0x1;
	s3 =	sadd.s32 s4, s19  }
0x9c: {  	s7 =	simm.s32 $0x0;
	s20 =	sshll.u32 s5, $0x1;
	s5 =	sadd.s32 s21, s3  }
0x9d: {  	[timem:s7], [sflag:s22] =	dma.local [hbm:s5], s20  }
0x9e: {  	_ =	swait.ge [sflag:s22], s20  }
0x9f: {  	s4 =	ssub.s32 $0x0, s20;
	[sflag:s22] =	ssyncset.done $0x0  }
0xa0: {  	[sflag:s22] =	ssyncadd.s32 s4;
	_ =	sdelay $0x1  }
0xa1: {  	s23 =	simm.s32 $0x1B8B  }
0xa2: {  	_ =	swait.ge [sflag:s23], $0x1  }
0xa3: {  	[sflag:s23] =	ssyncset.done $0x0  }
0xa4: {  	s25 =	simm.s32 $0x1B8E;
	s24 =	sld [smem:$0x3FFE];
	[sflag:s23] =	ssyncadd.s32 $0xFFFFFFFF  }
0xa5: {  	s26 =	simm.s32 $execute0_lowered;
	[smem:$0x3FD2] =	sst s25  }
0xa6: {  	s5 =	sshll.u32 s26, $0x1;
	_ =	strace $0x80000046;
	[dreg:$0x1] =	wrdreg $0xFFFFFFFF  }
0xa7: {  	s28 =	simm.s32 $_size_execute0_lowered;
	s3 =	sadd.s32 s3, s5;
	[dreg:$0x0] =	wrdreg $0x0  }
0xa8: {  	s5 =	sshll.u32 s28, $0x1;
	[dreg:$0x2] =	wrdreg s3  }
0xa9: {  	[dreg:$0x3] =	wrdreg s5  }
0xaa: {  	[dreg:$0x4] =	wrdreg $0xC0  }
0xab: {  	_ =	task [dreg:s7], $0x5FFFF  }
0xac: {  	[dreg:$0x1] =	wrdreg $0xFFFFFFFF  }
0xad: {  	[dreg:$0x0] =	wrdreg $0x60  }
0xae: {  	[dreg:$0x2] =	wrdreg s24  }
0xaf: {  	[dreg:$0x3] =	wrdreg s2  }
0xb0: {  	[dreg:$0x4] =	wrdreg $0x9  }
0xb1: {  	_ =	task.clear_ibuf [dreg:s7], $0x5FFFF;
	_ =	strace $0x90000046  }
0xb2: {  	s29 =	simm.s32 $0x9;
	_ =	strace $0x80000048  }
0xb3: {  	_ =	swait.ge [sflag:s29], $0x1  }
0xb4: {  	[sflag:s29] =	ssyncadd.s32 $0xFFFFFFFF  }
0xb5: {  	_ =	strace $0x90000048  }
0xb6: {  	_ =	sfence  }
0xb7: {  	s30 =	sld [smem:$0x0];
	_ =	sdelay $0x2  }
0xb8: {  	s31 =	sshll.u32 s1, $0xD;
	s1 =	sshrl.u32 s1, $0x2  }
0xb9: {  	s3 =	sand.u32 $0x4000, s31;
	s1 =	sadd.s32 s1, s30  }
0xba: {  	s0 =	sor.u32 s3, s0;
	s1 =	sshll.u32 s1, $0x11  }
0xbb: {  	s0 =	sor.u32 s1, s0  }
0xbc: {  	s0 =	sadd.s32 $0x8F2B, s0  }
0xbd: {  	[sflag:s0] =	ssyncadd.remote.s32 $0x1  }
0xbe: {  	_ =	sfence.sel $0xFFFF  }
0xbf: {  	[dreg:$0x0] =	wrdreg $0xFFFFFFFF;
	(pc) =	sbr.abs _section_cstart, $3  }
0xc0: {  	[dreg:$0x1] =	wrdreg $0xFFFFFFFF  }
0xc1: {  	_ =	task.clear_ibuf [dreg:s7], $0x2FFFF;
	_ =	strace $0x9FFFFFFF  }
0xc2: {  	(tm) =	ssettm $0x7FFFFFFF  }
0xc3: {  	_ =	shalt  }
tec
execute0_lowered:
.L_overlay_start_1:
0x0: {  	(tag) =	ssettag $0x1  }
0x1: {  	s0 =	rddreg [dreg:$0x0];
	s1 =	srdreg.scid;
	v0 =	vlaneseq.u32  }
0x2: {  	s3 =	stileid.u32;
	s2 =	rddreg [dreg:$0x1];
	s23 =	simm.s32 $0x1;
	v0 =	vmul.u32 $0x88, v0  }
0x3: {  	s24 =	simm.s32 $0xE400;
	s18 =	simm.s32 $0x2;
	s19 =	simm.s32 $0x10600;
	v1 =	vimm.s32 $0x0;
	vm0 =	vcmask $0x300  }
0x4: {  	s17 =	simm.s32 $0x3;
	s20 =	simm.s32 $0x12800;
	s28 =	simm.s32 $0x14A00;
	v1 =	vsel vm0, $0x3, v1;
	v2 =	vadd.s32 $0x880, v0  }
0x5: {  	s25 =	simm.s32 $0x15B00;
	s29 =	simm.s32 $0x15B88;
	s30 =	simm.s32 $0x15C10;
	v3 =	vadd.s32 $0x1100, v0;
	v4 =	vadd.s32 $0x1980, v0;
	v5 =	vor.u32 $0x1, v0  }
0x6: {  	s31 =	simm.s32 $0x15C98;
	s1 =	sand.u32 $0x1, s1;
	s4 =	sshll.u32 s3, $0x1;
	v6 =	vadd.s32 $0x881, v0;
	v7 =	vadd.s32 $0x1101, v0;
	v8 =	vadd.s32 $0x1981, v0  }
0x7: {  	s3 =	simm.s32 $0x0;
	s8 =	sadd.s32 $0x8000, s2;
	s9 =	sadd.s32 $0xC000, s2;
	v9 =	vor.u32 $0x2, v0;
	v10 =	vadd.s32 $0x882, v0;
	v11 =	vadd.s32 $0x1102, v0  }
0x8: {  	s10 =	sadd.s32 $0x10000, s2;
	s11 =	sadd.s32 $0x14000, s2;
	s12 =	sadd.s32 $0x18000, s2;
	v12 =	vadd.s32 $0x1982, v0;
	v13 =	vor.u32 $0x3, v0;
	v14 =	vadd.s32 $0x883, v0  }
0x9: {  	s13 =	sadd.s32 $0x1C000, s2;
	s5 =	sor.u32 s1, s4;
	s1 =	ssub.s32 $0x2, s1;
	v15 =	vadd.s32 $0x1103, v0;
	v16 =	vadd.s32 $0x1983, v0;
	v17 =	vor.u32 $0x4, v0  }
0xa: {  	[smem:$0x7FF] =	sst s3;
	s6 =	smul.u32 $0xC80, s5;
	s7 =	sshrl.u32 s1, $0x1;
	v18 =	vadd.s32 $0x884, v0;
	v19 =	vadd.s32 $0x1104, v0;
	v20 =	vadd.s32 $0x1984, v0  }
0xb: {  	s4 =	sadd.s32 $0xF42A00, s0;
	_ =	strace $0x80000047;
	v21 =	vor.u32 $0x5, v0;
	v22 =	vadd.s32 $0x885, v0;
	v23 =	vadd.s32 $0x1105, v0;
	s1 =	ssub.s32 s1, s7  }
0xc: {  	s5 =	smul.u32 $0xC8, s5;
	v24 =	vadd.s32 $0x1985, v0;
	v25 =	vor.u32 $0x6, v0;
	v26 =	vadd.s32 $0x886, v0;
	s0 =	sadd.s32 s6, s0;
	s26 =	smax.u32 s1, $0x1  }
0xd: {  	v27 =	vadd.s32 $0x1106, v0;
	v28 =	vadd.s32 $0x1986, v0;
	v29 =	vor.u32 $0x7, v0;
	s7 =	sadd.s32 $0x4000, s2;
	s0 =	sadd.s32 $0x600, s0;
	[dreg:$0x4] =	wrdreg s26  }
0xe: {  	v30 =	vadd.s32 $0x887, v0;
	v31 =	vadd.s32 $0x1107, v0;
	v32 =	vadd.s32 $0x1987, v0;
	s6 =	simm.s32 $0x0;
	s26 =	simm.s32 $0x4;
	[dreg:$0x3] =	wrdreg s0  }
.LBB2_1:
0xf: {  	[dreg:$0x5] =	wrdreg s6  }
0x10: {  	s0 =	rddreg [dreg:$0x3];
	s6 =	simm.s32 $0x9  }
0x11: {  	[tilespmem:s3], [sflag:$0x9] =	stream.linear.gather [hbm4b:s0+s3], $0x6400, $0x38;
	[tilespmem:$0x16C00] =	vst v63  }
0x12: {  	_ =	swait.ge [sflag:s6], $0x6400  }
0x13: {  	[sflag:s6] =	ssyncset.done $0x0  }
0x14: {  	s1 =	simm.s32 $0x6400;
	s0 =	simm.s32 $0x80;
	[sflag:s6] =	ssyncadd.s32 $0xFFFF9C00  }
0x15: {  	[tilespmem:s1], [sflag:$0x1] =	stream.indirect.gather [hbm4b:s4+s0], $0x40, s3, s0, $0xb8;
	[tilespmem:$0x16C00] =	vst v63  }
0x16: {  	s14 =	simm.s32 $0x8400  }
0x17: {  	[tilespmem:s14], [sflag:$0x2] =	stream.indirect.gather [hbm4b:s4+s0], $0x40, s0, s0, $0xb8;
	[tilespmem:$0x16C00] =	vst v63  }
0x18: {  	s15 =	simm.s32 $0x100;
	s16 =	simm.s32 $0xA400  }
0x19: {  	[tilespmem:s16], [sflag:$0x3] =	stream.indirect.gather [hbm4b:s4+s0], $0x40, s15, s0, $0xb8;
	[tilespmem:$0x16C00] =	vst v63  }
0x1a: {  	s21 =	simm.s32 $0x180;
	s22 =	simm.s32 $0xC400;
	s1 =	simm.s32 $0x0  }
0x1b: {  	[tilespmem:s22], [sflag:$0x4] =	stream.indirect.gather [hbm4b:s4+s0], $0x40, s21, s0, $0xb8;
	[tilespmem:$0x16C00] =	vst v63  }
.LBB2_2:
0x1c: {  	_ =	swait.ge [sflag:s23], $0x2000  }
0x1d: {  	p0 =	seq.s32 s1, $0x0;
	[sflag:s23] =	ssyncset.done $0x0  }
0x1e: {  	s0 =	simm.s32 @!p0 $0x5;
	[sflag:s23] =	ssyncadd.s32 $0xFFFFE000  }
0x1f: {  	_ =	swait.ge @!p0 [sflag:s0], $0x400  }
0x20: {  	[sflag:s0] =	ssyncset.done @!p0 $0x0  }
0x21: {  	[sflag:s0] =	ssyncadd.s32 @!p0 $0xFFFFFC00  }
0x22: {  	_ =	swait.ge @!p0 [sflag:s0], $0x400  }
0x23: {  	[sflag:s0] =	ssyncset.done @!p0 $0x0  }
0x24: {  	[sflag:s0] =	ssyncadd.s32 @!p0 $0xFFFFFC00  }
0x25: {  	_ =	swait.ge @!p0 [sflag:s0], $0x400  }
0x26: {  	[sflag:s0] =	ssyncset.done @!p0 $0x0  }
0x27: {  	[sflag:s0] =	ssyncadd.s32 @!p0 $0xFFFFFC00  }
0x28: {  	_ =	swait.ge @!p0 [sflag:s0], $0x400  }
0x29: {  	[sflag:s0] =	ssyncset.done @!p0 $0x0  }
0x2a: {  	[sflag:s0] =	ssyncadd.s32 @!p0 $0xFFFFFC00  }
0x2b: {  	_ =	swait.ge @!p0 [sflag:s0], $0x400  }
0x2c: {  	[sflag:s0] =	ssyncset.done @!p0 $0x0  }
0x2d: {  	[sflag:s0] =	ssyncadd.s32 @!p0 $0xFFFFFC00  }
0x2e: {  	s6 =	simm.s32 $0x0;
	s15 =	simm.s32 $0x1;
	_ =	swait.ge @!p0 [sflag:s0], $0x400  }
0x2f: {  	s14 =	simm.s32 $0x2;
	s16 =	simm.s32 $0x3;
	[sflag:s0] =	ssyncset.done @!p0 $0x0  }
0x30: {  	s21 =	simm.s32 $0x4;
	s22 =	simm.s32 $0x5;
	v33 =	vmov s6;
	v34 =	vmov s15;
	v35 =	vmov s14;
	[sflag:s0] =	ssyncadd.s32 @!p0 $0xFFFFFC00  }
0x31: {  	s15 =	simm.s32 $0x7;
	v36 =	vmov s16;
	v37 =	vmov s21;
	v39 =	vmov s22;
	_ =	swait.ge @!p0 [sflag:s0], $0x400  }
0x32: {  	v33 =	vshrl.u32 v33, $0x3;
	v38 =	vmov s15;
	v34 =	vshrl.u32 v34, $0x3;
	[sflag:s0] =	ssyncset.done @!p0 $0x0  }
0x33: {  	v35 =	vshrl.u32 v35, $0x3;
	v36 =	vshrl.u32 v36, $0x3;
	v38 =	vshrl.u32 v38, $0x3;
	[sflag:s0] =	ssyncadd.s32 @!p0 $0xFFFFFC00  }
0x34: {  	s15 =	simm.s32 $0x6;
	v37 =	vshrl.u32 v37, $0x3;
	v55 =	vshrl.u32 v39, $0x3;
	v38 =	vshll.u32 v38, v1;
	_ =	swait.ge @!p0 [sflag:s0], $0x400  }
0x35: {  	v33 =	vshll.u32 v33, v1;
	v40 =	vmov s15;
	v38 =	vbroadcast v38, $0x0;
	[sflag:s0] =	ssyncset.done @!p0 $0x0  }
0x36: {  	s21 =	simm.s32 $0x6500;
	v34 =	vshll.u32 v34, v1;
	v51 =	vshll.u32 v35, v1;
	v33 =	vbroadcast v33, $0x0;
	[sflag:s0] =	ssyncadd.s32 @!p0 $0xFFFFFC00  }
0x37: {  	v52 =	vshll.u32 v36, v1;
	v47 =	vbroadcast v34, $0x0;
	v42 =	vadd.s32 v29, v38;
	v41 =	vld [tilespmem:s21+$0xC0]  }
0x38: {  	v54 =	vshll.u32 v37, v1;
	v53 =	vbroadcast v51, $0x0;
	v44 =	vadd.s32 v0, v33;
	v43 =	vld [tilespmem:s21+$0xFFFFFF00]  }
0x39: {  	v36 =	vshll.u32 v55, v1;
	v35 =	vbroadcast v52, $0x0;
	v46 =	vadd.s32 v5, v47;
	v45 =	vld [tilespmem:s21+$0xFFFFFF40]  }
0x3a: {  	v34 =	vbroadcast v54, $0x0;
	v40 =	vshrl.u32 v40, $0x3;
	v49 =	vadd.s32 v9, v53;
	v48 =	vld [tilespmem:s21+$0xFFFFFF80]  }
0x3b: {  	v37 =	vbroadcast v36, $0x0;
	v56 =	vshll.u32 v40, v1;
	v50 =	vadd.s32 v13, v35;
	v39 =	vld [tilespmem:s21+$0xFFFFFFC0]  }
0x3c: {  	v52 =	vadd.s32 v17, v34;
	v36 =	vbroadcast v56, $0x0;
	v51 =	vld [tilespmem:s21+$0x0];
	[tilespmem:v42+s24+$0x0] =	vst.idx.msk $0xffff, v41  }
0x3d: {  	v60 =	vadd.s32 v21, v37;
	v59 =	vld [tilespmem:s21+$0x40];
	[tilespmem:v44+s24+$0x0] =	vst.idx.msk $0xffff, v43  }
0x3e: {  	v62 =	vadd.s32 v25, v36;
	v61 =	vld [tilespmem:s21+$0x80];
	[tilespmem:v46+s24+$0x0] =	vst.idx.msk $0xffff, v45  }
0x3f: {  	v58 =	vadd.s32 v30, v38;
	[tilespmem:v49+s24+$0x0] =	vst.idx.msk $0xffff, v48;
	v57 =	vld [tilespmem:s21+$0xD0]  }
0x40: {  	v63 =	vadd.s32 v6, v47;
	[tilespmem:v50+s24+$0x0] =	vst.idx.msk $0xffff, v39;
	v46 =	vld [tilespmem:s21+$0xFFFFFF50]  }
0x41: {  	v55 =	vadd.s32 v10, v53;
	[tilespmem:v52+s24+$0x0] =	vst.idx.msk $0xffff, v51;
	v54 =	vld [tilespmem:s21+$0xFFFFFF90]  }
0x42: {  	v56 =	vadd.s32 v14, v35;
	[tilespmem:v60+s24+$0x0] =	vst.idx.msk $0xffff, v59;
	v50 =	vld [tilespmem:s21+$0xFFFFFFD0]  }
0x43: {  	[tilespmem:v62+s24+$0x0] =	vst.idx.msk $0xffff, v61;
	v45 =	vadd.s32 v22, v37;
	v44 =	vld [tilespmem:s21+$0x50]  }
0x44: {  	v59 =	vadd.s32 v18, v34;
	[tilespmem:v58+s24+$0x0] =	vst.idx.msk $0xffff, v57;
	v58 =	vld [tilespmem:s21+$0x10]  }
0x45: {  	v57 =	vadd.s32 v31, v38;
	[tilespmem:v63+s24+$0x0] =	vst.idx.msk $0xffff, v46;
	v40 =	vld [tilespmem:s21+$0xE0]  }
0x46: {  	v60 =	vadd.s32 v26, v36;
	[tilespmem:v55+s24+$0x0] =	vst.idx.msk $0xffff, v54;
	v63 =	vld [tilespmem:s21+$0x90]  }
0x47: {  	v62 =	vadd.s32 v2, v33;
	v61 =	vld [tilespmem:s21+$0xFFFFFF10];
	[tilespmem:v56+s24+$0x0] =	vst.idx.msk $0xffff, v50  }
0x48: {  	v51 =	vadd.s32 v7, v47;
	[tilespmem:v45+s24+$0x0] =	vst.idx.msk $0xffff, v44;
	v50 =	vld [tilespmem:s21+$0xFFFFFF60]  }
0x49: {  	v56 =	vadd.s32 v11, v53;
	v55 =	vld [tilespmem:s21+$0xFFFFFFA0];
	[tilespmem:v59+s24+$0x0] =	vst.idx.msk $0xffff, v58  }
0x4a: {  	v58 =	vadd.s32 v15, v35;
	[tilespmem:v57+s24+$0x0] =	vst.idx.msk $0xffff, v40;
	v57 =	vld [tilespmem:s21+$0xFFFFFFE0]  }
0x4b: {  	[tilespmem:v60+s24+$0x0] =	vst.idx.msk $0xffff, v63;
	v60 =	vadd.s32 v19, v34;
	v59 =	vld [tilespmem:s21+$0x20]  }
0x4c: {  	s22 =	simm.s32 $0x9;
	v38 =	vadd.s32 v32, v38;
	[tilespmem:v62+s24+$0x0] =	vst.idx.msk $0xffff, v61;
	v54 =	vld [tilespmem:s21+$0xF0]  }
0x4d: {  	s16 =	simm.s32 $0x8;
	v41 =	vadd.s32 v23, v37;
	v52 =	vmov s22;
	[tilespmem:v51+s24+$0x0] =	vst.idx.msk $0xffff, v50;
	v40 =	vld [tilespmem:s21+$0x60]  }
0x4e: {  	s14 =	simm.s32 $0xB;
	s15 =	simm.s32 $0xC;
	v43 =	vadd.s32 v27, v36;
	v48 =	vadd.s32 v3, v33;
	v63 =	vmov s16;
	v42 =	vld [tilespmem:s21+$0xA0];
	[tilespmem:v56+s24+$0x0] =	vst.idx.msk $0xffff, v55  }
0x4f: {  	s22 =	simm.s32 $0xE;
	v44 =	vmov s14;
	v46 =	vmov s15;
	v45 =	vld [tilespmem:s21+$0xFFFFFF20];
	v39 =	vshrl.u32 v63, $0x3;
	[tilespmem:v58+s24+$0x0] =	vst.idx.msk $0xffff, v57  }
0x50: {  	s6 =	simm.s32 $0xA;
	s16 =	simm.s32 $0xD;
	v51 =	vadd.s32 v8, v47;
	v49 =	vld [tilespmem:s21+$0xFFFFFF70];
	v47 =	vshll.u32 v39, v1;
	v39 =	vmov s22;
	[tilespmem:v60+s24+$0x0] =	vst.idx.msk $0xffff, v59  }
0x51: {  	s0 =	sshll.u32 s1, $0x2;
	s14 =	simm.s32 $0xF;
	v53 =	vadd.s32 v12, v53;
	v50 =	vld [tilespmem:s21+$0xFFFFFFB0];
	[tilespmem:v38+s24+$0x0] =	vst.idx.msk $0xffff, v54;
	v54 =	vmov s6;
	v38 =	vmov s16;
	s6 =	simm.s32 $0x10  }
.LBB2_3:
0x52: {  	p1 =	slt.u32 s6, $0x78;
	v52 =	vshrl.u32 v52, $0x3;
	v55 =	vmov s14;
	v56 =	vld [tilespmem:s21+$0xFFFFFFF0];
	v35 =	vadd.s32 v16, v35;
	[tilespmem:v41+s24+$0x0] =	vst.idx.msk $0xffff, v40  }
0x53: {  	v40 =	vshrl.u32 v54, $0x3;
	v34 =	vadd.s32 v20, v34;
	v41 =	vshrl.u32 v55, $0x3;
	v54 =	vld [tilespmem:s21+$0x30];
	[tilespmem:v43+s24+$0x0] =	vst.idx.msk $0xffff, v42  }
0x54: {  	v37 =	vadd.s32 v24, v37;
	v42 =	vshrl.u32 v44, $0x3;
	v41 =	vshll.u32 v41, v1;
	[tilespmem:v48+s24+$0x0] =	vst.idx.msk $0xffff, v45;
	v43 =	vld [tilespmem:s21+$0x70]  }
0x55: {  	v36 =	vadd.s32 v28, v36;
	v44 =	vshrl.u32 v46, $0x3;
	v41 =	vbroadcast v41, $0x0;
	[tilespmem:v51+s24+$0x0] =	vst.idx.msk $0xffff, v49;
	v45 =	vld [tilespmem:s21+$0xB0]  }
0x56: {  	v46 =	vshll.u32 v52, v1;
	v49 =	vadd.s32 v4, v33;
	v33 =	vbroadcast v47, $0x0;
	v48 =	vld [tilespmem:s21+$0xFFFFFF30];
	[tilespmem:v53+s24+$0x0] =	vst.idx.msk $0xffff, v50;
	s21 =	sadd.s32 $0x200, s21  }
0x57: {  	v40 =	vshll.u32 v40, v1;
	v47 =	vbroadcast v46, $0x0;
	v46 =	vld [tilespmem:s21+$0xC0];
	v50 =	vadd.s32 v29, v41;
	[tilespmem:v35+s24+$0x0] =	vst.idx.msk $0xffff, v56  }
0x58: {  	v53 =	vbroadcast v40, $0x0;
	v52 =	vadd.s32 v0, v33;
	v35 =	vshll.u32 v42, v1;
	v51 =	vld [tilespmem:s21+$0xFFFFFF00];
	[tilespmem:v34+s24+$0x0] =	vst.idx.msk $0xffff, v54  }
0x59: {  	v42 =	vadd.s32 v5, v47;
	v35 =	vbroadcast v35, $0x0;
	v34 =	vshll.u32 v44, v1;
	v40 =	vld [tilespmem:s21+$0xFFFFFF40];
	[tilespmem:v37+s24+$0x0] =	vst.idx.msk $0xffff, v43  }
0x5a: {  	v44 =	vadd.s32 v9, v53;
	v34 =	vbroadcast v34, $0x0;
	v37 =	vshrl.u32 v38, $0x3;
	v43 =	vld [tilespmem:s21+$0xFFFFFF80];
	[tilespmem:v36+s24+$0x0] =	vst.idx.msk $0xffff, v45  }
0x5b: {  	v39 =	vshrl.u32 v39, $0x3;
	v45 =	vadd.s32 v13, v35;
	v36 =	vshll.u32 v37, v1;
	v38 =	vld [tilespmem:s21+$0xFFFFFFC0];
	[tilespmem:v49+s24+$0x0] =	vst.idx.msk $0xffff, v48  }
0x5c: {  	v49 =	vadd.s32 v17, v34;
	v37 =	vbroadcast v36, $0x0;
	v36 =	vshll.u32 v39, v1;
	v48 =	vld [tilespmem:s21+$0x0];
	[tilespmem:v50+s24+$0x0] =	vst.idx.msk $0xffff, v46  }
0x5d: {  	v36 =	vbroadcast v36, $0x0;
	v46 =	vadd.s32 v30, v41;
	[tilespmem:v52+s24+$0x0] =	vst.idx.msk $0xffff, v51;
	v39 =	vld [tilespmem:s21+$0xD0]  }
0x5e: {  	[tilespmem:v42+s24+$0x0] =	vst.idx.msk $0xffff, v40;
	v40 =	vld [tilespmem:s21+$0x40];
	v42 =	vadd.s32 v21, v37  }
0x5f: {  	[tilespmem:v44+s24+$0x0] =	vst.idx.msk $0xffff, v43;
	v43 =	vld [tilespmem:s21+$0x80];
	v44 =	vadd.s32 v25, v36  }
0x60: {  	v51 =	vadd.s32 v6, v47;
	v50 =	vld [tilespmem:s21+$0xFFFFFF50];
	[tilespmem:v45+s24+$0x0] =	vst.idx.msk $0xffff, v38  }
0x61: {  	v45 =	vadd.s32 v10, v53;
	v38 =	vld [tilespmem:s21+$0xFFFFFF90];
	[tilespmem:v49+s24+$0x0] =	vst.idx.msk $0xffff, v48  }
0x62: {  	v49 =	vadd.s32 v14, v35;
	v48 =	vld [tilespmem:s21+$0xFFFFFFD0];
	[tilespmem:v46+s24+$0x0] =	vst.idx.msk $0xffff, v39  }
0x63: {  	[tilespmem:v42+s24+$0x0] =	vst.idx.msk $0xffff, v40;
	v39 =	vld [tilespmem:s21+$0xE0];
	v40 =	vadd.s32 v31, v41  }
0x64: {  	v46 =	vadd.s32 v18, v34;
	v42 =	vld [tilespmem:s21+$0x10];
	[tilespmem:v44+s24+$0x0] =	vst.idx.msk $0xffff, v43  }
0x65: {  	v44 =	vadd.s32 v22, v37;
	[tilespmem:v51+s24+$0x0] =	vst.idx.msk $0xffff, v50;
	v43 =	vld [tilespmem:s21+$0x50]  }
0x66: {  	[tilespmem:v45+s24+$0x0] =	vst.idx.msk $0xffff, v38;
	v38 =	vld [tilespmem:s21+$0x90];
	v45 =	vadd.s32 v26, v36  }
0x67: {  	v51 =	vadd.s32 v2, v33;
	v50 =	vld [tilespmem:s21+$0xFFFFFF10];
	[tilespmem:v49+s24+$0x0] =	vst.idx.msk $0xffff, v48  }
0x68: {  	v49 =	vadd.s32 v7, v47;
	v48 =	vld [tilespmem:s21+$0xFFFFFF60];
	[tilespmem:v40+s24+$0x0] =	vst.idx.msk $0xffff, v39  }
0x69: {  	[tilespmem:v46+s24+$0x0] =	vst.idx.msk $0xffff, v42;
	v39 =	vld [tilespmem:s21+$0xF0];
	v46 =	vadd.s32 v32, v41  }
0x6a: {  	v56 =	vadd.s32 v11, v53;
	v55 =	vld [tilespmem:s21+$0xFFFFFFA0];
	[tilespmem:v44+s24+$0x0] =	vst.idx.msk $0xffff, v43  }
0x6b: {  	v58 =	vadd.s32 v15, v35;
	v57 =	vld [tilespmem:s21+$0xFFFFFFE0];
	[tilespmem:v45+s24+$0x0] =	vst.idx.msk $0xffff, v38  }
0x6c: {  	v60 =	vadd.s32 v19, v34;
	[tilespmem:v51+s24+$0x0] =	vst.idx.msk $0xffff, v50;
	v59 =	vld [tilespmem:s21+$0x20]  }
.Ltmp0:
0x6d: {  	s14 =	sadd.s32 $0x1, s6;
	v41 =	vadd.s32 v23, v37;
	v38 =	vmov s6;
	[tilespmem:v49+s24+$0x0] =	vst.idx.msk $0xffff, v48;
	v40 =	vld [tilespmem:s21+$0x60];
	(pc) =	sbr.rel @p1 .LBB2_3-.Ltmp0, $4  }
0x6e: {  	s15 =	sadd.s32 $0x3, s6;
	v52 =	vmov s14;
	s14 =	sadd.s32 $0x2, s6;
	v43 =	vadd.s32 v27, v36;
	v50 =	vshrl.u32 v38, $0x3;
	v42 =	vld [tilespmem:s21+$0xA0];
	[tilespmem:v46+s24+$0x0] =	vst.idx.msk $0xffff, v39  }
0x6f: {  	v54 =	vmov s14;
	s14 =	sadd.s32 $0x4, s6;
	v44 =	vmov s15;
	s15 =	sadd.s32 $0x5, s6;
	v48 =	vadd.s32 v3, v33;
	v45 =	vld [tilespmem:s21+$0xFFFFFF20];
	[tilespmem:v56+s24+$0x0] =	vst.idx.msk $0xffff, v55  }
0x70: {  	v38 =	vmov s15;
	v51 =	vadd.s32 v8, v47;
	v46 =	vmov s14;
	s14 =	sadd.s32 $0x6, s6;
	v49 =	vld [tilespmem:s21+$0xFFFFFF70];
	[tilespmem:v58+s24+$0x0] =	vst.idx.msk $0xffff, v57  }
0x71: {  	v53 =	vadd.s32 v12, v53;
	v47 =	vshll.u32 v50, v1;
	v39 =	vmov s14;
	s14 =	sadd.s32 $0x7, s6;
	s6 =	sadd.s32 $0x8, s6;
	v50 =	vld [tilespmem:s21+$0xFFFFFFB0];
	[tilespmem:v60+s24+$0x0] =	vst.idx.msk $0xffff, v59  }
0x72: {  	_ =	sdelay $0x2  }
0x73: {  	v52 =	vshrl.u32 v52, $0x3  }
0x74: {  	v55 =	vmov s14;
	v56 =	vld [tilespmem:s21+$0xFFFFFFF0];
	v35 =	vadd.s32 v16, v35;
	[tilespmem:v41+s24+$0x0] =	vst.idx.msk $0xffff, v40;
	v34 =	vadd.s32 v20, v34  }
0x75: {  	v61 =	vshrl.u32 v54, $0x3;
	v63 =	vld [tilespmem:s21+$0x30];
	v37 =	vadd.s32 v24, v37;
	v36 =	vadd.s32 v28, v36;
	[tilespmem:v43+s24+$0x0] =	vst.idx.msk $0xffff, v42  }
0x76: {  	v33 =	vadd.s32 v4, v33;
	v62 =	vshrl.u32 v55, $0x3;
	v55 =	vshrl.u32 v44, $0x3;
	v43 =	vld [tilespmem:s21+$0x70];
	[tilespmem:v48+s24+$0x0] =	vst.idx.msk $0xffff, v45  }
0x77: {  	v44 =	vshrl.u32 v46, $0x3;
	v46 =	vbroadcast v47, $0x0;
	v41 =	vshll.u32 v62, v1;
	v45 =	vld [tilespmem:s21+$0xB0];
	[tilespmem:v51+s24+$0x0] =	vst.idx.msk $0xffff, v49  }
0x78: {  	s6 =	sadd.s32 $0x200, s21;
	v38 =	vshrl.u32 v38, $0x3;
	v40 =	vshll.u32 v61, v1;
	v41 =	vbroadcast v41, $0x0;
	v48 =	vld [tilespmem:s21+$0xFFFFFF30];
	[tilespmem:v53+s24+$0x0] =	vst.idx.msk $0xffff, v50  }
0x79: {  	v57 =	vshll.u32 v52, v1;
	v60 =	vld [tilespmem:s6+$0xFFFFFF00];
	v40 =	vbroadcast v40, $0x0;
	v61 =	vadd.s32 v0, v46;
	[tilespmem:v35+s24+$0x0] =	vst.idx.msk $0xffff, v56  }
0x7a: {  	v58 =	vld [tilespmem:s6+$0xC0];
	v47 =	vbroadcast v57, $0x0;
	v42 =	vshll.u32 v55, v1;
	v59 =	vadd.s32 v29, v41;
	[tilespmem:v34+s24+$0x0] =	vst.idx.msk $0xffff, v63  }
0x7b: {  	v54 =	vld [tilespmem:s6+$0xFFFFFF80];
	v44 =	vshll.u32 v44, v1;
	v42 =	vbroadcast v42, $0x0;
	v55 =	vadd.s32 v9, v40;
	[tilespmem:v37+s24+$0x0] =	vst.idx.msk $0xffff, v43  }
0x7c: {  	v38 =	vshll.u32 v38, v1;
	v62 =	vld [tilespmem:s6+$0xFFFFFF40];
	v44 =	vbroadcast v44, $0x0;
	v63 =	vadd.s32 v5, v47;
	[tilespmem:v36+s24+$0x0] =	vst.idx.msk $0xffff, v45  }
0x7d: {  	v39 =	vshrl.u32 v39, $0x3;
	v38 =	vbroadcast v38, $0x0;
	v36 =	vld [tilespmem:s6+$0xFFFFFFC0];
	v45 =	vadd.s32 v13, v42;
	[tilespmem:v33+s24+$0x0] =	vst.idx.msk $0xffff, v48  }
0x7e: {  	v39 =	vshll.u32 v39, v1;
	v33 =	vld [tilespmem:s6+$0x0];
	v48 =	vadd.s32 v17, v44;
	[tilespmem:v61+s24+$0x0] =	vst.idx.msk $0xffff, v60  }
0x7f: {  	v35 =	vbroadcast v39, $0x0;
	[tilespmem:v59+s24+$0x0] =	vst.idx.msk $0xffff, v58;
	v58 =	vld [tilespmem:s6+$0x40];
	v59 =	vadd.s32 v21, v38  }
0x80: {  	v57 =	vadd.s32 v30, v41;
	[tilespmem:v55+s24+$0x0] =	vst.idx.msk $0xffff, v54;
	v56 =	vld [tilespmem:s6+$0xD0]  }
0x81: {  	v60 =	vld [tilespmem:s6+$0x80];
	v61 =	vadd.s32 v25, v35;
	[tilespmem:v63+s24+$0x0] =	vst.idx.msk $0xffff, v62  }
0x82: {  	v55 =	vadd.s32 v10, v40;
	v54 =	vld [tilespmem:s6+$0xFFFFFF90];
	[tilespmem:v45+s24+$0x0] =	vst.idx.msk $0xffff, v36  }
0x83: {  	v63 =	vadd.s32 v6, v47;
	v62 =	vld [tilespmem:s6+$0xFFFFFF50];
	[tilespmem:v48+s24+$0x0] =	vst.idx.msk $0xffff, v33  }
0x84: {  	v33 =	vld [tilespmem:s6+$0xFFFFFFD0];
	v48 =	vadd.s32 v14, v42;
	[tilespmem:v59+s24+$0x0] =	vst.idx.msk $0xffff, v58  }
0x85: {  	[tilespmem:v57+s24+$0x0] =	vst.idx.msk $0xffff, v56;
	v56 =	vld [tilespmem:s6+$0x10];
	v57 =	vadd.s32 v18, v44  }
0x86: {  	[tilespmem:v61+s24+$0x0] =	vst.idx.msk $0xffff, v60;
	v59 =	vadd.s32 v22, v38;
	v58 =	vld [tilespmem:s6+$0x50]  }
0x87: {  	v39 =	vadd.s32 v31, v41;
	[tilespmem:v55+s24+$0x0] =	vst.idx.msk $0xffff, v54;
	v34 =	vld [tilespmem:s6+$0xE0]  }
0x88: {  	v61 =	vadd.s32 v26, v35;
	v60 =	vld [tilespmem:s6+$0x90];
	[tilespmem:v63+s24+$0x0] =	vst.idx.msk $0xffff, v62  }
0x89: {  	v62 =	vld [tilespmem:s6+$0xFFFFFF10];
	v63 =	vadd.s32 v2, v46;
	[tilespmem:v48+s24+$0x0] =	vst.idx.msk $0xffff, v33  }
0x8a: {  	v55 =	vadd.s32 v7, v47;
	v54 =	vld [tilespmem:s6+$0xFFFFFF60];
	[tilespmem:v57+s24+$0x0] =	vst.idx.msk $0xffff, v56  }
0x8b: {  	v56 =	vadd.s32 v32, v41;
	v41 =	vld [tilespmem:s6+$0xFFFFFFA0];
	v57 =	vadd.s32 v11, v40;
	[tilespmem:v59+s24+$0x0] =	vst.idx.msk $0xffff, v58  }
0x8c: {  	v37 =	vld [tilespmem:s6+$0xFFFFFFE0];
	v58 =	vadd.s32 v15, v42;
	[tilespmem:v39+s24+$0x0] =	vst.idx.msk $0xffff, v34  }
0x8d: {  	[tilespmem:v61+s24+$0x0] =	vst.idx.msk $0xffff, v60;
	v34 =	vld [tilespmem:s6+$0xF0]  }
0x8e: {  	v60 =	vadd.s32 v19, v44;
	[tilespmem:v63+s24+$0x0] =	vst.idx.msk $0xffff, v62;
	v59 =	vld [tilespmem:s6+$0x20]  }
0x8f: {  	v62 =	vadd.s32 v23, v38;
	[tilespmem:v55+s24+$0x0] =	vst.idx.msk $0xffff, v54;
	v61 =	vld [tilespmem:s6+$0x60]  }
0x90: {  	v63 =	vld [tilespmem:s6+$0xA0];
	v54 =	vadd.s32 v27, v35;
	[tilespmem:v57+s24+$0x0] =	vst.idx.msk $0xffff, v41  }
0x91: {  	v47 =	vadd.s32 v8, v47;
	v57 =	vld [tilespmem:s6+$0xFFFFFF70];
	[tilespmem:v58+s24+$0x0] =	vst.idx.msk $0xffff, v37  }
0x92: {  	v55 =	vld [tilespmem:s6+$0xFFFFFF20];
	[tilespmem:v56+s24+$0x0] =	vst.idx.msk $0xffff, v34;
	v56 =	vadd.s32 v3, v46  }
0x93: {  	v40 =	vadd.s32 v12, v40;
	v58 =	vld [tilespmem:s6+$0xFFFFFFB0];
	[tilespmem:v60+s24+$0x0] =	vst.idx.msk $0xffff, v59  }
0x94: {  	v42 =	vadd.s32 v16, v42;
	v59 =	vld [tilespmem:s6+$0xFFFFFFF0];
	[tilespmem:v62+s24+$0x0] =	vst.idx.msk $0xffff, v61  }
0x95: {  	v61 =	vadd.s32 v20, v44;
	[tilespmem:v54+s24+$0x0] =	vst.idx.msk $0xffff, v63;
	v60 =	vld [tilespmem:s6+$0x30]  }
0x96: {  	v38 =	vadd.s32 v24, v38;
	v62 =	vld [tilespmem:s6+$0x70];
	[tilespmem:v47+s24+$0x0] =	vst.idx.msk $0xffff, v57  }
0x97: {  	v35 =	vadd.s32 v28, v35;
	v63 =	vld [tilespmem:s6+$0xB0];
	[tilespmem:v56+s24+$0x0] =	vst.idx.msk $0xffff, v55  }
0x98: {  	v49 =	vadd.s32 v4, v46;
	[tilespmem:v40+s24+$0x0] =	vst.idx.msk $0xffff, v58;
	v48 =	vld [tilespmem:s6+$0xFFFFFF30]  }
0x99: {  	[tilespmem:v42+s24+$0x0] =	vst.idx.msk $0xffff, v59  }
0x9a: {  	p1 =	seq.s32 s1, $0x31;
	[tilespmem:v61+s24+$0x0] =	vst.idx.msk $0xffff, v60  }
0x9b: {  	[tilespmem:v38+s24+$0x0] =	vst.idx.msk $0xffff, v62;
	s6 =	sshll.u32 @!p1 s1, $0x9  }
0x9c: {  	[tilespmem:v35+s24+$0x0] =	vst.idx.msk $0xffff, v63;
	s21 =	sand.u32 @!p1 $0x3FFFFE00, s6  }
0x9d: {  	s14 =	simm.s32 @!p1 $0x80;
	s15 =	simm.s32 @!p1 $0x6400;
	s6 =	sadd.s32 @!p1 $0x200, s21;
	[tilespmem:v49+s24+$0x0] =	vst.idx.msk $0xffff, v48  }
0x9e: {  	[tilespmem:s15], [sflag:$0x1] =	stream.indirect.gather @!p1 [hbm4b:s4+s14], $0x40, s6, s14, $0xb8;
	[tilespmem:$0x16C00] =	vst v63  }
0x9f: {  	s15 =	sadd.s32 s5, s0  }
0xa0: {  	s16 =	sshll.u32 s15, $0xA;
	s6 =	sshll.u32 s15, $0x7  }
0xa1: {  	s14 =	sand.u32 $0xFFE0000, s16;
	s6 =	sand.u32 $0x3E00, s6  }
0xa2: {  	s6 =	sor.u32 s6, s14  }
0xa3: {  	s14 =	sadd.s32 s2, s6  }
0xa4: {  	[hbm4b:s14+s3] =	stream.linear.scatter [tilespmem:s24], [sflag:$0x5], $0x80, $0x38;
	[tilespmem:$0x16C00] =	vst v63  }
0xa5: {  	s16 =	simm.s32 $0xE488;
	s22 =	sadd.s32 $0x10, s14  }
0xa6: {  	[hbm4b:s22+s3] =	stream.linear.scatter [tilespmem:s16], [sflag:$0x5], $0x80, $0x38;
	[tilespmem:$0x16C00] =	vst v63  }
0xa7: {  	s16 =	sadd.s32 $0x20, s14;
	s22 =	simm.s32 $0xE510  }
0xa8: {  	[hbm4b:s16+s3] =	stream.linear.scatter [tilespmem:s22], [sflag:$0x5], $0x80, $0x38;
	[tilespmem:$0x16C00] =	vst v63  }
0xa9: {  	s16 =	sadd.s32 $0x30, s14;
	s22 =	simm.s32 $0xE598  }
0xaa: {  	[hbm4b:s16+s3] =	stream.linear.scatter [tilespmem:s22], [sflag:$0x5], $0x80, $0x38;
	[tilespmem:$0x16C00] =	vst v63  }
0xab: {  	s16 =	sadd.s32 $0x40, s14;
	s22 =	simm.s32 $0xE620  }
0xac: {  	[hbm4b:s16+s3] =	stream.linear.scatter [tilespmem:s22], [sflag:$0x5], $0x80, $0x38;
	[tilespmem:$0x16C00] =	vst v63  }
0xad: {  	s16 =	sadd.s32 $0x50, s14;
	s22 =	simm.s32 $0xE6A8  }
0xae: {  	[hbm4b:s16+s3] =	stream.linear.scatter [tilespmem:s22], [sflag:$0x5], $0x80, $0x38;
	[tilespmem:$0x16C00] =	vst v63  }
0xaf: {  	s16 =	sadd.s32 $0x60, s14;
	s22 =	simm.s32 $0xE730  }
0xb0: {  	[hbm4b:s16+s3] =	stream.linear.scatter [tilespmem:s22], [sflag:$0x5], $0x80, $0x38;
	[tilespmem:$0x16C00] =	vst v63  }
0xb1: {  	s14 =	sadd.s32 $0x70, s14;
	s16 =	simm.s32 $0xE7B8  }
0xb2: {  	[hbm4b:s14+s3] =	stream.linear.scatter [tilespmem:s16], [sflag:$0x5], $0x80, $0x38;
	[tilespmem:$0x16C00] =	vst v63  }
0xb3: {  	s22 =	simm.s32 $0xE840;
	s14 =	sadd.s32 s6, s7  }
0xb4: {  	[hbm4b:s14+s3] =	stream.linear.scatter [tilespmem:s22], [sflag:$0x5], $0x80, $0x38;
	[tilespmem:$0x16C00] =	vst v63  }
0xb5: {  	s16 =	sadd.s32 $0x10, s14;
	s22 =	simm.s32 $0xE8C8  }
0xb6: {  	[hbm4b:s16+s3] =	stream.linear.scatter [tilespmem:s22], [sflag:$0x5], $0x80, $0x38;
	[tilespmem:$0x16C00] =	vst v63  }
0xb7: {  	s16 =	sadd.s32 $0x20, s14;
	s22 =	simm.s32 $0xE950  }
0xb8: {  	[hbm4b:s16+s3] =	stream.linear.scatter [tilespmem:s22], [sflag:$0x5], $0x80, $0x38;
	[tilespmem:$0x16C00] =	vst v63  }
0xb9: {  	s16 =	sadd.s32 $0x30, s14;
	s22 =	simm.s32 $0xE9D8  }
0xba: {  	[hbm4b:s16+s3] =	stream.linear.scatter [tilespmem:s22], [sflag:$0x5], $0x80, $0x38;
	[tilespmem:$0x16C00] =	vst v63  }
0xbb: {  	s16 =	sadd.s32 $0x40, s14;
	s22 =	simm.s32 $0xEA60  }
0xbc: {  	[hbm4b:s16+s3] =	stream.linear.scatter [tilespmem:s22], [sflag:$0x5], $0x80, $0x38;
	[tilespmem:$0x16C00] =	vst v63  }
0xbd: {  	s16 =	sadd.s32 $0x50, s14;
	s22 =	simm.s32 $0xEAE8  }
0xbe: {  	[hbm4b:s16+s3] =	stream.linear.scatter [tilespmem:s22], [sflag:$0x5], $0x80, $0x38;
	[tilespmem:$0x16C00] =	vst v63  }
0xbf: {  	s16 =	sadd.s32 $0x60, s14;
	s22 =	simm.s32 $0xEB70  }
0xc0: {  	[hbm4b:s16+s3] =	stream.linear.scatter [tilespmem:s22], [sflag:$0x5], $0x80, $0x38;
	[tilespmem:$0x16C00] =	vst v63  }
0xc1: {  	s14 =	sadd.s32 $0x70, s14;
	s16 =	simm.s32 $0xEBF8  }
0xc2: {  	[hbm4b:s14+s3] =	stream.linear.scatter [tilespmem:s16], [sflag:$0x5], $0x80, $0x38;
	[tilespmem:$0x16C00] =	vst v63  }
0xc3: {  	s22 =	simm.s32 $0xEC80;
	s14 =	sadd.s32 s6, s8  }
0xc4: {  	[hbm4b:s14+s3] =	stream.linear.scatter [tilespmem:s22], [sflag:$0x5], $0x80, $0x38;
	[tilespmem:$0x16C00] =	vst v63  }
0xc5: {  	s16 =	sadd.s32 $0x10, s14;
	s22 =	simm.s32 $0xED08  }
0xc6: {  	[hbm4b:s16+s3] =	stream.linear.scatter [tilespmem:s22], [sflag:$0x5], $0x80, $0x38;
	[tilespmem:$0x16C00] =	vst v63  }
0xc7: {  	s16 =	sadd.s32 $0x20, s14;
	s22 =	simm.s32 $0xED90  }
0xc8: {  	[hbm4b:s16+s3] =	stream.linear.scatter [tilespmem:s22], [sflag:$0x5], $0x80, $0x38;
	[tilespmem:$0x16C00] =	vst v63  }
0xc9: {  	s16 =	sadd.s32 $0x30, s14;
	s22 =	simm.s32 $0xEE18  }
0xca: {  	[hbm4b:s16+s3] =	stream.linear.scatter [tilespmem:s22], [sflag:$0x5], $0x80, $0x38;
	[tilespmem:$0x16C00] =	vst v63  }
0xcb: {  	s16 =	sadd.s32 $0x40, s14;
	s22 =	simm.s32 $0xEEA0  }
0xcc: {  	[hbm4b:s16+s3] =	stream.linear.scatter [tilespmem:s22], [sflag:$0x5], $0x80, $0x38;
	[tilespmem:$0x16C00] =	vst v63  }
0xcd: {  	s16 =	sadd.s32 $0x50, s14;
	s22 =	simm.s32 $0xEF28  }
0xce: {  	[hbm4b:s16+s3] =	stream.linear.scatter [tilespmem:s22], [sflag:$0x5], $0x80, $0x38;
	[tilespmem:$0x16C00] =	vst v63  }
0xcf: {  	s16 =	sadd.s32 $0x60, s14;
	s22 =	simm.s32 $0xEFB0  }
0xd0: {  	[hbm4b:s16+s3] =	stream.linear.scatter [tilespmem:s22], [sflag:$0x5], $0x80, $0x38;
	[tilespmem:$0x16C00] =	vst v63  }
0xd1: {  	s14 =	sadd.s32 $0x70, s14;
	s16 =	simm.s32 $0xF038  }
0xd2: {  	[hbm4b:s14+s3] =	stream.linear.scatter [tilespmem:s16], [sflag:$0x5], $0x80, $0x38;
	[tilespmem:$0x16C00] =	vst v63  }
0xd3: {  	s22 =	simm.s32 $0xF0C0;
	s14 =	sadd.s32 s6, s9  }
0xd4: {  	[hbm4b:s14+s3] =	stream.linear.scatter [tilespmem:s22], [sflag:$0x5], $0x80, $0x38;
	[tilespmem:$0x16C00] =	vst v63  }
0xd5: {  	s16 =	sadd.s32 $0x10, s14;
	s22 =	simm.s32 $0xF148  }
0xd6: {  	[hbm4b:s16+s3] =	stream.linear.scatter [tilespmem:s22], [sflag:$0x5], $0x80, $0x38;
	[tilespmem:$0x16C00] =	vst v63  }
0xd7: {  	s16 =	sadd.s32 $0x20, s14;
	s22 =	simm.s32 $0xF1D0  }
0xd8: {  	[hbm4b:s16+s3] =	stream.linear.scatter [tilespmem:s22], [sflag:$0x5], $0x80, $0x38;
	[tilespmem:$0x16C00] =	vst v63  }
0xd9: {  	s16 =	sadd.s32 $0x30, s14;
	s22 =	simm.s32 $0xF258  }
0xda: {  	[hbm4b:s16+s3] =	stream.linear.scatter [tilespmem:s22], [sflag:$0x5], $0x80, $0x38;
	[tilespmem:$0x16C00] =	vst v63  }
0xdb: {  	s16 =	sadd.s32 $0x40, s14;
	s22 =	simm.s32 $0xF2E0  }
0xdc: {  	[hbm4b:s16+s3] =	stream.linear.scatter [tilespmem:s22], [sflag:$0x5], $0x80, $0x38;
	[tilespmem:$0x16C00] =	vst v63  }
0xdd: {  	s16 =	sadd.s32 $0x50, s14;
	s22 =	simm.s32 $0xF368  }
0xde: {  	[hbm4b:s16+s3] =	stream.linear.scatter [tilespmem:s22], [sflag:$0x5], $0x80, $0x38;
	[tilespmem:$0x16C00] =	vst v63  }
0xdf: {  	s16 =	sadd.s32 $0x60, s14;
	s22 =	simm.s32 $0xF3F0  }
0xe0: {  	[hbm4b:s16+s3] =	stream.linear.scatter [tilespmem:s22], [sflag:$0x5], $0x80, $0x38;
	[tilespmem:$0x16C00] =	vst v63  }
0xe1: {  	s14 =	sadd.s32 $0x70, s14;
	s16 =	simm.s32 $0xF478  }
0xe2: {  	[hbm4b:s14+s3] =	stream.linear.scatter [tilespmem:s16], [sflag:$0x5], $0x80, $0x38;
	[tilespmem:$0x16C00] =	vst v63  }
0xe3: {  	s22 =	simm.s32 $0xF500;
	s14 =	sadd.s32 s6, s10  }
0xe4: {  	[hbm4b:s14+s3] =	stream.linear.scatter [tilespmem:s22], [sflag:$0x5], $0x80, $0x38;
	[tilespmem:$0x16C00] =	vst v63  }
0xe5: {  	s16 =	sadd.s32 $0x10, s14;
	s22 =	simm.s32 $0xF588  }
0xe6: {  	[hbm4b:s16+s3] =	stream.linear.scatter [tilespmem:s22], [sflag:$0x5], $0x80, $0x38;
	[tilespmem:$0x16C00] =	vst v63  }
0xe7: {  	s16 =	sadd.s32 $0x20, s14;
	s22 =	simm.s32 $0xF610  }
0xe8: {  	[hbm4b:s16+s3] =	stream.linear.scatter [tilespmem:s22], [sflag:$0x5], $0x80, $0x38;
	[tilespmem:$0x16C00] =	vst v63  }
0xe9: {  	s16 =	sadd.s32 $0x30, s14;
	s22 =	simm.s32 $0xF698  }
0xea: {  	[hbm4b:s16+s3] =	stream.linear.scatter [tilespmem:s22], [sflag:$0x5], $0x80, $0x38;
	[tilespmem:$0x16C00] =	vst v63  }
0xeb: {  	s16 =	sadd.s32 $0x40, s14;
	s22 =	simm.s32 $0xF720  }
0xec: {  	[hbm4b:s16+s3] =	stream.linear.scatter [tilespmem:s22], [sflag:$0x5], $0x80, $0x38;
	[tilespmem:$0x16C00] =	vst v63  }
0xed: {  	s16 =	sadd.s32 $0x50, s14;
	s22 =	simm.s32 $0xF7A8  }
0xee: {  	[hbm4b:s16+s3] =	stream.linear.scatter [tilespmem:s22], [sflag:$0x5], $0x80, $0x38;
	[tilespmem:$0x16C00] =	vst v63  }
0xef: {  	s16 =	sadd.s32 $0x60, s14;
	s22 =	simm.s32 $0xF830  }
0xf0: {  	[hbm4b:s16+s3] =	stream.linear.scatter [tilespmem:s22], [sflag:$0x5], $0x80, $0x38;
	[tilespmem:$0x16C00] =	vst v63  }
0xf1: {  	s14 =	sadd.s32 $0x70, s14;
	s16 =	simm.s32 $0xF8B8  }
0xf2: {  	[hbm4b:s14+s3] =	stream.linear.scatter [tilespmem:s16], [sflag:$0x5], $0x80, $0x38;
	[tilespmem:$0x16C00] =	vst v63  }
0xf3: {  	s22 =	simm.s32 $0xF940;
	s14 =	sadd.s32 s6, s11  }
0xf4: {  	[hbm4b:s14+s3] =	stream.linear.scatter [tilespmem:s22], [sflag:$0x5], $0x80, $0x38;
	[tilespmem:$0x16C00] =	vst v63  }
0xf5: {  	s16 =	sadd.s32 $0x10, s14;
	s22 =	simm.s32 $0xF9C8  }
0xf6: {  	[hbm4b:s16+s3] =	stream.linear.scatter [tilespmem:s22], [sflag:$0x5], $0x80, $0x38;
	[tilespmem:$0x16C00] =	vst v63  }
0xf7: {  	s16 =	sadd.s32 $0x20, s14;
	s22 =	simm.s32 $0xFA50  }
0xf8: {  	[hbm4b:s16+s3] =	stream.linear.scatter [tilespmem:s22], [sflag:$0x5], $0x80, $0x38;
	[tilespmem:$0x16C00] =	vst v63  }
0xf9: {  	s16 =	sadd.s32 $0x30, s14;
	s22 =	simm.s32 $0xFAD8  }
0xfa: {  	[hbm4b:s16+s3] =	stream.linear.scatter [tilespmem:s22], [sflag:$0x5], $0x80, $0x38;
	[tilespmem:$0x16C00] =	vst v63  }
0xfb: {  	s16 =	sadd.s32 $0x40, s14;
	s22 =	simm.s32 $0xFB60  }
0xfc: {  	[hbm4b:s16+s3] =	stream.linear.scatter [tilespmem:s22], [sflag:$0x5], $0x80, $0x38;
	[tilespmem:$0x16C00] =	vst v63  }
0xfd: {  	s16 =	sadd.s32 $0x50, s14;
	s22 =	simm.s32 $0xFBE8  }
0xfe: {  	[hbm4b:s16+s3] =	stream.linear.scatter [tilespmem:s22], [sflag:$0x5], $0x80, $0x38;
	[tilespmem:$0x16C00] =	vst v63  }
0xff: {  	s16 =	sadd.s32 $0x60, s14;
	s22 =	simm.s32 $0xFC70  }
0x100: {  	[hbm4b:s16+s3] =	stream.linear.scatter [tilespmem:s22], [sflag:$0x5], $0x80, $0x38;
	[tilespmem:$0x16C00] =	vst v63  }
0x101: {  	s14 =	sadd.s32 $0x70, s14;
	s16 =	simm.s32 $0xFCF8  }
0x102: {  	[hbm4b:s14+s3] =	stream.linear.scatter [tilespmem:s16], [sflag:$0x5], $0x80, $0x38;
	[tilespmem:$0x16C00] =	vst v63  }
0x103: {  	s22 =	simm.s32 $0xFD80;
	s14 =	sadd.s32 s6, s12  }
0x104: {  	[hbm4b:s14+s3] =	stream.linear.scatter [tilespmem:s22], [sflag:$0x5], $0x80, $0x38;
	[tilespmem:$0x16C00] =	vst v63  }
0x105: {  	s16 =	sadd.s32 $0x10, s14;
	s22 =	simm.s32 $0xFE08  }
0x106: {  	[hbm4b:s16+s3] =	stream.linear.scatter [tilespmem:s22], [sflag:$0x5], $0x80, $0x38;
	[tilespmem:$0x16C00] =	vst v63  }
0x107: {  	s16 =	sadd.s32 $0x20, s14;
	s22 =	simm.s32 $0xFE90  }
0x108: {  	[hbm4b:s16+s3] =	stream.linear.scatter [tilespmem:s22], [sflag:$0x5], $0x80, $0x38;
	[tilespmem:$0x16C00] =	vst v63  }
0x109: {  	s16 =	sadd.s32 $0x30, s14;
	s22 =	simm.s32 $0xFF18  }
0x10a: {  	[hbm4b:s16+s3] =	stream.linear.scatter [tilespmem:s22], [sflag:$0x5], $0x80, $0x38;
	[tilespmem:$0x16C00] =	vst v63  }
0x10b: {  	s16 =	sadd.s32 $0x40, s14;
	s22 =	simm.s32 $0xFFA0  }
0x10c: {  	[hbm4b:s16+s3] =	stream.linear.scatter [tilespmem:s22], [sflag:$0x5], $0x80, $0x38;
	[tilespmem:$0x16C00] =	vst v63  }
0x10d: {  	s16 =	sadd.s32 $0x50, s14;
	s22 =	simm.s32 $0x10028  }
0x10e: {  	[hbm4b:s16+s3] =	stream.linear.scatter [tilespmem:s22], [sflag:$0x5], $0x80, $0x38;
	[tilespmem:$0x16C00] =	vst v63  }
0x10f: {  	s16 =	sadd.s32 $0x60, s14;
	s22 =	simm.s32 $0x100B0  }
0x110: {  	[hbm4b:s16+s3] =	stream.linear.scatter [tilespmem:s22], [sflag:$0x5], $0x80, $0x38;
	[tilespmem:$0x16C00] =	vst v63  }
0x111: {  	s14 =	sadd.s32 $0x70, s14;
	s22 =	simm.s32 $0x10138  }
0x112: {  	[hbm4b:s14+s3] =	stream.linear.scatter [tilespmem:s22], [sflag:$0x5], $0x80, $0x38;
	[tilespmem:$0x16C00] =	vst v63  }
0x113: {  	s15 =	simm.s32 $0x101C0;
	s6 =	sadd.s32 s6, s13  }
0x114: {  	[hbm4b:s6+s3] =	stream.linear.scatter [tilespmem:s15], [sflag:$0x5], $0x80, $0x38;
	[tilespmem:$0x16C00] =	vst v63  }
0x115: {  	s16 =	sadd.s32 $0x10, s6;
	s22 =	simm.s32 $0x10248  }
0x116: {  	[hbm4b:s16+s3] =	stream.linear.scatter [tilespmem:s22], [sflag:$0x5], $0x80, $0x38;
	[tilespmem:$0x16C00] =	vst v63  }
0x117: {  	s16 =	sadd.s32 $0x20, s6;
	s22 =	simm.s32 $0x102D0  }
0x118: {  	[hbm4b:s16+s3] =	stream.linear.scatter [tilespmem:s22], [sflag:$0x5], $0x80, $0x38;
	[tilespmem:$0x16C00] =	vst v63  }
0x119: {  	s16 =	sadd.s32 $0x30, s6;
	s22 =	simm.s32 $0x10358  }
0x11a: {  	[hbm4b:s16+s3] =	stream.linear.scatter [tilespmem:s22], [sflag:$0x5], $0x80, $0x38;
	[tilespmem:$0x16C00] =	vst v63  }
0x11b: {  	s16 =	sadd.s32 $0x40, s6;
	s22 =	simm.s32 $0x103E0  }
0x11c: {  	[hbm4b:s16+s3] =	stream.linear.scatter [tilespmem:s22], [sflag:$0x5], $0x80, $0x38;
	[tilespmem:$0x16C00] =	vst v63  }
0x11d: {  	s16 =	sadd.s32 $0x50, s6;
	s22 =	simm.s32 $0x10468  }
0x11e: {  	[hbm4b:s16+s3] =	stream.linear.scatter [tilespmem:s22], [sflag:$0x5], $0x80, $0x38;
	[tilespmem:$0x16C00] =	vst v63  }
0x11f: {  	s15 =	sadd.s32 $0x60, s6;
	s16 =	simm.s32 $0x104F0  }
0x120: {  	[hbm4b:s15+s3] =	stream.linear.scatter [tilespmem:s16], [sflag:$0x5], $0x80, $0x38;
	[tilespmem:$0x16C00] =	vst v63  }
0x121: {  	s6 =	sadd.s32 $0x70, s6;
	s22 =	simm.s32 $0x10578  }
0x122: {  	[hbm4b:s6+s3] =	stream.linear.scatter [tilespmem:s22], [sflag:$0x5], $0x80, $0x38;
	[tilespmem:$0x16C00] =	vst v63  }
0x123: {  	_ =	swait.ge [sflag:s18], $0x2000  }
0x124: {  	[sflag:s18] =	ssyncset.done $0x0  }
0x125: {  	s6 =	simm.s32 @!p0 $0x6;
	[sflag:s18] =	ssyncadd.s32 $0xFFFFE000  }
0x126: {  	_ =	swait.ge @!p0 [sflag:s6], $0x400  }
0x127: {  	[sflag:s6] =	ssyncset.done @!p0 $0x0  }
0x128: {  	[sflag:s6] =	ssyncadd.s32 @!p0 $0xFFFFFC00  }
0x129: {  	_ =	swait.ge @!p0 [sflag:s6], $0x400  }
0x12a: {  	[sflag:s6] =	ssyncset.done @!p0 $0x0  }
0x12b: {  	[sflag:s6] =	ssyncadd.s32 @!p0 $0xFFFFFC00  }
0x12c: {  	_ =	swait.ge @!p0 [sflag:s6], $0x400  }
0x12d: {  	[sflag:s6] =	ssyncset.done @!p0 $0x0  }
0x12e: {  	[sflag:s6] =	ssyncadd.s32 @!p0 $0xFFFFFC00  }
0x12f: {  	_ =	swait.ge @!p0 [sflag:s6], $0x400  }
0x130: {  	[sflag:s6] =	ssyncset.done @!p0 $0x0  }
0x131: {  	[sflag:s6] =	ssyncadd.s32 @!p0 $0xFFFFFC00  }
0x132: {  	_ =	swait.ge @!p0 [sflag:s6], $0x400  }
0x133: {  	[sflag:s6] =	ssyncset.done @!p0 $0x0  }
0x134: {  	[sflag:s6] =	ssyncadd.s32 @!p0 $0xFFFFFC00  }
0x135: {  	s15 =	simm.s32 $0x0;
	s16 =	simm.s32 $0x1;
	_ =	swait.ge @!p0 [sflag:s6], $0x400  }
0x136: {  	v50 =	vmov s15;
	v51 =	vmov s16;
	s16 =	simm.s32 $0x3;
	[sflag:s6] =	ssyncset.done @!p0 $0x0  }
0x137: {  	s15 =	simm.s32 $0x4;
	s22 =	simm.s32 $0x2;
	v33 =	vshrl.u32 v50, $0x3;
	v53 =	vmov s16;
	[sflag:s6] =	ssyncadd.s32 @!p0 $0xFFFFFC00  }
0x138: {  	s16 =	simm.s32 $0x5;
	v54 =	vmov s15;
	v34 =	vshrl.u32 v51, $0x3;
	v52 =	vmov s22;
	s22 =	simm.s32 $0x7;
	_ =	swait.ge @!p0 [sflag:s6], $0x400  }
0x139: {  	v39 =	vmov s16;
	v33 =	vshll.u32 v33, v1;
	v55 =	vmov s22;
	[sflag:s6] =	ssyncset.done @!p0 $0x0  }
0x13a: {  	v36 =	vshrl.u32 v53, $0x3;
	v37 =	vshrl.u32 v54, $0x3;
	v38 =	vshrl.u32 v55, $0x3;
	[sflag:s6] =	ssyncadd.s32 @!p0 $0xFFFFFC00  }
0x13b: {  	v34 =	vshll.u32 v34, v1;
	v35 =	vshrl.u32 v52, $0x3;
	v38 =	vshll.u32 v38, v1;
	_ =	swait.ge @!p0 [sflag:s6], $0x400  }
0x13c: {  	s16 =	simm.s32 $0x6;
	v33 =	vbroadcast v33, $0x0;
	v56 =	vshll.u32 v35, v1;
	v38 =	vbroadcast v38, $0x0;
	[sflag:s6] =	ssyncset.done @!p0 $0x0  }
0x13d: {  	v40 =	vmov s16;
	v47 =	vbroadcast v34, $0x0;
	v53 =	vbroadcast v56, $0x0;
	[sflag:s6] =	ssyncadd.s32 @!p0 $0xFFFFFC00;
	s6 =	simm.s32 $0x8500  }
0x13e: {  	v58 =	vshll.u32 v36, v1;
	v61 =	vshll.u32 v37, v1;
	v42 =	vadd.s32 v29, v38;
	v41 =	vld [tilespmem:s6+$0xC0]  }
0x13f: {  	v35 =	vbroadcast v58, $0x0;
	v34 =	vbroadcast v61, $0x0;
	v63 =	vadd.s32 v9, v53;
	v62 =	vld [tilespmem:s6+$0xFFFFFF80]  }
0x140: {  	v55 =	vshrl.u32 v39, $0x3;
	v40 =	vshrl.u32 v40, $0x3;
	v57 =	vadd.s32 v0, v33;
	v43 =	vld [tilespmem:s6+$0xFFFFFF00]  }
0x141: {  	v60 =	vadd.s32 v5, v47;
	v36 =	vshll.u32 v55, v1;
	v56 =	vshll.u32 v40, v1;
	v59 =	vld [tilespmem:s6+$0xFFFFFF40]  }
0x142: {  	v50 =	vadd.s32 v13, v35;
	v37 =	vbroadcast v36, $0x0;
	v36 =	vbroadcast v56, $0x0;
	v39 =	vld [tilespmem:s6+$0xFFFFFFC0]  }
0x143: {  	v52 =	vadd.s32 v17, v34;
	v51 =	vld [tilespmem:s6+$0x0];
	[tilespmem:v42+s19+$0x0] =	vst.idx.msk $0xffff, v41  }
0x144: {  	v61 =	vld [tilespmem:s6+$0x80];
	[tilespmem:v63+s19+$0x0] =	vst.idx.msk $0xffff, v62;
	v62 =	vadd.s32 v25, v36  }
0x145: {  	v58 =	vadd.s32 v30, v38;
	[tilespmem:v57+s19+$0x0] =	vst.idx.msk $0xffff, v43;
	v57 =	vld [tilespmem:s6+$0xD0]  }
0x146: {  	[tilespmem:v60+s19+$0x0] =	vst.idx.msk $0xffff, v59;
	v59 =	vld [tilespmem:s6+$0x40];
	v60 =	vadd.s32 v21, v37  }
0x147: {  	v63 =	vadd.s32 v6, v47;
	[tilespmem:v50+s19+$0x0] =	vst.idx.msk $0xffff, v39;
	v46 =	vld [tilespmem:s6+$0xFFFFFF50]  }
0x148: {  	v55 =	vadd.s32 v10, v53;
	[tilespmem:v52+s19+$0x0] =	vst.idx.msk $0xffff, v51;
	v54 =	vld [tilespmem:s6+$0xFFFFFF90]  }
0x149: {  	v56 =	vadd.s32 v14, v35;
	v50 =	vld [tilespmem:s6+$0xFFFFFFD0];
	[tilespmem:v62+s19+$0x0] =	vst.idx.msk $0xffff, v61  }
0x14a: {  	v61 =	vld [tilespmem:s6+$0xFFFFFF10];
	v62 =	vadd.s32 v2, v33;
	[tilespmem:v58+s19+$0x0] =	vst.idx.msk $0xffff, v57  }
0x14b: {  	[tilespmem:v60+s19+$0x0] =	vst.idx.msk $0xffff, v59;
	v57 =	vadd.s32 v31, v38;
	v40 =	vld [tilespmem:s6+$0xE0]  }
0x14c: {  	v59 =	vadd.s32 v18, v34;
	v58 =	vld [tilespmem:s6+$0x10];
	[tilespmem:v63+s19+$0x0] =	vst.idx.msk $0xffff, v46  }
0x14d: {  	v45 =	vadd.s32 v22, v37;
	v44 =	vld [tilespmem:s6+$0x50];
	[tilespmem:v55+s19+$0x0] =	vst.idx.msk $0xffff, v54  }
0x14e: {  	v60 =	vadd.s32 v26, v36;
	v63 =	vld [tilespmem:s6+$0x90];
	[tilespmem:v56+s19+$0x0] =	vst.idx.msk $0xffff, v50  }
0x14f: {  	v51 =	vadd.s32 v7, v47;
	v50 =	vld [tilespmem:s6+$0xFFFFFF60];
	[tilespmem:v62+s19+$0x0] =	vst.idx.msk $0xffff, v61  }
0x150: {  	v56 =	vadd.s32 v11, v53;
	v55 =	vld [tilespmem:s6+$0xFFFFFFA0];
	[tilespmem:v57+s19+$0x0] =	vst.idx.msk $0xffff, v40  }
0x151: {  	v38 =	vadd.s32 v32, v38;
	[tilespmem:v59+s19+$0x0] =	vst.idx.msk $0xffff, v58;
	v54 =	vld [tilespmem:s6+$0xF0]  }
0x152: {  	[tilespmem:v45+s19+$0x0] =	vst.idx.msk $0xffff, v44;
	v58 =	vadd.s32 v15, v35;
	v57 =	vld [tilespmem:s6+$0xFFFFFFE0]  }
0x153: {  	[tilespmem:v60+s19+$0x0] =	vst.idx.msk $0xffff, v63;
	v60 =	vadd.s32 v19, v34;
	v59 =	vld [tilespmem:s6+$0x20]  }
0x154: {  	s15 =	simm.s32 $0x9;
	s22 =	simm.s32 $0x8;
	v48 =	vadd.s32 v3, v33;
	v41 =	vadd.s32 v23, v37;
	[tilespmem:v51+s19+$0x0] =	vst.idx.msk $0xffff, v50;
	v40 =	vld [tilespmem:s6+$0x60]  }
0x155: {  	s16 =	simm.s32 $0xA;
	v52 =	vmov s15;
	v43 =	vadd.s32 v27, v36;
	v63 =	vmov s22;
	v42 =	vld [tilespmem:s6+$0xA0];
	[tilespmem:v56+s19+$0x0] =	vst.idx.msk $0xffff, v55  }
0x156: {  	v53 =	vadd.s32 v12, v53;
	s22 =	simm.s32 $0xB;
	v45 =	vld [tilespmem:s6+$0xFFFFFF20];
	v39 =	vshrl.u32 v63, $0x3;
	[tilespmem:v38+s19+$0x0] =	vst.idx.msk $0xffff, v54;
	v54 =	vmov s16;
	s16 =	simm.s32 $0xC  }
0x157: {  	v44 =	vmov s22;
	s22 =	simm.s32 $0xD;
	v51 =	vadd.s32 v8, v47;
	v49 =	vld [tilespmem:s6+$0xFFFFFF70];
	[tilespmem:v58+s19+$0x0] =	vst.idx.msk $0xffff, v57;
	v46 =	vmov s16;
	s16 =	simm.s32 $0xE  }
0x158: {  	s14 =	simm.s32 $0x10;
	s15 =	simm.s32 $0xF;
	v47 =	vshll.u32 v39, v1;
	v50 =	vld [tilespmem:s6+$0xFFFFFFB0];
	[tilespmem:v60+s19+$0x0] =	vst.idx.msk $0xffff, v59;
	v38 =	vmov s22;
	s22 =	sor.u32 $0x1, s0;
	v39 =	vmov s16  }
.LBB2_5:
0x159: {  	p2 =	slt.u32 s14, $0x78;
	v52 =	vshrl.u32 v52, $0x3;
	v55 =	vmov s15;
	v56 =	vld [tilespmem:s6+$0xFFFFFFF0];
	v35 =	vadd.s32 v16, v35;
	[tilespmem:v41+s19+$0x0] =	vst.idx.msk $0xffff, v40  }
0x15a: {  	v40 =	vshrl.u32 v54, $0x3;
	v34 =	vadd.s32 v20, v34;
	v41 =	vshrl.u32 v55, $0x3;
	v54 =	vld [tilespmem:s6+$0x30];
	[tilespmem:v43+s19+$0x0] =	vst.idx.msk $0xffff, v42  }
0x15b: {  	v37 =	vadd.s32 v24, v37;
	v42 =	vshrl.u32 v44, $0x3;
	v41 =	vshll.u32 v41, v1;
	[tilespmem:v48+s19+$0x0] =	vst.idx.msk $0xffff, v45;
	v43 =	vld [tilespmem:s6+$0x70]  }
0x15c: {  	v36 =	vadd.s32 v28, v36;
	v44 =	vshrl.u32 v46, $0x3;
	v41 =	vbroadcast v41, $0x0;
	[tilespmem:v51+s19+$0x0] =	vst.idx.msk $0xffff, v49;
	v45 =	vld [tilespmem:s6+$0xB0]  }
0x15d: {  	v46 =	vshll.u32 v52, v1;
	v49 =	vadd.s32 v4, v33;
	v33 =	vbroadcast v47, $0x0;
	v48 =	vld [tilespmem:s6+$0xFFFFFF30];
	[tilespmem:v53+s19+$0x0] =	vst.idx.msk $0xffff, v50;
	s6 =	sadd.s32 $0x200, s6  }
0x15e: {  	v40 =	vshll.u32 v40, v1;
	v47 =	vbroadcast v46, $0x0;
	v46 =	vld [tilespmem:s6+$0xC0];
	v50 =	vadd.s32 v29, v41;
	[tilespmem:v35+s19+$0x0] =	vst.idx.msk $0xffff, v56  }
0x15f: {  	v53 =	vbroadcast v40, $0x0;
	v52 =	vadd.s32 v0, v33;
	v35 =	vshll.u32 v42, v1;
	v51 =	vld [tilespmem:s6+$0xFFFFFF00];
	[tilespmem:v34+s19+$0x0] =	vst.idx.msk $0xffff, v54  }
0x160: {  	v42 =	vadd.s32 v5, v47;
	v35 =	vbroadcast v35, $0x0;
	v34 =	vshll.u32 v44, v1;
	v40 =	vld [tilespmem:s6+$0xFFFFFF40];
	[tilespmem:v37+s19+$0x0] =	vst.idx.msk $0xffff, v43  }
0x161: {  	v44 =	vadd.s32 v9, v53;
	v34 =	vbroadcast v34, $0x0;
	v37 =	vshrl.u32 v38, $0x3;
	v43 =	vld [tilespmem:s6+$0xFFFFFF80];
	[tilespmem:v36+s19+$0x0] =	vst.idx.msk $0xffff, v45  }
0x162: {  	v39 =	vshrl.u32 v39, $0x3;
	v45 =	vadd.s32 v13, v35;
	v36 =	vshll.u32 v37, v1;
	v38 =	vld [tilespmem:s6+$0xFFFFFFC0];
	[tilespmem:v49+s19+$0x0] =	vst.idx.msk $0xffff, v48  }
0x163: {  	v49 =	vadd.s32 v17, v34;
	v37 =	vbroadcast v36, $0x0;
	v36 =	vshll.u32 v39, v1;
	v48 =	vld [tilespmem:s6+$0x0];
	[tilespmem:v50+s19+$0x0] =	vst.idx.msk $0xffff, v46  }
0x164: {  	v36 =	vbroadcast v36, $0x0;
	v46 =	vadd.s32 v30, v41;
	[tilespmem:v52+s19+$0x0] =	vst.idx.msk $0xffff, v51;
	v39 =	vld [tilespmem:s6+$0xD0]  }
0x165: {  	[tilespmem:v42+s19+$0x0] =	vst.idx.msk $0xffff, v40;
	v40 =	vld [tilespmem:s6+$0x40];
	v42 =	vadd.s32 v21, v37  }
0x166: {  	[tilespmem:v44+s19+$0x0] =	vst.idx.msk $0xffff, v43;
	v43 =	vld [tilespmem:s6+$0x80];
	v44 =	vadd.s32 v25, v36  }
0x167: {  	v51 =	vadd.s32 v6, v47;
	v50 =	vld [tilespmem:s6+$0xFFFFFF50];
	[tilespmem:v45+s19+$0x0] =	vst.idx.msk $0xffff, v38  }
0x168: {  	v45 =	vadd.s32 v10, v53;
	v38 =	vld [tilespmem:s6+$0xFFFFFF90];
	[tilespmem:v49+s19+$0x0] =	vst.idx.msk $0xffff, v48  }
0x169: {  	v49 =	vadd.s32 v14, v35;
	v48 =	vld [tilespmem:s6+$0xFFFFFFD0];
	[tilespmem:v46+s19+$0x0] =	vst.idx.msk $0xffff, v39  }
0x16a: {  	[tilespmem:v42+s19+$0x0] =	vst.idx.msk $0xffff, v40;
	v39 =	vld [tilespmem:s6+$0xE0];
	v40 =	vadd.s32 v31, v41  }
0x16b: {  	v46 =	vadd.s32 v18, v34;
	v42 =	vld [tilespmem:s6+$0x10];
	[tilespmem:v44+s19+$0x0] =	vst.idx.msk $0xffff, v43  }
0x16c: {  	v44 =	vadd.s32 v22, v37;
	[tilespmem:v51+s19+$0x0] =	vst.idx.msk $0xffff, v50;
	v43 =	vld [tilespmem:s6+$0x50]  }
0x16d: {  	[tilespmem:v45+s19+$0x0] =	vst.idx.msk $0xffff, v38;
	v38 =	vld [tilespmem:s6+$0x90];
	v45 =	vadd.s32 v26, v36  }
0x16e: {  	v51 =	vadd.s32 v2, v33;
	v50 =	vld [tilespmem:s6+$0xFFFFFF10];
	[tilespmem:v49+s19+$0x0] =	vst.idx.msk $0xffff, v48  }
0x16f: {  	v49 =	vadd.s32 v7, v47;
	v48 =	vld [tilespmem:s6+$0xFFFFFF60];
	[tilespmem:v40+s19+$0x0] =	vst.idx.msk $0xffff, v39  }
0x170: {  	[tilespmem:v46+s19+$0x0] =	vst.idx.msk $0xffff, v42;
	v39 =	vld [tilespmem:s6+$0xF0];
	v46 =	vadd.s32 v32, v41  }
0x171: {  	v56 =	vadd.s32 v11, v53;
	v55 =	vld [tilespmem:s6+$0xFFFFFFA0];
	[tilespmem:v44+s19+$0x0] =	vst.idx.msk $0xffff, v43  }
0x172: {  	v58 =	vadd.s32 v15, v35;
	v57 =	vld [tilespmem:s6+$0xFFFFFFE0];
	[tilespmem:v45+s19+$0x0] =	vst.idx.msk $0xffff, v38  }
0x173: {  	v60 =	vadd.s32 v19, v34;
	[tilespmem:v51+s19+$0x0] =	vst.idx.msk $0xffff, v50;
	v59 =	vld [tilespmem:s6+$0x20]  }
.Ltmp1:
0x174: {  	s15 =	sadd.s32 $0x1, s14;
	v41 =	vadd.s32 v23, v37;
	v38 =	vmov s14;
	[tilespmem:v49+s19+$0x0] =	vst.idx.msk $0xffff, v48;
	v40 =	vld [tilespmem:s6+$0x60];
	(pc) =	sbr.rel @p2 .LBB2_5-.Ltmp1, $4  }
0x175: {  	s16 =	sadd.s32 $0x3, s14;
	v52 =	vmov s15;
	s15 =	sadd.s32 $0x2, s14;
	v43 =	vadd.s32 v27, v36;
	v50 =	vshrl.u32 v38, $0x3;
	v42 =	vld [tilespmem:s6+$0xA0];
	[tilespmem:v46+s19+$0x0] =	vst.idx.msk $0xffff, v39  }
0x176: {  	v54 =	vmov s15;
	s15 =	sadd.s32 $0x4, s14;
	v44 =	vmov s16;
	s16 =	sadd.s32 $0x5, s14;
	v48 =	vadd.s32 v3, v33;
	v45 =	vld [tilespmem:s6+$0xFFFFFF20];
	[tilespmem:v56+s19+$0x0] =	vst.idx.msk $0xffff, v55  }
0x177: {  	v38 =	vmov s16;
	v51 =	vadd.s32 v8, v47;
	v46 =	vmov s15;
	s15 =	sadd.s32 $0x6, s14;
	v49 =	vld [tilespmem:s6+$0xFFFFFF70];
	[tilespmem:v58+s19+$0x0] =	vst.idx.msk $0xffff, v57  }
0x178: {  	v53 =	vadd.s32 v12, v53;
	v47 =	vshll.u32 v50, v1;
	v39 =	vmov s15;
	s15 =	sadd.s32 $0x7, s14;
	s14 =	sadd.s32 $0x8, s14;
	v50 =	vld [tilespmem:s6+$0xFFFFFFB0];
	[tilespmem:v60+s19+$0x0] =	vst.idx.msk $0xffff, v59  }
0x179: {  	_ =	sdelay $0x2  }
0x17a: {  	v52 =	vshrl.u32 v52, $0x3  }
0x17b: {  	v55 =	vmov s15;
	v56 =	vld [tilespmem:s6+$0xFFFFFFF0];
	v35 =	vadd.s32 v16, v35;
	[tilespmem:v41+s19+$0x0] =	vst.idx.msk $0xffff, v40;
	v34 =	vadd.s32 v20, v34  }
0x17c: {  	v61 =	vshrl.u32 v54, $0x3;
	v63 =	vld [tilespmem:s6+$0x30];
	v37 =	vadd.s32 v24, v37;
	v36 =	vadd.s32 v28, v36;
	[tilespmem:v43+s19+$0x0] =	vst.idx.msk $0xffff, v42  }
0x17d: {  	v33 =	vadd.s32 v4, v33;
	v62 =	vshrl.u32 v55, $0x3;
	v55 =	vshrl.u32 v44, $0x3;
	v43 =	vld [tilespmem:s6+$0x70];
	[tilespmem:v48+s19+$0x0] =	vst.idx.msk $0xffff, v45  }
0x17e: {  	v44 =	vshrl.u32 v46, $0x3;
	v46 =	vbroadcast v47, $0x0;
	v41 =	vshll.u32 v62, v1;
	v45 =	vld [tilespmem:s6+$0xB0];
	[tilespmem:v51+s19+$0x0] =	vst.idx.msk $0xffff, v49  }
0x17f: {  	s14 =	sadd.s32 $0x200, s6;
	v38 =	vshrl.u32 v38, $0x3;
	v40 =	vshll.u32 v61, v1;
	v41 =	vbroadcast v41, $0x0;
	v48 =	vld [tilespmem:s6+$0xFFFFFF30];
	[tilespmem:v53+s19+$0x0] =	vst.idx.msk $0xffff, v50  }
0x180: {  	v57 =	vshll.u32 v52, v1;
	v60 =	vld [tilespmem:s14+$0xFFFFFF00];
	v40 =	vbroadcast v40, $0x0;
	v61 =	vadd.s32 v0, v46;
	[tilespmem:v35+s19+$0x0] =	vst.idx.msk $0xffff, v56  }
0x181: {  	v58 =	vld [tilespmem:s14+$0xC0];
	v47 =	vbroadcast v57, $0x0;
	v42 =	vshll.u32 v55, v1;
	v59 =	vadd.s32 v29, v41;
	[tilespmem:v34+s19+$0x0] =	vst.idx.msk $0xffff, v63  }
0x182: {  	v54 =	vld [tilespmem:s14+$0xFFFFFF80];
	v44 =	vshll.u32 v44, v1;
	v42 =	vbroadcast v42, $0x0;
	v55 =	vadd.s32 v9, v40;
	[tilespmem:v37+s19+$0x0] =	vst.idx.msk $0xffff, v43  }
0x183: {  	v38 =	vshll.u32 v38, v1;
	v62 =	vld [tilespmem:s14+$0xFFFFFF40];
	v44 =	vbroadcast v44, $0x0;
	v63 =	vadd.s32 v5, v47;
	[tilespmem:v36+s19+$0x0] =	vst.idx.msk $0xffff, v45  }
0x184: {  	v39 =	vshrl.u32 v39, $0x3;
	v38 =	vbroadcast v38, $0x0;
	v36 =	vld [tilespmem:s14+$0xFFFFFFC0];
	v45 =	vadd.s32 v13, v42;
	[tilespmem:v33+s19+$0x0] =	vst.idx.msk $0xffff, v48  }
0x185: {  	v39 =	vshll.u32 v39, v1;
	v33 =	vld [tilespmem:s14+$0x0];
	v48 =	vadd.s32 v17, v44;
	[tilespmem:v61+s19+$0x0] =	vst.idx.msk $0xffff, v60  }
0x186: {  	v35 =	vbroadcast v39, $0x0;
	[tilespmem:v59+s19+$0x0] =	vst.idx.msk $0xffff, v58;
	v58 =	vld [tilespmem:s14+$0x40];
	v59 =	vadd.s32 v21, v38  }
0x187: {  	v57 =	vadd.s32 v30, v41;
	[tilespmem:v55+s19+$0x0] =	vst.idx.msk $0xffff, v54;
	v56 =	vld [tilespmem:s14+$0xD0]  }
0x188: {  	v60 =	vld [tilespmem:s14+$0x80];
	v61 =	vadd.s32 v25, v35;
	[tilespmem:v63+s19+$0x0] =	vst.idx.msk $0xffff, v62  }
0x189: {  	v55 =	vadd.s32 v10, v40;
	v54 =	vld [tilespmem:s14+$0xFFFFFF90];
	[tilespmem:v45+s19+$0x0] =	vst.idx.msk $0xffff, v36  }
0x18a: {  	v63 =	vadd.s32 v6, v47;
	v62 =	vld [tilespmem:s14+$0xFFFFFF50];
	[tilespmem:v48+s19+$0x0] =	vst.idx.msk $0xffff, v33  }
0x18b: {  	v33 =	vld [tilespmem:s14+$0xFFFFFFD0];
	v48 =	vadd.s32 v14, v42;
	[tilespmem:v59+s19+$0x0] =	vst.idx.msk $0xffff, v58  }
0x18c: {  	[tilespmem:v57+s19+$0x0] =	vst.idx.msk $0xffff, v56;
	v56 =	vld [tilespmem:s14+$0x10];
	v57 =	vadd.s32 v18, v44  }
0x18d: {  	[tilespmem:v61+s19+$0x0] =	vst.idx.msk $0xffff, v60;
	v59 =	vadd.s32 v22, v38;
	v58 =	vld [tilespmem:s14+$0x50]  }
0x18e: {  	v39 =	vadd.s32 v31, v41;
	[tilespmem:v55+s19+$0x0] =	vst.idx.msk $0xffff, v54;
	v34 =	vld [tilespmem:s14+$0xE0]  }
0x18f: {  	v61 =	vadd.s32 v26, v35;
	v60 =	vld [tilespmem:s14+$0x90];
	[tilespmem:v63+s19+$0x0] =	vst.idx.msk $0xffff, v62  }
0x190: {  	v62 =	vld [tilespmem:s14+$0xFFFFFF10];
	v63 =	vadd.s32 v2, v46;
	[tilespmem:v48+s19+$0x0] =	vst.idx.msk $0xffff, v33  }
0x191: {  	v55 =	vadd.s32 v7, v47;
	v54 =	vld [tilespmem:s14+$0xFFFFFF60];
	[tilespmem:v57+s19+$0x0] =	vst.idx.msk $0xffff, v56  }
0x192: {  	v56 =	vadd.s32 v32, v41;
	v41 =	vld [tilespmem:s14+$0xFFFFFFA0];
	v57 =	vadd.s32 v11, v40;
	[tilespmem:v59+s19+$0x0] =	vst.idx.msk $0xffff, v58  }
0x193: {  	v37 =	vld [tilespmem:s14+$0xFFFFFFE0];
	v58 =	vadd.s32 v15, v42;
	[tilespmem:v39+s19+$0x0] =	vst.idx.msk $0xffff, v34  }
0x194: {  	[tilespmem:v61+s19+$0x0] =	vst.idx.msk $0xffff, v60;
	v34 =	vld [tilespmem:s14+$0xF0]  }
0x195: {  	v60 =	vadd.s32 v19, v44;
	[tilespmem:v63+s19+$0x0] =	vst.idx.msk $0xffff, v62;
	v59 =	vld [tilespmem:s14+$0x20]  }
0x196: {  	v62 =	vadd.s32 v23, v38;
	[tilespmem:v55+s19+$0x0] =	vst.idx.msk $0xffff, v54;
	v61 =	vld [tilespmem:s14+$0x60]  }
0x197: {  	v63 =	vld [tilespmem:s14+$0xA0];
	v54 =	vadd.s32 v27, v35;
	[tilespmem:v57+s19+$0x0] =	vst.idx.msk $0xffff, v41  }
0x198: {  	v47 =	vadd.s32 v8, v47;
	v57 =	vld [tilespmem:s14+$0xFFFFFF70];
	[tilespmem:v58+s19+$0x0] =	vst.idx.msk $0xffff, v37  }
0x199: {  	v55 =	vld [tilespmem:s14+$0xFFFFFF20];
	[tilespmem:v56+s19+$0x0] =	vst.idx.msk $0xffff, v34;
	v56 =	vadd.s32 v3, v46  }
0x19a: {  	v40 =	vadd.s32 v12, v40;
	v58 =	vld [tilespmem:s14+$0xFFFFFFB0];
	[tilespmem:v60+s19+$0x0] =	vst.idx.msk $0xffff, v59  }
0x19b: {  	v42 =	vadd.s32 v16, v42;
	v59 =	vld [tilespmem:s14+$0xFFFFFFF0];
	[tilespmem:v62+s19+$0x0] =	vst.idx.msk $0xffff, v61  }
0x19c: {  	v61 =	vadd.s32 v20, v44;
	[tilespmem:v54+s19+$0x0] =	vst.idx.msk $0xffff, v63;
	v60 =	vld [tilespmem:s14+$0x30]  }
0x19d: {  	v38 =	vadd.s32 v24, v38;
	v62 =	vld [tilespmem:s14+$0x70];
	[tilespmem:v47+s19+$0x0] =	vst.idx.msk $0xffff, v57  }
0x19e: {  	v35 =	vadd.s32 v28, v35;
	v63 =	vld [tilespmem:s14+$0xB0];
	[tilespmem:v56+s19+$0x0] =	vst.idx.msk $0xffff, v55  }
0x19f: {  	v49 =	vadd.s32 v4, v46;
	[tilespmem:v40+s19+$0x0] =	vst.idx.msk $0xffff, v58;
	v48 =	vld [tilespmem:s14+$0xFFFFFF30]  }
0x1a0: {  	[tilespmem:v42+s19+$0x0] =	vst.idx.msk $0xffff, v59  }
0x1a1: {  	[tilespmem:v61+s19+$0x0] =	vst.idx.msk $0xffff, v60  }
0x1a2: {  	[tilespmem:v38+s19+$0x0] =	vst.idx.msk $0xffff, v62  }
0x1a3: {  	[tilespmem:v35+s19+$0x0] =	vst.idx.msk $0xffff, v63  }
0x1a4: {  	s15 =	simm.s32 @!p1 $0x8400;
	s6 =	sadd.s32 @!p1 $0x280, s21;
	s14 =	simm.s32 @!p1 $0x80;
	[tilespmem:v49+s19+$0x0] =	vst.idx.msk $0xffff, v48  }
0x1a5: {  	[tilespmem:s15], [sflag:$0x2] =	stream.indirect.gather @!p1 [hbm4b:s4+s14], $0x40, s6, s14, $0xb8;
	[tilespmem:$0x16C00] =	vst v63  }
0x1a6: {  	s15 =	sadd.s32 s5, s22  }
0x1a7: {  	s16 =	sshll.u32 s15, $0xA;
	s6 =	sshll.u32 s15, $0x7  }
0x1a8: {  	s14 =	sand.u32 $0xFFE0000, s16;
	s6 =	sand.u32 $0x3E80, s6  }
0x1a9: {  	s6 =	sor.u32 s6, s14  }
0x1aa: {  	s14 =	sadd.s32 s2, s6  }
0x1ab: {  	[hbm4b:s14+s3] =	stream.linear.scatter [tilespmem:s19], [sflag:$0x6], $0x80, $0x38;
	[tilespmem:$0x16C00] =	vst v63  }
0x1ac: {  	s16 =	simm.s32 $0x10688;
	s22 =	sadd.s32 $0x10, s14  }
0x1ad: {  	[hbm4b:s22+s3] =	stream.linear.scatter [tilespmem:s16], [sflag:$0x6], $0x80, $0x38;
	[tilespmem:$0x16C00] =	vst v63  }
0x1ae: {  	s16 =	sadd.s32 $0x20, s14;
	s22 =	simm.s32 $0x10710  }
0x1af: {  	[hbm4b:s16+s3] =	stream.linear.scatter [tilespmem:s22], [sflag:$0x6], $0x80, $0x38;
	[tilespmem:$0x16C00] =	vst v63  }
0x1b0: {  	s16 =	sadd.s32 $0x30, s14;
	s22 =	simm.s32 $0x10798  }
0x1b1: {  	[hbm4b:s16+s3] =	stream.linear.scatter [tilespmem:s22], [sflag:$0x6], $0x80, $0x38;
	[tilespmem:$0x16C00] =	vst v63  }
0x1b2: {  	s16 =	sadd.s32 $0x40, s14;
	s22 =	simm.s32 $0x10820  }
0x1b3: {  	[hbm4b:s16+s3] =	stream.linear.scatter [tilespmem:s22], [sflag:$0x6], $0x80, $0x38;
	[tilespmem:$0x16C00] =	vst v63  }
0x1b4: {  	s16 =	sadd.s32 $0x50, s14;
	s22 =	simm.s32 $0x108A8  }
0x1b5: {  	[hbm4b:s16+s3] =	stream.linear.scatter [tilespmem:s22], [sflag:$0x6], $0x80, $0x38;
	[tilespmem:$0x16C00] =	vst v63  }
0x1b6: {  	s16 =	sadd.s32 $0x60, s14;
	s22 =	simm.s32 $0x10930  }
0x1b7: {  	[hbm4b:s16+s3] =	stream.linear.scatter [tilespmem:s22], [sflag:$0x6], $0x80, $0x38;
	[tilespmem:$0x16C00] =	vst v63  }
0x1b8: {  	s14 =	sadd.s32 $0x70, s14;
	s16 =	simm.s32 $0x109B8  }
0x1b9: {  	[hbm4b:s14+s3] =	stream.linear.scatter [tilespmem:s16], [sflag:$0x6], $0x80, $0x38;
	[tilespmem:$0x16C00] =	vst v63  }
0x1ba: {  	s22 =	simm.s32 $0x10A40;
	s14 =	sadd.s32 s6, s7  }
0x1bb: {  	[hbm4b:s14+s3] =	stream.linear.scatter [tilespmem:s22], [sflag:$0x6], $0x80, $0x38;
	[tilespmem:$0x16C00] =	vst v63  }
0x1bc: {  	s16 =	sadd.s32 $0x10, s14;
	s22 =	simm.s32 $0x10AC8  }
0x1bd: {  	[hbm4b:s16+s3] =	stream.linear.scatter [tilespmem:s22], [sflag:$0x6], $0x80, $0x38;
	[tilespmem:$0x16C00] =	vst v63  }
0x1be: {  	s16 =	sadd.s32 $0x20, s14;
	s22 =	simm.s32 $0x10B50  }
0x1bf: {  	[hbm4b:s16+s3] =	stream.linear.scatter [tilespmem:s22], [sflag:$0x6], $0x80, $0x38;
	[tilespmem:$0x16C00] =	vst v63  }
0x1c0: {  	s16 =	sadd.s32 $0x30, s14;
	s22 =	simm.s32 $0x10BD8  }
0x1c1: {  	[hbm4b:s16+s3] =	stream.linear.scatter [tilespmem:s22], [sflag:$0x6], $0x80, $0x38;
	[tilespmem:$0x16C00] =	vst v63  }
0x1c2: {  	s16 =	sadd.s32 $0x40, s14;
	s22 =	simm.s32 $0x10C60  }
0x1c3: {  	[hbm4b:s16+s3] =	stream.linear.scatter [tilespmem:s22], [sflag:$0x6], $0x80, $0x38;
	[tilespmem:$0x16C00] =	vst v63  }
0x1c4: {  	s16 =	sadd.s32 $0x50, s14;
	s22 =	simm.s32 $0x10CE8  }
0x1c5: {  	[hbm4b:s16+s3] =	stream.linear.scatter [tilespmem:s22], [sflag:$0x6], $0x80, $0x38;
	[tilespmem:$0x16C00] =	vst v63  }
0x1c6: {  	s16 =	sadd.s32 $0x60, s14;
	s22 =	simm.s32 $0x10D70  }
0x1c7: {  	[hbm4b:s16+s3] =	stream.linear.scatter [tilespmem:s22], [sflag:$0x6], $0x80, $0x38;
	[tilespmem:$0x16C00] =	vst v63  }
0x1c8: {  	s14 =	sadd.s32 $0x70, s14;
	s16 =	simm.s32 $0x10DF8  }
0x1c9: {  	[hbm4b:s14+s3] =	stream.linear.scatter [tilespmem:s16], [sflag:$0x6], $0x80, $0x38;
	[tilespmem:$0x16C00] =	vst v63  }
0x1ca: {  	s22 =	simm.s32 $0x10E80;
	s14 =	sadd.s32 s6, s8  }
0x1cb: {  	[hbm4b:s14+s3] =	stream.linear.scatter [tilespmem:s22], [sflag:$0x6], $0x80, $0x38;
	[tilespmem:$0x16C00] =	vst v63  }
0x1cc: {  	s16 =	sadd.s32 $0x10, s14;
	s22 =	simm.s32 $0x10F08  }
0x1cd: {  	[hbm4b:s16+s3] =	stream.linear.scatter [tilespmem:s22], [sflag:$0x6], $0x80, $0x38;
	[tilespmem:$0x16C00] =	vst v63  }
0x1ce: {  	s16 =	sadd.s32 $0x20, s14;
	s22 =	simm.s32 $0x10F90  }
0x1cf: {  	[hbm4b:s16+s3] =	stream.linear.scatter [tilespmem:s22], [sflag:$0x6], $0x80, $0x38;
	[tilespmem:$0x16C00] =	vst v63  }
0x1d0: {  	s16 =	sadd.s32 $0x30, s14;
	s22 =	simm.s32 $0x11018  }
0x1d1: {  	[hbm4b:s16+s3] =	stream.linear.scatter [tilespmem:s22], [sflag:$0x6], $0x80, $0x38;
	[tilespmem:$0x16C00] =	vst v63  }
0x1d2: {  	s16 =	sadd.s32 $0x40, s14;
	s22 =	simm.s32 $0x110A0  }
0x1d3: {  	[hbm4b:s16+s3] =	stream.linear.scatter [tilespmem:s22], [sflag:$0x6], $0x80, $0x38;
	[tilespmem:$0x16C00] =	vst v63  }
0x1d4: {  	s16 =	sadd.s32 $0x50, s14;
	s22 =	simm.s32 $0x11128  }
0x1d5: {  	[hbm4b:s16+s3] =	stream.linear.scatter [tilespmem:s22], [sflag:$0x6], $0x80, $0x38;
	[tilespmem:$0x16C00] =	vst v63  }
0x1d6: {  	s16 =	sadd.s32 $0x60, s14;
	s22 =	simm.s32 $0x111B0  }
0x1d7: {  	[hbm4b:s16+s3] =	stream.linear.scatter [tilespmem:s22], [sflag:$0x6], $0x80, $0x38;
	[tilespmem:$0x16C00] =	vst v63  }
0x1d8: {  	s14 =	sadd.s32 $0x70, s14;
	s16 =	simm.s32 $0x11238  }
0x1d9: {  	[hbm4b:s14+s3] =	stream.linear.scatter [tilespmem:s16], [sflag:$0x6], $0x80, $0x38;
	[tilespmem:$0x16C00] =	vst v63  }
0x1da: {  	s22 =	simm.s32 $0x112C0;
	s14 =	sadd.s32 s6, s9  }
0x1db: {  	[hbm4b:s14+s3] =	stream.linear.scatter [tilespmem:s22], [sflag:$0x6], $0x80, $0x38;
	[tilespmem:$0x16C00] =	vst v63  }
0x1dc: {  	s16 =	sadd.s32 $0x10, s14;
	s22 =	simm.s32 $0x11348  }
0x1dd: {  	[hbm4b:s16+s3] =	stream.linear.scatter [tilespmem:s22], [sflag:$0x6], $0x80, $0x38;
	[tilespmem:$0x16C00] =	vst v63  }
0x1de: {  	s16 =	sadd.s32 $0x20, s14;
	s22 =	simm.s32 $0x113D0  }
0x1df: {  	[hbm4b:s16+s3] =	stream.linear.scatter [tilespmem:s22], [sflag:$0x6], $0x80, $0x38;
	[tilespmem:$0x16C00] =	vst v63  }
0x1e0: {  	s16 =	sadd.s32 $0x30, s14;
	s22 =	simm.s32 $0x11458  }
0x1e1: {  	[hbm4b:s16+s3] =	stream.linear.scatter [tilespmem:s22], [sflag:$0x6], $0x80, $0x38;
	[tilespmem:$0x16C00] =	vst v63  }
0x1e2: {  	s16 =	sadd.s32 $0x40, s14;
	s22 =	simm.s32 $0x114E0  }
0x1e3: {  	[hbm4b:s16+s3] =	stream.linear.scatter [tilespmem:s22], [sflag:$0x6], $0x80, $0x38;
	[tilespmem:$0x16C00] =	vst v63  }
0x1e4: {  	s16 =	sadd.s32 $0x50, s14;
	s22 =	simm.s32 $0x11568  }
0x1e5: {  	[hbm4b:s16+s3] =	stream.linear.scatter [tilespmem:s22], [sflag:$0x6], $0x80, $0x38;
	[tilespmem:$0x16C00] =	vst v63  }
0x1e6: {  	s16 =	sadd.s32 $0x60, s14;
	s22 =	simm.s32 $0x115F0  }
0x1e7: {  	[hbm4b:s16+s3] =	stream.linear.scatter [tilespmem:s22], [sflag:$0x6], $0x80, $0x38;
	[tilespmem:$0x16C00] =	vst v63  }
0x1e8: {  	s14 =	sadd.s32 $0x70, s14;
	s16 =	simm.s32 $0x11678  }
0x1e9: {  	[hbm4b:s14+s3] =	stream.linear.scatter [tilespmem:s16], [sflag:$0x6], $0x80, $0x38;
	[tilespmem:$0x16C00] =	vst v63  }
0x1ea: {  	s22 =	simm.s32 $0x11700;
	s14 =	sadd.s32 s6, s10  }
0x1eb: {  	[hbm4b:s14+s3] =	stream.linear.scatter [tilespmem:s22], [sflag:$0x6], $0x80, $0x38;
	[tilespmem:$0x16C00] =	vst v63  }
0x1ec: {  	s16 =	sadd.s32 $0x10, s14;
	s22 =	simm.s32 $0x11788  }
0x1ed: {  	[hbm4b:s16+s3] =	stream.linear.scatter [tilespmem:s22], [sflag:$0x6], $0x80, $0x38;
	[tilespmem:$0x16C00] =	vst v63  }
0x1ee: {  	s16 =	sadd.s32 $0x20, s14;
	s22 =	simm.s32 $0x11810  }
0x1ef: {  	[hbm4b:s16+s3] =	stream.linear.scatter [tilespmem:s22], [sflag:$0x6], $0x80, $0x38;
	[tilespmem:$0x16C00] =	vst v63  }
0x1f0: {  	s16 =	sadd.s32 $0x30, s14;
	s22 =	simm.s32 $0x11898  }
0x1f1: {  	[hbm4b:s16+s3] =	stream.linear.scatter [tilespmem:s22], [sflag:$0x6], $0x80, $0x38;
	[tilespmem:$0x16C00] =	vst v63  }
0x1f2: {  	s16 =	sadd.s32 $0x40, s14;
	s22 =	simm.s32 $0x11920  }
0x1f3: {  	[hbm4b:s16+s3] =	stream.linear.scatter [tilespmem:s22], [sflag:$0x6], $0x80, $0x38;
	[tilespmem:$0x16C00] =	vst v63  }
0x1f4: {  	s16 =	sadd.s32 $0x50, s14;
	s22 =	simm.s32 $0x119A8  }
0x1f5: {  	[hbm4b:s16+s3] =	stream.linear.scatter [tilespmem:s22], [sflag:$0x6], $0x80, $0x38;
	[tilespmem:$0x16C00] =	vst v63  }
0x1f6: {  	s16 =	sadd.s32 $0x60, s14;
	s22 =	simm.s32 $0x11A30  }
0x1f7: {  	[hbm4b:s16+s3] =	stream.linear.scatter [tilespmem:s22], [sflag:$0x6], $0x80, $0x38;
	[tilespmem:$0x16C00] =	vst v63  }
0x1f8: {  	s14 =	sadd.s32 $0x70, s14;
	s16 =	simm.s32 $0x11AB8  }
0x1f9: {  	[hbm4b:s14+s3] =	stream.linear.scatter [tilespmem:s16], [sflag:$0x6], $0x80, $0x38;
	[tilespmem:$0x16C00] =	vst v63  }
0x1fa: {  	s22 =	simm.s32 $0x11B40;
	s14 =	sadd.s32 s6, s11  }
0x1fb: {  	[hbm4b:s14+s3] =	stream.linear.scatter [tilespmem:s22], [sflag:$0x6], $0x80, $0x38;
	[tilespmem:$0x16C00] =	vst v63  }
0x1fc: {  	s16 =	sadd.s32 $0x10, s14;
	s22 =	simm.s32 $0x11BC8  }
0x1fd: {  	[hbm4b:s16+s3] =	stream.linear.scatter [tilespmem:s22], [sflag:$0x6], $0x80, $0x38;
	[tilespmem:$0x16C00] =	vst v63  }
0x1fe: {  	s16 =	sadd.s32 $0x20, s14;
	s22 =	simm.s32 $0x11C50  }
0x1ff: {  	[hbm4b:s16+s3] =	stream.linear.scatter [tilespmem:s22], [sflag:$0x6], $0x80, $0x38;
	[tilespmem:$0x16C00] =	vst v63  }
0x200: {  	s16 =	sadd.s32 $0x30, s14;
	s22 =	simm.s32 $0x11CD8  }
0x201: {  	[hbm4b:s16+s3] =	stream.linear.scatter [tilespmem:s22], [sflag:$0x6], $0x80, $0x38;
	[tilespmem:$0x16C00] =	vst v63  }
0x202: {  	s16 =	sadd.s32 $0x40, s14;
	s22 =	simm.s32 $0x11D60  }
0x203: {  	[hbm4b:s16+s3] =	stream.linear.scatter [tilespmem:s22], [sflag:$0x6], $0x80, $0x38;
	[tilespmem:$0x16C00] =	vst v63  }
0x204: {  	s16 =	sadd.s32 $0x50, s14;
	s22 =	simm.s32 $0x11DE8  }
0x205: {  	[hbm4b:s16+s3] =	stream.linear.scatter [tilespmem:s22], [sflag:$0x6], $0x80, $0x38;
	[tilespmem:$0x16C00] =	vst v63  }
0x206: {  	s16 =	sadd.s32 $0x60, s14;
	s22 =	simm.s32 $0x11E70  }
0x207: {  	[hbm4b:s16+s3] =	stream.linear.scatter [tilespmem:s22], [sflag:$0x6], $0x80, $0x38;
	[tilespmem:$0x16C00] =	vst v63  }
0x208: {  	s14 =	sadd.s32 $0x70, s14;
	s16 =	simm.s32 $0x11EF8  }
0x209: {  	[hbm4b:s14+s3] =	stream.linear.scatter [tilespmem:s16], [sflag:$0x6], $0x80, $0x38;
	[tilespmem:$0x16C00] =	vst v63  }
0x20a: {  	s22 =	simm.s32 $0x11F80;
	s14 =	sadd.s32 s6, s12  }
0x20b: {  	[hbm4b:s14+s3] =	stream.linear.scatter [tilespmem:s22], [sflag:$0x6], $0x80, $0x38;
	[tilespmem:$0x16C00] =	vst v63  }
0x20c: {  	s16 =	sadd.s32 $0x10, s14;
	s22 =	simm.s32 $0x12008  }
0x20d: {  	[hbm4b:s16+s3] =	stream.linear.scatter [tilespmem:s22], [sflag:$0x6], $0x80, $0x38;
	[tilespmem:$0x16C00] =	vst v63  }
0x20e: {  	s16 =	sadd.s32 $0x20, s14;
	s22 =	simm.s32 $0x12090  }
0x20f: {  	[hbm4b:s16+s3] =	stream.linear.scatter [tilespmem:s22], [sflag:$0x6], $0x80, $0x38;
	[tilespmem:$0x16C00] =	vst v63  }
0x210: {  	s16 =	sadd.s32 $0x30, s14;
	s22 =	simm.s32 $0x12118  }
0x211: {  	[hbm4b:s16+s3] =	stream.linear.scatter [tilespmem:s22], [sflag:$0x6], $0x80, $0x38;
	[tilespmem:$0x16C00] =	vst v63  }
0x212: {  	s16 =	sadd.s32 $0x40, s14;
	s22 =	simm.s32 $0x121A0  }
0x213: {  	[hbm4b:s16+s3] =	stream.linear.scatter [tilespmem:s22], [sflag:$0x6], $0x80, $0x38;
	[tilespmem:$0x16C00] =	vst v63  }
0x214: {  	s16 =	sadd.s32 $0x50, s14;
	s22 =	simm.s32 $0x12228  }
0x215: {  	[hbm4b:s16+s3] =	stream.linear.scatter [tilespmem:s22], [sflag:$0x6], $0x80, $0x38;
	[tilespmem:$0x16C00] =	vst v63  }
0x216: {  	s16 =	sadd.s32 $0x60, s14;
	s22 =	simm.s32 $0x122B0  }
0x217: {  	[hbm4b:s16+s3] =	stream.linear.scatter [tilespmem:s22], [sflag:$0x6], $0x80, $0x38;
	[tilespmem:$0x16C00] =	vst v63  }
0x218: {  	s14 =	sadd.s32 $0x70, s14;
	s22 =	simm.s32 $0x12338  }
0x219: {  	[hbm4b:s14+s3] =	stream.linear.scatter [tilespmem:s22], [sflag:$0x6], $0x80, $0x38;
	[tilespmem:$0x16C00] =	vst v63  }
0x21a: {  	s15 =	simm.s32 $0x123C0;
	s6 =	sadd.s32 s6, s13  }
0x21b: {  	[hbm4b:s6+s3] =	stream.linear.scatter [tilespmem:s15], [sflag:$0x6], $0x80, $0x38;
	[tilespmem:$0x16C00] =	vst v63  }
0x21c: {  	s16 =	sadd.s32 $0x10, s6;
	s22 =	simm.s32 $0x12448  }
0x21d: {  	[hbm4b:s16+s3] =	stream.linear.scatter [tilespmem:s22], [sflag:$0x6], $0x80, $0x38;
	[tilespmem:$0x16C00] =	vst v63  }
0x21e: {  	s16 =	sadd.s32 $0x20, s6;
	s22 =	simm.s32 $0x124D0  }
0x21f: {  	[hbm4b:s16+s3] =	stream.linear.scatter [tilespmem:s22], [sflag:$0x6], $0x80, $0x38;
	[tilespmem:$0x16C00] =	vst v63  }
0x220: {  	s16 =	sadd.s32 $0x30, s6;
	s22 =	simm.s32 $0x12558  }
0x221: {  	[hbm4b:s16+s3] =	stream.linear.scatter [tilespmem:s22], [sflag:$0x6], $0x80, $0x38;
	[tilespmem:$0x16C00] =	vst v63  }
0x222: {  	s16 =	sadd.s32 $0x40, s6;
	s22 =	simm.s32 $0x125E0  }
0x223: {  	[hbm4b:s16+s3] =	stream.linear.scatter [tilespmem:s22], [sflag:$0x6], $0x80, $0x38;
	[tilespmem:$0x16C00] =	vst v63  }
0x224: {  	s16 =	sadd.s32 $0x50, s6;
	s22 =	simm.s32 $0x12668  }
0x225: {  	[hbm4b:s16+s3] =	stream.linear.scatter [tilespmem:s22], [sflag:$0x6], $0x80, $0x38;
	[tilespmem:$0x16C00] =	vst v63  }
0x226: {  	s16 =	sadd.s32 $0x60, s6;
	s22 =	simm.s32 $0x126F0  }
0x227: {  	[hbm4b:s16+s3] =	stream.linear.scatter [tilespmem:s22], [sflag:$0x6], $0x80, $0x38;
	[tilespmem:$0x16C00] =	vst v63  }
0x228: {  	s6 =	sadd.s32 $0x70, s6;
	s16 =	simm.s32 $0x12778  }
0x229: {  	[hbm4b:s6+s3] =	stream.linear.scatter [tilespmem:s16], [sflag:$0x6], $0x80, $0x38;
	[tilespmem:$0x16C00] =	vst v63  }
0x22a: {  	_ =	swait.ge [sflag:s17], $0x2000  }
0x22b: {  	[sflag:s17] =	ssyncset.done $0x0  }
0x22c: {  	s6 =	simm.s32 @!p0 $0x7;
	[sflag:s17] =	ssyncadd.s32 $0xFFFFE000  }
0x22d: {  	_ =	swait.ge @!p0 [sflag:s6], $0x400  }
0x22e: {  	[sflag:s6] =	ssyncset.done @!p0 $0x0  }
0x22f: {  	[sflag:s6] =	ssyncadd.s32 @!p0 $0xFFFFFC00  }
0x230: {  	_ =	swait.ge @!p0 [sflag:s6], $0x400  }
0x231: {  	[sflag:s6] =	ssyncset.done @!p0 $0x0  }
0x232: {  	[sflag:s6] =	ssyncadd.s32 @!p0 $0xFFFFFC00  }
0x233: {  	_ =	swait.ge @!p0 [sflag:s6], $0x400  }
0x234: {  	[sflag:s6] =	ssyncset.done @!p0 $0x0  }
0x235: {  	[sflag:s6] =	ssyncadd.s32 @!p0 $0xFFFFFC00  }
0x236: {  	_ =	swait.ge @!p0 [sflag:s6], $0x400  }
0x237: {  	[sflag:s6] =	ssyncset.done @!p0 $0x0  }
0x238: {  	[sflag:s6] =	ssyncadd.s32 @!p0 $0xFFFFFC00  }
0x239: {  	_ =	swait.ge @!p0 [sflag:s6], $0x400  }
0x23a: {  	[sflag:s6] =	ssyncset.done @!p0 $0x0  }
0x23b: {  	s15 =	simm.s32 $0x1;
	[sflag:s6] =	ssyncadd.s32 @!p0 $0xFFFFFC00  }
0x23c: {  	v51 =	vmov s15;
	_ =	swait.ge @!p0 [sflag:s6], $0x400  }
0x23d: {  	s15 =	simm.s32 $0x4;
	v34 =	vshrl.u32 v51, $0x3;
	[sflag:s6] =	ssyncset.done @!p0 $0x0  }
0x23e: {  	v54 =	vmov s15;
	v34 =	vshll.u32 v34, v1;
	s16 =	simm.s32 $0x2;
	[sflag:s6] =	ssyncadd.s32 @!p0 $0xFFFFFC00  }
0x23f: {  	v37 =	vshrl.u32 v54, $0x3;
	v47 =	vbroadcast v34, $0x0;
	s22 =	simm.s32 $0x0;
	v52 =	vmov s16;
	s16 =	simm.s32 $0x7;
	_ =	swait.ge @!p0 [sflag:s6], $0x400  }
0x240: {  	v61 =	vshll.u32 v37, v1;
	v50 =	vmov s22;
	v55 =	vmov s16;
	[sflag:s6] =	ssyncset.done @!p0 $0x0  }
0x241: {  	v34 =	vbroadcast v61, $0x0;
	s22 =	simm.s32 $0x3;
	v33 =	vshrl.u32 v50, $0x3;
	v38 =	vshrl.u32 v55, $0x3;
	[sflag:s6] =	ssyncadd.s32 @!p0 $0xFFFFFC00  }
0x242: {  	v53 =	vmov s22;
	s22 =	simm.s32 $0x5;
	v35 =	vshrl.u32 v52, $0x3;
	v38 =	vshll.u32 v38, v1;
	_ =	swait.ge @!p0 [sflag:s6], $0x400  }
0x243: {  	v39 =	vmov s22;
	v56 =	vshll.u32 v35, v1;
	v38 =	vbroadcast v38, $0x0;
	[sflag:s6] =	ssyncset.done @!p0 $0x0  }
0x244: {  	v33 =	vshll.u32 v33, v1;
	v36 =	vshrl.u32 v53, $0x3;
	v53 =	vbroadcast v56, $0x0;
	[sflag:s6] =	ssyncadd.s32 @!p0 $0xFFFFFC00;
	s6 =	simm.s32 $0xA500  }
0x245: {  	s16 =	simm.s32 $0x6;
	v33 =	vbroadcast v33, $0x0;
	v58 =	vshll.u32 v36, v1;
	v42 =	vadd.s32 v29, v38;
	v41 =	vld [tilespmem:s6+$0xC0]  }
0x246: {  	v40 =	vmov s16;
	v35 =	vbroadcast v58, $0x0;
	v63 =	vadd.s32 v9, v53;
	v62 =	vld [tilespmem:s6+$0xFFFFFF80]  }
0x247: {  	v55 =	vshrl.u32 v39, $0x3;
	v57 =	vadd.s32 v0, v33;
	v40 =	vshrl.u32 v40, $0x3;
	v43 =	vld [tilespmem:s6+$0xFFFFFF00]  }
0x248: {  	v60 =	vadd.s32 v5, v47;
	v36 =	vshll.u32 v55, v1;
	v56 =	vshll.u32 v40, v1;
	v59 =	vld [tilespmem:s6+$0xFFFFFF40]  }
0x249: {  	v50 =	vadd.s32 v13, v35;
	v37 =	vbroadcast v36, $0x0;
	v36 =	vbroadcast v56, $0x0;
	v39 =	vld [tilespmem:s6+$0xFFFFFFC0]  }
0x24a: {  	v52 =	vadd.s32 v17, v34;
	v51 =	vld [tilespmem:s6+$0x0];
	[tilespmem:v42+s20+$0x0] =	vst.idx.msk $0xffff, v41  }
0x24b: {  	v61 =	vld [tilespmem:s6+$0x80];
	[tilespmem:v63+s20+$0x0] =	vst.idx.msk $0xffff, v62;
	v62 =	vadd.s32 v25, v36  }
0x24c: {  	v58 =	vadd.s32 v30, v38;
	[tilespmem:v57+s20+$0x0] =	vst.idx.msk $0xffff, v43;
	v57 =	vld [tilespmem:s6+$0xD0]  }
0x24d: {  	[tilespmem:v60+s20+$0x0] =	vst.idx.msk $0xffff, v59;
	v59 =	vld [tilespmem:s6+$0x40];
	v60 =	vadd.s32 v21, v37  }
0x24e: {  	v63 =	vadd.s32 v6, v47;
	[tilespmem:v50+s20+$0x0] =	vst.idx.msk $0xffff, v39;
	v46 =	vld [tilespmem:s6+$0xFFFFFF50]  }
0x24f: {  	v55 =	vadd.s32 v10, v53;
	[tilespmem:v52+s20+$0x0] =	vst.idx.msk $0xffff, v51;
	v54 =	vld [tilespmem:s6+$0xFFFFFF90]  }
0x250: {  	v56 =	vadd.s32 v14, v35;
	v50 =	vld [tilespmem:s6+$0xFFFFFFD0];
	[tilespmem:v62+s20+$0x0] =	vst.idx.msk $0xffff, v61  }
0x251: {  	v61 =	vld [tilespmem:s6+$0xFFFFFF10];
	v62 =	vadd.s32 v2, v33;
	[tilespmem:v58+s20+$0x0] =	vst.idx.msk $0xffff, v57  }
0x252: {  	[tilespmem:v60+s20+$0x0] =	vst.idx.msk $0xffff, v59;
	v57 =	vadd.s32 v31, v38;
	v40 =	vld [tilespmem:s6+$0xE0]  }
0x253: {  	v59 =	vadd.s32 v18, v34;
	v58 =	vld [tilespmem:s6+$0x10];
	[tilespmem:v63+s20+$0x0] =	vst.idx.msk $0xffff, v46  }
0x254: {  	v45 =	vadd.s32 v22, v37;
	v44 =	vld [tilespmem:s6+$0x50];
	[tilespmem:v55+s20+$0x0] =	vst.idx.msk $0xffff, v54  }
0x255: {  	v60 =	vadd.s32 v26, v36;
	v63 =	vld [tilespmem:s6+$0x90];
	[tilespmem:v56+s20+$0x0] =	vst.idx.msk $0xffff, v50  }
0x256: {  	v51 =	vadd.s32 v7, v47;
	v50 =	vld [tilespmem:s6+$0xFFFFFF60];
	[tilespmem:v62+s20+$0x0] =	vst.idx.msk $0xffff, v61  }
0x257: {  	v56 =	vadd.s32 v11, v53;
	v55 =	vld [tilespmem:s6+$0xFFFFFFA0];
	[tilespmem:v57+s20+$0x0] =	vst.idx.msk $0xffff, v40  }
0x258: {  	v38 =	vadd.s32 v32, v38;
	[tilespmem:v59+s20+$0x0] =	vst.idx.msk $0xffff, v58;
	v54 =	vld [tilespmem:s6+$0xF0]  }
0x259: {  	[tilespmem:v45+s20+$0x0] =	vst.idx.msk $0xffff, v44;
	v58 =	vadd.s32 v15, v35;
	v57 =	vld [tilespmem:s6+$0xFFFFFFE0]  }
0x25a: {  	[tilespmem:v60+s20+$0x0] =	vst.idx.msk $0xffff, v63;
	v60 =	vadd.s32 v19, v34;
	v59 =	vld [tilespmem:s6+$0x20]  }
0x25b: {  	s15 =	simm.s32 $0x9;
	s22 =	simm.s32 $0x8;
	v48 =	vadd.s32 v3, v33;
	v41 =	vadd.s32 v23, v37;
	[tilespmem:v51+s20+$0x0] =	vst.idx.msk $0xffff, v50;
	v40 =	vld [tilespmem:s6+$0x60]  }
0x25c: {  	s16 =	simm.s32 $0xA;
	v52 =	vmov s15;
	v43 =	vadd.s32 v27, v36;
	v63 =	vmov s22;
	v42 =	vld [tilespmem:s6+$0xA0];
	[tilespmem:v56+s20+$0x0] =	vst.idx.msk $0xffff, v55  }
0x25d: {  	v53 =	vadd.s32 v12, v53;
	s22 =	simm.s32 $0xB;
	v45 =	vld [tilespmem:s6+$0xFFFFFF20];
	v39 =	vshrl.u32 v63, $0x3;
	[tilespmem:v38+s20+$0x0] =	vst.idx.msk $0xffff, v54;
	v54 =	vmov s16;
	s16 =	simm.s32 $0xC  }
0x25e: {  	v44 =	vmov s22;
	s22 =	simm.s32 $0xD;
	v51 =	vadd.s32 v8, v47;
	v49 =	vld [tilespmem:s6+$0xFFFFFF70];
	[tilespmem:v58+s20+$0x0] =	vst.idx.msk $0xffff, v57;
	v46 =	vmov s16;
	s16 =	simm.s32 $0xE  }
0x25f: {  	s14 =	simm.s32 $0x10;
	s15 =	simm.s32 $0xF;
	v47 =	vshll.u32 v39, v1;
	v50 =	vld [tilespmem:s6+$0xFFFFFFB0];
	[tilespmem:v60+s20+$0x0] =	vst.idx.msk $0xffff, v59;
	v38 =	vmov s22;
	s22 =	sor.u32 $0x2, s0;
	v39 =	vmov s16  }
.LBB2_7:
0x260: {  	p2 =	slt.u32 s14, $0x78;
	v52 =	vshrl.u32 v52, $0x3;
	v55 =	vmov s15;
	v56 =	vld [tilespmem:s6+$0xFFFFFFF0];
	v35 =	vadd.s32 v16, v35;
	[tilespmem:v41+s20+$0x0] =	vst.idx.msk $0xffff, v40  }
0x261: {  	v40 =	vshrl.u32 v54, $0x3;
	v34 =	vadd.s32 v20, v34;
	v41 =	vshrl.u32 v55, $0x3;
	v54 =	vld [tilespmem:s6+$0x30];
	[tilespmem:v43+s20+$0x0] =	vst.idx.msk $0xffff, v42  }
0x262: {  	v37 =	vadd.s32 v24, v37;
	v42 =	vshrl.u32 v44, $0x3;
	v41 =	vshll.u32 v41, v1;
	[tilespmem:v48+s20+$0x0] =	vst.idx.msk $0xffff, v45;
	v43 =	vld [tilespmem:s6+$0x70]  }
0x263: {  	v36 =	vadd.s32 v28, v36;
	v44 =	vshrl.u32 v46, $0x3;
	v41 =	vbroadcast v41, $0x0;
	[tilespmem:v51+s20+$0x0] =	vst.idx.msk $0xffff, v49;
	v45 =	vld [tilespmem:s6+$0xB0]  }
0x264: {  	v46 =	vshll.u32 v52, v1;
	v49 =	vadd.s32 v4, v33;
	v33 =	vbroadcast v47, $0x0;
	v48 =	vld [tilespmem:s6+$0xFFFFFF30];
	[tilespmem:v53+s20+$0x0] =	vst.idx.msk $0xffff, v50;
	s6 =	sadd.s32 $0x200, s6  }
0x265: {  	v40 =	vshll.u32 v40, v1;
	v47 =	vbroadcast v46, $0x0;
	v46 =	vld [tilespmem:s6+$0xC0];
	v50 =	vadd.s32 v29, v41;
	[tilespmem:v35+s20+$0x0] =	vst.idx.msk $0xffff, v56  }
0x266: {  	v53 =	vbroadcast v40, $0x0;
	v52 =	vadd.s32 v0, v33;
	v35 =	vshll.u32 v42, v1;
	v51 =	vld [tilespmem:s6+$0xFFFFFF00];
	[tilespmem:v34+s20+$0x0] =	vst.idx.msk $0xffff, v54  }
0x267: {  	v42 =	vadd.s32 v5, v47;
	v35 =	vbroadcast v35, $0x0;
	v34 =	vshll.u32 v44, v1;
	v40 =	vld [tilespmem:s6+$0xFFFFFF40];
	[tilespmem:v37+s20+$0x0] =	vst.idx.msk $0xffff, v43  }
0x268: {  	v44 =	vadd.s32 v9, v53;
	v34 =	vbroadcast v34, $0x0;
	v37 =	vshrl.u32 v38, $0x3;
	v43 =	vld [tilespmem:s6+$0xFFFFFF80];
	[tilespmem:v36+s20+$0x0] =	vst.idx.msk $0xffff, v45  }
0x269: {  	v39 =	vshrl.u32 v39, $0x3;
	v45 =	vadd.s32 v13, v35;
	v36 =	vshll.u32 v37, v1;
	v38 =	vld [tilespmem:s6+$0xFFFFFFC0];
	[tilespmem:v49+s20+$0x0] =	vst.idx.msk $0xffff, v48  }
0x26a: {  	v49 =	vadd.s32 v17, v34;
	v37 =	vbroadcast v36, $0x0;
	v36 =	vshll.u32 v39, v1;
	v48 =	vld [tilespmem:s6+$0x0];
	[tilespmem:v50+s20+$0x0] =	vst.idx.msk $0xffff, v46  }
0x26b: {  	v36 =	vbroadcast v36, $0x0;
	v46 =	vadd.s32 v30, v41;
	[tilespmem:v52+s20+$0x0] =	vst.idx.msk $0xffff, v51;
	v39 =	vld [tilespmem:s6+$0xD0]  }
0x26c: {  	[tilespmem:v42+s20+$0x0] =	vst.idx.msk $0xffff, v40;
	v40 =	vld [tilespmem:s6+$0x40];
	v42 =	vadd.s32 v21, v37  }
0x26d: {  	[tilespmem:v44+s20+$0x0] =	vst.idx.msk $0xffff, v43;
	v43 =	vld [tilespmem:s6+$0x80];
	v44 =	vadd.s32 v25, v36  }
0x26e: {  	v51 =	vadd.s32 v6, v47;
	v50 =	vld [tilespmem:s6+$0xFFFFFF50];
	[tilespmem:v45+s20+$0x0] =	vst.idx.msk $0xffff, v38  }
0x26f: {  	v45 =	vadd.s32 v10, v53;
	v38 =	vld [tilespmem:s6+$0xFFFFFF90];
	[tilespmem:v49+s20+$0x0] =	vst.idx.msk $0xffff, v48  }
0x270: {  	v49 =	vadd.s32 v14, v35;
	v48 =	vld [tilespmem:s6+$0xFFFFFFD0];
	[tilespmem:v46+s20+$0x0] =	vst.idx.msk $0xffff, v39  }
0x271: {  	[tilespmem:v42+s20+$0x0] =	vst.idx.msk $0xffff, v40;
	v39 =	vld [tilespmem:s6+$0xE0];
	v40 =	vadd.s32 v31, v41  }
0x272: {  	v46 =	vadd.s32 v18, v34;
	v42 =	vld [tilespmem:s6+$0x10];
	[tilespmem:v44+s20+$0x0] =	vst.idx.msk $0xffff, v43  }
0x273: {  	v44 =	vadd.s32 v22, v37;
	[tilespmem:v51+s20+$0x0] =	vst.idx.msk $0xffff, v50;
	v43 =	vld [tilespmem:s6+$0x50]  }
0x274: {  	[tilespmem:v45+s20+$0x0] =	vst.idx.msk $0xffff, v38;
	v38 =	vld [tilespmem:s6+$0x90];
	v45 =	vadd.s32 v26, v36  }
0x275: {  	v51 =	vadd.s32 v2, v33;
	v50 =	vld [tilespmem:s6+$0xFFFFFF10];
	[tilespmem:v49+s20+$0x0] =	vst.idx.msk $0xffff, v48  }
0x276: {  	v49 =	vadd.s32 v7, v47;
	v48 =	vld [tilespmem:s6+$0xFFFFFF60];
	[tilespmem:v40+s20+$0x0] =	vst.idx.msk $0xffff, v39  }
0x277: {  	[tilespmem:v46+s20+$0x0] =	vst.idx.msk $0xffff, v42;
	v39 =	vld [tilespmem:s6+$0xF0];
	v46 =	vadd.s32 v32, v41  }
0x278: {  	v56 =	vadd.s32 v11, v53;
	v55 =	vld [tilespmem:s6+$0xFFFFFFA0];
	[tilespmem:v44+s20+$0x0] =	vst.idx.msk $0xffff, v43  }
0x279: {  	v58 =	vadd.s32 v15, v35;
	v57 =	vld [tilespmem:s6+$0xFFFFFFE0];
	[tilespmem:v45+s20+$0x0] =	vst.idx.msk $0xffff, v38  }
0x27a: {  	v60 =	vadd.s32 v19, v34;
	[tilespmem:v51+s20+$0x0] =	vst.idx.msk $0xffff, v50;
	v59 =	vld [tilespmem:s6+$0x20]  }
.Ltmp2:
0x27b: {  	s15 =	sadd.s32 $0x1, s14;
	v41 =	vadd.s32 v23, v37;
	v38 =	vmov s14;
	[tilespmem:v49+s20+$0x0] =	vst.idx.msk $0xffff, v48;
	v40 =	vld [tilespmem:s6+$0x60];
	(pc) =	sbr.rel @p2 .LBB2_7-.Ltmp2, $4  }
0x27c: {  	s16 =	sadd.s32 $0x3, s14;
	v52 =	vmov s15;
	s15 =	sadd.s32 $0x2, s14;
	v43 =	vadd.s32 v27, v36;
	v50 =	vshrl.u32 v38, $0x3;
	v42 =	vld [tilespmem:s6+$0xA0];
	[tilespmem:v46+s20+$0x0] =	vst.idx.msk $0xffff, v39  }
0x27d: {  	v54 =	vmov s15;
	s15 =	sadd.s32 $0x4, s14;
	v44 =	vmov s16;
	s16 =	sadd.s32 $0x5, s14;
	v48 =	vadd.s32 v3, v33;
	v45 =	vld [tilespmem:s6+$0xFFFFFF20];
	[tilespmem:v56+s20+$0x0] =	vst.idx.msk $0xffff, v55  }
0x27e: {  	v38 =	vmov s16;
	v51 =	vadd.s32 v8, v47;
	v46 =	vmov s15;
	s15 =	sadd.s32 $0x6, s14;
	v49 =	vld [tilespmem:s6+$0xFFFFFF70];
	[tilespmem:v58+s20+$0x0] =	vst.idx.msk $0xffff, v57  }
0x27f: {  	v53 =	vadd.s32 v12, v53;
	v47 =	vshll.u32 v50, v1;
	v39 =	vmov s15;
	s15 =	sadd.s32 $0x7, s14;
	s14 =	sadd.s32 $0x8, s14;
	v50 =	vld [tilespmem:s6+$0xFFFFFFB0];
	[tilespmem:v60+s20+$0x0] =	vst.idx.msk $0xffff, v59  }
0x280: {  	_ =	sdelay $0x2  }
0x281: {  	v52 =	vshrl.u32 v52, $0x3  }
0x282: {  	v55 =	vmov s15;
	v56 =	vld [tilespmem:s6+$0xFFFFFFF0];
	v35 =	vadd.s32 v16, v35;
	[tilespmem:v41+s20+$0x0] =	vst.idx.msk $0xffff, v40;
	v34 =	vadd.s32 v20, v34  }
0x283: {  	v61 =	vshrl.u32 v54, $0x3;
	v63 =	vld [tilespmem:s6+$0x30];
	v37 =	vadd.s32 v24, v37;
	v36 =	vadd.s32 v28, v36;
	[tilespmem:v43+s20+$0x0] =	vst.idx.msk $0xffff, v42  }
0x284: {  	v33 =	vadd.s32 v4, v33;
	v62 =	vshrl.u32 v55, $0x3;
	v55 =	vshrl.u32 v44, $0x3;
	v43 =	vld [tilespmem:s6+$0x70];
	[tilespmem:v48+s20+$0x0] =	vst.idx.msk $0xffff, v45  }
0x285: {  	v44 =	vshrl.u32 v46, $0x3;
	v46 =	vbroadcast v47, $0x0;
	v41 =	vshll.u32 v62, v1;
	v45 =	vld [tilespmem:s6+$0xB0];
	[tilespmem:v51+s20+$0x0] =	vst.idx.msk $0xffff, v49  }
0x286: {  	s14 =	sadd.s32 $0x200, s6;
	v38 =	vshrl.u32 v38, $0x3;
	v40 =	vshll.u32 v61, v1;
	v41 =	vbroadcast v41, $0x0;
	v48 =	vld [tilespmem:s6+$0xFFFFFF30];
	[tilespmem:v53+s20+$0x0] =	vst.idx.msk $0xffff, v50  }
0x287: {  	v57 =	vshll.u32 v52, v1;
	v60 =	vld [tilespmem:s14+$0xFFFFFF00];
	v40 =	vbroadcast v40, $0x0;
	v61 =	vadd.s32 v0, v46;
	[tilespmem:v35+s20+$0x0] =	vst.idx.msk $0xffff, v56  }
0x288: {  	v58 =	vld [tilespmem:s14+$0xC0];
	v47 =	vbroadcast v57, $0x0;
	v42 =	vshll.u32 v55, v1;
	v59 =	vadd.s32 v29, v41;
	[tilespmem:v34+s20+$0x0] =	vst.idx.msk $0xffff, v63  }
0x289: {  	v54 =	vld [tilespmem:s14+$0xFFFFFF80];
	v44 =	vshll.u32 v44, v1;
	v42 =	vbroadcast v42, $0x0;
	v55 =	vadd.s32 v9, v40;
	[tilespmem:v37+s20+$0x0] =	vst.idx.msk $0xffff, v43  }
0x28a: {  	v38 =	vshll.u32 v38, v1;
	v62 =	vld [tilespmem:s14+$0xFFFFFF40];
	v44 =	vbroadcast v44, $0x0;
	v63 =	vadd.s32 v5, v47;
	[tilespmem:v36+s20+$0x0] =	vst.idx.msk $0xffff, v45  }
0x28b: {  	v39 =	vshrl.u32 v39, $0x3;
	v38 =	vbroadcast v38, $0x0;
	v36 =	vld [tilespmem:s14+$0xFFFFFFC0];
	v45 =	vadd.s32 v13, v42;
	[tilespmem:v33+s20+$0x0] =	vst.idx.msk $0xffff, v48  }
0x28c: {  	v39 =	vshll.u32 v39, v1;
	v33 =	vld [tilespmem:s14+$0x0];
	v48 =	vadd.s32 v17, v44;
	[tilespmem:v61+s20+$0x0] =	vst.idx.msk $0xffff, v60  }
0x28d: {  	v35 =	vbroadcast v39, $0x0;
	[tilespmem:v59+s20+$0x0] =	vst.idx.msk $0xffff, v58;
	v58 =	vld [tilespmem:s14+$0x40];
	v59 =	vadd.s32 v21, v38  }
0x28e: {  	v57 =	vadd.s32 v30, v41;
	[tilespmem:v55+s20+$0x0] =	vst.idx.msk $0xffff, v54;
	v56 =	vld [tilespmem:s14+$0xD0]  }
0x28f: {  	v60 =	vld [tilespmem:s14+$0x80];
	v61 =	vadd.s32 v25, v35;
	[tilespmem:v63+s20+$0x0] =	vst.idx.msk $0xffff, v62  }
0x290: {  	v55 =	vadd.s32 v10, v40;
	v54 =	vld [tilespmem:s14+$0xFFFFFF90];
	[tilespmem:v45+s20+$0x0] =	vst.idx.msk $0xffff, v36  }
0x291: {  	v63 =	vadd.s32 v6, v47;
	v62 =	vld [tilespmem:s14+$0xFFFFFF50];
	[tilespmem:v48+s20+$0x0] =	vst.idx.msk $0xffff, v33  }
0x292: {  	v33 =	vld [tilespmem:s14+$0xFFFFFFD0];
	v48 =	vadd.s32 v14, v42;
	[tilespmem:v59+s20+$0x0] =	vst.idx.msk $0xffff, v58  }
0x293: {  	[tilespmem:v57+s20+$0x0] =	vst.idx.msk $0xffff, v56;
	v56 =	vld [tilespmem:s14+$0x10];
	v57 =	vadd.s32 v18, v44  }
0x294: {  	[tilespmem:v61+s20+$0x0] =	vst.idx.msk $0xffff, v60;
	v59 =	vadd.s32 v22, v38;
	v58 =	vld [tilespmem:s14+$0x50]  }
0x295: {  	v39 =	vadd.s32 v31, v41;
	[tilespmem:v55+s20+$0x0] =	vst.idx.msk $0xffff, v54;
	v34 =	vld [tilespmem:s14+$0xE0]  }
0x296: {  	v61 =	vadd.s32 v26, v35;
	v60 =	vld [tilespmem:s14+$0x90];
	[tilespmem:v63+s20+$0x0] =	vst.idx.msk $0xffff, v62  }
0x297: {  	v62 =	vld [tilespmem:s14+$0xFFFFFF10];
	v63 =	vadd.s32 v2, v46;
	[tilespmem:v48+s20+$0x0] =	vst.idx.msk $0xffff, v33  }
0x298: {  	v55 =	vadd.s32 v7, v47;
	v54 =	vld [tilespmem:s14+$0xFFFFFF60];
	[tilespmem:v57+s20+$0x0] =	vst.idx.msk $0xffff, v56  }
0x299: {  	v56 =	vadd.s32 v32, v41;
	v41 =	vld [tilespmem:s14+$0xFFFFFFA0];
	v57 =	vadd.s32 v11, v40;
	[tilespmem:v59+s20+$0x0] =	vst.idx.msk $0xffff, v58  }
0x29a: {  	v37 =	vld [tilespmem:s14+$0xFFFFFFE0];
	v58 =	vadd.s32 v15, v42;
	[tilespmem:v39+s20+$0x0] =	vst.idx.msk $0xffff, v34  }
0x29b: {  	[tilespmem:v61+s20+$0x0] =	vst.idx.msk $0xffff, v60;
	v34 =	vld [tilespmem:s14+$0xF0]  }
0x29c: {  	v60 =	vadd.s32 v19, v44;
	[tilespmem:v63+s20+$0x0] =	vst.idx.msk $0xffff, v62;
	v59 =	vld [tilespmem:s14+$0x20]  }
0x29d: {  	v62 =	vadd.s32 v23, v38;
	[tilespmem:v55+s20+$0x0] =	vst.idx.msk $0xffff, v54;
	v61 =	vld [tilespmem:s14+$0x60]  }
0x29e: {  	v63 =	vld [tilespmem:s14+$0xA0];
	v54 =	vadd.s32 v27, v35;
	[tilespmem:v57+s20+$0x0] =	vst.idx.msk $0xffff, v41  }
0x29f: {  	v47 =	vadd.s32 v8, v47;
	v57 =	vld [tilespmem:s14+$0xFFFFFF70];
	[tilespmem:v58+s20+$0x0] =	vst.idx.msk $0xffff, v37  }
0x2a0: {  	v55 =	vld [tilespmem:s14+$0xFFFFFF20];
	[tilespmem:v56+s20+$0x0] =	vst.idx.msk $0xffff, v34;
	v56 =	vadd.s32 v3, v46  }
0x2a1: {  	v40 =	vadd.s32 v12, v40;
	v58 =	vld [tilespmem:s14+$0xFFFFFFB0];
	[tilespmem:v60+s20+$0x0] =	vst.idx.msk $0xffff, v59  }
0x2a2: {  	v42 =	vadd.s32 v16, v42;
	v59 =	vld [tilespmem:s14+$0xFFFFFFF0];
	[tilespmem:v62+s20+$0x0] =	vst.idx.msk $0xffff, v61  }
0x2a3: {  	v61 =	vadd.s32 v20, v44;
	[tilespmem:v54+s20+$0x0] =	vst.idx.msk $0xffff, v63;
	v60 =	vld [tilespmem:s14+$0x30]  }
0x2a4: {  	v38 =	vadd.s32 v24, v38;
	v62 =	vld [tilespmem:s14+$0x70];
	[tilespmem:v47+s20+$0x0] =	vst.idx.msk $0xffff, v57  }
0x2a5: {  	v35 =	vadd.s32 v28, v35;
	v63 =	vld [tilespmem:s14+$0xB0];
	[tilespmem:v56+s20+$0x0] =	vst.idx.msk $0xffff, v55  }
0x2a6: {  	v49 =	vadd.s32 v4, v46;
	[tilespmem:v40+s20+$0x0] =	vst.idx.msk $0xffff, v58;
	v48 =	vld [tilespmem:s14+$0xFFFFFF30]  }
0x2a7: {  	[tilespmem:v42+s20+$0x0] =	vst.idx.msk $0xffff, v59  }
0x2a8: {  	[tilespmem:v61+s20+$0x0] =	vst.idx.msk $0xffff, v60  }
0x2a9: {  	[tilespmem:v38+s20+$0x0] =	vst.idx.msk $0xffff, v62  }
0x2aa: {  	[tilespmem:v35+s20+$0x0] =	vst.idx.msk $0xffff, v63  }
0x2ab: {  	s15 =	simm.s32 @!p1 $0xA400;
	s6 =	sadd.s32 @!p1 $0x300, s21;
	s14 =	simm.s32 @!p1 $0x80;
	[tilespmem:v49+s20+$0x0] =	vst.idx.msk $0xffff, v48  }
0x2ac: {  	[tilespmem:s15], [sflag:$0x3] =	stream.indirect.gather @!p1 [hbm4b:s4+s14], $0x40, s6, s14, $0xb8;
	[tilespmem:$0x16C00] =	vst v63  }
0x2ad: {  	s15 =	sadd.s32 s5, s22  }
0x2ae: {  	s16 =	sshll.u32 s15, $0xA;
	s6 =	sshll.u32 s15, $0x7  }
0x2af: {  	s14 =	sand.u32 $0xFFE0000, s16;
	s6 =	sand.u32 $0x3F00, s6  }
0x2b0: {  	s6 =	sor.u32 s6, s14  }
0x2b1: {  	s14 =	sadd.s32 s2, s6  }
0x2b2: {  	[hbm4b:s14+s3] =	stream.linear.scatter [tilespmem:s20], [sflag:$0x7], $0x80, $0x38;
	[tilespmem:$0x16C00] =	vst v63  }
0x2b3: {  	s16 =	simm.s32 $0x12888;
	s22 =	sadd.s32 $0x10, s14  }
0x2b4: {  	[hbm4b:s22+s3] =	stream.linear.scatter [tilespmem:s16], [sflag:$0x7], $0x80, $0x38;
	[tilespmem:$0x16C00] =	vst v63  }
0x2b5: {  	s16 =	sadd.s32 $0x20, s14;
	s22 =	simm.s32 $0x12910  }
0x2b6: {  	[hbm4b:s16+s3] =	stream.linear.scatter [tilespmem:s22], [sflag:$0x7], $0x80, $0x38;
	[tilespmem:$0x16C00] =	vst v63  }
0x2b7: {  	s16 =	sadd.s32 $0x30, s14;
	s22 =	simm.s32 $0x12998  }
0x2b8: {  	[hbm4b:s16+s3] =	stream.linear.scatter [tilespmem:s22], [sflag:$0x7], $0x80, $0x38;
	[tilespmem:$0x16C00] =	vst v63  }
0x2b9: {  	s16 =	sadd.s32 $0x40, s14;
	s22 =	simm.s32 $0x12A20  }
0x2ba: {  	[hbm4b:s16+s3] =	stream.linear.scatter [tilespmem:s22], [sflag:$0x7], $0x80, $0x38;
	[tilespmem:$0x16C00] =	vst v63  }
0x2bb: {  	s16 =	sadd.s32 $0x50, s14;
	s22 =	simm.s32 $0x12AA8  }
0x2bc: {  	[hbm4b:s16+s3] =	stream.linear.scatter [tilespmem:s22], [sflag:$0x7], $0x80, $0x38;
	[tilespmem:$0x16C00] =	vst v63  }
0x2bd: {  	s16 =	sadd.s32 $0x60, s14;
	s22 =	simm.s32 $0x12B30  }
0x2be: {  	[hbm4b:s16+s3] =	stream.linear.scatter [tilespmem:s22], [sflag:$0x7], $0x80, $0x38;
	[tilespmem:$0x16C00] =	vst v63  }
0x2bf: {  	s14 =	sadd.s32 $0x70, s14;
	s16 =	simm.s32 $0x12BB8  }
0x2c0: {  	[hbm4b:s14+s3] =	stream.linear.scatter [tilespmem:s16], [sflag:$0x7], $0x80, $0x38;
	[tilespmem:$0x16C00] =	vst v63  }
0x2c1: {  	s22 =	simm.s32 $0x12C40;
	s14 =	sadd.s32 s6, s7  }
0x2c2: {  	[hbm4b:s14+s3] =	stream.linear.scatter [tilespmem:s22], [sflag:$0x7], $0x80, $0x38;
	[tilespmem:$0x16C00] =	vst v63  }
0x2c3: {  	s16 =	sadd.s32 $0x10, s14;
	s22 =	simm.s32 $0x12CC8  }
0x2c4: {  	[hbm4b:s16+s3] =	stream.linear.scatter [tilespmem:s22], [sflag:$0x7], $0x80, $0x38;
	[tilespmem:$0x16C00] =	vst v63  }
0x2c5: {  	s16 =	sadd.s32 $0x20, s14;
	s22 =	simm.s32 $0x12D50  }
0x2c6: {  	[hbm4b:s16+s3] =	stream.linear.scatter [tilespmem:s22], [sflag:$0x7], $0x80, $0x38;
	[tilespmem:$0x16C00] =	vst v63  }
0x2c7: {  	s16 =	sadd.s32 $0x30, s14;
	s22 =	simm.s32 $0x12DD8  }
0x2c8: {  	[hbm4b:s16+s3] =	stream.linear.scatter [tilespmem:s22], [sflag:$0x7], $0x80, $0x38;
	[tilespmem:$0x16C00] =	vst v63  }
0x2c9: {  	s16 =	sadd.s32 $0x40, s14;
	s22 =	simm.s32 $0x12E60  }
0x2ca: {  	[hbm4b:s16+s3] =	stream.linear.scatter [tilespmem:s22], [sflag:$0x7], $0x80, $0x38;
	[tilespmem:$0x16C00] =	vst v63  }
0x2cb: {  	s16 =	sadd.s32 $0x50, s14;
	s22 =	simm.s32 $0x12EE8  }
0x2cc: {  	[hbm4b:s16+s3] =	stream.linear.scatter [tilespmem:s22], [sflag:$0x7], $0x80, $0x38;
	[tilespmem:$0x16C00] =	vst v63  }
0x2cd: {  	s16 =	sadd.s32 $0x60, s14;
	s22 =	simm.s32 $0x12F70  }
0x2ce: {  	[hbm4b:s16+s3] =	stream.linear.scatter [tilespmem:s22], [sflag:$0x7], $0x80, $0x38;
	[tilespmem:$0x16C00] =	vst v63  }
0x2cf: {  	s14 =	sadd.s32 $0x70, s14;
	s16 =	simm.s32 $0x12FF8  }
0x2d0: {  	[hbm4b:s14+s3] =	stream.linear.scatter [tilespmem:s16], [sflag:$0x7], $0x80, $0x38;
	[tilespmem:$0x16C00] =	vst v63  }
0x2d1: {  	s22 =	simm.s32 $0x13080;
	s14 =	sadd.s32 s6, s8  }
0x2d2: {  	[hbm4b:s14+s3] =	stream.linear.scatter [tilespmem:s22], [sflag:$0x7], $0x80, $0x38;
	[tilespmem:$0x16C00] =	vst v63  }
0x2d3: {  	s16 =	sadd.s32 $0x10, s14;
	s22 =	simm.s32 $0x13108  }
0x2d4: {  	[hbm4b:s16+s3] =	stream.linear.scatter [tilespmem:s22], [sflag:$0x7], $0x80, $0x38;
	[tilespmem:$0x16C00] =	vst v63  }
0x2d5: {  	s16 =	sadd.s32 $0x20, s14;
	s22 =	simm.s32 $0x13190  }
0x2d6: {  	[hbm4b:s16+s3] =	stream.linear.scatter [tilespmem:s22], [sflag:$0x7], $0x80, $0x38;
	[tilespmem:$0x16C00] =	vst v63  }
0x2d7: {  	s16 =	sadd.s32 $0x30, s14;
	s22 =	simm.s32 $0x13218  }
0x2d8: {  	[hbm4b:s16+s3] =	stream.linear.scatter [tilespmem:s22], [sflag:$0x7], $0x80, $0x38;
	[tilespmem:$0x16C00] =	vst v63  }
0x2d9: {  	s16 =	sadd.s32 $0x40, s14;
	s22 =	simm.s32 $0x132A0  }
0x2da: {  	[hbm4b:s16+s3] =	stream.linear.scatter [tilespmem:s22], [sflag:$0x7], $0x80, $0x38;
	[tilespmem:$0x16C00] =	vst v63  }
0x2db: {  	s16 =	sadd.s32 $0x50, s14;
	s22 =	simm.s32 $0x13328  }
0x2dc: {  	[hbm4b:s16+s3] =	stream.linear.scatter [tilespmem:s22], [sflag:$0x7], $0x80, $0x38;
	[tilespmem:$0x16C00] =	vst v63  }
0x2dd: {  	s16 =	sadd.s32 $0x60, s14;
	s22 =	simm.s32 $0x133B0  }
0x2de: {  	[hbm4b:s16+s3] =	stream.linear.scatter [tilespmem:s22], [sflag:$0x7], $0x80, $0x38;
	[tilespmem:$0x16C00] =	vst v63  }
0x2df: {  	s14 =	sadd.s32 $0x70, s14;
	s16 =	simm.s32 $0x13438  }
0x2e0: {  	[hbm4b:s14+s3] =	stream.linear.scatter [tilespmem:s16], [sflag:$0x7], $0x80, $0x38;
	[tilespmem:$0x16C00] =	vst v63  }
0x2e1: {  	s22 =	simm.s32 $0x134C0;
	s14 =	sadd.s32 s6, s9  }
0x2e2: {  	[hbm4b:s14+s3] =	stream.linear.scatter [tilespmem:s22], [sflag:$0x7], $0x80, $0x38;
	[tilespmem:$0x16C00] =	vst v63  }
0x2e3: {  	s16 =	sadd.s32 $0x10, s14;
	s22 =	simm.s32 $0x13548  }
0x2e4: {  	[hbm4b:s16+s3] =	stream.linear.scatter [tilespmem:s22], [sflag:$0x7], $0x80, $0x38;
	[tilespmem:$0x16C00] =	vst v63  }
0x2e5: {  	s16 =	sadd.s32 $0x20, s14;
	s22 =	simm.s32 $0x135D0  }
0x2e6: {  	[hbm4b:s16+s3] =	stream.linear.scatter [tilespmem:s22], [sflag:$0x7], $0x80, $0x38;
	[tilespmem:$0x16C00] =	vst v63  }
0x2e7: {  	s16 =	sadd.s32 $0x30, s14;
	s22 =	simm.s32 $0x13658  }
0x2e8: {  	[hbm4b:s16+s3] =	stream.linear.scatter [tilespmem:s22], [sflag:$0x7], $0x80, $0x38;
	[tilespmem:$0x16C00] =	vst v63  }
0x2e9: {  	s16 =	sadd.s32 $0x40, s14;
	s22 =	simm.s32 $0x136E0  }
0x2ea: {  	[hbm4b:s16+s3] =	stream.linear.scatter [tilespmem:s22], [sflag:$0x7], $0x80, $0x38;
	[tilespmem:$0x16C00] =	vst v63  }
0x2eb: {  	s16 =	sadd.s32 $0x50, s14;
	s22 =	simm.s32 $0x13768  }
0x2ec: {  	[hbm4b:s16+s3] =	stream.linear.scatter [tilespmem:s22], [sflag:$0x7], $0x80, $0x38;
	[tilespmem:$0x16C00] =	vst v63  }
0x2ed: {  	s16 =	sadd.s32 $0x60, s14;
	s22 =	simm.s32 $0x137F0  }
0x2ee: {  	[hbm4b:s16+s3] =	stream.linear.scatter [tilespmem:s22], [sflag:$0x7], $0x80, $0x38;
	[tilespmem:$0x16C00] =	vst v63  }
0x2ef: {  	s14 =	sadd.s32 $0x70, s14;
	s16 =	simm.s32 $0x13878  }
0x2f0: {  	[hbm4b:s14+s3] =	stream.linear.scatter [tilespmem:s16], [sflag:$0x7], $0x80, $0x38;
	[tilespmem:$0x16C00] =	vst v63  }
0x2f1: {  	s22 =	simm.s32 $0x13900;
	s14 =	sadd.s32 s6, s10  }
0x2f2: {  	[hbm4b:s14+s3] =	stream.linear.scatter [tilespmem:s22], [sflag:$0x7], $0x80, $0x38;
	[tilespmem:$0x16C00] =	vst v63  }
0x2f3: {  	s16 =	sadd.s32 $0x10, s14;
	s22 =	simm.s32 $0x13988  }
0x2f4: {  	[hbm4b:s16+s3] =	stream.linear.scatter [tilespmem:s22], [sflag:$0x7], $0x80, $0x38;
	[tilespmem:$0x16C00] =	vst v63  }
0x2f5: {  	s16 =	sadd.s32 $0x20, s14;
	s22 =	simm.s32 $0x13A10  }
0x2f6: {  	[hbm4b:s16+s3] =	stream.linear.scatter [tilespmem:s22], [sflag:$0x7], $0x80, $0x38;
	[tilespmem:$0x16C00] =	vst v63  }
0x2f7: {  	s16 =	sadd.s32 $0x30, s14;
	s22 =	simm.s32 $0x13A98  }
0x2f8: {  	[hbm4b:s16+s3] =	stream.linear.scatter [tilespmem:s22], [sflag:$0x7], $0x80, $0x38;
	[tilespmem:$0x16C00] =	vst v63  }
0x2f9: {  	s16 =	sadd.s32 $0x40, s14;
	s22 =	simm.s32 $0x13B20  }
0x2fa: {  	[hbm4b:s16+s3] =	stream.linear.scatter [tilespmem:s22], [sflag:$0x7], $0x80, $0x38;
	[tilespmem:$0x16C00] =	vst v63  }
0x2fb: {  	s16 =	sadd.s32 $0x50, s14;
	s22 =	simm.s32 $0x13BA8  }
0x2fc: {  	[hbm4b:s16+s3] =	stream.linear.scatter [tilespmem:s22], [sflag:$0x7], $0x80, $0x38;
	[tilespmem:$0x16C00] =	vst v63  }
0x2fd: {  	s16 =	sadd.s32 $0x60, s14;
	s22 =	simm.s32 $0x13C30  }
0x2fe: {  	[hbm4b:s16+s3] =	stream.linear.scatter [tilespmem:s22], [sflag:$0x7], $0x80, $0x38;
	[tilespmem:$0x16C00] =	vst v63  }
0x2ff: {  	s14 =	sadd.s32 $0x70, s14;
	s16 =	simm.s32 $0x13CB8  }
0x300: {  	[hbm4b:s14+s3] =	stream.linear.scatter [tilespmem:s16], [sflag:$0x7], $0x80, $0x38;
	[tilespmem:$0x16C00] =	vst v63  }
0x301: {  	s22 =	simm.s32 $0x13D40;
	s14 =	sadd.s32 s6, s11  }
0x302: {  	[hbm4b:s14+s3] =	stream.linear.scatter [tilespmem:s22], [sflag:$0x7], $0x80, $0x38;
	[tilespmem:$0x16C00] =	vst v63  }
0x303: {  	s16 =	sadd.s32 $0x10, s14;
	s22 =	simm.s32 $0x13DC8  }
0x304: {  	[hbm4b:s16+s3] =	stream.linear.scatter [tilespmem:s22], [sflag:$0x7], $0x80, $0x38;
	[tilespmem:$0x16C00] =	vst v63  }
0x305: {  	s16 =	sadd.s32 $0x20, s14;
	s22 =	simm.s32 $0x13E50  }
0x306: {  	[hbm4b:s16+s3] =	stream.linear.scatter [tilespmem:s22], [sflag:$0x7], $0x80, $0x38;
	[tilespmem:$0x16C00] =	vst v63  }
0x307: {  	s16 =	sadd.s32 $0x30, s14;
	s22 =	simm.s32 $0x13ED8  }
0x308: {  	[hbm4b:s16+s3] =	stream.linear.scatter [tilespmem:s22], [sflag:$0x7], $0x80, $0x38;
	[tilespmem:$0x16C00] =	vst v63  }
0x309: {  	s16 =	sadd.s32 $0x40, s14;
	s22 =	simm.s32 $0x13F60  }
0x30a: {  	[hbm4b:s16+s3] =	stream.linear.scatter [tilespmem:s22], [sflag:$0x7], $0x80, $0x38;
	[tilespmem:$0x16C00] =	vst v63  }
0x30b: {  	s16 =	sadd.s32 $0x50, s14;
	s22 =	simm.s32 $0x13FE8  }
0x30c: {  	[hbm4b:s16+s3] =	stream.linear.scatter [tilespmem:s22], [sflag:$0x7], $0x80, $0x38;
	[tilespmem:$0x16C00] =	vst v63  }
0x30d: {  	s16 =	sadd.s32 $0x60, s14;
	s22 =	simm.s32 $0x14070  }
0x30e: {  	[hbm4b:s16+s3] =	stream.linear.scatter [tilespmem:s22], [sflag:$0x7], $0x80, $0x38;
	[tilespmem:$0x16C00] =	vst v63  }
0x30f: {  	s14 =	sadd.s32 $0x70, s14;
	s16 =	simm.s32 $0x140F8  }
0x310: {  	[hbm4b:s14+s3] =	stream.linear.scatter [tilespmem:s16], [sflag:$0x7], $0x80, $0x38;
	[tilespmem:$0x16C00] =	vst v63  }
0x311: {  	s22 =	simm.s32 $0x14180;
	s14 =	sadd.s32 s6, s12  }
0x312: {  	[hbm4b:s14+s3] =	stream.linear.scatter [tilespmem:s22], [sflag:$0x7], $0x80, $0x38;
	[tilespmem:$0x16C00] =	vst v63  }
0x313: {  	s16 =	sadd.s32 $0x10, s14;
	s22 =	simm.s32 $0x14208  }
0x314: {  	[hbm4b:s16+s3] =	stream.linear.scatter [tilespmem:s22], [sflag:$0x7], $0x80, $0x38;
	[tilespmem:$0x16C00] =	vst v63  }
0x315: {  	s16 =	sadd.s32 $0x20, s14;
	s22 =	simm.s32 $0x14290  }
0x316: {  	[hbm4b:s16+s3] =	stream.linear.scatter [tilespmem:s22], [sflag:$0x7], $0x80, $0x38;
	[tilespmem:$0x16C00] =	vst v63  }
0x317: {  	s16 =	sadd.s32 $0x30, s14;
	s22 =	simm.s32 $0x14318  }
0x318: {  	[hbm4b:s16+s3] =	stream.linear.scatter [tilespmem:s22], [sflag:$0x7], $0x80, $0x38;
	[tilespmem:$0x16C00] =	vst v63  }
0x319: {  	s16 =	sadd.s32 $0x40, s14;
	s22 =	simm.s32 $0x143A0  }
0x31a: {  	[hbm4b:s16+s3] =	stream.linear.scatter [tilespmem:s22], [sflag:$0x7], $0x80, $0x38;
	[tilespmem:$0x16C00] =	vst v63  }
0x31b: {  	s16 =	sadd.s32 $0x50, s14;
	s22 =	simm.s32 $0x14428  }
0x31c: {  	[hbm4b:s16+s3] =	stream.linear.scatter [tilespmem:s22], [sflag:$0x7], $0x80, $0x38;
	[tilespmem:$0x16C00] =	vst v63  }
0x31d: {  	s16 =	sadd.s32 $0x60, s14;
	s22 =	simm.s32 $0x144B0  }
0x31e: {  	[hbm4b:s16+s3] =	stream.linear.scatter [tilespmem:s22], [sflag:$0x7], $0x80, $0x38;
	[tilespmem:$0x16C00] =	vst v63  }
0x31f: {  	s14 =	sadd.s32 $0x70, s14;
	s22 =	simm.s32 $0x14538  }
0x320: {  	[hbm4b:s14+s3] =	stream.linear.scatter [tilespmem:s22], [sflag:$0x7], $0x80, $0x38;
	[tilespmem:$0x16C00] =	vst v63  }
0x321: {  	s15 =	simm.s32 $0x145C0;
	s6 =	sadd.s32 s6, s13  }
0x322: {  	[hbm4b:s6+s3] =	stream.linear.scatter [tilespmem:s15], [sflag:$0x7], $0x80, $0x38;
	[tilespmem:$0x16C00] =	vst v63  }
0x323: {  	s16 =	sadd.s32 $0x10, s6;
	s22 =	simm.s32 $0x14648  }
0x324: {  	[hbm4b:s16+s3] =	stream.linear.scatter [tilespmem:s22], [sflag:$0x7], $0x80, $0x38;
	[tilespmem:$0x16C00] =	vst v63  }
0x325: {  	s16 =	sadd.s32 $0x20, s6;
	s22 =	simm.s32 $0x146D0  }
0x326: {  	[hbm4b:s16+s3] =	stream.linear.scatter [tilespmem:s22], [sflag:$0x7], $0x80, $0x38;
	[tilespmem:$0x16C00] =	vst v63  }
0x327: {  	s16 =	sadd.s32 $0x30, s6;
	s22 =	simm.s32 $0x14758  }
0x328: {  	[hbm4b:s16+s3] =	stream.linear.scatter [tilespmem:s22], [sflag:$0x7], $0x80, $0x38;
	[tilespmem:$0x16C00] =	vst v63  }
0x329: {  	s16 =	sadd.s32 $0x40, s6;
	s22 =	simm.s32 $0x147E0  }
0x32a: {  	[hbm4b:s16+s3] =	stream.linear.scatter [tilespmem:s22], [sflag:$0x7], $0x80, $0x38;
	[tilespmem:$0x16C00] =	vst v63  }
0x32b: {  	s16 =	sadd.s32 $0x50, s6;
	s22 =	simm.s32 $0x14868  }
0x32c: {  	[hbm4b:s16+s3] =	stream.linear.scatter [tilespmem:s22], [sflag:$0x7], $0x80, $0x38;
	[tilespmem:$0x16C00] =	vst v63  }
0x32d: {  	s16 =	sadd.s32 $0x60, s6;
	s22 =	simm.s32 $0x148F0  }
0x32e: {  	[hbm4b:s16+s3] =	stream.linear.scatter [tilespmem:s22], [sflag:$0x7], $0x80, $0x38;
	[tilespmem:$0x16C00] =	vst v63  }
0x32f: {  	s6 =	sadd.s32 $0x70, s6;
	s16 =	simm.s32 $0x14978  }
0x330: {  	[hbm4b:s6+s3] =	stream.linear.scatter [tilespmem:s16], [sflag:$0x7], $0x80, $0x38;
	[tilespmem:$0x16C00] =	vst v63  }
0x331: {  	_ =	swait.ge [sflag:s26], $0x2000  }
0x332: {  	[sflag:s26] =	ssyncset.done $0x0  }
0x333: {  	s6 =	simm.s32 @!p0 $0x8;
	[sflag:s26] =	ssyncadd.s32 $0xFFFFE000  }
0x334: {  	_ =	swait.ge @!p0 [sflag:s6], $0x400  }
0x335: {  	[sflag:s6] =	ssyncset.done @!p0 $0x0  }
0x336: {  	[sflag:s6] =	ssyncadd.s32 @!p0 $0xFFFFFC00  }
0x337: {  	_ =	swait.ge @!p0 [sflag:s6], $0x400  }
0x338: {  	[sflag:s6] =	ssyncset.done @!p0 $0x0  }
0x339: {  	[sflag:s6] =	ssyncadd.s32 @!p0 $0xFFFFFC00  }
0x33a: {  	_ =	swait.ge @!p0 [sflag:s6], $0x400  }
0x33b: {  	[sflag:s6] =	ssyncset.done @!p0 $0x0  }
0x33c: {  	[sflag:s6] =	ssyncadd.s32 @!p0 $0xFFFFFC00  }
0x33d: {  	_ =	swait.ge @!p0 [sflag:s6], $0x400  }
0x33e: {  	[sflag:s6] =	ssyncset.done @!p0 $0x0  }
0x33f: {  	[sflag:s6] =	ssyncadd.s32 @!p0 $0xFFFFFC00  }
0x340: {  	_ =	swait.ge @!p0 [sflag:s6], $0x400  }
0x341: {  	[sflag:s6] =	ssyncset.done @!p0 $0x0  }
0x342: {  	[sflag:s6] =	ssyncadd.s32 @!p0 $0xFFFFFC00  }
0x343: {  	s15 =	simm.s32 $0x1;
	_ =	swait.ge @!p0 [sflag:s6], $0x400  }
0x344: {  	v51 =	vmov s15;
	s15 =	simm.s32 $0x4;
	[sflag:s6] =	ssyncset.done @!p0 $0x0  }
0x345: {  	v54 =	vmov s15;
	v34 =	vshrl.u32 v51, $0x3;
	s16 =	simm.s32 $0x2;
	[sflag:s6] =	ssyncadd.s32 @!p0 $0xFFFFFC00  }
0x346: {  	v37 =	vshrl.u32 v54, $0x3;
	v34 =	vshll.u32 v34, v1;
	v52 =	vmov s16;
	s16 =	simm.s32 $0x7;
	_ =	swait.ge @!p0 [sflag:s6], $0x400  }
0x347: {  	v47 =	vbroadcast v34, $0x0;
	v61 =	vshll.u32 v37, v1;
	s22 =	simm.s32 $0x0;
	v55 =	vmov s16;
	[sflag:s6] =	ssyncset.done @!p0 $0x0  }
0x348: {  	v34 =	vbroadcast v61, $0x0;
	v50 =	vmov s22;
	s22 =	simm.s32 $0x3;
	v38 =	vshrl.u32 v55, $0x3;
	[sflag:s6] =	ssyncadd.s32 @!p0 $0xFFFFFC00  }
0x349: {  	v60 =	vadd.s32 v5, v47;
	v53 =	vmov s22;
	v38 =	vshll.u32 v38, v1;
	_ =	swait.ge @!p0 [sflag:s6], $0x400  }
0x34a: {  	v33 =	vshrl.u32 v50, $0x3;
	s22 =	simm.s32 $0x5;
	v35 =	vshrl.u32 v52, $0x3;
	v38 =	vbroadcast v38, $0x0;
	[sflag:s6] =	ssyncset.done @!p0 $0x0  }
0x34b: {  	v39 =	vmov s22;
	v33 =	vshll.u32 v33, v1;
	v56 =	vshll.u32 v35, v1;
	[sflag:s6] =	ssyncadd.s32 @!p0 $0xFFFFFC00;
	s6 =	simm.s32 $0xC500  }
0x34c: {  	v36 =	vshrl.u32 v53, $0x3;
	s16 =	simm.s32 $0x6;
	v53 =	vbroadcast v56, $0x0;
	v42 =	vadd.s32 v29, v38;
	v41 =	vld [tilespmem:s6+$0xC0]  }
0x34d: {  	v33 =	vbroadcast v33, $0x0;
	v58 =	vshll.u32 v36, v1;
	v40 =	vmov s16;
	v59 =	vld [tilespmem:s6+$0xFFFFFF40]  }
0x34e: {  	v35 =	vbroadcast v58, $0x0;
	v55 =	vshrl.u32 v39, $0x3;
	v63 =	vadd.s32 v9, v53;
	v62 =	vld [tilespmem:s6+$0xFFFFFF80]  }
0x34f: {  	v57 =	vadd.s32 v0, v33;
	v36 =	vshll.u32 v55, v1;
	v40 =	vshrl.u32 v40, $0x3;
	v43 =	vld [tilespmem:s6+$0xFFFFFF00]  }
0x350: {  	v50 =	vadd.s32 v13, v35;
	v37 =	vbroadcast v36, $0x0;
	v56 =	vshll.u32 v40, v1;
	v39 =	vld [tilespmem:s6+$0xFFFFFFC0]  }
0x351: {  	v52 =	vadd.s32 v17, v34;
	v36 =	vbroadcast v56, $0x0;
	v51 =	vld [tilespmem:s6+$0x0];
	[tilespmem:v42+s28+$0x0] =	vst.idx.msk $0xffff, v41  }
0x352: {  	[tilespmem:v60+s28+$0x0] =	vst.idx.msk $0xffff, v59;
	v59 =	vld [tilespmem:s6+$0x40];
	v60 =	vadd.s32 v21, v37  }
0x353: {  	v61 =	vld [tilespmem:s6+$0x80];
	[tilespmem:v63+s28+$0x0] =	vst.idx.msk $0xffff, v62;
	v62 =	vadd.s32 v25, v36  }
0x354: {  	v58 =	vadd.s32 v30, v38;
	[tilespmem:v57+s28+$0x0] =	vst.idx.msk $0xffff, v43;
	v57 =	vld [tilespmem:s6+$0xD0]  }
0x355: {  	v63 =	vadd.s32 v6, v47;
	[tilespmem:v50+s28+$0x0] =	vst.idx.msk $0xffff, v39;
	v46 =	vld [tilespmem:s6+$0xFFFFFF50]  }
0x356: {  	v55 =	vadd.s32 v10, v53;
	[tilespmem:v52+s28+$0x0] =	vst.idx.msk $0xffff, v51;
	v54 =	vld [tilespmem:s6+$0xFFFFFF90]  }
0x357: {  	v56 =	vadd.s32 v14, v35;
	v50 =	vld [tilespmem:s6+$0xFFFFFFD0];
	[tilespmem:v60+s28+$0x0] =	vst.idx.msk $0xffff, v59  }
0x358: {  	[tilespmem:v62+s28+$0x0] =	vst.idx.msk $0xffff, v61;
	v61 =	vld [tilespmem:s6+$0xFFFFFF10];
	v62 =	vadd.s32 v2, v33  }
0x359: {  	v59 =	vadd.s32 v18, v34;
	[tilespmem:v58+s28+$0x0] =	vst.idx.msk $0xffff, v57;
	v58 =	vld [tilespmem:s6+$0x10]  }
0x35a: {  	v57 =	vadd.s32 v31, v38;
	[tilespmem:v63+s28+$0x0] =	vst.idx.msk $0xffff, v46;
	v40 =	vld [tilespmem:s6+$0xE0]  }
0x35b: {  	v45 =	vadd.s32 v22, v37;
	v44 =	vld [tilespmem:s6+$0x50];
	[tilespmem:v55+s28+$0x0] =	vst.idx.msk $0xffff, v54  }
0x35c: {  	v60 =	vadd.s32 v26, v36;
	v63 =	vld [tilespmem:s6+$0x90];
	[tilespmem:v56+s28+$0x0] =	vst.idx.msk $0xffff, v50  }
0x35d: {  	v51 =	vadd.s32 v7, v47;
	v50 =	vld [tilespmem:s6+$0xFFFFFF60];
	[tilespmem:v62+s28+$0x0] =	vst.idx.msk $0xffff, v61  }
0x35e: {  	v56 =	vadd.s32 v11, v53;
	v55 =	vld [tilespmem:s6+$0xFFFFFFA0];
	[tilespmem:v59+s28+$0x0] =	vst.idx.msk $0xffff, v58  }
0x35f: {  	v58 =	vadd.s32 v15, v35;
	[tilespmem:v57+s28+$0x0] =	vst.idx.msk $0xffff, v40;
	v57 =	vld [tilespmem:s6+$0xFFFFFFE0]  }
0x360: {  	v38 =	vadd.s32 v32, v38;
	[tilespmem:v45+s28+$0x0] =	vst.idx.msk $0xffff, v44;
	v54 =	vld [tilespmem:s6+$0xF0]  }
0x361: {  	[tilespmem:v60+s28+$0x0] =	vst.idx.msk $0xffff, v63;
	v60 =	vadd.s32 v19, v34;
	v59 =	vld [tilespmem:s6+$0x20]  }
0x362: {  	s15 =	simm.s32 $0x9;
	s22 =	simm.s32 $0x8;
	v48 =	vadd.s32 v3, v33;
	v41 =	vadd.s32 v23, v37;
	[tilespmem:v51+s28+$0x0] =	vst.idx.msk $0xffff, v50;
	v40 =	vld [tilespmem:s6+$0x60]  }
0x363: {  	v52 =	vmov s15;
	v43 =	vadd.s32 v27, v36;
	s15 =	simm.s32 $0xC;
	v63 =	vmov s22;
	v42 =	vld [tilespmem:s6+$0xA0];
	[tilespmem:v56+s28+$0x0] =	vst.idx.msk $0xffff, v55  }
0x364: {  	s16 =	simm.s32 $0xA;
	v46 =	vmov s15;
	v53 =	vadd.s32 v12, v53;
	s22 =	simm.s32 $0xB;
	v45 =	vld [tilespmem:s6+$0xFFFFFF20];
	v39 =	vshrl.u32 v63, $0x3;
	[tilespmem:v58+s28+$0x0] =	vst.idx.msk $0xffff, v57  }
0x365: {  	v44 =	vmov s22;
	s22 =	simm.s32 $0xE;
	v51 =	vadd.s32 v8, v47;
	v49 =	vld [tilespmem:s6+$0xFFFFFF70];
	[tilespmem:v38+s28+$0x0] =	vst.idx.msk $0xffff, v54;
	v54 =	vmov s16;
	s16 =	simm.s32 $0xD  }
0x366: {  	s0 =	sor.u32 $0x3, s0;
	s14 =	simm.s32 $0x10;
	s15 =	simm.s32 $0xF;
	v47 =	vshll.u32 v39, v1;
	v39 =	vmov s22;
	v50 =	vld [tilespmem:s6+$0xFFFFFFB0];
	[tilespmem:v60+s28+$0x0] =	vst.idx.msk $0xffff, v59;
	v38 =	vmov s16  }
.LBB2_9:
0x367: {  	p0 =	slt.u32 s14, $0x78;
	v52 =	vshrl.u32 v52, $0x3;
	v55 =	vmov s15;
	v56 =	vld [tilespmem:s6+$0xFFFFFFF0];
	v35 =	vadd.s32 v16, v35;
	[tilespmem:v41+s28+$0x0] =	vst.idx.msk $0xffff, v40  }
0x368: {  	v40 =	vshrl.u32 v54, $0x3;
	v34 =	vadd.s32 v20, v34;
	v41 =	vshrl.u32 v55, $0x3;
	v54 =	vld [tilespmem:s6+$0x30];
	[tilespmem:v43+s28+$0x0] =	vst.idx.msk $0xffff, v42  }
0x369: {  	v37 =	vadd.s32 v24, v37;
	v42 =	vshrl.u32 v44, $0x3;
	v41 =	vshll.u32 v41, v1;
	[tilespmem:v48+s28+$0x0] =	vst.idx.msk $0xffff, v45;
	v43 =	vld [tilespmem:s6+$0x70]  }
0x36a: {  	v36 =	vadd.s32 v28, v36;
	v44 =	vshrl.u32 v46, $0x3;
	v41 =	vbroadcast v41, $0x0;
	[tilespmem:v51+s28+$0x0] =	vst.idx.msk $0xffff, v49;
	v45 =	vld [tilespmem:s6+$0xB0]  }
0x36b: {  	v46 =	vshll.u32 v52, v1;
	v49 =	vadd.s32 v4, v33;
	v33 =	vbroadcast v47, $0x0;
	v48 =	vld [tilespmem:s6+$0xFFFFFF30];
	[tilespmem:v53+s28+$0x0] =	vst.idx.msk $0xffff, v50;
	s6 =	sadd.s32 $0x200, s6  }
0x36c: {  	v40 =	vshll.u32 v40, v1;
	v47 =	vbroadcast v46, $0x0;
	v46 =	vld [tilespmem:s6+$0xC0];
	v50 =	vadd.s32 v29, v41;
	[tilespmem:v35+s28+$0x0] =	vst.idx.msk $0xffff, v56  }
0x36d: {  	v53 =	vbroadcast v40, $0x0;
	v52 =	vadd.s32 v0, v33;
	v35 =	vshll.u32 v42, v1;
	v51 =	vld [tilespmem:s6+$0xFFFFFF00];
	[tilespmem:v34+s28+$0x0] =	vst.idx.msk $0xffff, v54  }
0x36e: {  	v42 =	vadd.s32 v5, v47;
	v35 =	vbroadcast v35, $0x0;
	v34 =	vshll.u32 v44, v1;
	v40 =	vld [tilespmem:s6+$0xFFFFFF40];
	[tilespmem:v37+s28+$0x0] =	vst.idx.msk $0xffff, v43  }
0x36f: {  	v44 =	vadd.s32 v9, v53;
	v34 =	vbroadcast v34, $0x0;
	v37 =	vshrl.u32 v38, $0x3;
	v43 =	vld [tilespmem:s6+$0xFFFFFF80];
	[tilespmem:v36+s28+$0x0] =	vst.idx.msk $0xffff, v45  }
0x370: {  	v39 =	vshrl.u32 v39, $0x3;
	v45 =	vadd.s32 v13, v35;
	v36 =	vshll.u32 v37, v1;
	v38 =	vld [tilespmem:s6+$0xFFFFFFC0];
	[tilespmem:v49+s28+$0x0] =	vst.idx.msk $0xffff, v48  }
0x371: {  	v49 =	vadd.s32 v17, v34;
	v37 =	vbroadcast v36, $0x0;
	v36 =	vshll.u32 v39, v1;
	v48 =	vld [tilespmem:s6+$0x0];
	[tilespmem:v50+s28+$0x0] =	vst.idx.msk $0xffff, v46  }
0x372: {  	v36 =	vbroadcast v36, $0x0;
	v46 =	vadd.s32 v30, v41;
	[tilespmem:v52+s28+$0x0] =	vst.idx.msk $0xffff, v51;
	v39 =	vld [tilespmem:s6+$0xD0]  }
0x373: {  	[tilespmem:v42+s28+$0x0] =	vst.idx.msk $0xffff, v40;
	v40 =	vld [tilespmem:s6+$0x40];
	v42 =	vadd.s32 v21, v37  }
0x374: {  	[tilespmem:v44+s28+$0x0] =	vst.idx.msk $0xffff, v43;
	v43 =	vld [tilespmem:s6+$0x80];
	v44 =	vadd.s32 v25, v36  }
0x375: {  	v51 =	vadd.s32 v6, v47;
	v50 =	vld [tilespmem:s6+$0xFFFFFF50];
	[tilespmem:v45+s28+$0x0] =	vst.idx.msk $0xffff, v38  }
0x376: {  	v45 =	vadd.s32 v10, v53;
	v38 =	vld [tilespmem:s6+$0xFFFFFF90];
	[tilespmem:v49+s28+$0x0] =	vst.idx.msk $0xffff, v48  }
0x377: {  	v49 =	vadd.s32 v14, v35;
	v48 =	vld [tilespmem:s6+$0xFFFFFFD0];
	[tilespmem:v46+s28+$0x0] =	vst.idx.msk $0xffff, v39  }
0x378: {  	[tilespmem:v42+s28+$0x0] =	vst.idx.msk $0xffff, v40;
	v39 =	vld [tilespmem:s6+$0xE0];
	v40 =	vadd.s32 v31, v41  }
0x379: {  	v46 =	vadd.s32 v18, v34;
	v42 =	vld [tilespmem:s6+$0x10];
	[tilespmem:v44+s28+$0x0] =	vst.idx.msk $0xffff, v43  }
0x37a: {  	v44 =	vadd.s32 v22, v37;
	[tilespmem:v51+s28+$0x0] =	vst.idx.msk $0xffff, v50;
	v43 =	vld [tilespmem:s6+$0x50]  }
0x37b: {  	[tilespmem:v45+s28+$0x0] =	vst.idx.msk $0xffff, v38;
	v38 =	vld [tilespmem:s6+$0x90];
	v45 =	vadd.s32 v26, v36  }
0x37c: {  	v51 =	vadd.s32 v2, v33;
	v50 =	vld [tilespmem:s6+$0xFFFFFF10];
	[tilespmem:v49+s28+$0x0] =	vst.idx.msk $0xffff, v48  }
0x37d: {  	v49 =	vadd.s32 v7, v47;
	v48 =	vld [tilespmem:s6+$0xFFFFFF60];
	[tilespmem:v40+s28+$0x0] =	vst.idx.msk $0xffff, v39  }
0x37e: {  	[tilespmem:v46+s28+$0x0] =	vst.idx.msk $0xffff, v42;
	v39 =	vld [tilespmem:s6+$0xF0];
	v46 =	vadd.s32 v32, v41  }
0x37f: {  	v56 =	vadd.s32 v11, v53;
	v55 =	vld [tilespmem:s6+$0xFFFFFFA0];
	[tilespmem:v44+s28+$0x0] =	vst.idx.msk $0xffff, v43  }
0x380: {  	v58 =	vadd.s32 v15, v35;
	v57 =	vld [tilespmem:s6+$0xFFFFFFE0];
	[tilespmem:v45+s28+$0x0] =	vst.idx.msk $0xffff, v38  }
0x381: {  	v60 =	vadd.s32 v19, v34;
	[tilespmem:v51+s28+$0x0] =	vst.idx.msk $0xffff, v50;
	v59 =	vld [tilespmem:s6+$0x20]  }
.Ltmp3:
0x382: {  	s15 =	sadd.s32 $0x1, s14;
	v41 =	vadd.s32 v23, v37;
	v38 =	vmov s14;
	[tilespmem:v49+s28+$0x0] =	vst.idx.msk $0xffff, v48;
	v40 =	vld [tilespmem:s6+$0x60];
	(pc) =	sbr.rel @p0 .LBB2_9-.Ltmp3, $4  }
0x383: {  	s16 =	sadd.s32 $0x3, s14;
	v52 =	vmov s15;
	s15 =	sadd.s32 $0x2, s14;
	v43 =	vadd.s32 v27, v36;
	v50 =	vshrl.u32 v38, $0x3;
	v42 =	vld [tilespmem:s6+$0xA0];
	[tilespmem:v46+s28+$0x0] =	vst.idx.msk $0xffff, v39  }
0x384: {  	v54 =	vmov s15;
	s15 =	sadd.s32 $0x4, s14;
	v44 =	vmov s16;
	s16 =	sadd.s32 $0x5, s14;
	v48 =	vadd.s32 v3, v33;
	v45 =	vld [tilespmem:s6+$0xFFFFFF20];
	[tilespmem:v56+s28+$0x0] =	vst.idx.msk $0xffff, v55  }
0x385: {  	v38 =	vmov s16;
	v51 =	vadd.s32 v8, v47;
	v46 =	vmov s15;
	s15 =	sadd.s32 $0x6, s14;
	v49 =	vld [tilespmem:s6+$0xFFFFFF70];
	[tilespmem:v58+s28+$0x0] =	vst.idx.msk $0xffff, v57  }
0x386: {  	v53 =	vadd.s32 v12, v53;
	v47 =	vshll.u32 v50, v1;
	v39 =	vmov s15;
	s15 =	sadd.s32 $0x7, s14;
	s14 =	sadd.s32 $0x8, s14;
	v50 =	vld [tilespmem:s6+$0xFFFFFFB0];
	[tilespmem:v60+s28+$0x0] =	vst.idx.msk $0xffff, v59  }
0x387: {  	_ =	sdelay $0x2  }
0x388: {  	v52 =	vshrl.u32 v52, $0x3  }
0x389: {  	v55 =	vmov s15;
	v56 =	vld [tilespmem:s6+$0xFFFFFFF0];
	v35 =	vadd.s32 v16, v35;
	[tilespmem:v41+s28+$0x0] =	vst.idx.msk $0xffff, v40;
	v57 =	vshrl.u32 v54, $0x3  }
0x38a: {  	v59 =	vld [tilespmem:s6+$0x30];
	v34 =	vadd.s32 v20, v34;
	v60 =	vshrl.u32 v44, $0x3;
	v58 =	vshrl.u32 v55, $0x3;
	[tilespmem:v43+s28+$0x0] =	vst.idx.msk $0xffff, v42  }
0x38b: {  	v37 =	vadd.s32 v24, v37;
	v62 =	vshrl.u32 v46, $0x3;
	v61 =	vld [tilespmem:s6+$0x70];
	v41 =	vshll.u32 v58, v1;
	[tilespmem:v48+s28+$0x0] =	vst.idx.msk $0xffff, v45  }
0x38c: {  	v36 =	vadd.s32 v28, v36;
	v46 =	vbroadcast v47, $0x0;
	v63 =	vld [tilespmem:s6+$0xB0];
	v41 =	vbroadcast v41, $0x0;
	[tilespmem:v51+s28+$0x0] =	vst.idx.msk $0xffff, v49  }
0x38d: {  	v33 =	vadd.s32 v4, v33;
	s15 =	sadd.s32 $0x200, s6;
	v38 =	vshrl.u32 v38, $0x3;
	v55 =	vshll.u32 v52, v1;
	v48 =	vld [tilespmem:s6+$0xFFFFFF30];
	[tilespmem:v53+s28+$0x0] =	vst.idx.msk $0xffff, v50  }
0x38e: {  	v40 =	vshll.u32 v57, v1;
	v47 =	vbroadcast v55, $0x0;
	v49 =	vld [tilespmem:s15+$0xC0];
	v50 =	vadd.s32 v29, v41;
	[tilespmem:v35+s28+$0x0] =	vst.idx.msk $0xffff, v56  }
0x38f: {  	v42 =	vshll.u32 v60, v1;
	v40 =	vbroadcast v40, $0x0;
	v35 =	vld [tilespmem:s15+$0xFFFFFF00];
	v56 =	vadd.s32 v0, v46;
	[tilespmem:v34+s28+$0x0] =	vst.idx.msk $0xffff, v59  }
0x390: {  	v57 =	vld [tilespmem:s15+$0xFFFFFF40];
	v44 =	vshll.u32 v62, v1;
	v42 =	vbroadcast v42, $0x0;
	v58 =	vadd.s32 v5, v47;
	[tilespmem:v37+s28+$0x0] =	vst.idx.msk $0xffff, v61  }
0x391: {  	v38 =	vshll.u32 v38, v1;
	v44 =	vbroadcast v44, $0x0;
	v60 =	vadd.s32 v9, v40;
	v59 =	vld [tilespmem:s15+$0xFFFFFF80];
	[tilespmem:v36+s28+$0x0] =	vst.idx.msk $0xffff, v63  }
0x392: {  	v38 =	vbroadcast v38, $0x0;
	v62 =	vadd.s32 v13, v42;
	v61 =	vld [tilespmem:s15+$0xFFFFFFC0];
	[tilespmem:v33+s28+$0x0] =	vst.idx.msk $0xffff, v48  }
0x393: {  	v39 =	vshrl.u32 v39, $0x3;
	v63 =	vadd.s32 v17, v44;
	v33 =	vld [tilespmem:s15+$0x0];
	[tilespmem:v50+s28+$0x0] =	vst.idx.msk $0xffff, v49  }
0x394: {  	v39 =	vshll.u32 v39, v1;
	v34 =	vld [tilespmem:s15+$0x40];
	[tilespmem:v56+s28+$0x0] =	vst.idx.msk $0xffff, v35;
	v56 =	vadd.s32 v21, v38  }
0x395: {  	[tilespmem:v58+s28+$0x0] =	vst.idx.msk $0xffff, v57;
	v35 =	vbroadcast v39, $0x0;
	v49 =	vadd.s32 v30, v41;
	v39 =	vld [tilespmem:s15+$0xD0]  }
0x396: {  	[tilespmem:v60+s28+$0x0] =	vst.idx.msk $0xffff, v59;
	v59 =	vld [tilespmem:s15+$0xFFFFFF50];
	v60 =	vadd.s32 v6, v47  }
0x397: {  	v57 =	vld [tilespmem:s15+$0x80];
	[tilespmem:v62+s28+$0x0] =	vst.idx.msk $0xffff, v61;
	v58 =	vadd.s32 v25, v35  }
0x398: {  	v61 =	vld [tilespmem:s15+$0xFFFFFF90];
	v62 =	vadd.s32 v10, v40;
	[tilespmem:v63+s28+$0x0] =	vst.idx.msk $0xffff, v33  }
0x399: {  	v33 =	vld [tilespmem:s15+$0xFFFFFFD0];
	v63 =	vadd.s32 v14, v42;
	[tilespmem:v56+s28+$0x0] =	vst.idx.msk $0xffff, v34  }
0x39a: {  	v56 =	vadd.s32 v18, v44;
	[tilespmem:v49+s28+$0x0] =	vst.idx.msk $0xffff, v39;
	v49 =	vld [tilespmem:s15+$0x10]  }
0x39b: {  	[tilespmem:v60+s28+$0x0] =	vst.idx.msk $0xffff, v59;
	v39 =	vadd.s32 v31, v41;
	v34 =	vld [tilespmem:s15+$0xE0]  }
0x39c: {  	[tilespmem:v58+s28+$0x0] =	vst.idx.msk $0xffff, v57;
	v57 =	vld [tilespmem:s15+$0x50];
	v58 =	vadd.s32 v22, v38  }
0x39d: {  	[tilespmem:v62+s28+$0x0] =	vst.idx.msk $0xffff, v61;
	v61 =	vld [tilespmem:s15+$0xFFFFFF10];
	v62 =	vadd.s32 v2, v46  }
0x39e: {  	v60 =	vadd.s32 v26, v35;
	v59 =	vld [tilespmem:s15+$0x90];
	[tilespmem:v63+s28+$0x0] =	vst.idx.msk $0xffff, v33  }
0x39f: {  	v55 =	vadd.s32 v11, v40;
	v54 =	vadd.s32 v32, v41;
	v41 =	vld [tilespmem:s15+$0xFFFFFFA0];
	[tilespmem:v56+s28+$0x0] =	vst.idx.msk $0xffff, v49  }
0x3a0: {  	v53 =	vadd.s32 v7, v47;
	v63 =	vld [tilespmem:s15+$0xFFFFFF60];
	[tilespmem:v39+s28+$0x0] =	vst.idx.msk $0xffff, v34  }
0x3a1: {  	v56 =	vld [tilespmem:s15+$0xFFFFFFE0];
	[tilespmem:v58+s28+$0x0] =	vst.idx.msk $0xffff, v57;
	v57 =	vadd.s32 v15, v42  }
0x3a2: {  	[tilespmem:v62+s28+$0x0] =	vst.idx.msk $0xffff, v61;
	v34 =	vld [tilespmem:s15+$0xF0]  }
0x3a3: {  	v58 =	vld [tilespmem:s15+$0x20];
	[tilespmem:v60+s28+$0x0] =	vst.idx.msk $0xffff, v59;
	v59 =	vadd.s32 v19, v44  }
0x3a4: {  	v61 =	vadd.s32 v23, v38;
	[tilespmem:v55+s28+$0x0] =	vst.idx.msk $0xffff, v41;
	v60 =	vld [tilespmem:s15+$0x60]  }
0x3a5: {  	[tilespmem:v53+s28+$0x0] =	vst.idx.msk $0xffff, v63;
	v63 =	vadd.s32 v27, v35;
	v62 =	vld [tilespmem:s15+$0xA0]  }
0x3a6: {  	v47 =	vadd.s32 v8, v47;
	v55 =	vld [tilespmem:s15+$0xFFFFFF70];
	[tilespmem:v57+s28+$0x0] =	vst.idx.msk $0xffff, v56  }
0x3a7: {  	v53 =	vld [tilespmem:s15+$0xFFFFFF20];
	[tilespmem:v54+s28+$0x0] =	vst.idx.msk $0xffff, v34;
	v54 =	vadd.s32 v3, v46  }
0x3a8: {  	v40 =	vadd.s32 v12, v40;
	v56 =	vld [tilespmem:s15+$0xFFFFFFB0];
	[tilespmem:v59+s28+$0x0] =	vst.idx.msk $0xffff, v58  }
0x3a9: {  	v42 =	vadd.s32 v16, v42;
	v57 =	vld [tilespmem:s15+$0xFFFFFFF0];
	[tilespmem:v61+s28+$0x0] =	vst.idx.msk $0xffff, v60  }
0x3aa: {  	v59 =	vadd.s32 v20, v44;
	v58 =	vld [tilespmem:s15+$0x30];
	[tilespmem:v63+s28+$0x0] =	vst.idx.msk $0xffff, v62  }
0x3ab: {  	v38 =	vadd.s32 v24, v38;
	v60 =	vld [tilespmem:s15+$0x70];
	[tilespmem:v47+s28+$0x0] =	vst.idx.msk $0xffff, v55  }
0x3ac: {  	v35 =	vadd.s32 v28, v35;
	v61 =	vld [tilespmem:s15+$0xB0];
	[tilespmem:v54+s28+$0x0] =	vst.idx.msk $0xffff, v53  }
0x3ad: {  	v63 =	vadd.s32 v4, v46;
	[tilespmem:v40+s28+$0x0] =	vst.idx.msk $0xffff, v56;
	v62 =	vld [tilespmem:s15+$0xFFFFFF30]  }
0x3ae: {  	[tilespmem:v42+s28+$0x0] =	vst.idx.msk $0xffff, v57  }
0x3af: {  	[tilespmem:v59+s28+$0x0] =	vst.idx.msk $0xffff, v58  }
0x3b0: {  	s0 =	sadd.s32 s5, s0;
	[tilespmem:v38+s28+$0x0] =	vst.idx.msk $0xffff, v60  }
0x3b1: {  	s14 =	simm.s32 @!p1 $0x80;
	s16 =	sshll.u32 s0, $0xA;
	[tilespmem:v35+s28+$0x0] =	vst.idx.msk $0xffff, v61  }
0x3b2: {  	s0 =	sshll.u32 s0, $0x7;
	s6 =	sadd.s32 @!p1 $0x380, s21;
	s15 =	simm.s32 @!p1 $0xC400;
	[tilespmem:v63+s28+$0x0] =	vst.idx.msk $0xffff, v62  }
0x3b3: {  	[tilespmem:s15], [sflag:$0x4] =	stream.indirect.gather @!p1 [hbm4b:s4+s14], $0x40, s6, s14, $0xb8;
	[tilespmem:$0x16C00] =	vst v63  }
0x3b4: {  	s0 =	sand.u32 $0x3F80, s0;
	s6 =	sand.u32 $0xFFE0000, s16  }
0x3b5: {  	s0 =	sor.u32 s0, s6  }
0x3b6: {  	s6 =	sadd.s32 s2, s0  }
0x3b7: {  	[hbm4b:s6+s3] =	stream.linear.scatter [tilespmem:s28], [sflag:$0x8], $0x80, $0x38;
	[tilespmem:$0x16C00] =	vst v63  }
0x3b8: {  	s22 =	simm.s32 $0x14A88;
	s21 =	sadd.s32 $0x10, s6  }
0x3b9: {  	[hbm4b:s21+s3] =	stream.linear.scatter [tilespmem:s22], [sflag:$0x8], $0x80, $0x38;
	[tilespmem:$0x16C00] =	vst v63  }
0x3ba: {  	s16 =	simm.s32 $0x14B10;
	s15 =	sadd.s32 $0x20, s6  }
0x3bb: {  	[hbm4b:s15+s3] =	stream.linear.scatter [tilespmem:s16], [sflag:$0x8], $0x80, $0x38;
	[tilespmem:$0x16C00] =	vst v63  }
0x3bc: {  	s21 =	sadd.s32 $0x30, s6;
	s22 =	simm.s32 $0x14B98  }
0x3bd: {  	[hbm4b:s21+s3] =	stream.linear.scatter [tilespmem:s22], [sflag:$0x8], $0x80, $0x38;
	[tilespmem:$0x16C00] =	vst v63  }
0x3be: {  	s15 =	sadd.s32 $0x40, s6;
	s16 =	simm.s32 $0x14C20  }
0x3bf: {  	[hbm4b:s15+s3] =	stream.linear.scatter [tilespmem:s16], [sflag:$0x8], $0x80, $0x38;
	[tilespmem:$0x16C00] =	vst v63  }
0x3c0: {  	s21 =	sadd.s32 $0x50, s6;
	s22 =	simm.s32 $0x14CA8  }
0x3c1: {  	[hbm4b:s21+s3] =	stream.linear.scatter [tilespmem:s22], [sflag:$0x8], $0x80, $0x38;
	[tilespmem:$0x16C00] =	vst v63  }
0x3c2: {  	s15 =	sadd.s32 $0x60, s6;
	s16 =	simm.s32 $0x14D30  }
0x3c3: {  	[hbm4b:s15+s3] =	stream.linear.scatter [tilespmem:s16], [sflag:$0x8], $0x80, $0x38;
	[tilespmem:$0x16C00] =	vst v63  }
0x3c4: {  	s6 =	sadd.s32 $0x70, s6;
	s21 =	simm.s32 $0x14DB8  }
0x3c5: {  	[hbm4b:s6+s3] =	stream.linear.scatter [tilespmem:s21], [sflag:$0x8], $0x80, $0x38;
	[tilespmem:$0x16C00] =	vst v63  }
0x3c6: {  	s22 =	simm.s32 $0x14E40;
	s6 =	sadd.s32 s0, s7  }
0x3c7: {  	[hbm4b:s6+s3] =	stream.linear.scatter [tilespmem:s22], [sflag:$0x8], $0x80, $0x38;
	[tilespmem:$0x16C00] =	vst v63  }
0x3c8: {  	s16 =	simm.s32 $0x14EC8;
	s15 =	sadd.s32 $0x10, s6  }
0x3c9: {  	[hbm4b:s15+s3] =	stream.linear.scatter [tilespmem:s16], [sflag:$0x8], $0x80, $0x38;
	[tilespmem:$0x16C00] =	vst v63  }
0x3ca: {  	s21 =	sadd.s32 $0x20, s6;
	s22 =	simm.s32 $0x14F50  }
0x3cb: {  	[hbm4b:s21+s3] =	stream.linear.scatter [tilespmem:s22], [sflag:$0x8], $0x80, $0x38;
	[tilespmem:$0x16C00] =	vst v63  }
0x3cc: {  	s15 =	sadd.s32 $0x30, s6;
	s16 =	simm.s32 $0x14FD8  }
0x3cd: {  	[hbm4b:s15+s3] =	stream.linear.scatter [tilespmem:s16], [sflag:$0x8], $0x80, $0x38;
	[tilespmem:$0x16C00] =	vst v63  }
0x3ce: {  	s21 =	sadd.s32 $0x40, s6;
	s22 =	simm.s32 $0x15060  }
0x3cf: {  	[hbm4b:s21+s3] =	stream.linear.scatter [tilespmem:s22], [sflag:$0x8], $0x80, $0x38;
	[tilespmem:$0x16C00] =	vst v63  }
0x3d0: {  	s15 =	sadd.s32 $0x50, s6;
	s16 =	simm.s32 $0x150E8  }
0x3d1: {  	[hbm4b:s15+s3] =	stream.linear.scatter [tilespmem:s16], [sflag:$0x8], $0x80, $0x38;
	[tilespmem:$0x16C00] =	vst v63  }
0x3d2: {  	s21 =	sadd.s32 $0x60, s6;
	s22 =	simm.s32 $0x15170  }
0x3d3: {  	[hbm4b:s21+s3] =	stream.linear.scatter [tilespmem:s22], [sflag:$0x8], $0x80, $0x38;
	[tilespmem:$0x16C00] =	vst v63  }
0x3d4: {  	s6 =	sadd.s32 $0x70, s6;
	s15 =	simm.s32 $0x151F8  }
0x3d5: {  	[hbm4b:s6+s3] =	stream.linear.scatter [tilespmem:s15], [sflag:$0x8], $0x80, $0x38;
	[tilespmem:$0x16C00] =	vst v63  }
0x3d6: {  	s16 =	simm.s32 $0x15280;
	s6 =	sadd.s32 s0, s8  }
0x3d7: {  	[hbm4b:s6+s3] =	stream.linear.scatter [tilespmem:s16], [sflag:$0x8], $0x80, $0x38;
	[tilespmem:$0x16C00] =	vst v63  }
0x3d8: {  	s22 =	simm.s32 $0x15308;
	s21 =	sadd.s32 $0x10, s6  }
0x3d9: {  	[hbm4b:s21+s3] =	stream.linear.scatter [tilespmem:s22], [sflag:$0x8], $0x80, $0x38;
	[tilespmem:$0x16C00] =	vst v63  }
0x3da: {  	s15 =	sadd.s32 $0x20, s6;
	s16 =	simm.s32 $0x15390  }
0x3db: {  	[hbm4b:s15+s3] =	stream.linear.scatter [tilespmem:s16], [sflag:$0x8], $0x80, $0x38;
	[tilespmem:$0x16C00] =	vst v63  }
0x3dc: {  	s21 =	sadd.s32 $0x30, s6;
	s22 =	simm.s32 $0x15418  }
0x3dd: {  	[hbm4b:s21+s3] =	stream.linear.scatter [tilespmem:s22], [sflag:$0x8], $0x80, $0x38;
	[tilespmem:$0x16C00] =	vst v63  }
0x3de: {  	s15 =	sadd.s32 $0x40, s6;
	s16 =	simm.s32 $0x154A0  }
0x3df: {  	[hbm4b:s15+s3] =	stream.linear.scatter [tilespmem:s16], [sflag:$0x8], $0x80, $0x38;
	[tilespmem:$0x16C00] =	vst v63  }
0x3e0: {  	s21 =	sadd.s32 $0x50, s6;
	s22 =	simm.s32 $0x15528  }
0x3e1: {  	[hbm4b:s21+s3] =	stream.linear.scatter [tilespmem:s22], [sflag:$0x8], $0x80, $0x38;
	[tilespmem:$0x16C00] =	vst v63  }
0x3e2: {  	s15 =	sadd.s32 $0x60, s6;
	s16 =	simm.s32 $0x155B0  }
0x3e3: {  	[hbm4b:s15+s3] =	stream.linear.scatter [tilespmem:s16], [sflag:$0x8], $0x80, $0x38;
	[tilespmem:$0x16C00] =	vst v63  }
0x3e4: {  	s6 =	sadd.s32 $0x70, s6;
	s21 =	simm.s32 $0x15638  }
0x3e5: {  	[hbm4b:s6+s3] =	stream.linear.scatter [tilespmem:s21], [sflag:$0x8], $0x80, $0x38;
	[tilespmem:$0x16C00] =	vst v63  }
0x3e6: {  	s22 =	simm.s32 $0x156C0;
	s6 =	sadd.s32 s0, s9  }
0x3e7: {  	[hbm4b:s6+s3] =	stream.linear.scatter [tilespmem:s22], [sflag:$0x8], $0x80, $0x38;
	[tilespmem:$0x16C00] =	vst v63  }
0x3e8: {  	s16 =	simm.s32 $0x15748;
	s15 =	sadd.s32 $0x10, s6  }
0x3e9: {  	[hbm4b:s15+s3] =	stream.linear.scatter [tilespmem:s16], [sflag:$0x8], $0x80, $0x38;
	[tilespmem:$0x16C00] =	vst v63  }
0x3ea: {  	s21 =	sadd.s32 $0x20, s6;
	s22 =	simm.s32 $0x157D0  }
0x3eb: {  	[hbm4b:s21+s3] =	stream.linear.scatter [tilespmem:s22], [sflag:$0x8], $0x80, $0x38;
	[tilespmem:$0x16C00] =	vst v63  }
0x3ec: {  	s15 =	sadd.s32 $0x30, s6;
	s16 =	simm.s32 $0x15858  }
0x3ed: {  	[hbm4b:s15+s3] =	stream.linear.scatter [tilespmem:s16], [sflag:$0x8], $0x80, $0x38;
	[tilespmem:$0x16C00] =	vst v63  }
0x3ee: {  	s21 =	sadd.s32 $0x40, s6;
	s22 =	simm.s32 $0x158E0  }
0x3ef: {  	[hbm4b:s21+s3] =	stream.linear.scatter [tilespmem:s22], [sflag:$0x8], $0x80, $0x38;
	[tilespmem:$0x16C00] =	vst v63  }
0x3f0: {  	s15 =	sadd.s32 $0x50, s6;
	s16 =	simm.s32 $0x15968  }
0x3f1: {  	[hbm4b:s15+s3] =	stream.linear.scatter [tilespmem:s16], [sflag:$0x8], $0x80, $0x38;
	[tilespmem:$0x16C00] =	vst v63  }
0x3f2: {  	s21 =	sadd.s32 $0x60, s6;
	s22 =	simm.s32 $0x159F0  }
0x3f3: {  	[hbm4b:s21+s3] =	stream.linear.scatter [tilespmem:s22], [sflag:$0x8], $0x80, $0x38;
	[tilespmem:$0x16C00] =	vst v63  }
0x3f4: {  	s6 =	sadd.s32 $0x70, s6;
	s15 =	simm.s32 $0x15A78  }
0x3f5: {  	[hbm4b:s6+s3] =	stream.linear.scatter [tilespmem:s15], [sflag:$0x8], $0x80, $0x38;
	[tilespmem:$0x16C00] =	vst v63  }
0x3f6: {  	s6 =	sadd.s32 s0, s10  }
0x3f7: {  	[hbm4b:s6+s3] =	stream.linear.scatter [tilespmem:s25], [sflag:$0x8], $0x80, $0x38;
	[tilespmem:$0x16C00] =	vst v63  }
0x3f8: {  	s16 =	sadd.s32 $0x10, s6  }
0x3f9: {  	[hbm4b:s16+s3] =	stream.linear.scatter [tilespmem:s29], [sflag:$0x8], $0x80, $0x38;
	[tilespmem:$0x16C00] =	vst v63  }
0x3fa: {  	s21 =	sadd.s32 $0x20, s6  }
0x3fb: {  	[hbm4b:s21+s3] =	stream.linear.scatter [tilespmem:s30], [sflag:$0x8], $0x80, $0x38;
	[tilespmem:$0x16C00] =	vst v63  }
0x3fc: {  	s22 =	sadd.s32 $0x30, s6  }
0x3fd: {  	[hbm4b:s22+s3] =	stream.linear.scatter [tilespmem:s31], [sflag:$0x8], $0x80, $0x38;
	[tilespmem:$0x16C00] =	vst v63  }
0x3fe: {  	s15 =	sadd.s32 $0x40, s6;
	s16 =	simm.s32 $0x15D20  }
0x3ff: {  	[hbm4b:s15+s3] =	stream.linear.scatter [tilespmem:s16], [sflag:$0x8], $0x80, $0x38;
	[tilespmem:$0x16C00] =	vst v63  }
0x400: {  	s21 =	sadd.s32 $0x50, s6;
	s22 =	simm.s32 $0x15DA8  }
0x401: {  	[hbm4b:s21+s3] =	stream.linear.scatter [tilespmem:s22], [sflag:$0x8], $0x80, $0x38;
	[tilespmem:$0x16C00] =	vst v63  }
0x402: {  	s15 =	sadd.s32 $0x60, s6;
	s16 =	simm.s32 $0x15E30  }
0x403: {  	[hbm4b:s15+s3] =	stream.linear.scatter [tilespmem:s16], [sflag:$0x8], $0x80, $0x38;
	[tilespmem:$0x16C00] =	vst v63  }
0x404: {  	s6 =	sadd.s32 $0x70, s6;
	s21 =	simm.s32 $0x15EB8  }
0x405: {  	[hbm4b:s6+s3] =	stream.linear.scatter [tilespmem:s21], [sflag:$0x8], $0x80, $0x38;
	[tilespmem:$0x16C00] =	vst v63  }
0x406: {  	s22 =	simm.s32 $0x15F40;
	s6 =	sadd.s32 s0, s11  }
0x407: {  	[hbm4b:s6+s3] =	stream.linear.scatter [tilespmem:s22], [sflag:$0x8], $0x80, $0x38;
	[tilespmem:$0x16C00] =	vst v63  }
0x408: {  	s16 =	simm.s32 $0x15FC8;
	s15 =	sadd.s32 $0x10, s6  }
0x409: {  	[hbm4b:s15+s3] =	stream.linear.scatter [tilespmem:s16], [sflag:$0x8], $0x80, $0x38;
	[tilespmem:$0x16C00] =	vst v63  }
0x40a: {  	s21 =	sadd.s32 $0x20, s6;
	s22 =	simm.s32 $0x16050  }
0x40b: {  	[hbm4b:s21+s3] =	stream.linear.scatter [tilespmem:s22], [sflag:$0x8], $0x80, $0x38;
	[tilespmem:$0x16C00] =	vst v63  }
0x40c: {  	s15 =	sadd.s32 $0x30, s6;
	s16 =	simm.s32 $0x160D8  }
0x40d: {  	[hbm4b:s15+s3] =	stream.linear.scatter [tilespmem:s16], [sflag:$0x8], $0x80, $0x38;
	[tilespmem:$0x16C00] =	vst v63  }
0x40e: {  	s21 =	sadd.s32 $0x40, s6;
	s22 =	simm.s32 $0x16160  }
0x40f: {  	[hbm4b:s21+s3] =	stream.linear.scatter [tilespmem:s22], [sflag:$0x8], $0x80, $0x38;
	[tilespmem:$0x16C00] =	vst v63  }
0x410: {  	s15 =	sadd.s32 $0x50, s6;
	s16 =	simm.s32 $0x161E8  }
0x411: {  	[hbm4b:s15+s3] =	stream.linear.scatter [tilespmem:s16], [sflag:$0x8], $0x80, $0x38;
	[tilespmem:$0x16C00] =	vst v63  }
0x412: {  	s21 =	sadd.s32 $0x60, s6;
	s22 =	simm.s32 $0x16270  }
0x413: {  	[hbm4b:s21+s3] =	stream.linear.scatter [tilespmem:s22], [sflag:$0x8], $0x80, $0x38;
	[tilespmem:$0x16C00] =	vst v63  }
0x414: {  	s6 =	sadd.s32 $0x70, s6;
	s15 =	simm.s32 $0x162F8  }
0x415: {  	[hbm4b:s6+s3] =	stream.linear.scatter [tilespmem:s15], [sflag:$0x8], $0x80, $0x38;
	[tilespmem:$0x16C00] =	vst v63  }
0x416: {  	s16 =	simm.s32 $0x16380;
	s6 =	sadd.s32 s0, s12  }
0x417: {  	[hbm4b:s6+s3] =	stream.linear.scatter [tilespmem:s16], [sflag:$0x8], $0x80, $0x38;
	[tilespmem:$0x16C00] =	vst v63  }
0x418: {  	s22 =	simm.s32 $0x16408;
	s21 =	sadd.s32 $0x10, s6  }
0x419: {  	[hbm4b:s21+s3] =	stream.linear.scatter [tilespmem:s22], [sflag:$0x8], $0x80, $0x38;
	[tilespmem:$0x16C00] =	vst v63  }
0x41a: {  	s15 =	sadd.s32 $0x20, s6;
	s16 =	simm.s32 $0x16490  }
0x41b: {  	[hbm4b:s15+s3] =	stream.linear.scatter [tilespmem:s16], [sflag:$0x8], $0x80, $0x38;
	[tilespmem:$0x16C00] =	vst v63  }
0x41c: {  	s21 =	sadd.s32 $0x30, s6;
	s22 =	simm.s32 $0x16518  }
0x41d: {  	[hbm4b:s21+s3] =	stream.linear.scatter [tilespmem:s22], [sflag:$0x8], $0x80, $0x38;
	[tilespmem:$0x16C00] =	vst v63  }
0x41e: {  	s15 =	sadd.s32 $0x40, s6;
	s16 =	simm.s32 $0x165A0  }
0x41f: {  	[hbm4b:s15+s3] =	stream.linear.scatter [tilespmem:s16], [sflag:$0x8], $0x80, $0x38;
	[tilespmem:$0x16C00] =	vst v63  }
0x420: {  	s21 =	sadd.s32 $0x50, s6;
	s22 =	simm.s32 $0x16628  }
0x421: {  	[hbm4b:s21+s3] =	stream.linear.scatter [tilespmem:s22], [sflag:$0x8], $0x80, $0x38;
	[tilespmem:$0x16C00] =	vst v63  }
0x422: {  	s16 =	sadd.s32 $0x60, s6;
	s21 =	simm.s32 $0x166B0  }
0x423: {  	[hbm4b:s16+s3] =	stream.linear.scatter [tilespmem:s21], [sflag:$0x8], $0x80, $0x38;
	[tilespmem:$0x16C00] =	vst v63  }
0x424: {  	s6 =	sadd.s32 $0x70, s6;
	s22 =	simm.s32 $0x16738  }
0x425: {  	[hbm4b:s6+s3] =	stream.linear.scatter [tilespmem:s22], [sflag:$0x8], $0x80, $0x38;
	[tilespmem:$0x16C00] =	vst v63  }
0x426: {  	s14 =	simm.s32 $0x167C0;
	s0 =	sadd.s32 s0, s13  }
0x427: {  	[hbm4b:s0+s3] =	stream.linear.scatter [tilespmem:s14], [sflag:$0x8], $0x80, $0x38;
	[tilespmem:$0x16C00] =	vst v63  }
0x428: {  	s15 =	sadd.s32 $0x10, s0;
	s16 =	simm.s32 $0x16848  }
0x429: {  	[hbm4b:s15+s3] =	stream.linear.scatter [tilespmem:s16], [sflag:$0x8], $0x80, $0x38;
	[tilespmem:$0x16C00] =	vst v63  }
0x42a: {  	s21 =	sadd.s32 $0x20, s0;
	s22 =	simm.s32 $0x168D0  }
0x42b: {  	[hbm4b:s21+s3] =	stream.linear.scatter [tilespmem:s22], [sflag:$0x8], $0x80, $0x38;
	[tilespmem:$0x16C00] =	vst v63  }
0x42c: {  	s15 =	sadd.s32 $0x30, s0;
	s16 =	simm.s32 $0x16958  }
0x42d: {  	[hbm4b:s15+s3] =	stream.linear.scatter [tilespmem:s16], [sflag:$0x8], $0x80, $0x38;
	[tilespmem:$0x16C00] =	vst v63  }
0x42e: {  	s1 =	sadd.s32 $0x1, s1;
	s21 =	sadd.s32 $0x40, s0;
	s22 =	simm.s32 $0x169E0  }
0x42f: {  	[hbm4b:s21+s3] =	stream.linear.scatter [tilespmem:s22], [sflag:$0x8], $0x80, $0x38;
	[tilespmem:$0x16C00] =	vst v63  }
0x430: {  	p0 =	sne.s32 s1, $0x32;
	s14 =	sadd.s32 $0x50, s0;
	s15 =	simm.s32 $0x16A68  }
0x431: {  	[hbm4b:s14+s3] =	stream.linear.scatter [tilespmem:s15], [sflag:$0x8], $0x80, $0x38;
	[tilespmem:$0x16C00] =	vst v63  }
.Ltmp4:
0x432: {  	_ = 	snop;
	(pc) =	sbr.rel @p0 .LBB2_2-.Ltmp4, $4  }
0x433: {  	s16 =	sadd.s32 $0x60, s0;
	s21 =	simm.s32 $0x16AF0  }
0x434: {  	[hbm4b:s16+s3] =	stream.linear.scatter [tilespmem:s21], [sflag:$0x8], $0x80, $0x38;
	[tilespmem:$0x16C00] =	vst v63  }
0x435: {  	s0 =	sadd.s32 $0x70, s0;
	s22 =	simm.s32 $0x16B78  }
0x436: {  	[hbm4b:s0+s3] =	stream.linear.scatter [tilespmem:s22], [sflag:$0x8], $0x80, $0x38;
	[tilespmem:$0x16C00] =	vst v63  }
0x437: {  	s0 =	simm.s32 $0x5  }
0x438: {  	_ =	swait.ge [sflag:s0], $0x400  }
0x439: {  	[sflag:s0] =	ssyncset.done $0x0  }
0x43a: {  	[sflag:s0] =	ssyncadd.s32 $0xFFFFFC00  }
0x43b: {  	_ =	swait.ge [sflag:s0], $0x400  }
0x43c: {  	[sflag:s0] =	ssyncset.done $0x0  }
0x43d: {  	[sflag:s0] =	ssyncadd.s32 $0xFFFFFC00  }
0x43e: {  	_ =	swait.ge [sflag:s0], $0x400  }
0x43f: {  	[sflag:s0] =	ssyncset.done $0x0  }
0x440: {  	[sflag:s0] =	ssyncadd.s32 $0xFFFFFC00  }
0x441: {  	_ =	swait.ge [sflag:s0], $0x400  }
0x442: {  	[sflag:s0] =	ssyncset.done $0x0  }
0x443: {  	[sflag:s0] =	ssyncadd.s32 $0xFFFFFC00  }
0x444: {  	_ =	swait.ge [sflag:s0], $0x400  }
0x445: {  	[sflag:s0] =	ssyncset.done $0x0  }
0x446: {  	[sflag:s0] =	ssyncadd.s32 $0xFFFFFC00  }
0x447: {  	_ =	swait.ge [sflag:s0], $0x400  }
0x448: {  	[sflag:s0] =	ssyncset.done $0x0  }
0x449: {  	[sflag:s0] =	ssyncadd.s32 $0xFFFFFC00  }
0x44a: {  	_ =	swait.ge [sflag:s0], $0x400  }
0x44b: {  	[sflag:s0] =	ssyncset.done $0x0  }
0x44c: {  	[sflag:s0] =	ssyncadd.s32 $0xFFFFFC00  }
0x44d: {  	_ =	swait.ge [sflag:s0], $0x400  }
0x44e: {  	[sflag:s0] =	ssyncset.done $0x0  }
0x44f: {  	s16 =	simm.s32 $0x6;
	[sflag:s0] =	ssyncadd.s32 $0xFFFFFC00  }
0x450: {  	_ =	swait.ge [sflag:s16], $0x400  }
0x451: {  	[sflag:s16] =	ssyncset.done $0x0  }
0x452: {  	[sflag:s16] =	ssyncadd.s32 $0xFFFFFC00  }
0x453: {  	_ =	swait.ge [sflag:s16], $0x400  }
0x454: {  	[sflag:s16] =	ssyncset.done $0x0  }
0x455: {  	[sflag:s16] =	ssyncadd.s32 $0xFFFFFC00  }
0x456: {  	_ =	swait.ge [sflag:s16], $0x400  }
0x457: {  	[sflag:s16] =	ssyncset.done $0x0  }
0x458: {  	[sflag:s16] =	ssyncadd.s32 $0xFFFFFC00  }
0x459: {  	_ =	swait.ge [sflag:s16], $0x400  }
0x45a: {  	[sflag:s16] =	ssyncset.done $0x0  }
0x45b: {  	[sflag:s16] =	ssyncadd.s32 $0xFFFFFC00  }
0x45c: {  	_ =	swait.ge [sflag:s16], $0x400  }
0x45d: {  	[sflag:s16] =	ssyncset.done $0x0  }
0x45e: {  	[sflag:s16] =	ssyncadd.s32 $0xFFFFFC00  }
0x45f: {  	_ =	swait.ge [sflag:s16], $0x400  }
0x460: {  	[sflag:s16] =	ssyncset.done $0x0  }
0x461: {  	[sflag:s16] =	ssyncadd.s32 $0xFFFFFC00  }
0x462: {  	_ =	swait.ge [sflag:s16], $0x400  }
0x463: {  	[sflag:s16] =	ssyncset.done $0x0  }
0x464: {  	[sflag:s16] =	ssyncadd.s32 $0xFFFFFC00  }
0x465: {  	_ =	swait.ge [sflag:s16], $0x400  }
0x466: {  	[sflag:s16] =	ssyncset.done $0x0  }
0x467: {  	s21 =	simm.s32 $0x7;
	[sflag:s16] =	ssyncadd.s32 $0xFFFFFC00  }
0x468: {  	_ =	swait.ge [sflag:s21], $0x400  }
0x469: {  	[sflag:s21] =	ssyncset.done $0x0  }
0x46a: {  	[sflag:s21] =	ssyncadd.s32 $0xFFFFFC00  }
0x46b: {  	_ =	swait.ge [sflag:s21], $0x400  }
0x46c: {  	[sflag:s21] =	ssyncset.done $0x0  }
0x46d: {  	[sflag:s21] =	ssyncadd.s32 $0xFFFFFC00  }
0x46e: {  	_ =	swait.ge [sflag:s21], $0x400  }
0x46f: {  	[sflag:s21] =	ssyncset.done $0x0  }
0x470: {  	[sflag:s21] =	ssyncadd.s32 $0xFFFFFC00  }
0x471: {  	_ =	swait.ge [sflag:s21], $0x400  }
0x472: {  	[sflag:s21] =	ssyncset.done $0x0  }
0x473: {  	[sflag:s21] =	ssyncadd.s32 $0xFFFFFC00  }
0x474: {  	_ =	swait.ge [sflag:s21], $0x400  }
0x475: {  	[sflag:s21] =	ssyncset.done $0x0  }
0x476: {  	[sflag:s21] =	ssyncadd.s32 $0xFFFFFC00  }
0x477: {  	_ =	swait.ge [sflag:s21], $0x400  }
0x478: {  	[sflag:s21] =	ssyncset.done $0x0  }
0x479: {  	[sflag:s21] =	ssyncadd.s32 $0xFFFFFC00  }
0x47a: {  	_ =	swait.ge [sflag:s21], $0x400  }
0x47b: {  	[sflag:s21] =	ssyncset.done $0x0  }
0x47c: {  	[sflag:s21] =	ssyncadd.s32 $0xFFFFFC00  }
0x47d: {  	_ =	swait.ge [sflag:s21], $0x400  }
0x47e: {  	[sflag:s21] =	ssyncset.done $0x0  }
0x47f: {  	s1 =	simm.s32 $0x8;
	[sflag:s21] =	ssyncadd.s32 $0xFFFFFC00  }
0x480: {  	_ =	swait.ge [sflag:s1], $0x400  }
0x481: {  	[sflag:s1] =	ssyncset.done $0x0  }
0x482: {  	[sflag:s1] =	ssyncadd.s32 $0xFFFFFC00  }
0x483: {  	_ =	swait.ge [sflag:s1], $0x400  }
0x484: {  	[sflag:s1] =	ssyncset.done $0x0  }
0x485: {  	[sflag:s1] =	ssyncadd.s32 $0xFFFFFC00  }
0x486: {  	_ =	swait.ge [sflag:s1], $0x400  }
0x487: {  	[sflag:s1] =	ssyncset.done $0x0  }
0x488: {  	[sflag:s1] =	ssyncadd.s32 $0xFFFFFC00  }
0x489: {  	_ =	swait.ge [sflag:s1], $0x400  }
0x48a: {  	[sflag:s1] =	ssyncset.done $0x0  }
0x48b: {  	[sflag:s1] =	ssyncadd.s32 $0xFFFFFC00  }
0x48c: {  	_ =	swait.ge [sflag:s1], $0x400  }
0x48d: {  	[sflag:s1] =	ssyncset.done $0x0  }
0x48e: {  	[sflag:s1] =	ssyncadd.s32 $0xFFFFFC00  }
0x48f: {  	_ =	swait.ge [sflag:s1], $0x400  }
0x490: {  	[sflag:s1] =	ssyncset.done $0x0  }
0x491: {  	[sflag:s1] =	ssyncadd.s32 $0xFFFFFC00  }
0x492: {  	_ =	swait.ge [sflag:s1], $0x400  }
0x493: {  	[sflag:s1] =	ssyncset.done $0x0  }
0x494: {  	[sflag:s1] =	ssyncadd.s32 $0xFFFFFC00  }
0x495: {  	_ =	swait.ge [sflag:s1], $0x400  }
0x496: {  	s6 =	rddreg [dreg:$0x5]  }
0x497: {  	s22 =	rddreg [dreg:$0x4];
	s6 =	sadd.s32 $0x1, s6  }
0x498: {  	p0 =	sne.s32 s6, s22  }
.Ltmp5:
0x499: {  	_ = 	snop;
	(pc) =	sbr.rel @p0 .LBB2_1-.Ltmp5, $3  }
0x49a: {  	_ =	sdelay $0x1  }
0x49b: {  	[sflag:s1] =	ssyncset.done $0x0  }
0x49c: {  	[sflag:s1] =	ssyncadd.s32 $0xFFFFFC00  }
0x49d: {  	_ =	sfence.sel $0x180000  }
0x49e: {  	[bflag:$0x0] =	sbarrier.arrive $0xFFFF  }
0x49f: {  	_ =	strace $0x90000047  }
0x4a0: {  	s0 =	stileid.u32;
	[bflag:$0x2] =	sbarrier.arrive $0xFFFF  }
0x4a1: {  	p0 =	sne.s32 s0, $0x0;
	s0 =	rddreg [dreg:$0x2]  }
0x4a2: {  	s0 =	sadd.s32 @!p0 $0x100000, s0  }
0x4a3: {  	[sflag:s0] =	ssyncadd.tile.s32 @!p0 $0x1;
	_ =	shalt  }
.Lfunc_end2:
_tile_overlayer_lowered:
.L_overlay_start_2:
0x4a4: {  	(tag) =	ssettag $0x2  }
0x4a5: {  	s0 =	rddreg [dreg:$0x0];
	s2 =	stileid.u32  }
0x4a6: {  	s1 =	rddreg [dreg:$0x1];
	p0 =	sne.s32 s2, $0x0  }
0x4a7: {  	s3 =	rddreg [dreg:$0x2];
	[bflag:$0x3] =	sbarrier.arrive $0xFFFF;
	s2 =	simm.s32 @!p0 $0x1C09  }
0x4a8: {  	[timem:s3], [sflag:s2] =	dma.local @!p0 [hbm:s0], s1  }
0x4a9: {  	s0 =	simm.s32 @!p0 $0x9  }
0x4aa: {  	_ =	swait.ge @!p0 [sflag:s0], s1  }
0x4ab: {  	s1 =	ssub.s32 @!p0 $0x0, s1;
	[sflag:s0] =	ssyncset.done @!p0 $0x0  }
0x4ac: {  	[sflag:s0] =	ssyncadd.s32 @!p0 s1  }
0x4ad: {  	[bflag:$0x3] =	sbarrier.arrive $0xFFFF  }
0x4ae: {  	_ =	shalt  }

</sc_bundles>
